<compile_context>
chip_gen: v7x
topology: tpu7x:2x2x1
jax: 0.10.2.dev20260603
libtpu: 0.0.44.dev20260713+nightly
codegen_flags: <defaults>
</compile_context>

<pallas_src>
import functools
import math

import jax
import jax.numpy as jnp
from jax import lax
from jax.experimental import pallas as pl
from jax.experimental.pallas import tpu as pltpu
from jax.experimental.pallas import tpu_sc as plsc

D_MODEL = 64
D_PAD = 128
SCALE = math.sqrt(D_MODEL)
LANES = 16
NUM_CORES = 2
NUM_SUBCORES = 16
NUM_WORKERS = NUM_CORES * NUM_SUBCORES

B_TOTAL = 4096 * 200
ROWS_PER_WORKER = B_TOTAL // NUM_WORKERS
CHUNK = 160
NCHUNKS = ROWS_PER_WORKER // CHUNK
NBUF = 2


def _emb_kernel(lut_hbm, idx_hbm, out_hbm,
                ih0, ih1, g0, g1, o0, o1, iv0, iv1,
                gs0, gs1, os0, os1, ss0, ss1):
    wid = lax.axis_index("s") * NUM_CORES + lax.axis_index("c")
    base = wid * ROWS_PER_WORKER

    ihs, gbufs, obufs = (ih0, ih1), (g0, g1), (o0, o1)
    isms = (iv0, iv1)
    gsems, osems = (gs0, gs1), (os0, os1)
    ssems = (ss0, ss1)

    def start_idx(k, b):
        pltpu.make_async_copy(
            idx_hbm.at[pl.ds(base + k * CHUNK, CHUNK)], isms[b], ssems[b]
        ).start()

    def wait_idx(b):
        pltpu.make_async_copy(
            idx_hbm.at[pl.ds(base, CHUNK)], isms[b], ssems[b]
        ).wait()
        ism, ihb = isms[b], ihs[b]

        @pl.loop(0, CHUNK, step=LANES)
        def _(r0):
            ihb[pl.ds(r0, LANES)] = (
                lax.shift_right_logical(ism[pl.ds(r0, LANES)], 1)
            )

    def start_gather(b):
        pltpu.make_async_copy(
            lut_hbm.at[ihs[b]], gbufs[b], gsems[b]
        ).start()

    def wait_gather(b):
        pltpu.make_async_copy(
            lut_hbm.at[ihs[b]], gbufs[b], gsems[b]
        ).wait()

    def start_out(k, b):
        pltpu.make_async_copy(
            obufs[b], out_hbm.at[pl.ds(base + k * CHUNK, CHUNK)], osems[b]
        ).start()

    def wait_out(b):
        pltpu.make_async_copy(
            obufs[b], out_hbm.at[pl.ds(base, CHUNK)], osems[b]
        ).wait()

    for b in range(NBUF):
        start_idx(b, b)
    for b in range(NBUF):
        wait_idx(b)
        start_gather(b)

    @pl.loop(0, NCHUNKS, step=NBUF)
    def _(k0):
        for b in range(NBUF):
            k = k0 + b
            wait_gather(b)

            @pl.when(k0 > 0)
            def _():
                wait_out(b)

            gb, ob, ism = gbufs[b], obufs[b], isms[b]

            @plsc.parallel_loop(0, CHUNK, step=LANES)
            def _(r0):
                offs = (ism[pl.ds(r0, LANES)] & 1) * D_MODEL
                for j in range(LANES):
                    half = offs[j]
                    for c in range(D_MODEL // LANES):
                        ob[r0 + j, pl.ds(c * LANES, LANES)] = (
                            gb[r0 + j, pl.ds(half + c * LANES, LANES)] * SCALE
                        )

            start_out(k, b)

            @pl.when(k + NBUF < NCHUNKS)
            def _():
                start_idx(k + NBUF, b)
                wait_idx(b)
                start_gather(b)

    for b in range(NBUF):
        wait_out(b)


@jax.jit
def kernel(x, lut):
    idx = x.reshape(B_TOTAL)
    lutp = lut.reshape(D_MODEL * 1000000 // D_PAD, D_PAD)
    mesh = plsc.VectorSubcoreMesh(core_axis_name="c", subcore_axis_name="s")
    run = pl.kernel(
        _emb_kernel,
        out_type=jax.ShapeDtypeStruct((B_TOTAL, D_MODEL), jnp.float32),
        mesh=mesh,
        scratch_types=[
            pltpu.VMEM((CHUNK,), jnp.int32),
            pltpu.VMEM((CHUNK,), jnp.int32),
            pltpu.VMEM((CHUNK, D_PAD), jnp.float32),
            pltpu.VMEM((CHUNK, D_PAD), jnp.float32),
            pltpu.VMEM((CHUNK, D_MODEL), jnp.float32),
            pltpu.VMEM((CHUNK, D_MODEL), jnp.float32),
            pltpu.VMEM((CHUNK,), jnp.int32),
            pltpu.VMEM((CHUNK,), jnp.int32),
            pltpu.SemaphoreType.DMA,
            pltpu.SemaphoreType.DMA,
            pltpu.SemaphoreType.DMA,
            pltpu.SemaphoreType.DMA,
            pltpu.SemaphoreType.DMA,
            pltpu.SemaphoreType.DMA,
        ],
    )
    out = run(lutp, idx)
    return out.reshape(x.shape[0], x.shape[1], D_MODEL)

# --- scband reference (transcript-rebuilt; emitter-appended) ---
"""Pipeline reference for scband-embeddings-3341484556532 (READ-ONLY COPY).

The authoritative reference and input builder live on the scoring server;
editing this copy changes nothing except your own understanding.
"""

import jax, jax.numpy as jnp
import numpy as np
import math

D_MODEL = 64
VOCAB = 1000000

def setup_inputs(seed: int = 0) -> dict:
    key = jax.random.key(seed)
    k1, k2 = jax.random.split(key)
    x = jax.random.randint(k1, (4096, 200), 0, VOCAB, dtype=jnp.int64 if jax.config.jax_enable_x64 else jnp.int32).astype(jnp.int32)
    lut = jax.random.normal(k2, (VOCAB, D_MODEL), dtype=jnp.float32)
    return {"x": x, "lut": lut}

def reference(x, lut):
    # Embeddings.forward: self.lut(x) * sqrt(d_model)
    emb = jnp.take(lut, x, axis=0)
    return emb * math.sqrt(D_MODEL)

if __name__ == "__main__":
    import jax
    _d = setup_inputs()
    print(jax.jit(kernel)(*tuple(_d.values())))

</pallas_src>

<mosaic_0001>
#map = affine_map<(d0, d1) -> (0, 0)>
#map1 = affine_map<(d0, d1) -> (0)>
module attributes {stable_mosaic.version = 14 : i64} {
  func.func @_emb_kernel(%arg0: i32, %arg1: i32, %arg2: memref<500000x128xf32, #tpu.memory_space<hbm>>, %arg3: memref<819200xi32, #tpu.memory_space<hbm>>, %arg4: memref<819200x64xf32, #tpu.memory_space<hbm>>, %arg5: memref<160xi32, #tpu.memory_space<vmem>>, %arg6: memref<160xi32, #tpu.memory_space<vmem>>, %arg7: memref<160x128xf32, #tpu.memory_space<vmem>>, %arg8: memref<160x128xf32, #tpu.memory_space<vmem>>, %arg9: memref<160x64xf32, #tpu.memory_space<vmem>>, %arg10: memref<160x64xf32, #tpu.memory_space<vmem>>, %arg11: memref<160xi32, #tpu.memory_space<vmem>>, %arg12: memref<160xi32, #tpu.memory_space<vmem>>, %arg13: memref<!tpu.dma_semaphore, #tpu.memory_space<semaphore_mem>>, %arg14: memref<!tpu.dma_semaphore, #tpu.memory_space<semaphore_mem>>, %arg15: memref<!tpu.dma_semaphore, #tpu.memory_space<semaphore_mem>>, %arg16: memref<!tpu.dma_semaphore, #tpu.memory_space<semaphore_mem>>, %arg17: memref<!tpu.dma_semaphore, #tpu.memory_space<semaphore_mem>>, %arg18: memref<!tpu.dma_semaphore, #tpu.memory_space<semaphore_mem>>) attributes {dimension_semantics = [#tpu.dimension_semantics<core_parallel>, #tpu.dimension_semantics<subcore_parallel>], iteration_bounds = array<i64: 2, 16>, scalar_prefetch = 0 : i64, scratch_operands = 14 : i64, tpu.core_type = #tpu.core_type<sc_vector_subcore>, window_params = [{transform_indices = #map}, {transform_indices = #map1}, {transform_indices = #map}]} {
    %mul3A = arith.constant 2 : i32
    %mul3A_0 = arith.muli %arg1, %mul3A : i32
    %add3A = arith.addi %mul3A_0, %arg0 : i32
    %mul3A_1 = arith.constant 25600 : i32
    %mul3A_2 = arith.muli %add3A, %mul3A_1 : i32
    %add3A_3 = arith.constant 0 : i32
    %add3A_4 = arith.addi %mul3A_2, %add3A_3 : i32
    %dma_start3A = tpu.memref_slice %arg3[%add3A_4] : memref<819200xi32, #tpu.memory_space<hbm>> -> memref<160xi32, #tpu.memory_space<hbm>>
    %dma_start3A_5 = tpu.memref_slice %arg3[%add3A_4] : memref<819200xi32, #tpu.memory_space<hbm>> -> memref<160xi32, #tpu.memory_space<hbm>>
    tpu.enqueue_dma source(%dma_start3A_5 : memref<160xi32, #tpu.memory_space<hbm>>) target(%arg11 : memref<160xi32, #tpu.memory_space<vmem>>) target_semaphore(%arg17 : memref<!tpu.dma_semaphore, #tpu.memory_space<semaphore_mem>>)
    %add3A_6 = arith.constant 160 : i32
    %add3A_7 = arith.addi %mul3A_2, %add3A_6 : i32
    %dma_start3A_8 = tpu.memref_slice %arg3[%add3A_7] : memref<819200xi32, #tpu.memory_space<hbm>> -> memref<160xi32, #tpu.memory_space<hbm>>
    %dma_start3A_9 = tpu.memref_slice %arg3[%add3A_7] : memref<819200xi32, #tpu.memory_space<hbm>> -> memref<160xi32, #tpu.memory_space<hbm>>
    tpu.enqueue_dma source(%dma_start3A_9 : memref<160xi32, #tpu.memory_space<hbm>>) target(%arg12 : memref<160xi32, #tpu.memory_space<vmem>>) target_semaphore(%arg18 : memref<!tpu.dma_semaphore, #tpu.memory_space<semaphore_mem>>)
    %dma_wait3A = tpu.memref_slice %arg3[%mul3A_2] : memref<819200xi32, #tpu.memory_space<hbm>> -> memref<160xi32, #tpu.memory_space<hbm>>
    %dma_wait3A_10 = tpu.memref_slice %arg3[%mul3A_2] : memref<819200xi32, #tpu.memory_space<hbm>> -> memref<160xi32, #tpu.memory_space<hbm>>
    tpu.wait_dma2 semaphore(%arg17 : memref<!tpu.dma_semaphore, #tpu.memory_space<semaphore_mem>>) src(%dma_wait3A_10 : memref<160xi32, #tpu.memory_space<hbm>>) dst(%arg11 : memref<160xi32, #tpu.memory_space<vmem>>)
    %scan3A = arith.constant 0 : i32
    %scan3A_11 = arith.constant 10 : i32
    %scan3A_12 = arith.addi %scan3A, %scan3A_11 : i32
    %scan3A_13 = arith.constant 1 : i32
    scf.for %scan3A_41 = %scan3A to %scan3A_12 step %scan3A_13  : i32 {
      %mul3A_42 = arith.constant 16 : i32
      %mul3A_43 = arith.muli %scan3A_41, %mul3A_42 : i32
      %add3A_44 = arith.constant 0 : i32
      %add3A_45 = arith.addi %add3A_44, %mul3A_43 : i32
      %get3A = arith.index_cast %add3A_45 : i32 to index
      %get3A_46 = tpu.vector_load %arg11[%get3A] {strides = array<i32>} : memref<160xi32, #tpu.memory_space<vmem>>, vector<16xi32>,
      %get3A_47 = vector.shape_cast %get3A_46 : vector<16xi32> to vector<16xi32>
      %shift_right_logical3A = arith.constant 1 : i32
      %shift_right_logical3A_48 = vector.broadcast %shift_right_logical3A : i32 to vector<16xi32>
      %shift_right_logical3A_49 = arith.shrui %get3A_47, %shift_right_logical3A_48 : vector<16xi32>
      %swap3A = arith.index_cast %add3A_45 : i32 to index
      %swap3A_50 = tpu.vector_load %arg5[%swap3A] {strides = array<i32>} : memref<160xi32, #tpu.memory_space<vmem>>, vector<16xi32>,
      %swap3A_51 = vector.shape_cast %swap3A_50 : vector<16xi32> to vector<16xi32>
      %swap3A_52 = vector.shape_cast %shift_right_logical3A_49 : vector<16xi32> to vector<16xi32>
      tpu.vector_store %arg5[%swap3A], %swap3A_52 {strides = array<i32>} : memref<160xi32, #tpu.memory_space<vmem>>, vector<16xi32>,
    }
    %scan3A_14 = arith.constant 10 : i32
    %dma_start3A_15 = arith.constant 0 : i32
    %dma_start3A_16 = arith.constant 0 : i32
    %dma_start3A_17 = tpu.memref_slice %arg2[%dma_start3A_15, %dma_start3A_16] : memref<500000x128xf32, #tpu.memory_space<hbm>> -> memref<500000x128xf32, #tpu.memory_space<hbm>>
    tpu.enqueue_indirect_dma source(%dma_start3A_17 : memref<500000x128xf32, #tpu.memory_space<hbm>>) target(%arg7 : memref<160x128xf32, #tpu.memory_space<vmem>>) offsets(%arg5 : memref<160xi32, #tpu.memory_space<vmem>>) semaphore(%arg13 : memref<!tpu.dma_semaphore, #tpu.memory_space<semaphore_mem>>)
    %dma_wait3A_18 = tpu.memref_slice %arg3[%mul3A_2] : memref<819200xi32, #tpu.memory_space<hbm>> -> memref<160xi32, #tpu.memory_space<hbm>>
    %dma_wait3A_19 = tpu.memref_slice %arg3[%mul3A_2] : memref<819200xi32, #tpu.memory_space<hbm>> -> memref<160xi32, #tpu.memory_space<hbm>>
    tpu.wait_dma2 semaphore(%arg18 : memref<!tpu.dma_semaphore, #tpu.memory_space<semaphore_mem>>) src(%dma_wait3A_19 : memref<160xi32, #tpu.memory_space<hbm>>) dst(%arg12 : memref<160xi32, #tpu.memory_space<vmem>>)
    %scan3A_20 = arith.constant 0 : i32
    %scan3A_21 = arith.constant 10 : i32
    %scan3A_22 = arith.addi %scan3A_20, %scan3A_21 : i32
    %scan3A_23 = arith.constant 1 : i32
    scf.for %scan3A_41 = %scan3A_20 to %scan3A_22 step %scan3A_23  : i32 {
      %mul3A_42 = arith.constant 16 : i32
      %mul3A_43 = arith.muli %scan3A_41, %mul3A_42 : i32
      %add3A_44 = arith.constant 0 : i32
      %add3A_45 = arith.addi %add3A_44, %mul3A_43 : i32
      %get3A = arith.index_cast %add3A_45 : i32 to index
      %get3A_46 = tpu.vector_load %arg12[%get3A] {strides = array<i32>} : memref<160xi32, #tpu.memory_space<vmem>>, vector<16xi32>,
      %get3A_47 = vector.shape_cast %get3A_46 : vector<16xi32> to vector<16xi32>
      %shift_right_logical3A = arith.constant 1 : i32
      %shift_right_logical3A_48 = vector.broadcast %shift_right_logical3A : i32 to vector<16xi32>
      %shift_right_logical3A_49 = arith.shrui %get3A_47, %shift_right_logical3A_48 : vector<16xi32>
      %swap3A = arith.index_cast %add3A_45 : i32 to index
      %swap3A_50 = tpu.vector_load %arg6[%swap3A] {strides = array<i32>} : memref<160xi32, #tpu.memory_space<vmem>>, vector<16xi32>,
      %swap3A_51 = vector.shape_cast %swap3A_50 : vector<16xi32> to vector<16xi32>
      %swap3A_52 = vector.shape_cast %shift_right_logical3A_49 : vector<16xi32> to vector<16xi32>
      tpu.vector_store %arg6[%swap3A], %swap3A_52 {strides = array<i32>} : memref<160xi32, #tpu.memory_space<vmem>>, vector<16xi32>,
    }
    %scan3A_24 = arith.constant 10 : i32
    %dma_start3A_25 = arith.constant 0 : i32
    %dma_start3A_26 = arith.constant 0 : i32
    %dma_start3A_27 = tpu.memref_slice %arg2[%dma_start3A_25, %dma_start3A_26] : memref<500000x128xf32, #tpu.memory_space<hbm>> -> memref<500000x128xf32, #tpu.memory_space<hbm>>
    tpu.enqueue_indirect_dma source(%dma_start3A_27 : memref<500000x128xf32, #tpu.memory_space<hbm>>) target(%arg8 : memref<160x128xf32, #tpu.memory_space<vmem>>) offsets(%arg6 : memref<160xi32, #tpu.memory_space<vmem>>) semaphore(%arg14 : memref<!tpu.dma_semaphore, #tpu.memory_space<semaphore_mem>>)
    %scan3A_28 = arith.constant 0 : i32
    %scan3A_29 = arith.constant 80 : i32
    %scan3A_30 = arith.addi %scan3A_28, %scan3A_29 : i32
    %scan3A_31 = arith.constant 1 : i32
    scf.for %scan3A_41 = %scan3A_28 to %scan3A_30 step %scan3A_31  : i32 {
      %mul3A_42 = arith.constant 2 : i32
      %mul3A_43 = arith.muli %scan3A_41, %mul3A_42 : i32
      %add3A_44 = arith.constant 0 : i32
      %add3A_45 = arith.addi %add3A_44, %mul3A_43 : i32
      %add3A_46 = arith.constant 0 : i32
      %add3A_47 = arith.addi %add3A_45, %add3A_46 : i32
      %dma_wait3A_48 = arith.constant 0 : i32
      %dma_wait3A_49 = arith.constant 0 : i32
      %dma_wait3A_50 = tpu.memref_slice %arg2[%dma_wait3A_48, %dma_wait3A_49] : memref<500000x128xf32, #tpu.memory_space<hbm>> -> memref<500000x128xf32, #tpu.memory_space<hbm>>
      tpu.wait_indirect_dma semaphore(%arg13 : memref<!tpu.dma_semaphore, #tpu.memory_space<semaphore_mem>>) src(%dma_wait3A_50 : memref<500000x128xf32, #tpu.memory_space<hbm>>) dst(%arg7 : memref<160x128xf32, #tpu.memory_space<vmem>>)
      %gt3A = arith.constant 0 : i32
      %gt3A_51 = arith.cmpi sgt, %add3A_45, %gt3A : i32
      %convert_element_type3A = arith.extui %gt3A_51 : i1 to i32
      %cond3A = arith.constant 0 : i32
      %cond3A_52 = arith.cmpi ne, %convert_element_type3A, %cond3A : i32
      scf.if %cond3A_52 {
        %dma_wait3A_95 = arith.constant 0 : i32
        %dma_wait3A_96 = tpu.memref_slice %arg4[%mul3A_2, %dma_wait3A_95] : memref<819200x64xf32, #tpu.memory_space<hbm>> -> memref<160x64xf32, #tpu.memory_space<hbm>>
        %dma_wait3A_97 = arith.constant 0 : i32
        %dma_wait3A_98 = tpu.memref_slice %arg4[%mul3A_2, %dma_wait3A_97] : memref<819200x64xf32, #tpu.memory_space<hbm>> -> memref<160x64xf32, #tpu.memory_space<hbm>>
        tpu.wait_dma2 semaphore(%arg15 : memref<!tpu.dma_semaphore, #tpu.memory_space<semaphore_mem>>) src(%arg9 : memref<160x64xf32, #tpu.memory_space<vmem>>) dst(%dma_wait3A_98 : memref<160x64xf32, #tpu.memory_space<hbm>>)
      } else {
      }
      %parallel_loop3A = arith.constant 0 : i32
      %parallel_loop3A_53 = arith.constant 160 : i32
      %parallel_loop3A_54 = arith.constant 16 : i32
      scf.for %parallel_loop3A_95 = %parallel_loop3A to %parallel_loop3A_53 step %parallel_loop3A_54  : i32 {
        %parallel_loop3A_96 = arith.index_cast %parallel_loop3A_95 : i32 to index
        %parallel_loop3A_97 = tpu.vector_load %arg11[%parallel_loop3A_96] {strides = array<i32>} : memref<160xi32, #tpu.memory_space<vmem>>, vector<16xi32>,
        %parallel_loop3A_98 = vector.shape_cast %parallel_loop3A_97 : vector<16xi32> to vector<16xi32>
        %parallel_loop3A_99 = arith.constant 1 : i32
        %parallel_loop3A_100 = vector.broadcast %parallel_loop3A_99 : i32 to vector<16xi32>
        %parallel_loop3A_101 = arith.andi %parallel_loop3A_98, %parallel_loop3A_100 : vector<16xi32>
        %parallel_loop3A_102 = arith.constant 64 : i32
        %parallel_loop3A_103 = vector.broadcast %parallel_loop3A_102 : i32 to vector<16xi32>
        %parallel_loop3A_104 = arith.muli %parallel_loop3A_101, %parallel_loop3A_103 : vector<16xi32>
        %parallel_loop3A_105 = vector.extract_strided_slice %parallel_loop3A_104 {offsets = [0], sizes = [1], strides = [1]} : vector<16xi32> to vector<1xi32>
        %parallel_loop3A_106 = vector.extract %parallel_loop3A_105[0] : i32 from vector<1xi32>
        %parallel_loop3A_107 = arith.constant 0 : i32
        %parallel_loop3A_108 = arith.addi %parallel_loop3A_95, %parallel_loop3A_107 : i32
        %parallel_loop3A_109 = arith.constant 0 : i32
        %parallel_loop3A_110 = arith.addi %parallel_loop3A_106, %parallel_loop3A_109 : i32
        %parallel_loop3A_111 = arith.index_cast %parallel_loop3A_108 : i32 to index
        %parallel_loop3A_112 = arith.index_cast %parallel_loop3A_110 : i32 to index
        %parallel_loop3A_113 = tpu.vector_load %arg7[%parallel_loop3A_111, %parallel_loop3A_112] {strides = array<i32>} : memref<160x128xf32, #tpu.memory_space<vmem>>, vector<1x16xf32>,
        %parallel_loop3A_114 = vector.shape_cast %parallel_loop3A_113 : vector<1x16xf32> to vector<16xf32>
        %parallel_loop3A_115 = arith.constant 8.000000e+00 : f32
        %parallel_loop3A_116 = vector.broadcast %parallel_loop3A_115 : f32 to vector<16xf32>
        %parallel_loop3A_117 = arith.mulf %parallel_loop3A_114, %parallel_loop3A_116 : vector<16xf32>
        %parallel_loop3A_118 = arith.constant 0 : i32
        %parallel_loop3A_119 = arith.addi %parallel_loop3A_95, %parallel_loop3A_118 : i32
        %parallel_loop3A_120 = arith.index_cast %parallel_loop3A_119 : i32 to index
        %parallel_loop3A_121 = arith.constant 0 : index
        %parallel_loop3A_122 = tpu.vector_load %arg9[%parallel_loop3A_120, %parallel_loop3A_121] {strides = array<i32>} : memref<160x64xf32, #tpu.memory_space<vmem>>, vector<1x16xf32>,
        %parallel_loop3A_123 = vector.shape_cast %parallel_loop3A_122 : vector<1x16xf32> to vector<16xf32>
        %parallel_loop3A_124 = vector.shape_cast %parallel_loop3A_117 : vector<16xf32> to vector<1x16xf32>
        tpu.vector_store %arg9[%parallel_loop3A_120, %parallel_loop3A_121], %parallel_loop3A_124 {strides = array<i32>} : memref<160x64xf32, #tpu.memory_space<vmem>>, vector<1x16xf32>,
        %parallel_loop3A_125 = arith.constant 0 : i32
        %parallel_loop3A_126 = arith.addi %parallel_loop3A_95, %parallel_loop3A_125 : i32
        %parallel_loop3A_127 = arith.constant 16 : i32
        %parallel_loop3A_128 = arith.addi %parallel_loop3A_106, %parallel_loop3A_127 : i32
        %parallel_loop3A_129 = arith.index_cast %parallel_loop3A_126 : i32 to index
        %parallel_loop3A_130 = arith.index_cast %parallel_loop3A_128 : i32 to index
        %parallel_loop3A_131 = tpu.vector_load %arg7[%parallel_loop3A_129, %parallel_loop3A_130] {strides = array<i32>} : memref<160x128xf32, #tpu.memory_space<vmem>>, vector<1x16xf32>,
        %parallel_loop3A_132 = vector.shape_cast %parallel_loop3A_131 : vector<1x16xf32> to vector<16xf32>
        %parallel_loop3A_133 = arith.constant 8.000000e+00 : f32
        %parallel_loop3A_134 = vector.broadcast %parallel_loop3A_133 : f32 to vector<16xf32>
        %parallel_loop3A_135 = arith.mulf %parallel_loop3A_132, %parallel_loop3A_134 : vector<16xf32>
        %parallel_loop3A_136 = arith.constant 0 : i32
        %parallel_loop3A_137 = arith.addi %parallel_loop3A_95, %parallel_loop3A_136 : i32
        %parallel_loop3A_138 = arith.index_cast %parallel_loop3A_137 : i32 to index
        %parallel_loop3A_139 = arith.constant 16 : index
        %parallel_loop3A_140 = tpu.vector_load %arg9[%parallel_loop3A_138, %parallel_loop3A_139] {strides = array<i32>} : memref<160x64xf32, #tpu.memory_space<vmem>>, vector<1x16xf32>,
        %parallel_loop3A_141 = vector.shape_cast %parallel_loop3A_140 : vector<1x16xf32> to vector<16xf32>
        %parallel_loop3A_142 = vector.shape_cast %parallel_loop3A_135 : vector<16xf32> to vector<1x16xf32>
        tpu.vector_store %arg9[%parallel_loop3A_138, %parallel_loop3A_139], %parallel_loop3A_142 {strides = array<i32>} : memref<160x64xf32, #tpu.memory_space<vmem>>, vector<1x16xf32>,
        %parallel_loop3A_143 = arith.constant 0 : i32
        %parallel_loop3A_144 = arith.addi %parallel_loop3A_95, %parallel_loop3A_143 : i32
        %parallel_loop3A_145 = arith.constant 32 : i32
        %parallel_loop3A_146 = arith.addi %parallel_loop3A_106, %parallel_loop3A_145 : i32
        %parallel_loop3A_147 = arith.index_cast %parallel_loop3A_144 : i32 to index
        %parallel_loop3A_148 = arith.index_cast %parallel_loop3A_146 : i32 to index
        %parallel_loop3A_149 = tpu.vector_load %arg7[%parallel_loop3A_147, %parallel_loop3A_148] {strides = array<i32>} : memref<160x128xf32, #tpu.memory_space<vmem>>, vector<1x16xf32>,
        %parallel_loop3A_150 = vector.shape_cast %parallel_loop3A_149 : vector<1x16xf32> to vector<16xf32>
        %parallel_loop3A_151 = arith.constant 8.000000e+00 : f32
        %parallel_loop3A_152 = vector.broadcast %parallel_loop3A_151 : f32 to vector<16xf32>
        %parallel_loop3A_153 = arith.mulf %parallel_loop3A_150, %parallel_loop3A_152 : vector<16xf32>
        %parallel_loop3A_154 = arith.constant 0 : i32
        %parallel_loop3A_155 = arith.addi %parallel_loop3A_95, %parallel_loop3A_154 : i32
        %parallel_loop3A_156 = arith.index_cast %parallel_loop3A_155 : i32 to index
        %parallel_loop3A_157 = arith.constant 32 : index
        %parallel_loop3A_158 = tpu.vector_load %arg9[%parallel_loop3A_156, %parallel_loop3A_157] {strides = array<i32>} : memref<160x64xf32, #tpu.memory_space<vmem>>, vector<1x16xf32>,
        %parallel_loop3A_159 = vector.shape_cast %parallel_loop3A_158 : vector<1x16xf32> to vector<16xf32>
        %parallel_loop3A_160 = vector.shape_cast %parallel_loop3A_153 : vector<16xf32> to vector<1x16xf32>
        tpu.vector_store %arg9[%parallel_loop3A_156, %parallel_loop3A_157], %parallel_loop3A_160 {strides = array<i32>} : memref<160x64xf32, #tpu.memory_space<vmem>>, vector<1x16xf32>,
        %parallel_loop3A_161 = arith.constant 0 : i32
        %parallel_loop3A_162 = arith.addi %parallel_loop3A_95, %parallel_loop3A_161 : i32
        %parallel_loop3A_163 = arith.constant 48 : i32
        %parallel_loop3A_164 = arith.addi %parallel_loop3A_106, %parallel_loop3A_163 : i32
        %parallel_loop3A_165 = arith.index_cast %parallel_loop3A_162 : i32 to index
        %parallel_loop3A_166 = arith.index_cast %parallel_loop3A_164 : i32 to index
        %parallel_loop3A_167 = tpu.vector_load %arg7[%parallel_loop3A_165, %parallel_loop3A_166] {strides = array<i32>} : memref<160x128xf32, #tpu.memory_space<vmem>>, vector<1x16xf32>,
        %parallel_loop3A_168 = vector.shape_cast %parallel_loop3A_167 : vector<1x16xf32> to vector<16xf32>
        %parallel_loop3A_169 = arith.constant 8.000000e+00 : f32
        %parallel_loop3A_170 = vector.broadcast %parallel_loop3A_169 : f32 to vector<16xf32>
        %parallel_loop3A_171 = arith.mulf %parallel_loop3A_168, %parallel_loop3A_170 : vector<16xf32>
        %parallel_loop3A_172 = arith.constant 0 : i32
        %parallel_loop3A_173 = arith.addi %parallel_loop3A_95, %parallel_loop3A_172 : i32
        %parallel_loop3A_174 = arith.index_cast %parallel_loop3A_173 : i32 to index
        %parallel_loop3A_175 = arith.constant 48 : index
        %parallel_loop3A_176 = tpu.vector_load %arg9[%parallel_loop3A_174, %parallel_loop3A_175] {strides = array<i32>} : memref<160x64xf32, #tpu.memory_space<vmem>>, vector<1x16xf32>,
        %parallel_loop3A_177 = vector.shape_cast %parallel_loop3A_176 : vector<1x16xf32> to vector<16xf32>
        %parallel_loop3A_178 = vector.shape_cast %parallel_loop3A_171 : vector<16xf32> to vector<1x16xf32>
        tpu.vector_store %arg9[%parallel_loop3A_174, %parallel_loop3A_175], %parallel_loop3A_178 {strides = array<i32>} : memref<160x64xf32, #tpu.memory_space<vmem>>, vector<1x16xf32>,
        %parallel_loop3A_179 = vector.extract_strided_slice %parallel_loop3A_104 {offsets = [1], sizes = [1], strides = [1]} : vector<16xi32> to vector<1xi32>
        %parallel_loop3A_180 = vector.extract %parallel_loop3A_179[0] : i32 from vector<1xi32>
        %parallel_loop3A_181 = arith.constant 1 : i32
        %parallel_loop3A_182 = arith.addi %parallel_loop3A_95, %parallel_loop3A_181 : i32
        %parallel_loop3A_183 = arith.constant 0 : i32
        %parallel_loop3A_184 = arith.addi %parallel_loop3A_180, %parallel_loop3A_183 : i32
        %parallel_loop3A_185 = arith.index_cast %parallel_loop3A_182 : i32 to index
        %parallel_loop3A_186 = arith.index_cast %parallel_loop3A_184 : i32 to index
        %parallel_loop3A_187 = tpu.vector_load %arg7[%parallel_loop3A_185, %parallel_loop3A_186] {strides = array<i32>} : memref<160x128xf32, #tpu.memory_space<vmem>>, vector<1x16xf32>,
        %parallel_loop3A_188 = vector.shape_cast %parallel_loop3A_187 : vector<1x16xf32> to vector<16xf32>
        %parallel_loop3A_189 = arith.constant 8.000000e+00 : f32
        %parallel_loop3A_190 = vector.broadcast %parallel_loop3A_189 : f32 to vector<16xf32>
        %parallel_loop3A_191 = arith.mulf %parallel_loop3A_188, %parallel_loop3A_190 : vector<16xf32>
        %parallel_loop3A_192 = arith.constant 1 : i32
        %parallel_loop3A_193 = arith.addi %parallel_loop3A_95, %parallel_loop3A_192 : i32
        %parallel_loop3A_194 = arith.index_cast %parallel_loop3A_193 : i32 to index
        %parallel_loop3A_195 = arith.constant 0 : index
        %parallel_loop3A_196 = tpu.vector_load %arg9[%parallel_loop3A_194, %parallel_loop3A_195] {strides = array<i32>} : memref<160x64xf32, #tpu.memory_space<vmem>>, vector<1x16xf32>,
        %parallel_loop3A_197 = vector.shape_cast %parallel_loop3A_196 : vector<1x16xf32> to vector<16xf32>
        %parallel_loop3A_198 = vector.shape_cast %parallel_loop3A_191 : vector<16xf32> to vector<1x16xf32>
        tpu.vector_store %arg9[%parallel_loop3A_194, %parallel_loop3A_195], %parallel_loop3A_198 {strides = array<i32>} : memref<160x64xf32, #tpu.memory_space<vmem>>, vector<1x16xf32>,
        %parallel_loop3A_199 = arith.constant 1 : i32
        %parallel_loop3A_200 = arith.addi %parallel_loop3A_95, %parallel_loop3A_199 : i32
        %parallel_loop3A_201 = arith.constant 16 : i32
        %parallel_loop3A_202 = arith.addi %parallel_loop3A_180, %parallel_loop3A_201 : i32
        %parallel_loop3A_203 = arith.index_cast %parallel_loop3A_200 : i32 to index
        %parallel_loop3A_204 = arith.index_cast %parallel_loop3A_202 : i32 to index
        %parallel_loop3A_205 = tpu.vector_load %arg7[%parallel_loop3A_203, %parallel_loop3A_204] {strides = array<i32>} : memref<160x128xf32, #tpu.memory_space<vmem>>, vector<1x16xf32>,
        %parallel_loop3A_206 = vector.shape_cast %parallel_loop3A_205 : vector<1x16xf32> to vector<16xf32>
        %parallel_loop3A_207 = arith.constant 8.000000e+00 : f32
        %parallel_loop3A_208 = vector.broadcast %parallel_loop3A_207 : f32 to vector<16xf32>
        %parallel_loop3A_209 = arith.mulf %parallel_loop3A_206, %parallel_loop3A_208 : vector<16xf32>
        %parallel_loop3A_210 = arith.constant 1 : i32
        %parallel_loop3A_211 = arith.addi %parallel_loop3A_95, %parallel_loop3A_210 : i32
        %parallel_loop3A_212 = arith.index_cast %parallel_loop3A_211 : i32 to index
        %parallel_loop3A_213 = arith.constant 16 : index
        %parallel_loop3A_214 = tpu.vector_load %arg9[%parallel_loop3A_212, %parallel_loop3A_213] {strides = array<i32>} : memref<160x64xf32, #tpu.memory_space<vmem>>, vector<1x16xf32>,
        %parallel_loop3A_215 = vector.shape_cast %parallel_loop3A_214 : vector<1x16xf32> to vector<16xf32>
        %parallel_loop3A_216 = vector.shape_cast %parallel_loop3A_209 : vector<16xf32> to vector<1x16xf32>
        tpu.vector_store %arg9[%parallel_loop3A_212, %parallel_loop3A_213], %parallel_loop3A_216 {strides = array<i32>} : memref<160x64xf32, #tpu.memory_space<vmem>>, vector<1x16xf32>,
        %parallel_loop3A_217 = arith.constant 1 : i32
        %parallel_loop3A_218 = arith.addi %parallel_loop3A_95, %parallel_loop3A_217 : i32
        %parallel_loop3A_219 = arith.constant 32 : i32
        %parallel_loop3A_220 = arith.addi %parallel_loop3A_180, %parallel_loop3A_219 : i32
        %parallel_loop3A_221 = arith.index_cast %parallel_loop3A_218 : i32 to index
        %parallel_loop3A_222 = arith.index_cast %parallel_loop3A_220 : i32 to index
        %parallel_loop3A_223 = tpu.vector_load %arg7[%parallel_loop3A_221, %parallel_loop3A_222] {strides = array<i32>} : memref<160x128xf32, #tpu.memory_space<vmem>>, vector<1x16xf32>,
        %parallel_loop3A_224 = vector.shape_cast %parallel_loop3A_223 : vector<1x16xf32> to vector<16xf32>
        %parallel_loop3A_225 = arith.constant 8.000000e+00 : f32
        %parallel_loop3A_226 = vector.broadcast %parallel_loop3A_225 : f32 to vector<16xf32>
        %parallel_loop3A_227 = arith.mulf %parallel_loop3A_224, %parallel_loop3A_226 : vector<16xf32>
        %parallel_loop3A_228 = arith.constant 1 : i32
        %parallel_loop3A_229 = arith.addi %parallel_loop3A_95, %parallel_loop3A_228 : i32
        %parallel_loop3A_230 = arith.index_cast %parallel_loop3A_229 : i32 to index
        %parallel_loop3A_231 = arith.constant 32 : index
        %parallel_loop3A_232 = tpu.vector_load %arg9[%parallel_loop3A_230, %parallel_loop3A_231] {strides = array<i32>} : memref<160x64xf32, #tpu.memory_space<vmem>>, vector<1x16xf32>,
        %parallel_loop3A_233 = vector.shape_cast %parallel_loop3A_232 : vector<1x16xf32> to vector<16xf32>
        %parallel_loop3A_234 = vector.shape_cast %parallel_loop3A_227 : vector<16xf32> to vector<1x16xf32>
        tpu.vector_store %arg9[%parallel_loop3A_230, %parallel_loop3A_231], %parallel_loop3A_234 {strides = array<i32>} : memref<160x64xf32, #tpu.memory_space<vmem>>, vector<1x16xf32>,
        %parallel_loop3A_235 = arith.constant 1 : i32
        %parallel_loop3A_236 = arith.addi %parallel_loop3A_95, %parallel_loop3A_235 : i32
        %parallel_loop3A_237 = arith.constant 48 : i32
        %parallel_loop3A_238 = arith.addi %parallel_loop3A_180, %parallel_loop3A_237 : i32
        %parallel_loop3A_239 = arith.index_cast %parallel_loop3A_236 : i32 to index
        %parallel_loop3A_240 = arith.index_cast %parallel_loop3A_238 : i32 to index
        %parallel_loop3A_241 = tpu.vector_load %arg7[%parallel_loop3A_239, %parallel_loop3A_240] {strides = array<i32>} : memref<160x128xf32, #tpu.memory_space<vmem>>, vector<1x16xf32>,
        %parallel_loop3A_242 = vector.shape_cast %parallel_loop3A_241 : vector<1x16xf32> to vector<16xf32>
        %parallel_loop3A_243 = arith.constant 8.000000e+00 : f32
        %parallel_loop3A_244 = vector.broadcast %parallel_loop3A_243 : f32 to vector<16xf32>
        %parallel_loop3A_245 = arith.mulf %parallel_loop3A_242, %parallel_loop3A_244 : vector<16xf32>
        %parallel_loop3A_246 = arith.constant 1 : i32
        %parallel_loop3A_247 = arith.addi %parallel_loop3A_95, %parallel_loop3A_246 : i32
        %parallel_loop3A_248 = arith.index_cast %parallel_loop3A_247 : i32 to index
        %parallel_loop3A_249 = arith.constant 48 : index
        %parallel_loop3A_250 = tpu.vector_load %arg9[%parallel_loop3A_248, %parallel_loop3A_249] {strides = array<i32>} : memref<160x64xf32, #tpu.memory_space<vmem>>, vector<1x16xf32>,
        %parallel_loop3A_251 = vector.shape_cast %parallel_loop3A_250 : vector<1x16xf32> to vector<16xf32>
        %parallel_loop3A_252 = vector.shape_cast %parallel_loop3A_245 : vector<16xf32> to vector<1x16xf32>
        tpu.vector_store %arg9[%parallel_loop3A_248, %parallel_loop3A_249], %parallel_loop3A_252 {strides = array<i32>} : memref<160x64xf32, #tpu.memory_space<vmem>>, vector<1x16xf32>,
        %parallel_loop3A_253 = vector.extract_strided_slice %parallel_loop3A_104 {offsets = [2], sizes = [1], strides = [1]} : vector<16xi32> to vector<1xi32>
        %parallel_loop3A_254 = vector.extract %parallel_loop3A_253[0] : i32 from vector<1xi32>
        %parallel_loop3A_255 = arith.constant 2 : i32
        %parallel_loop3A_256 = arith.addi %parallel_loop3A_95, %parallel_loop3A_255 : i32
        %parallel_loop3A_257 = arith.constant 0 : i32
        %parallel_loop3A_258 = arith.addi %parallel_loop3A_254, %parallel_loop3A_257 : i32
        %parallel_loop3A_259 = arith.index_cast %parallel_loop3A_256 : i32 to index
        %parallel_loop3A_260 = arith.index_cast %parallel_loop3A_258 : i32 to index
        %parallel_loop3A_261 = tpu.vector_load %arg7[%parallel_loop3A_259, %parallel_loop3A_260] {strides = array<i32>} : memref<160x128xf32, #tpu.memory_space<vmem>>, vector<1x16xf32>,
        %parallel_loop3A_262 = vector.shape_cast %parallel_loop3A_261 : vector<1x16xf32> to vector<16xf32>
        %parallel_loop3A_263 = arith.constant 8.000000e+00 : f32
        %parallel_loop3A_264 = vector.broadcast %parallel_loop3A_263 : f32 to vector<16xf32>
        %parallel_loop3A_265 = arith.mulf %parallel_loop3A_262, %parallel_loop3A_264 : vector<16xf32>
        %parallel_loop3A_266 = arith.constant 2 : i32
        %parallel_loop3A_267 = arith.addi %parallel_loop3A_95, %parallel_loop3A_266 : i32
        %parallel_loop3A_268 = arith.index_cast %parallel_loop3A_267 : i32 to index
        %parallel_loop3A_269 = arith.constant 0 : index
        %parallel_loop3A_270 = tpu.vector_load %arg9[%parallel_loop3A_268, %parallel_loop3A_269] {strides = array<i32>} : memref<160x64xf32, #tpu.memory_space<vmem>>, vector<1x16xf32>,
        %parallel_loop3A_271 = vector.shape_cast %parallel_loop3A_270 : vector<1x16xf32> to vector<16xf32>
        %parallel_loop3A_272 = vector.shape_cast %parallel_loop3A_265 : vector<16xf32> to vector<1x16xf32>
        tpu.vector_store %arg9[%parallel_loop3A_268, %parallel_loop3A_269], %parallel_loop3A_272 {strides = array<i32>} : memref<160x64xf32, #tpu.memory_space<vmem>>, vector<1x16xf32>,
        %parallel_loop3A_273 = arith.constant 2 : i32
        %parallel_loop3A_274 = arith.addi %parallel_loop3A_95, %parallel_loop3A_273 : i32
        %parallel_loop3A_275 = arith.constant 16 : i32
        %parallel_loop3A_276 = arith.addi %parallel_loop3A_254, %parallel_loop3A_275 : i32
        %parallel_loop3A_277 = arith.index_cast %parallel_loop3A_274 : i32 to index
        %parallel_loop3A_278 = arith.index_cast %parallel_loop3A_276 : i32 to index
        %parallel_loop3A_279 = tpu.vector_load %arg7[%parallel_loop3A_277, %parallel_loop3A_278] {strides = array<i32>} : memref<160x128xf32, #tpu.memory_space<vmem>>, vector<1x16xf32>,
        %parallel_loop3A_280 = vector.shape_cast %parallel_loop3A_279 : vector<1x16xf32> to vector<16xf32>
        %parallel_loop3A_281 = arith.constant 8.000000e+00 : f32
        %parallel_loop3A_282 = vector.broadcast %parallel_loop3A_281 : f32 to vector<16xf32>
        %parallel_loop3A_283 = arith.mulf %parallel_loop3A_280, %parallel_loop3A_282 : vector<16xf32>
        %parallel_loop3A_284 = arith.constant 2 : i32
        %parallel_loop3A_285 = arith.addi %parallel_loop3A_95, %parallel_loop3A_284 : i32
        %parallel_loop3A_286 = arith.index_cast %parallel_loop3A_285 : i32 to index
        %parallel_loop3A_287 = arith.constant 16 : index
        %parallel_loop3A_288 = tpu.vector_load %arg9[%parallel_loop3A_286, %parallel_loop3A_287] {strides = array<i32>} : memref<160x64xf32, #tpu.memory_space<vmem>>, vector<1x16xf32>,
        %parallel_loop3A_289 = vector.shape_cast %parallel_loop3A_288 : vector<1x16xf32> to vector<16xf32>
        %parallel_loop3A_290 = vector.shape_cast %parallel_loop3A_283 : vector<16xf32> to vector<1x16xf32>
        tpu.vector_store %arg9[%parallel_loop3A_286, %parallel_loop3A_287], %parallel_loop3A_290 {strides = array<i32>} : memref<160x64xf32, #tpu.memory_space<vmem>>, vector<1x16xf32>,
        %parallel_loop3A_291 = arith.constant 2 : i32
        %parallel_loop3A_292 = arith.addi %parallel_loop3A_95, %parallel_loop3A_291 : i32
        %parallel_loop3A_293 = arith.constant 32 : i32
        %parallel_loop3A_294 = arith.addi %parallel_loop3A_254, %parallel_loop3A_293 : i32
        %parallel_loop3A_295 = arith.index_cast %parallel_loop3A_292 : i32 to index
        %parallel_loop3A_296 = arith.index_cast %parallel_loop3A_294 : i32 to index
        %parallel_loop3A_297 = tpu.vector_load %arg7[%parallel_loop3A_295, %parallel_loop3A_296] {strides = array<i32>} : memref<160x128xf32, #tpu.memory_space<vmem>>, vector<1x16xf32>,
        %parallel_loop3A_298 = vector.shape_cast %parallel_loop3A_297 : vector<1x16xf32> to vector<16xf32>
        %parallel_loop3A_299 = arith.constant 8.000000e+00 : f32
        %parallel_loop3A_300 = vector.broadcast %parallel_loop3A_299 : f32 to vector<16xf32>
        %parallel_loop3A_301 = arith.mulf %parallel_loop3A_298, %parallel_loop3A_300 : vector<16xf32>
        %parallel_loop3A_302 = arith.constant 2 : i32
        %parallel_loop3A_303 = arith.addi %parallel_loop3A_95, %parallel_loop3A_302 : i32
        %parallel_loop3A_304 = arith.index_cast %parallel_loop3A_303 : i32 to index
        %parallel_loop3A_305 = arith.constant 32 : index
        %parallel_loop3A_306 = tpu.vector_load %arg9[%parallel_loop3A_304, %parallel_loop3A_305] {strides = array<i32>} : memref<160x64xf32, #tpu.memory_space<vmem>>, vector<1x16xf32>,
        %parallel_loop3A_307 = vector.shape_cast %parallel_loop3A_306 : vector<1x16xf32> to vector<16xf32>
        %parallel_loop3A_308 = vector.shape_cast %parallel_loop3A_301 : vector<16xf32> to vector<1x16xf32>
        tpu.vector_store %arg9[%parallel_loop3A_304, %parallel_loop3A_305], %parallel_loop3A_308 {strides = array<i32>} : memref<160x64xf32, #tpu.memory_space<vmem>>, vector<1x16xf32>,
        %parallel_loop3A_309 = arith.constant 2 : i32
        %parallel_loop3A_310 = arith.addi %parallel_loop3A_95, %parallel_loop3A_309 : i32
        %parallel_loop3A_311 = arith.constant 48 : i32
        %parallel_loop3A_312 = arith.addi %parallel_loop3A_254, %parallel_loop3A_311 : i32
        %parallel_loop3A_313 = arith.index_cast %parallel_loop3A_310 : i32 to index
        %parallel_loop3A_314 = arith.index_cast %parallel_loop3A_312 : i32 to index
        %parallel_loop3A_315 = tpu.vector_load %arg7[%parallel_loop3A_313, %parallel_loop3A_314] {strides = array<i32>} : memref<160x128xf32, #tpu.memory_space<vmem>>, vector<1x16xf32>,
        %parallel_loop3A_316 = vector.shape_cast %parallel_loop3A_315 : vector<1x16xf32> to vector<16xf32>
        %parallel_loop3A_317 = arith.constant 8.000000e+00 : f32
        %parallel_loop3A_318 = vector.broadcast %parallel_loop3A_317 : f32 to vector<16xf32>
        %parallel_loop3A_319 = arith.mulf %parallel_loop3A_316, %parallel_loop3A_318 : vector<16xf32>
        %parallel_loop3A_320 = arith.constant 2 : i32
        %parallel_loop3A_321 = arith.addi %parallel_loop3A_95, %parallel_loop3A_320 : i32
        %parallel_loop3A_322 = arith.index_cast %parallel_loop3A_321 : i32 to index
        %parallel_loop3A_323 = arith.constant 48 : index
        %parallel_loop3A_324 = tpu.vector_load %arg9[%parallel_loop3A_322, %parallel_loop3A_323] {strides = array<i32>} : memref<160x64xf32, #tpu.memory_space<vmem>>, vector<1x16xf32>,
        %parallel_loop3A_325 = vector.shape_cast %parallel_loop3A_324 : vector<1x16xf32> to vector<16xf32>
        %parallel_loop3A_326 = vector.shape_cast %parallel_loop3A_319 : vector<16xf32> to vector<1x16xf32>
        tpu.vector_store %arg9[%parallel_loop3A_322, %parallel_loop3A_323], %parallel_loop3A_326 {strides = array<i32>} : memref<160x64xf32, #tpu.memory_space<vmem>>, vector<1x16xf32>,
        %parallel_loop3A_327 = vector.extract_strided_slice %parallel_loop3A_104 {offsets = [3], sizes = [1], strides = [1]} : vector<16xi32> to vector<1xi32>
        %parallel_loop3A_328 = vector.extract %parallel_loop3A_327[0] : i32 from vector<1xi32>
        %parallel_loop3A_329 = arith.constant 3 : i32
        %parallel_loop3A_330 = arith.addi %parallel_loop3A_95, %parallel_loop3A_329 : i32
        %parallel_loop3A_331 = arith.constant 0 : i32
        %parallel_loop3A_332 = arith.addi %parallel_loop3A_328, %parallel_loop3A_331 : i32
        %parallel_loop3A_333 = arith.index_cast %parallel_loop3A_330 : i32 to index
        %parallel_loop3A_334 = arith.index_cast %parallel_loop3A_332 : i32 to index
        %parallel_loop3A_335 = tpu.vector_load %arg7[%parallel_loop3A_333, %parallel_loop3A_334] {strides = array<i32>} : memref<160x128xf32, #tpu.memory_space<vmem>>, vector<1x16xf32>,
        %parallel_loop3A_336 = vector.shape_cast %parallel_loop3A_335 : vector<1x16xf32> to vector<16xf32>
        %parallel_loop3A_337 = arith.constant 8.000000e+00 : f32
        %parallel_loop3A_338 = vector.broadcast %parallel_loop3A_337 : f32 to vector<16xf32>
        %parallel_loop3A_339 = arith.mulf %parallel_loop3A_336, %parallel_loop3A_338 : vector<16xf32>
        %parallel_loop3A_340 = arith.constant 3 : i32
        %parallel_loop3A_341 = arith.addi %parallel_loop3A_95, %parallel_loop3A_340 : i32
        %parallel_loop3A_342 = arith.index_cast %parallel_loop3A_341 : i32 to index
        %parallel_loop3A_343 = arith.constant 0 : index
        %parallel_loop3A_344 = tpu.vector_load %arg9[%parallel_loop3A_342, %parallel_loop3A_343] {strides = array<i32>} : memref<160x64xf32, #tpu.memory_space<vmem>>, vector<1x16xf32>,
        %parallel_loop3A_345 = vector.shape_cast %parallel_loop3A_344 : vector<1x16xf32> to vector<16xf32>
        %parallel_loop3A_346 = vector.shape_cast %parallel_loop3A_339 : vector<16xf32> to vector<1x16xf32>
        tpu.vector_store %arg9[%parallel_loop3A_342, %parallel_loop3A_343], %parallel_loop3A_346 {strides = array<i32>} : memref<160x64xf32, #tpu.memory_space<vmem>>, vector<1x16xf32>,
        %parallel_loop3A_347 = arith.constant 3 : i32
        %parallel_loop3A_348 = arith.addi %parallel_loop3A_95, %parallel_loop3A_347 : i32
        %parallel_loop3A_349 = arith.constant 16 : i32
        %parallel_loop3A_350 = arith.addi %parallel_loop3A_328, %parallel_loop3A_349 : i32
        %parallel_loop3A_351 = arith.index_cast %parallel_loop3A_348 : i32 to index
        %parallel_loop3A_352 = arith.index_cast %parallel_loop3A_350 : i32 to index
        %parallel_loop3A_353 = tpu.vector_load %arg7[%parallel_loop3A_351, %parallel_loop3A_352] {strides = array<i32>} : memref<160x128xf32, #tpu.memory_space<vmem>>, vector<1x16xf32>,
        %parallel_loop3A_354 = vector.shape_cast %parallel_loop3A_353 : vector<1x16xf32> to vector<16xf32>
        %parallel_loop3A_355 = arith.constant 8.000000e+00 : f32
        %parallel_loop3A_356 = vector.broadcast %parallel_loop3A_355 : f32 to vector<16xf32>
        %parallel_loop3A_357 = arith.mulf %parallel_loop3A_354, %parallel_loop3A_356 : vector<16xf32>
        %parallel_loop3A_358 = arith.constant 3 : i32
        %parallel_loop3A_359 = arith.addi %parallel_loop3A_95, %parallel_loop3A_358 : i32
        %parallel_loop3A_360 = arith.index_cast %parallel_loop3A_359 : i32 to index
        %parallel_loop3A_361 = arith.constant 16 : index
        %parallel_loop3A_362 = tpu.vector_load %arg9[%parallel_loop3A_360, %parallel_loop3A_361] {strides = array<i32>} : memref<160x64xf32, #tpu.memory_space<vmem>>, vector<1x16xf32>,
        %parallel_loop3A_363 = vector.shape_cast %parallel_loop3A_362 : vector<1x16xf32> to vector<16xf32>
        %parallel_loop3A_364 = vector.shape_cast %parallel_loop3A_357 : vector<16xf32> to vector<1x16xf32>
        tpu.vector_store %arg9[%parallel_loop3A_360, %parallel_loop3A_361], %parallel_loop3A_364 {strides = array<i32>} : memref<160x64xf32, #tpu.memory_space<vmem>>, vector<1x16xf32>,
        %parallel_loop3A_365 = arith.constant 3 : i32
        %parallel_loop3A_366 = arith.addi %parallel_loop3A_95, %parallel_loop3A_365 : i32
        %parallel_loop3A_367 = arith.constant 32 : i32
        %parallel_loop3A_368 = arith.addi %parallel_loop3A_328, %parallel_loop3A_367 : i32
        %parallel_loop3A_369 = arith.index_cast %parallel_loop3A_366 : i32 to index
        %parallel_loop3A_370 = arith.index_cast %parallel_loop3A_368 : i32 to index
        %parallel_loop3A_371 = tpu.vector_load %arg7[%parallel_loop3A_369, %parallel_loop3A_370] {strides = array<i32>} : memref<160x128xf32, #tpu.memory_space<vmem>>, vector<1x16xf32>,
        %parallel_loop3A_372 = vector.shape_cast %parallel_loop3A_371 : vector<1x16xf32> to vector<16xf32>
        %parallel_loop3A_373 = arith.constant 8.000000e+00 : f32
        %parallel_loop3A_374 = vector.broadcast %parallel_loop3A_373 : f32 to vector<16xf32>
        %parallel_loop3A_375 = arith.mulf %parallel_loop3A_372, %parallel_loop3A_374 : vector<16xf32>
        %parallel_loop3A_376 = arith.constant 3 : i32
        %parallel_loop3A_377 = arith.addi %parallel_loop3A_95, %parallel_loop3A_376 : i32
        %parallel_loop3A_378 = arith.index_cast %parallel_loop3A_377 : i32 to index
        %parallel_loop3A_379 = arith.constant 32 : index
        %parallel_loop3A_380 = tpu.vector_load %arg9[%parallel_loop3A_378, %parallel_loop3A_379] {strides = array<i32>} : memref<160x64xf32, #tpu.memory_space<vmem>>, vector<1x16xf32>,
        %parallel_loop3A_381 = vector.shape_cast %parallel_loop3A_380 : vector<1x16xf32> to vector<16xf32>
        %parallel_loop3A_382 = vector.shape_cast %parallel_loop3A_375 : vector<16xf32> to vector<1x16xf32>
        tpu.vector_store %arg9[%parallel_loop3A_378, %parallel_loop3A_379], %parallel_loop3A_382 {strides = array<i32>} : memref<160x64xf32, #tpu.memory_space<vmem>>, vector<1x16xf32>,
        %parallel_loop3A_383 = arith.constant 3 : i32
        %parallel_loop3A_384 = arith.addi %parallel_loop3A_95, %parallel_loop3A_383 : i32
        %parallel_loop3A_385 = arith.constant 48 : i32
        %parallel_loop3A_386 = arith.addi %parallel_loop3A_328, %parallel_loop3A_385 : i32
        %parallel_loop3A_387 = arith.index_cast %parallel_loop3A_384 : i32 to index
        %parallel_loop3A_388 = arith.index_cast %parallel_loop3A_386 : i32 to index
        %parallel_loop3A_389 = tpu.vector_load %arg7[%parallel_loop3A_387, %parallel_loop3A_388] {strides = array<i32>} : memref<160x128xf32, #tpu.memory_space<vmem>>, vector<1x16xf32>,
        %parallel_loop3A_390 = vector.shape_cast %parallel_loop3A_389 : vector<1x16xf32> to vector<16xf32>
        %parallel_loop3A_391 = arith.constant 8.000000e+00 : f32
        %parallel_loop3A_392 = vector.broadcast %parallel_loop3A_391 : f32 to vector<16xf32>
        %parallel_loop3A_393 = arith.mulf %parallel_loop3A_390, %parallel_loop3A_392 : vector<16xf32>
        %parallel_loop3A_394 = arith.constant 3 : i32
        %parallel_loop3A_395 = arith.addi %parallel_loop3A_95, %parallel_loop3A_394 : i32
        %parallel_loop3A_396 = arith.index_cast %parallel_loop3A_395 : i32 to index
        %parallel_loop3A_397 = arith.constant 48 : index
        %parallel_loop3A_398 = tpu.vector_load %arg9[%parallel_loop3A_396, %parallel_loop3A_397] {strides = array<i32>} : memref<160x64xf32, #tpu.memory_space<vmem>>, vector<1x16xf32>,
        %parallel_loop3A_399 = vector.shape_cast %parallel_loop3A_398 : vector<1x16xf32> to vector<16xf32>
        %parallel_loop3A_400 = vector.shape_cast %parallel_loop3A_393 : vector<16xf32> to vector<1x16xf32>
        tpu.vector_store %arg9[%parallel_loop3A_396, %parallel_loop3A_397], %parallel_loop3A_400 {strides = array<i32>} : memref<160x64xf32, #tpu.memory_space<vmem>>, vector<1x16xf32>,
        %parallel_loop3A_401 = vector.extract_strided_slice %parallel_loop3A_104 {offsets = [4], sizes = [1], strides = [1]} : vector<16xi32> to vector<1xi32>
        %parallel_loop3A_402 = vector.extract %parallel_loop3A_401[0] : i32 from vector<1xi32>
        %parallel_loop3A_403 = arith.constant 4 : i32
        %parallel_loop3A_404 = arith.addi %parallel_loop3A_95, %parallel_loop3A_403 : i32
        %parallel_loop3A_405 = arith.constant 0 : i32
        %parallel_loop3A_406 = arith.addi %parallel_loop3A_402, %parallel_loop3A_405 : i32
        %parallel_loop3A_407 = arith.index_cast %parallel_loop3A_404 : i32 to index
        %parallel_loop3A_408 = arith.index_cast %parallel_loop3A_406 : i32 to index
        %parallel_loop3A_409 = tpu.vector_load %arg7[%parallel_loop3A_407, %parallel_loop3A_408] {strides = array<i32>} : memref<160x128xf32, #tpu.memory_space<vmem>>, vector<1x16xf32>,
        %parallel_loop3A_410 = vector.shape_cast %parallel_loop3A_409 : vector<1x16xf32> to vector<16xf32>
        %parallel_loop3A_411 = arith.constant 8.000000e+00 : f32
        %parallel_loop3A_412 = vector.broadcast %parallel_loop3A_411 : f32 to vector<16xf32>
        %parallel_loop3A_413 = arith.mulf %parallel_loop3A_410, %parallel_loop3A_412 : vector<16xf32>
        %parallel_loop3A_414 = arith.constant 4 : i32
        %parallel_loop3A_415 = arith.addi %parallel_loop3A_95, %parallel_loop3A_414 : i32
        %parallel_loop3A_416 = arith.index_cast %parallel_loop3A_415 : i32 to index
        %parallel_loop3A_417 = arith.constant 0 : index
        %parallel_loop3A_418 = tpu.vector_load %arg9[%parallel_loop3A_416, %parallel_loop3A_417] {strides = array<i32>} : memref<160x64xf32, #tpu.memory_space<vmem>>, vector<1x16xf32>,
        %parallel_loop3A_419 = vector.shape_cast %parallel_loop3A_418 : vector<1x16xf32> to vector<16xf32>
        %parallel_loop3A_420 = vector.shape_cast %parallel_loop3A_413 : vector<16xf32> to vector<1x16xf32>
        tpu.vector_store %arg9[%parallel_loop3A_416, %parallel_loop3A_417], %parallel_loop3A_420 {strides = array<i32>} : memref<160x64xf32, #tpu.memory_space<vmem>>, vector<1x16xf32>,
        %parallel_loop3A_421 = arith.constant 4 : i32
        %parallel_loop3A_422 = arith.addi %parallel_loop3A_95, %parallel_loop3A_421 : i32
        %parallel_loop3A_423 = arith.constant 16 : i32
        %parallel_loop3A_424 = arith.addi %parallel_loop3A_402, %parallel_loop3A_423 : i32
        %parallel_loop3A_425 = arith.index_cast %parallel_loop3A_422 : i32 to index
        %parallel_loop3A_426 = arith.index_cast %parallel_loop3A_424 : i32 to index
        %parallel_loop3A_427 = tpu.vector_load %arg7[%parallel_loop3A_425, %parallel_loop3A_426] {strides = array<i32>} : memref<160x128xf32, #tpu.memory_space<vmem>>, vector<1x16xf32>,
        %parallel_loop3A_428 = vector.shape_cast %parallel_loop3A_427 : vector<1x16xf32> to vector<16xf32>
        %parallel_loop3A_429 = arith.constant 8.000000e+00 : f32
        %parallel_loop3A_430 = vector.broadcast %parallel_loop3A_429 : f32 to vector<16xf32>
        %parallel_loop3A_431 = arith.mulf %parallel_loop3A_428, %parallel_loop3A_430 : vector<16xf32>
        %parallel_loop3A_432 = arith.constant 4 : i32
        %parallel_loop3A_433 = arith.addi %parallel_loop3A_95, %parallel_loop3A_432 : i32
        %parallel_loop3A_434 = arith.index_cast %parallel_loop3A_433 : i32 to index
        %parallel_loop3A_435 = arith.constant 16 : index
        %parallel_loop3A_436 = tpu.vector_load %arg9[%parallel_loop3A_434, %parallel_loop3A_435] {strides = array<i32>} : memref<160x64xf32, #tpu.memory_space<vmem>>, vector<1x16xf32>,
        %parallel_loop3A_437 = vector.shape_cast %parallel_loop3A_436 : vector<1x16xf32> to vector<16xf32>
        %parallel_loop3A_438 = vector.shape_cast %parallel_loop3A_431 : vector<16xf32> to vector<1x16xf32>
        tpu.vector_store %arg9[%parallel_loop3A_434, %parallel_loop3A_435], %parallel_loop3A_438 {strides = array<i32>} : memref<160x64xf32, #tpu.memory_space<vmem>>, vector<1x16xf32>,
        %parallel_loop3A_439 = arith.constant 4 : i32
        %parallel_loop3A_440 = arith.addi %parallel_loop3A_95, %parallel_loop3A_439 : i32
        %parallel_loop3A_441 = arith.constant 32 : i32
        %parallel_loop3A_442 = arith.addi %parallel_loop3A_402, %parallel_loop3A_441 : i32
        %parallel_loop3A_443 = arith.index_cast %parallel_loop3A_440 : i32 to index
        %parallel_loop3A_444 = arith.index_cast %parallel_loop3A_442 : i32 to index
        %parallel_loop3A_445 = tpu.vector_load %arg7[%parallel_loop3A_443, %parallel_loop3A_444] {strides = array<i32>} : memref<160x128xf32, #tpu.memory_space<vmem>>, vector<1x16xf32>,
        %parallel_loop3A_446 = vector.shape_cast %parallel_loop3A_445 : vector<1x16xf32> to vector<16xf32>
        %parallel_loop3A_447 = arith.constant 8.000000e+00 : f32
        %parallel_loop3A_448 = vector.broadcast %parallel_loop3A_447 : f32 to vector<16xf32>
        %parallel_loop3A_449 = arith.mulf %parallel_loop3A_446, %parallel_loop3A_448 : vector<16xf32>
        %parallel_loop3A_450 = arith.constant 4 : i32
        %parallel_loop3A_451 = arith.addi %parallel_loop3A_95, %parallel_loop3A_450 : i32
        %parallel_loop3A_452 = arith.index_cast %parallel_loop3A_451 : i32 to index
        %parallel_loop3A_453 = arith.constant 32 : index
        %parallel_loop3A_454 = tpu.vector_load %arg9[%parallel_loop3A_452, %parallel_loop3A_453] {strides = array<i32>} : memref<160x64xf32, #tpu.memory_space<vmem>>, vector<1x16xf32>,
        %parallel_loop3A_455 = vector.shape_cast %parallel_loop3A_454 : vector<1x16xf32> to vector<16xf32>
        %parallel_loop3A_456 = vector.shape_cast %parallel_loop3A_449 : vector<16xf32> to vector<1x16xf32>
        tpu.vector_store %arg9[%parallel_loop3A_452, %parallel_loop3A_453], %parallel_loop3A_456 {strides = array<i32>} : memref<160x64xf32, #tpu.memory_space<vmem>>, vector<1x16xf32>,
        %parallel_loop3A_457 = arith.constant 4 : i32
        %parallel_loop3A_458 = arith.addi %parallel_loop3A_95, %parallel_loop3A_457 : i32
        %parallel_loop3A_459 = arith.constant 48 : i32
        %parallel_loop3A_460 = arith.addi %parallel_loop3A_402, %parallel_loop3A_459 : i32
        %parallel_loop3A_461 = arith.index_cast %parallel_loop3A_458 : i32 to index
        %parallel_loop3A_462 = arith.index_cast %parallel_loop3A_460 : i32 to index
        %parallel_loop3A_463 = tpu.vector_load %arg7[%parallel_loop3A_461, %parallel_loop3A_462] {strides = array<i32>} : memref<160x128xf32, #tpu.memory_space<vmem>>, vector<1x16xf32>,
        %parallel_loop3A_464 = vector.shape_cast %parallel_loop3A_463 : vector<1x16xf32> to vector<16xf32>
        %parallel_loop3A_465 = arith.constant 8.000000e+00 : f32
        %parallel_loop3A_466 = vector.broadcast %parallel_loop3A_465 : f32 to vector<16xf32>
        %parallel_loop3A_467 = arith.mulf %parallel_loop3A_464, %parallel_loop3A_466 : vector<16xf32>
        %parallel_loop3A_468 = arith.constant 4 : i32
        %parallel_loop3A_469 = arith.addi %parallel_loop3A_95, %parallel_loop3A_468 : i32
        %parallel_loop3A_470 = arith.index_cast %parallel_loop3A_469 : i32 to index
        %parallel_loop3A_471 = arith.constant 48 : index
        %parallel_loop3A_472 = tpu.vector_load %arg9[%parallel_loop3A_470, %parallel_loop3A_471] {strides = array<i32>} : memref<160x64xf32, #tpu.memory_space<vmem>>, vector<1x16xf32>,
        %parallel_loop3A_473 = vector.shape_cast %parallel_loop3A_472 : vector<1x16xf32> to vector<16xf32>
        %parallel_loop3A_474 = vector.shape_cast %parallel_loop3A_467 : vector<16xf32> to vector<1x16xf32>
        tpu.vector_store %arg9[%parallel_loop3A_470, %parallel_loop3A_471], %parallel_loop3A_474 {strides = array<i32>} : memref<160x64xf32, #tpu.memory_space<vmem>>, vector<1x16xf32>,
        %parallel_loop3A_475 = vector.extract_strided_slice %parallel_loop3A_104 {offsets = [5], sizes = [1], strides = [1]} : vector<16xi32> to vector<1xi32>
        %parallel_loop3A_476 = vector.extract %parallel_loop3A_475[0] : i32 from vector<1xi32>
        %parallel_loop3A_477 = arith.constant 5 : i32
        %parallel_loop3A_478 = arith.addi %parallel_loop3A_95, %parallel_loop3A_477 : i32
        %parallel_loop3A_479 = arith.constant 0 : i32
        %parallel_loop3A_480 = arith.addi %parallel_loop3A_476, %parallel_loop3A_479 : i32
        %parallel_loop3A_481 = arith.index_cast %parallel_loop3A_478 : i32 to index
        %parallel_loop3A_482 = arith.index_cast %parallel_loop3A_480 : i32 to index
        %parallel_loop3A_483 = tpu.vector_load %arg7[%parallel_loop3A_481, %parallel_loop3A_482] {strides = array<i32>} : memref<160x128xf32, #tpu.memory_space<vmem>>, vector<1x16xf32>,
        %parallel_loop3A_484 = vector.shape_cast %parallel_loop3A_483 : vector<1x16xf32> to vector<16xf32>
        %parallel_loop3A_485 = arith.constant 8.000000e+00 : f32
        %parallel_loop3A_486 = vector.broadcast %parallel_loop3A_485 : f32 to vector<16xf32>
        %parallel_loop3A_487 = arith.mulf %parallel_loop3A_484, %parallel_loop3A_486 : vector<16xf32>
        %parallel_loop3A_488 = arith.constant 5 : i32
        %parallel_loop3A_489 = arith.addi %parallel_loop3A_95, %parallel_loop3A_488 : i32
        %parallel_loop3A_490 = arith.index_cast %parallel_loop3A_489 : i32 to index
        %parallel_loop3A_491 = arith.constant 0 : index
        %parallel_loop3A_492 = tpu.vector_load %arg9[%parallel_loop3A_490, %parallel_loop3A_491] {strides = array<i32>} : memref<160x64xf32, #tpu.memory_space<vmem>>, vector<1x16xf32>,
        %parallel_loop3A_493 = vector.shape_cast %parallel_loop3A_492 : vector<1x16xf32> to vector<16xf32>
        %parallel_loop3A_494 = vector.shape_cast %parallel_loop3A_487 : vector<16xf32> to vector<1x16xf32>
        tpu.vector_store %arg9[%parallel_loop3A_490, %parallel_loop3A_491], %parallel_loop3A_494 {strides = array<i32>} : memref<160x64xf32, #tpu.memory_space<vmem>>, vector<1x16xf32>,
        %parallel_loop3A_495 = arith.constant 5 : i32
        %parallel_loop3A_496 = arith.addi %parallel_loop3A_95, %parallel_loop3A_495 : i32
        %parallel_loop3A_497 = arith.constant 16 : i32
        %parallel_loop3A_498 = arith.addi %parallel_loop3A_476, %parallel_loop3A_497 : i32
        %parallel_loop3A_499 = arith.index_cast %parallel_loop3A_496 : i32 to index
        %parallel_loop3A_500 = arith.index_cast %parallel_loop3A_498 : i32 to index
        %parallel_loop3A_501 = tpu.vector_load %arg7[%parallel_loop3A_499, %parallel_loop3A_500] {strides = array<i32>} : memref<160x128xf32, #tpu.memory_space<vmem>>, vector<1x16xf32>,
        %parallel_loop3A_502 = vector.shape_cast %parallel_loop3A_501 : vector<1x16xf32> to vector<16xf32>
        %parallel_loop3A_503 = arith.constant 8.000000e+00 : f32
        %parallel_loop3A_504 = vector.broadcast %parallel_loop3A_503 : f32 to vector<16xf32>
        %parallel_loop3A_505 = arith.mulf %parallel_loop3A_502, %parallel_loop3A_504 : vector<16xf32>
        %parallel_loop3A_506 = arith.constant 5 : i32
        %parallel_loop3A_507 = arith.addi %parallel_loop3A_95, %parallel_loop3A_506 : i32
        %parallel_loop3A_508 = arith.index_cast %parallel_loop3A_507 : i32 to index
        %parallel_loop3A_509 = arith.constant 16 : index
        %parallel_loop3A_510 = tpu.vector_load %arg9[%parallel_loop3A_508, %parallel_loop3A_509] {strides = array<i32>} : memref<160x64xf32, #tpu.memory_space<vmem>>, vector<1x16xf32>,
        %parallel_loop3A_511 = vector.shape_cast %parallel_loop3A_510 : vector<1x16xf32> to vector<16xf32>
        %parallel_loop3A_512 = vector.shape_cast %parallel_loop3A_505 : vector<16xf32> to vector<1x16xf32>
        tpu.vector_store %arg9[%parallel_loop3A_508, %parallel_loop3A_509], %parallel_loop3A_512 {strides = array<i32>} : memref<160x64xf32, #tpu.memory_space<vmem>>, vector<1x16xf32>,
        %parallel_loop3A_513 = arith.constant 5 : i32
        %parallel_loop3A_514 = arith.addi %parallel_loop3A_95, %parallel_loop3A_513 : i32
        %parallel_loop3A_515 = arith.constant 32 : i32
        %parallel_loop3A_516 = arith.addi %parallel_loop3A_476, %parallel_loop3A_515 : i32
        %parallel_loop3A_517 = arith.index_cast %parallel_loop3A_514 : i32 to index
        %parallel_loop3A_518 = arith.index_cast %parallel_loop3A_516 : i32 to index
        %parallel_loop3A_519 = tpu.vector_load %arg7[%parallel_loop3A_517, %parallel_loop3A_518] {strides = array<i32>} : memref<160x128xf32, #tpu.memory_space<vmem>>, vector<1x16xf32>,
        %parallel_loop3A_520 = vector.shape_cast %parallel_loop3A_519 : vector<1x16xf32> to vector<16xf32>
        %parallel_loop3A_521 = arith.constant 8.000000e+00 : f32
        %parallel_loop3A_522 = vector.broadcast %parallel_loop3A_521 : f32 to vector<16xf32>
        %parallel_loop3A_523 = arith.mulf %parallel_loop3A_520, %parallel_loop3A_522 : vector<16xf32>
        %parallel_loop3A_524 = arith.constant 5 : i32
        %parallel_loop3A_525 = arith.addi %parallel_loop3A_95, %parallel_loop3A_524 : i32
        %parallel_loop3A_526 = arith.index_cast %parallel_loop3A_525 : i32 to index
        %parallel_loop3A_527 = arith.constant 32 : index
        %parallel_loop3A_528 = tpu.vector_load %arg9[%parallel_loop3A_526, %parallel_loop3A_527] {strides = array<i32>} : memref<160x64xf32, #tpu.memory_space<vmem>>, vector<1x16xf32>,
        %parallel_loop3A_529 = vector.shape_cast %parallel_loop3A_528 : vector<1x16xf32> to vector<16xf32>
        %parallel_loop3A_530 = vector.shape_cast %parallel_loop3A_523 : vector<16xf32> to vector<1x16xf32>
        tpu.vector_store %arg9[%parallel_loop3A_526, %parallel_loop3A_527], %parallel_loop3A_530 {strides = array<i32>} : memref<160x64xf32, #tpu.memory_space<vmem>>, vector<1x16xf32>,
        %parallel_loop3A_531 = arith.constant 5 : i32
        %parallel_loop3A_532 = arith.addi %parallel_loop3A_95, %parallel_loop3A_531 : i32
        %parallel_loop3A_533 = arith.constant 48 : i32
        %parallel_loop3A_534 = arith.addi %parallel_loop3A_476, %parallel_loop3A_533 : i32
        %parallel_loop3A_535 = arith.index_cast %parallel_loop3A_532 : i32 to index
        %parallel_loop3A_536 = arith.index_cast %parallel_loop3A_534 : i32 to index
        %parallel_loop3A_537 = tpu.vector_load %arg7[%parallel_loop3A_535, %parallel_loop3A_536] {strides = array<i32>} : memref<160x128xf32, #tpu.memory_space<vmem>>, vector<1x16xf32>,
        %parallel_loop3A_538 = vector.shape_cast %parallel_loop3A_537 : vector<1x16xf32> to vector<16xf32>
        %parallel_loop3A_539 = arith.constant 8.000000e+00 : f32
        %parallel_loop3A_540 = vector.broadcast %parallel_loop3A_539 : f32 to vector<16xf32>
        %parallel_loop3A_541 = arith.mulf %parallel_loop3A_538, %parallel_loop3A_540 : vector<16xf32>
        %parallel_loop3A_542 = arith.constant 5 : i32
        %parallel_loop3A_543 = arith.addi %parallel_loop3A_95, %parallel_loop3A_542 : i32
        %parallel_loop3A_544 = arith.index_cast %parallel_loop3A_543 : i32 to index
        %parallel_loop3A_545 = arith.constant 48 : index
        %parallel_loop3A_546 = tpu.vector_load %arg9[%parallel_loop3A_544, %parallel_loop3A_545] {strides = array<i32>} : memref<160x64xf32, #tpu.memory_space<vmem>>, vector<1x16xf32>,
        %parallel_loop3A_547 = vector.shape_cast %parallel_loop3A_546 : vector<1x16xf32> to vector<16xf32>
        %parallel_loop3A_548 = vector.shape_cast %parallel_loop3A_541 : vector<16xf32> to vector<1x16xf32>
        tpu.vector_store %arg9[%parallel_loop3A_544, %parallel_loop3A_545], %parallel_loop3A_548 {strides = array<i32>} : memref<160x64xf32, #tpu.memory_space<vmem>>, vector<1x16xf32>,
        %parallel_loop3A_549 = vector.extract_strided_slice %parallel_loop3A_104 {offsets = [6], sizes = [1], strides = [1]} : vector<16xi32> to vector<1xi32>
        %parallel_loop3A_550 = vector.extract %parallel_loop3A_549[0] : i32 from vector<1xi32>
        %parallel_loop3A_551 = arith.constant 6 : i32
        %parallel_loop3A_552 = arith.addi %parallel_loop3A_95, %parallel_loop3A_551 : i32
        %parallel_loop3A_553 = arith.constant 0 : i32
        %parallel_loop3A_554 = arith.addi %parallel_loop3A_550, %parallel_loop3A_553 : i32
        %parallel_loop3A_555 = arith.index_cast %parallel_loop3A_552 : i32 to index
        %parallel_loop3A_556 = arith.index_cast %parallel_loop3A_554 : i32 to index
        %parallel_loop3A_557 = tpu.vector_load %arg7[%parallel_loop3A_555, %parallel_loop3A_556] {strides = array<i32>} : memref<160x128xf32, #tpu.memory_space<vmem>>, vector<1x16xf32>,
        %parallel_loop3A_558 = vector.shape_cast %parallel_loop3A_557 : vector<1x16xf32> to vector<16xf32>
        %parallel_loop3A_559 = arith.constant 8.000000e+00 : f32
        %parallel_loop3A_560 = vector.broadcast %parallel_loop3A_559 : f32 to vector<16xf32>
        %parallel_loop3A_561 = arith.mulf %parallel_loop3A_558, %parallel_loop3A_560 : vector<16xf32>
        %parallel_loop3A_562 = arith.constant 6 : i32
        %parallel_loop3A_563 = arith.addi %parallel_loop3A_95, %parallel_loop3A_562 : i32
        %parallel_loop3A_564 = arith.index_cast %parallel_loop3A_563 : i32 to index
        %parallel_loop3A_565 = arith.constant 0 : index
        %parallel_loop3A_566 = tpu.vector_load %arg9[%parallel_loop3A_564, %parallel_loop3A_565] {strides = array<i32>} : memref<160x64xf32, #tpu.memory_space<vmem>>, vector<1x16xf32>,
        %parallel_loop3A_567 = vector.shape_cast %parallel_loop3A_566 : vector<1x16xf32> to vector<16xf32>
        %parallel_loop3A_568 = vector.shape_cast %parallel_loop3A_561 : vector<16xf32> to vector<1x16xf32>
        tpu.vector_store %arg9[%parallel_loop3A_564, %parallel_loop3A_565], %parallel_loop3A_568 {strides = array<i32>} : memref<160x64xf32, #tpu.memory_space<vmem>>, vector<1x16xf32>,
        %parallel_loop3A_569 = arith.constant 6 : i32
        %parallel_loop3A_570 = arith.addi %parallel_loop3A_95, %parallel_loop3A_569 : i32
        %parallel_loop3A_571 = arith.constant 16 : i32
        %parallel_loop3A_572 = arith.addi %parallel_loop3A_550, %parallel_loop3A_571 : i32
        %parallel_loop3A_573 = arith.index_cast %parallel_loop3A_570 : i32 to index
        %parallel_loop3A_574 = arith.index_cast %parallel_loop3A_572 : i32 to index
        %parallel_loop3A_575 = tpu.vector_load %arg7[%parallel_loop3A_573, %parallel_loop3A_574] {strides = array<i32>} : memref<160x128xf32, #tpu.memory_space<vmem>>, vector<1x16xf32>,
        %parallel_loop3A_576 = vector.shape_cast %parallel_loop3A_575 : vector<1x16xf32> to vector<16xf32>
        %parallel_loop3A_577 = arith.constant 8.000000e+00 : f32
        %parallel_loop3A_578 = vector.broadcast %parallel_loop3A_577 : f32 to vector<16xf32>
        %parallel_loop3A_579 = arith.mulf %parallel_loop3A_576, %parallel_loop3A_578 : vector<16xf32>
        %parallel_loop3A_580 = arith.constant 6 : i32
        %parallel_loop3A_581 = arith.addi %parallel_loop3A_95, %parallel_loop3A_580 : i32
        %parallel_loop3A_582 = arith.index_cast %parallel_loop3A_581 : i32 to index
        %parallel_loop3A_583 = arith.constant 16 : index
        %parallel_loop3A_584 = tpu.vector_load %arg9[%parallel_loop3A_582, %parallel_loop3A_583] {strides = array<i32>} : memref<160x64xf32, #tpu.memory_space<vmem>>, vector<1x16xf32>,
        %parallel_loop3A_585 = vector.shape_cast %parallel_loop3A_584 : vector<1x16xf32> to vector<16xf32>
        %parallel_loop3A_586 = vector.shape_cast %parallel_loop3A_579 : vector<16xf32> to vector<1x16xf32>
        tpu.vector_store %arg9[%parallel_loop3A_582, %parallel_loop3A_583], %parallel_loop3A_586 {strides = array<i32>} : memref<160x64xf32, #tpu.memory_space<vmem>>, vector<1x16xf32>,
        %parallel_loop3A_587 = arith.constant 6 : i32
        %parallel_loop3A_588 = arith.addi %parallel_loop3A_95, %parallel_loop3A_587 : i32
        %parallel_loop3A_589 = arith.constant 32 : i32
        %parallel_loop3A_590 = arith.addi %parallel_loop3A_550, %parallel_loop3A_589 : i32
        %parallel_loop3A_591 = arith.index_cast %parallel_loop3A_588 : i32 to index
        %parallel_loop3A_592 = arith.index_cast %parallel_loop3A_590 : i32 to index
        %parallel_loop3A_593 = tpu.vector_load %arg7[%parallel_loop3A_591, %parallel_loop3A_592] {strides = array<i32>} : memref<160x128xf32, #tpu.memory_space<vmem>>, vector<1x16xf32>,
        %parallel_loop3A_594 = vector.shape_cast %parallel_loop3A_593 : vector<1x16xf32> to vector<16xf32>
        %parallel_loop3A_595 = arith.constant 8.000000e+00 : f32
        %parallel_loop3A_596 = vector.broadcast %parallel_loop3A_595 : f32 to vector<16xf32>
        %parallel_loop3A_597 = arith.mulf %parallel_loop3A_594, %parallel_loop3A_596 : vector<16xf32>
        %parallel_loop3A_598 = arith.constant 6 : i32
        %parallel_loop3A_599 = arith.addi %parallel_loop3A_95, %parallel_loop3A_598 : i32
        %parallel_loop3A_600 = arith.index_cast %parallel_loop3A_599 : i32 to index
        %parallel_loop3A_601 = arith.constant 32 : index
        %parallel_loop3A_602 = tpu.vector_load %arg9[%parallel_loop3A_600, %parallel_loop3A_601] {strides = array<i32>} : memref<160x64xf32, #tpu.memory_space<vmem>>, vector<1x16xf32>,
        %parallel_loop3A_603 = vector.shape_cast %parallel_loop3A_602 : vector<1x16xf32> to vector<16xf32>
        %parallel_loop3A_604 = vector.shape_cast %parallel_loop3A_597 : vector<16xf32> to vector<1x16xf32>
        tpu.vector_store %arg9[%parallel_loop3A_600, %parallel_loop3A_601], %parallel_loop3A_604 {strides = array<i32>} : memref<160x64xf32, #tpu.memory_space<vmem>>, vector<1x16xf32>,
        %parallel_loop3A_605 = arith.constant 6 : i32
        %parallel_loop3A_606 = arith.addi %parallel_loop3A_95, %parallel_loop3A_605 : i32
        %parallel_loop3A_607 = arith.constant 48 : i32
        %parallel_loop3A_608 = arith.addi %parallel_loop3A_550, %parallel_loop3A_607 : i32
        %parallel_loop3A_609 = arith.index_cast %parallel_loop3A_606 : i32 to index
        %parallel_loop3A_610 = arith.index_cast %parallel_loop3A_608 : i32 to index
        %parallel_loop3A_611 = tpu.vector_load %arg7[%parallel_loop3A_609, %parallel_loop3A_610] {strides = array<i32>} : memref<160x128xf32, #tpu.memory_space<vmem>>, vector<1x16xf32>,
        %parallel_loop3A_612 = vector.shape_cast %parallel_loop3A_611 : vector<1x16xf32> to vector<16xf32>
        %parallel_loop3A_613 = arith.constant 8.000000e+00 : f32
        %parallel_loop3A_614 = vector.broadcast %parallel_loop3A_613 : f32 to vector<16xf32>
        %parallel_loop3A_615 = arith.mulf %parallel_loop3A_612, %parallel_loop3A_614 : vector<16xf32>
        %parallel_loop3A_616 = arith.constant 6 : i32
        %parallel_loop3A_617 = arith.addi %parallel_loop3A_95, %parallel_loop3A_616 : i32
        %parallel_loop3A_618 = arith.index_cast %parallel_loop3A_617 : i32 to index
        %parallel_loop3A_619 = arith.constant 48 : index
        %parallel_loop3A_620 = tpu.vector_load %arg9[%parallel_loop3A_618, %parallel_loop3A_619] {strides = array<i32>} : memref<160x64xf32, #tpu.memory_space<vmem>>, vector<1x16xf32>,
        %parallel_loop3A_621 = vector.shape_cast %parallel_loop3A_620 : vector<1x16xf32> to vector<16xf32>
        %parallel_loop3A_622 = vector.shape_cast %parallel_loop3A_615 : vector<16xf32> to vector<1x16xf32>
        tpu.vector_store %arg9[%parallel_loop3A_618, %parallel_loop3A_619], %parallel_loop3A_622 {strides = array<i32>} : memref<160x64xf32, #tpu.memory_space<vmem>>, vector<1x16xf32>,
        %parallel_loop3A_623 = vector.extract_strided_slice %parallel_loop3A_104 {offsets = [7], sizes = [1], strides = [1]} : vector<16xi32> to vector<1xi32>
        %parallel_loop3A_624 = vector.extract %parallel_loop3A_623[0] : i32 from vector<1xi32>
        %parallel_loop3A_625 = arith.constant 7 : i32
        %parallel_loop3A_626 = arith.addi %parallel_loop3A_95, %parallel_loop3A_625 : i32
        %parallel_loop3A_627 = arith.constant 0 : i32
        %parallel_loop3A_628 = arith.addi %parallel_loop3A_624, %parallel_loop3A_627 : i32
        %parallel_loop3A_629 = arith.index_cast %parallel_loop3A_626 : i32 to index
        %parallel_loop3A_630 = arith.index_cast %parallel_loop3A_628 : i32 to index
        %parallel_loop3A_631 = tpu.vector_load %arg7[%parallel_loop3A_629, %parallel_loop3A_630] {strides = array<i32>} : memref<160x128xf32, #tpu.memory_space<vmem>>, vector<1x16xf32>,
        %parallel_loop3A_632 = vector.shape_cast %parallel_loop3A_631 : vector<1x16xf32> to vector<16xf32>
        %parallel_loop3A_633 = arith.constant 8.000000e+00 : f32
        %parallel_loop3A_634 = vector.broadcast %parallel_loop3A_633 : f32 to vector<16xf32>
        %parallel_loop3A_635 = arith.mulf %parallel_loop3A_632, %parallel_loop3A_634 : vector<16xf32>
        %parallel_loop3A_636 = arith.constant 7 : i32
        %parallel_loop3A_637 = arith.addi %parallel_loop3A_95, %parallel_loop3A_636 : i32
        %parallel_loop3A_638 = arith.index_cast %parallel_loop3A_637 : i32 to index
        %parallel_loop3A_639 = arith.constant 0 : index
        %parallel_loop3A_640 = tpu.vector_load %arg9[%parallel_loop3A_638, %parallel_loop3A_639] {strides = array<i32>} : memref<160x64xf32, #tpu.memory_space<vmem>>, vector<1x16xf32>,
        %parallel_loop3A_641 = vector.shape_cast %parallel_loop3A_640 : vector<1x16xf32> to vector<16xf32>
        %parallel_loop3A_642 = vector.shape_cast %parallel_loop3A_635 : vector<16xf32> to vector<1x16xf32>
        tpu.vector_store %arg9[%parallel_loop3A_638, %parallel_loop3A_639], %parallel_loop3A_642 {strides = array<i32>} : memref<160x64xf32, #tpu.memory_space<vmem>>, vector<1x16xf32>,
        %parallel_loop3A_643 = arith.constant 7 : i32
        %parallel_loop3A_644 = arith.addi %parallel_loop3A_95, %parallel_loop3A_643 : i32
        %parallel_loop3A_645 = arith.constant 16 : i32
        %parallel_loop3A_646 = arith.addi %parallel_loop3A_624, %parallel_loop3A_645 : i32
        %parallel_loop3A_647 = arith.index_cast %parallel_loop3A_644 : i32 to index
        %parallel_loop3A_648 = arith.index_cast %parallel_loop3A_646 : i32 to index
        %parallel_loop3A_649 = tpu.vector_load %arg7[%parallel_loop3A_647, %parallel_loop3A_648] {strides = array<i32>} : memref<160x128xf32, #tpu.memory_space<vmem>>, vector<1x16xf32>,
        %parallel_loop3A_650 = vector.shape_cast %parallel_loop3A_649 : vector<1x16xf32> to vector<16xf32>
        %parallel_loop3A_651 = arith.constant 8.000000e+00 : f32
        %parallel_loop3A_652 = vector.broadcast %parallel_loop3A_651 : f32 to vector<16xf32>
        %parallel_loop3A_653 = arith.mulf %parallel_loop3A_650, %parallel_loop3A_652 : vector<16xf32>
        %parallel_loop3A_654 = arith.constant 7 : i32
        %parallel_loop3A_655 = arith.addi %parallel_loop3A_95, %parallel_loop3A_654 : i32
        %parallel_loop3A_656 = arith.index_cast %parallel_loop3A_655 : i32 to index
        %parallel_loop3A_657 = arith.constant 16 : index
        %parallel_loop3A_658 = tpu.vector_load %arg9[%parallel_loop3A_656, %parallel_loop3A_657] {strides = array<i32>} : memref<160x64xf32, #tpu.memory_space<vmem>>, vector<1x16xf32>,
        %parallel_loop3A_659 = vector.shape_cast %parallel_loop3A_658 : vector<1x16xf32> to vector<16xf32>
        %parallel_loop3A_660 = vector.shape_cast %parallel_loop3A_653 : vector<16xf32> to vector<1x16xf32>
        tpu.vector_store %arg9[%parallel_loop3A_656, %parallel_loop3A_657], %parallel_loop3A_660 {strides = array<i32>} : memref<160x64xf32, #tpu.memory_space<vmem>>, vector<1x16xf32>,
        %parallel_loop3A_661 = arith.constant 7 : i32
        %parallel_loop3A_662 = arith.addi %parallel_loop3A_95, %parallel_loop3A_661 : i32
        %parallel_loop3A_663 = arith.constant 32 : i32
        %parallel_loop3A_664 = arith.addi %parallel_loop3A_624, %parallel_loop3A_663 : i32
        %parallel_loop3A_665 = arith.index_cast %parallel_loop3A_662 : i32 to index
        %parallel_loop3A_666 = arith.index_cast %parallel_loop3A_664 : i32 to index
        %parallel_loop3A_667 = tpu.vector_load %arg7[%parallel_loop3A_665, %parallel_loop3A_666] {strides = array<i32>} : memref<160x128xf32, #tpu.memory_space<vmem>>, vector<1x16xf32>,
        %parallel_loop3A_668 = vector.shape_cast %parallel_loop3A_667 : vector<1x16xf32> to vector<16xf32>
        %parallel_loop3A_669 = arith.constant 8.000000e+00 : f32
        %parallel_loop3A_670 = vector.broadcast %parallel_loop3A_669 : f32 to vector<16xf32>
        %parallel_loop3A_671 = arith.mulf %parallel_loop3A_668, %parallel_loop3A_670 : vector<16xf32>
        %parallel_loop3A_672 = arith.constant 7 : i32
        %parallel_loop3A_673 = arith.addi %parallel_loop3A_95, %parallel_loop3A_672 : i32
        %parallel_loop3A_674 = arith.index_cast %parallel_loop3A_673 : i32 to index
        %parallel_loop3A_675 = arith.constant 32 : index
        %parallel_loop3A_676 = tpu.vector_load %arg9[%parallel_loop3A_674, %parallel_loop3A_675] {strides = array<i32>} : memref<160x64xf32, #tpu.memory_space<vmem>>, vector<1x16xf32>,
        %parallel_loop3A_677 = vector.shape_cast %parallel_loop3A_676 : vector<1x16xf32> to vector<16xf32>
        %parallel_loop3A_678 = vector.shape_cast %parallel_loop3A_671 : vector<16xf32> to vector<1x16xf32>
        tpu.vector_store %arg9[%parallel_loop3A_674, %parallel_loop3A_675], %parallel_loop3A_678 {strides = array<i32>} : memref<160x64xf32, #tpu.memory_space<vmem>>, vector<1x16xf32>,
        %parallel_loop3A_679 = arith.constant 7 : i32
        %parallel_loop3A_680 = arith.addi %parallel_loop3A_95, %parallel_loop3A_679 : i32
        %parallel_loop3A_681 = arith.constant 48 : i32
        %parallel_loop3A_682 = arith.addi %parallel_loop3A_624, %parallel_loop3A_681 : i32
        %parallel_loop3A_683 = arith.index_cast %parallel_loop3A_680 : i32 to index
        %parallel_loop3A_684 = arith.index_cast %parallel_loop3A_682 : i32 to index
        %parallel_loop3A_685 = tpu.vector_load %arg7[%parallel_loop3A_683, %parallel_loop3A_684] {strides = array<i32>} : memref<160x128xf32, #tpu.memory_space<vmem>>, vector<1x16xf32>,
        %parallel_loop3A_686 = vector.shape_cast %parallel_loop3A_685 : vector<1x16xf32> to vector<16xf32>
        %parallel_loop3A_687 = arith.constant 8.000000e+00 : f32
        %parallel_loop3A_688 = vector.broadcast %parallel_loop3A_687 : f32 to vector<16xf32>
        %parallel_loop3A_689 = arith.mulf %parallel_loop3A_686, %parallel_loop3A_688 : vector<16xf32>
        %parallel_loop3A_690 = arith.constant 7 : i32
        %parallel_loop3A_691 = arith.addi %parallel_loop3A_95, %parallel_loop3A_690 : i32
        %parallel_loop3A_692 = arith.index_cast %parallel_loop3A_691 : i32 to index
        %parallel_loop3A_693 = arith.constant 48 : index
        %parallel_loop3A_694 = tpu.vector_load %arg9[%parallel_loop3A_692, %parallel_loop3A_693] {strides = array<i32>} : memref<160x64xf32, #tpu.memory_space<vmem>>, vector<1x16xf32>,
        %parallel_loop3A_695 = vector.shape_cast %parallel_loop3A_694 : vector<1x16xf32> to vector<16xf32>
        %parallel_loop3A_696 = vector.shape_cast %parallel_loop3A_689 : vector<16xf32> to vector<1x16xf32>
        tpu.vector_store %arg9[%parallel_loop3A_692, %parallel_loop3A_693], %parallel_loop3A_696 {strides = array<i32>} : memref<160x64xf32, #tpu.memory_space<vmem>>, vector<1x16xf32>,
        %parallel_loop3A_697 = vector.extract_strided_slice %parallel_loop3A_104 {offsets = [8], sizes = [1], strides = [1]} : vector<16xi32> to vector<1xi32>
        %parallel_loop3A_698 = vector.extract %parallel_loop3A_697[0] : i32 from vector<1xi32>
        %parallel_loop3A_699 = arith.constant 8 : i32
        %parallel_loop3A_700 = arith.addi %parallel_loop3A_95, %parallel_loop3A_699 : i32
        %parallel_loop3A_701 = arith.constant 0 : i32
        %parallel_loop3A_702 = arith.addi %parallel_loop3A_698, %parallel_loop3A_701 : i32
        %parallel_loop3A_703 = arith.index_cast %parallel_loop3A_700 : i32 to index
        %parallel_loop3A_704 = arith.index_cast %parallel_loop3A_702 : i32 to index
        %parallel_loop3A_705 = tpu.vector_load %arg7[%parallel_loop3A_703, %parallel_loop3A_704] {strides = array<i32>} : memref<160x128xf32, #tpu.memory_space<vmem>>, vector<1x16xf32>,
        %parallel_loop3A_706 = vector.shape_cast %parallel_loop3A_705 : vector<1x16xf32> to vector<16xf32>
        %parallel_loop3A_707 = arith.constant 8.000000e+00 : f32
        %parallel_loop3A_708 = vector.broadcast %parallel_loop3A_707 : f32 to vector<16xf32>
        %parallel_loop3A_709 = arith.mulf %parallel_loop3A_706, %parallel_loop3A_708 : vector<16xf32>
        %parallel_loop3A_710 = arith.constant 8 : i32
        %parallel_loop3A_711 = arith.addi %parallel_loop3A_95, %parallel_loop3A_710 : i32
        %parallel_loop3A_712 = arith.index_cast %parallel_loop3A_711 : i32 to index
        %parallel_loop3A_713 = arith.constant 0 : index
        %parallel_loop3A_714 = tpu.vector_load %arg9[%parallel_loop3A_712, %parallel_loop3A_713] {strides = array<i32>} : memref<160x64xf32, #tpu.memory_space<vmem>>, vector<1x16xf32>,
        %parallel_loop3A_715 = vector.shape_cast %parallel_loop3A_714 : vector<1x16xf32> to vector<16xf32>
        %parallel_loop3A_716 = vector.shape_cast %parallel_loop3A_709 : vector<16xf32> to vector<1x16xf32>
        tpu.vector_store %arg9[%parallel_loop3A_712, %parallel_loop3A_713], %parallel_loop3A_716 {strides = array<i32>} : memref<160x64xf32, #tpu.memory_space<vmem>>, vector<1x16xf32>,
        %parallel_loop3A_717 = arith.constant 8 : i32
        %parallel_loop3A_718 = arith.addi %parallel_loop3A_95, %parallel_loop3A_717 : i32
        %parallel_loop3A_719 = arith.constant 16 : i32
        %parallel_loop3A_720 = arith.addi %parallel_loop3A_698, %parallel_loop3A_719 : i32
        %parallel_loop3A_721 = arith.index_cast %parallel_loop3A_718 : i32 to index
        %parallel_loop3A_722 = arith.index_cast %parallel_loop3A_720 : i32 to index
        %parallel_loop3A_723 = tpu.vector_load %arg7[%parallel_loop3A_721, %parallel_loop3A_722] {strides = array<i32>} : memref<160x128xf32, #tpu.memory_space<vmem>>, vector<1x16xf32>,
        %parallel_loop3A_724 = vector.shape_cast %parallel_loop3A_723 : vector<1x16xf32> to vector<16xf32>
        %parallel_loop3A_725 = arith.constant 8.000000e+00 : f32
        %parallel_loop3A_726 = vector.broadcast %parallel_loop3A_725 : f32 to vector<16xf32>
        %parallel_loop3A_727 = arith.mulf %parallel_loop3A_724, %parallel_loop3A_726 : vector<16xf32>
        %parallel_loop3A_728 = arith.constant 8 : i32
        %parallel_loop3A_729 = arith.addi %parallel_loop3A_95, %parallel_loop3A_728 : i32
        %parallel_loop3A_730 = arith.index_cast %parallel_loop3A_729 : i32 to index
        %parallel_loop3A_731 = arith.constant 16 : index
        %parallel_loop3A_732 = tpu.vector_load %arg9[%parallel_loop3A_730, %parallel_loop3A_731] {strides = array<i32>} : memref<160x64xf32, #tpu.memory_space<vmem>>, vector<1x16xf32>,
        %parallel_loop3A_733 = vector.shape_cast %parallel_loop3A_732 : vector<1x16xf32> to vector<16xf32>
        %parallel_loop3A_734 = vector.shape_cast %parallel_loop3A_727 : vector<16xf32> to vector<1x16xf32>
        tpu.vector_store %arg9[%parallel_loop3A_730, %parallel_loop3A_731], %parallel_loop3A_734 {strides = array<i32>} : memref<160x64xf32, #tpu.memory_space<vmem>>, vector<1x16xf32>,
        %parallel_loop3A_735 = arith.constant 8 : i32
        %parallel_loop3A_736 = arith.addi %parallel_loop3A_95, %parallel_loop3A_735 : i32
        %parallel_loop3A_737 = arith.constant 32 : i32
        %parallel_loop3A_738 = arith.addi %parallel_loop3A_698, %parallel_loop3A_737 : i32
        %parallel_loop3A_739 = arith.index_cast %parallel_loop3A_736 : i32 to index
        %parallel_loop3A_740 = arith.index_cast %parallel_loop3A_738 : i32 to index
        %parallel_loop3A_741 = tpu.vector_load %arg7[%parallel_loop3A_739, %parallel_loop3A_740] {strides = array<i32>} : memref<160x128xf32, #tpu.memory_space<vmem>>, vector<1x16xf32>,
        %parallel_loop3A_742 = vector.shape_cast %parallel_loop3A_741 : vector<1x16xf32> to vector<16xf32>
        %parallel_loop3A_743 = arith.constant 8.000000e+00 : f32
        %parallel_loop3A_744 = vector.broadcast %parallel_loop3A_743 : f32 to vector<16xf32>
        %parallel_loop3A_745 = arith.mulf %parallel_loop3A_742, %parallel_loop3A_744 : vector<16xf32>
        %parallel_loop3A_746 = arith.constant 8 : i32
        %parallel_loop3A_747 = arith.addi %parallel_loop3A_95, %parallel_loop3A_746 : i32
        %parallel_loop3A_748 = arith.index_cast %parallel_loop3A_747 : i32 to index
        %parallel_loop3A_749 = arith.constant 32 : index
        %parallel_loop3A_750 = tpu.vector_load %arg9[%parallel_loop3A_748, %parallel_loop3A_749] {strides = array<i32>} : memref<160x64xf32, #tpu.memory_space<vmem>>, vector<1x16xf32>,
        %parallel_loop3A_751 = vector.shape_cast %parallel_loop3A_750 : vector<1x16xf32> to vector<16xf32>
        %parallel_loop3A_752 = vector.shape_cast %parallel_loop3A_745 : vector<16xf32> to vector<1x16xf32>
        tpu.vector_store %arg9[%parallel_loop3A_748, %parallel_loop3A_749], %parallel_loop3A_752 {strides = array<i32>} : memref<160x64xf32, #tpu.memory_space<vmem>>, vector<1x16xf32>,
        %parallel_loop3A_753 = arith.constant 8 : i32
        %parallel_loop3A_754 = arith.addi %parallel_loop3A_95, %parallel_loop3A_753 : i32
        %parallel_loop3A_755 = arith.constant 48 : i32
        %parallel_loop3A_756 = arith.addi %parallel_loop3A_698, %parallel_loop3A_755 : i32
        %parallel_loop3A_757 = arith.index_cast %parallel_loop3A_754 : i32 to index
        %parallel_loop3A_758 = arith.index_cast %parallel_loop3A_756 : i32 to index
        %parallel_loop3A_759 = tpu.vector_load %arg7[%parallel_loop3A_757, %parallel_loop3A_758] {strides = array<i32>} : memref<160x128xf32, #tpu.memory_space<vmem>>, vector<1x16xf32>,
        %parallel_loop3A_760 = vector.shape_cast %parallel_loop3A_759 : vector<1x16xf32> to vector<16xf32>
        %parallel_loop3A_761 = arith.constant 8.000000e+00 : f32
        %parallel_loop3A_762 = vector.broadcast %parallel_loop3A_761 : f32 to vector<16xf32>
        %parallel_loop3A_763 = arith.mulf %parallel_loop3A_760, %parallel_loop3A_762 : vector<16xf32>
        %parallel_loop3A_764 = arith.constant 8 : i32
        %parallel_loop3A_765 = arith.addi %parallel_loop3A_95, %parallel_loop3A_764 : i32
        %parallel_loop3A_766 = arith.index_cast %parallel_loop3A_765 : i32 to index
        %parallel_loop3A_767 = arith.constant 48 : index
        %parallel_loop3A_768 = tpu.vector_load %arg9[%parallel_loop3A_766, %parallel_loop3A_767] {strides = array<i32>} : memref<160x64xf32, #tpu.memory_space<vmem>>, vector<1x16xf32>,
        %parallel_loop3A_769 = vector.shape_cast %parallel_loop3A_768 : vector<1x16xf32> to vector<16xf32>
        %parallel_loop3A_770 = vector.shape_cast %parallel_loop3A_763 : vector<16xf32> to vector<1x16xf32>
        tpu.vector_store %arg9[%parallel_loop3A_766, %parallel_loop3A_767], %parallel_loop3A_770 {strides = array<i32>} : memref<160x64xf32, #tpu.memory_space<vmem>>, vector<1x16xf32>,
        %parallel_loop3A_771 = vector.extract_strided_slice %parallel_loop3A_104 {offsets = [9], sizes = [1], strides = [1]} : vector<16xi32> to vector<1xi32>
        %parallel_loop3A_772 = vector.extract %parallel_loop3A_771[0] : i32 from vector<1xi32>
        %parallel_loop3A_773 = arith.constant 9 : i32
        %parallel_loop3A_774 = arith.addi %parallel_loop3A_95, %parallel_loop3A_773 : i32
        %parallel_loop3A_775 = arith.constant 0 : i32
        %parallel_loop3A_776 = arith.addi %parallel_loop3A_772, %parallel_loop3A_775 : i32
        %parallel_loop3A_777 = arith.index_cast %parallel_loop3A_774 : i32 to index
        %parallel_loop3A_778 = arith.index_cast %parallel_loop3A_776 : i32 to index
        %parallel_loop3A_779 = tpu.vector_load %arg7[%parallel_loop3A_777, %parallel_loop3A_778] {strides = array<i32>} : memref<160x128xf32, #tpu.memory_space<vmem>>, vector<1x16xf32>,
        %parallel_loop3A_780 = vector.shape_cast %parallel_loop3A_779 : vector<1x16xf32> to vector<16xf32>
        %parallel_loop3A_781 = arith.constant 8.000000e+00 : f32
        %parallel_loop3A_782 = vector.broadcast %parallel_loop3A_781 : f32 to vector<16xf32>
        %parallel_loop3A_783 = arith.mulf %parallel_loop3A_780, %parallel_loop3A_782 : vector<16xf32>
        %parallel_loop3A_784 = arith.constant 9 : i32
        %parallel_loop3A_785 = arith.addi %parallel_loop3A_95, %parallel_loop3A_784 : i32
        %parallel_loop3A_786 = arith.index_cast %parallel_loop3A_785 : i32 to index
        %parallel_loop3A_787 = arith.constant 0 : index
        %parallel_loop3A_788 = tpu.vector_load %arg9[%parallel_loop3A_786, %parallel_loop3A_787] {strides = array<i32>} : memref<160x64xf32, #tpu.memory_space<vmem>>, vector<1x16xf32>,
        %parallel_loop3A_789 = vector.shape_cast %parallel_loop3A_788 : vector<1x16xf32> to vector<16xf32>
        %parallel_loop3A_790 = vector.shape_cast %parallel_loop3A_783 : vector<16xf32> to vector<1x16xf32>
        tpu.vector_store %arg9[%parallel_loop3A_786, %parallel_loop3A_787], %parallel_loop3A_790 {strides = array<i32>} : memref<160x64xf32, #tpu.memory_space<vmem>>, vector<1x16xf32>,
        %parallel_loop3A_791 = arith.constant 9 : i32
        %parallel_loop3A_792 = arith.addi %parallel_loop3A_95, %parallel_loop3A_791 : i32
        %parallel_loop3A_793 = arith.constant 16 : i32
        %parallel_loop3A_794 = arith.addi %parallel_loop3A_772, %parallel_loop3A_793 : i32
        %parallel_loop3A_795 = arith.index_cast %parallel_loop3A_792 : i32 to index
        %parallel_loop3A_796 = arith.index_cast %parallel_loop3A_794 : i32 to index
        %parallel_loop3A_797 = tpu.vector_load %arg7[%parallel_loop3A_795, %parallel_loop3A_796] {strides = array<i32>} : memref<160x128xf32, #tpu.memory_space<vmem>>, vector<1x16xf32>,
        %parallel_loop3A_798 = vector.shape_cast %parallel_loop3A_797 : vector<1x16xf32> to vector<16xf32>
        %parallel_loop3A_799 = arith.constant 8.000000e+00 : f32
        %parallel_loop3A_800 = vector.broadcast %parallel_loop3A_799 : f32 to vector<16xf32>
        %parallel_loop3A_801 = arith.mulf %parallel_loop3A_798, %parallel_loop3A_800 : vector<16xf32>
        %parallel_loop3A_802 = arith.constant 9 : i32
        %parallel_loop3A_803 = arith.addi %parallel_loop3A_95, %parallel_loop3A_802 : i32
        %parallel_loop3A_804 = arith.index_cast %parallel_loop3A_803 : i32 to index
        %parallel_loop3A_805 = arith.constant 16 : index
        %parallel_loop3A_806 = tpu.vector_load %arg9[%parallel_loop3A_804, %parallel_loop3A_805] {strides = array<i32>} : memref<160x64xf32, #tpu.memory_space<vmem>>, vector<1x16xf32>,
        %parallel_loop3A_807 = vector.shape_cast %parallel_loop3A_806 : vector<1x16xf32> to vector<16xf32>
        %parallel_loop3A_808 = vector.shape_cast %parallel_loop3A_801 : vector<16xf32> to vector<1x16xf32>
        tpu.vector_store %arg9[%parallel_loop3A_804, %parallel_loop3A_805], %parallel_loop3A_808 {strides = array<i32>} : memref<160x64xf32, #tpu.memory_space<vmem>>, vector<1x16xf32>,
        %parallel_loop3A_809 = arith.constant 9 : i32
        %parallel_loop3A_810 = arith.addi %parallel_loop3A_95, %parallel_loop3A_809 : i32
        %parallel_loop3A_811 = arith.constant 32 : i32
        %parallel_loop3A_812 = arith.addi %parallel_loop3A_772, %parallel_loop3A_811 : i32
        %parallel_loop3A_813 = arith.index_cast %parallel_loop3A_810 : i32 to index
        %parallel_loop3A_814 = arith.index_cast %parallel_loop3A_812 : i32 to index
        %parallel_loop3A_815 = tpu.vector_load %arg7[%parallel_loop3A_813, %parallel_loop3A_814] {strides = array<i32>} : memref<160x128xf32, #tpu.memory_space<vmem>>, vector<1x16xf32>,
        %parallel_loop3A_816 = vector.shape_cast %parallel_loop3A_815 : vector<1x16xf32> to vector<16xf32>
        %parallel_loop3A_817 = arith.constant 8.000000e+00 : f32
        %parallel_loop3A_818 = vector.broadcast %parallel_loop3A_817 : f32 to vector<16xf32>
        %parallel_loop3A_819 = arith.mulf %parallel_loop3A_816, %parallel_loop3A_818 : vector<16xf32>
        %parallel_loop3A_820 = arith.constant 9 : i32
        %parallel_loop3A_821 = arith.addi %parallel_loop3A_95, %parallel_loop3A_820 : i32
        %parallel_loop3A_822 = arith.index_cast %parallel_loop3A_821 : i32 to index
        %parallel_loop3A_823 = arith.constant 32 : index
        %parallel_loop3A_824 = tpu.vector_load %arg9[%parallel_loop3A_822, %parallel_loop3A_823] {strides = array<i32>} : memref<160x64xf32, #tpu.memory_space<vmem>>, vector<1x16xf32>,
        %parallel_loop3A_825 = vector.shape_cast %parallel_loop3A_824 : vector<1x16xf32> to vector<16xf32>
        %parallel_loop3A_826 = vector.shape_cast %parallel_loop3A_819 : vector<16xf32> to vector<1x16xf32>
        tpu.vector_store %arg9[%parallel_loop3A_822, %parallel_loop3A_823], %parallel_loop3A_826 {strides = array<i32>} : memref<160x64xf32, #tpu.memory_space<vmem>>, vector<1x16xf32>,
        %parallel_loop3A_827 = arith.constant 9 : i32
        %parallel_loop3A_828 = arith.addi %parallel_loop3A_95, %parallel_loop3A_827 : i32
        %parallel_loop3A_829 = arith.constant 48 : i32
        %parallel_loop3A_830 = arith.addi %parallel_loop3A_772, %parallel_loop3A_829 : i32
        %parallel_loop3A_831 = arith.index_cast %parallel_loop3A_828 : i32 to index
        %parallel_loop3A_832 = arith.index_cast %parallel_loop3A_830 : i32 to index
        %parallel_loop3A_833 = tpu.vector_load %arg7[%parallel_loop3A_831, %parallel_loop3A_832] {strides = array<i32>} : memref<160x128xf32, #tpu.memory_space<vmem>>, vector<1x16xf32>,
        %parallel_loop3A_834 = vector.shape_cast %parallel_loop3A_833 : vector<1x16xf32> to vector<16xf32>
        %parallel_loop3A_835 = arith.constant 8.000000e+00 : f32
        %parallel_loop3A_836 = vector.broadcast %parallel_loop3A_835 : f32 to vector<16xf32>
        %parallel_loop3A_837 = arith.mulf %parallel_loop3A_834, %parallel_loop3A_836 : vector<16xf32>
        %parallel_loop3A_838 = arith.constant 9 : i32
        %parallel_loop3A_839 = arith.addi %parallel_loop3A_95, %parallel_loop3A_838 : i32
        %parallel_loop3A_840 = arith.index_cast %parallel_loop3A_839 : i32 to index
        %parallel_loop3A_841 = arith.constant 48 : index
        %parallel_loop3A_842 = tpu.vector_load %arg9[%parallel_loop3A_840, %parallel_loop3A_841] {strides = array<i32>} : memref<160x64xf32, #tpu.memory_space<vmem>>, vector<1x16xf32>,
        %parallel_loop3A_843 = vector.shape_cast %parallel_loop3A_842 : vector<1x16xf32> to vector<16xf32>
        %parallel_loop3A_844 = vector.shape_cast %parallel_loop3A_837 : vector<16xf32> to vector<1x16xf32>
        tpu.vector_store %arg9[%parallel_loop3A_840, %parallel_loop3A_841], %parallel_loop3A_844 {strides = array<i32>} : memref<160x64xf32, #tpu.memory_space<vmem>>, vector<1x16xf32>,
        %parallel_loop3A_845 = vector.extract_strided_slice %parallel_loop3A_104 {offsets = [10], sizes = [1], strides = [1]} : vector<16xi32> to vector<1xi32>
        %parallel_loop3A_846 = vector.extract %parallel_loop3A_845[0] : i32 from vector<1xi32>
        %parallel_loop3A_847 = arith.constant 10 : i32
        %parallel_loop3A_848 = arith.addi %parallel_loop3A_95, %parallel_loop3A_847 : i32
        %parallel_loop3A_849 = arith.constant 0 : i32
        %parallel_loop3A_850 = arith.addi %parallel_loop3A_846, %parallel_loop3A_849 : i32
        %parallel_loop3A_851 = arith.index_cast %parallel_loop3A_848 : i32 to index
        %parallel_loop3A_852 = arith.index_cast %parallel_loop3A_850 : i32 to index
        %parallel_loop3A_853 = tpu.vector_load %arg7[%parallel_loop3A_851, %parallel_loop3A_852] {strides = array<i32>} : memref<160x128xf32, #tpu.memory_space<vmem>>, vector<1x16xf32>,
        %parallel_loop3A_854 = vector.shape_cast %parallel_loop3A_853 : vector<1x16xf32> to vector<16xf32>
        %parallel_loop3A_855 = arith.constant 8.000000e+00 : f32
        %parallel_loop3A_856 = vector.broadcast %parallel_loop3A_855 : f32 to vector<16xf32>
        %parallel_loop3A_857 = arith.mulf %parallel_loop3A_854, %parallel_loop3A_856 : vector<16xf32>
        %parallel_loop3A_858 = arith.constant 10 : i32
        %parallel_loop3A_859 = arith.addi %parallel_loop3A_95, %parallel_loop3A_858 : i32
        %parallel_loop3A_860 = arith.index_cast %parallel_loop3A_859 : i32 to index
        %parallel_loop3A_861 = arith.constant 0 : index
        %parallel_loop3A_862 = tpu.vector_load %arg9[%parallel_loop3A_860, %parallel_loop3A_861] {strides = array<i32>} : memref<160x64xf32, #tpu.memory_space<vmem>>, vector<1x16xf32>,
        %parallel_loop3A_863 = vector.shape_cast %parallel_loop3A_862 : vector<1x16xf32> to vector<16xf32>
        %parallel_loop3A_864 = vector.shape_cast %parallel_loop3A_857 : vector<16xf32> to vector<1x16xf32>
        tpu.vector_store %arg9[%parallel_loop3A_860, %parallel_loop3A_861], %parallel_loop3A_864 {strides = array<i32>} : memref<160x64xf32, #tpu.memory_space<vmem>>, vector<1x16xf32>,
        %parallel_loop3A_865 = arith.constant 10 : i32
        %parallel_loop3A_866 = arith.addi %parallel_loop3A_95, %parallel_loop3A_865 : i32
        %parallel_loop3A_867 = arith.constant 16 : i32
        %parallel_loop3A_868 = arith.addi %parallel_loop3A_846, %parallel_loop3A_867 : i32
        %parallel_loop3A_869 = arith.index_cast %parallel_loop3A_866 : i32 to index
        %parallel_loop3A_870 = arith.index_cast %parallel_loop3A_868 : i32 to index
        %parallel_loop3A_871 = tpu.vector_load %arg7[%parallel_loop3A_869, %parallel_loop3A_870] {strides = array<i32>} : memref<160x128xf32, #tpu.memory_space<vmem>>, vector<1x16xf32>,
        %parallel_loop3A_872 = vector.shape_cast %parallel_loop3A_871 : vector<1x16xf32> to vector<16xf32>
        %parallel_loop3A_873 = arith.constant 8.000000e+00 : f32
        %parallel_loop3A_874 = vector.broadcast %parallel_loop3A_873 : f32 to vector<16xf32>
        %parallel_loop3A_875 = arith.mulf %parallel_loop3A_872, %parallel_loop3A_874 : vector<16xf32>
        %parallel_loop3A_876 = arith.constant 10 : i32
        %parallel_loop3A_877 = arith.addi %parallel_loop3A_95, %parallel_loop3A_876 : i32
        %parallel_loop3A_878 = arith.index_cast %parallel_loop3A_877 : i32 to index
        %parallel_loop3A_879 = arith.constant 16 : index
        %parallel_loop3A_880 = tpu.vector_load %arg9[%parallel_loop3A_878, %parallel_loop3A_879] {strides = array<i32>} : memref<160x64xf32, #tpu.memory_space<vmem>>, vector<1x16xf32>,
        %parallel_loop3A_881 = vector.shape_cast %parallel_loop3A_880 : vector<1x16xf32> to vector<16xf32>
        %parallel_loop3A_882 = vector.shape_cast %parallel_loop3A_875 : vector<16xf32> to vector<1x16xf32>
        tpu.vector_store %arg9[%parallel_loop3A_878, %parallel_loop3A_879], %parallel_loop3A_882 {strides = array<i32>} : memref<160x64xf32, #tpu.memory_space<vmem>>, vector<1x16xf32>,
        %parallel_loop3A_883 = arith.constant 10 : i32
        %parallel_loop3A_884 = arith.addi %parallel_loop3A_95, %parallel_loop3A_883 : i32
        %parallel_loop3A_885 = arith.constant 32 : i32
        %parallel_loop3A_886 = arith.addi %parallel_loop3A_846, %parallel_loop3A_885 : i32
        %parallel_loop3A_887 = arith.index_cast %parallel_loop3A_884 : i32 to index
        %parallel_loop3A_888 = arith.index_cast %parallel_loop3A_886 : i32 to index
        %parallel_loop3A_889 = tpu.vector_load %arg7[%parallel_loop3A_887, %parallel_loop3A_888] {strides = array<i32>} : memref<160x128xf32, #tpu.memory_space<vmem>>, vector<1x16xf32>,
        %parallel_loop3A_890 = vector.shape_cast %parallel_loop3A_889 : vector<1x16xf32> to vector<16xf32>
        %parallel_loop3A_891 = arith.constant 8.000000e+00 : f32
        %parallel_loop3A_892 = vector.broadcast %parallel_loop3A_891 : f32 to vector<16xf32>
        %parallel_loop3A_893 = arith.mulf %parallel_loop3A_890, %parallel_loop3A_892 : vector<16xf32>
        %parallel_loop3A_894 = arith.constant 10 : i32
        %parallel_loop3A_895 = arith.addi %parallel_loop3A_95, %parallel_loop3A_894 : i32
        %parallel_loop3A_896 = arith.index_cast %parallel_loop3A_895 : i32 to index
        %parallel_loop3A_897 = arith.constant 32 : index
        %parallel_loop3A_898 = tpu.vector_load %arg9[%parallel_loop3A_896, %parallel_loop3A_897] {strides = array<i32>} : memref<160x64xf32, #tpu.memory_space<vmem>>, vector<1x16xf32>,
        %parallel_loop3A_899 = vector.shape_cast %parallel_loop3A_898 : vector<1x16xf32> to vector<16xf32>
        %parallel_loop3A_900 = vector.shape_cast %parallel_loop3A_893 : vector<16xf32> to vector<1x16xf32>
        tpu.vector_store %arg9[%parallel_loop3A_896, %parallel_loop3A_897], %parallel_loop3A_900 {strides = array<i32>} : memref<160x64xf32, #tpu.memory_space<vmem>>, vector<1x16xf32>,
        %parallel_loop3A_901 = arith.constant 10 : i32
        %parallel_loop3A_902 = arith.addi %parallel_loop3A_95, %parallel_loop3A_901 : i32
        %parallel_loop3A_903 = arith.constant 48 : i32
        %parallel_loop3A_904 = arith.addi %parallel_loop3A_846, %parallel_loop3A_903 : i32
        %parallel_loop3A_905 = arith.index_cast %parallel_loop3A_902 : i32 to index
        %parallel_loop3A_906 = arith.index_cast %parallel_loop3A_904 : i32 to index
        %parallel_loop3A_907 = tpu.vector_load %arg7[%parallel_loop3A_905, %parallel_loop3A_906] {strides = array<i32>} : memref<160x128xf32, #tpu.memory_space<vmem>>, vector<1x16xf32>,
        %parallel_loop3A_908 = vector.shape_cast %parallel_loop3A_907 : vector<1x16xf32> to vector<16xf32>
        %parallel_loop3A_909 = arith.constant 8.000000e+00 : f32
        %parallel_loop3A_910 = vector.broadcast %parallel_loop3A_909 : f32 to vector<16xf32>
        %parallel_loop3A_911 = arith.mulf %parallel_loop3A_908, %parallel_loop3A_910 : vector<16xf32>
        %parallel_loop3A_912 = arith.constant 10 : i32
        %parallel_loop3A_913 = arith.addi %parallel_loop3A_95, %parallel_loop3A_912 : i32
        %parallel_loop3A_914 = arith.index_cast %parallel_loop3A_913 : i32 to index
        %parallel_loop3A_915 = arith.constant 48 : index
        %parallel_loop3A_916 = tpu.vector_load %arg9[%parallel_loop3A_914, %parallel_loop3A_915] {strides = array<i32>} : memref<160x64xf32, #tpu.memory_space<vmem>>, vector<1x16xf32>,
        %parallel_loop3A_917 = vector.shape_cast %parallel_loop3A_916 : vector<1x16xf32> to vector<16xf32>
        %parallel_loop3A_918 = vector.shape_cast %parallel_loop3A_911 : vector<16xf32> to vector<1x16xf32>
        tpu.vector_store %arg9[%parallel_loop3A_914, %parallel_loop3A_915], %parallel_loop3A_918 {strides = array<i32>} : memref<160x64xf32, #tpu.memory_space<vmem>>, vector<1x16xf32>,
        %parallel_loop3A_919 = vector.extract_strided_slice %parallel_loop3A_104 {offsets = [11], sizes = [1], strides = [1]} : vector<16xi32> to vector<1xi32>
        %parallel_loop3A_920 = vector.extract %parallel_loop3A_919[0] : i32 from vector<1xi32>
        %parallel_loop3A_921 = arith.constant 11 : i32
        %parallel_loop3A_922 = arith.addi %parallel_loop3A_95, %parallel_loop3A_921 : i32
        %parallel_loop3A_923 = arith.constant 0 : i32
        %parallel_loop3A_924 = arith.addi %parallel_loop3A_920, %parallel_loop3A_923 : i32
        %parallel_loop3A_925 = arith.index_cast %parallel_loop3A_922 : i32 to index
        %parallel_loop3A_926 = arith.index_cast %parallel_loop3A_924 : i32 to index
        %parallel_loop3A_927 = tpu.vector_load %arg7[%parallel_loop3A_925, %parallel_loop3A_926] {strides = array<i32>} : memref<160x128xf32, #tpu.memory_space<vmem>>, vector<1x16xf32>,
        %parallel_loop3A_928 = vector.shape_cast %parallel_loop3A_927 : vector<1x16xf32> to vector<16xf32>
        %parallel_loop3A_929 = arith.constant 8.000000e+00 : f32
        %parallel_loop3A_930 = vector.broadcast %parallel_loop3A_929 : f32 to vector<16xf32>
        %parallel_loop3A_931 = arith.mulf %parallel_loop3A_928, %parallel_loop3A_930 : vector<16xf32>
        %parallel_loop3A_932 = arith.constant 11 : i32
        %parallel_loop3A_933 = arith.addi %parallel_loop3A_95, %parallel_loop3A_932 : i32
        %parallel_loop3A_934 = arith.index_cast %parallel_loop3A_933 : i32 to index
        %parallel_loop3A_935 = arith.constant 0 : index
        %parallel_loop3A_936 = tpu.vector_load %arg9[%parallel_loop3A_934, %parallel_loop3A_935] {strides = array<i32>} : memref<160x64xf32, #tpu.memory_space<vmem>>, vector<1x16xf32>,
        %parallel_loop3A_937 = vector.shape_cast %parallel_loop3A_936 : vector<1x16xf32> to vector<16xf32>
        %parallel_loop3A_938 = vector.shape_cast %parallel_loop3A_931 : vector<16xf32> to vector<1x16xf32>
        tpu.vector_store %arg9[%parallel_loop3A_934, %parallel_loop3A_935], %parallel_loop3A_938 {strides = array<i32>} : memref<160x64xf32, #tpu.memory_space<vmem>>, vector<1x16xf32>,
        %parallel_loop3A_939 = arith.constant 11 : i32
        %parallel_loop3A_940 = arith.addi %parallel_loop3A_95, %parallel_loop3A_939 : i32
        %parallel_loop3A_941 = arith.constant 16 : i32
        %parallel_loop3A_942 = arith.addi %parallel_loop3A_920, %parallel_loop3A_941 : i32
        %parallel_loop3A_943 = arith.index_cast %parallel_loop3A_940 : i32 to index
        %parallel_loop3A_944 = arith.index_cast %parallel_loop3A_942 : i32 to index
        %parallel_loop3A_945 = tpu.vector_load %arg7[%parallel_loop3A_943, %parallel_loop3A_944] {strides = array<i32>} : memref<160x128xf32, #tpu.memory_space<vmem>>, vector<1x16xf32>,
        %parallel_loop3A_946 = vector.shape_cast %parallel_loop3A_945 : vector<1x16xf32> to vector<16xf32>
        %parallel_loop3A_947 = arith.constant 8.000000e+00 : f32
        %parallel_loop3A_948 = vector.broadcast %parallel_loop3A_947 : f32 to vector<16xf32>
        %parallel_loop3A_949 = arith.mulf %parallel_loop3A_946, %parallel_loop3A_948 : vector<16xf32>
        %parallel_loop3A_950 = arith.constant 11 : i32
        %parallel_loop3A_951 = arith.addi %parallel_loop3A_95, %parallel_loop3A_950 : i32
        %parallel_loop3A_952 = arith.index_cast %parallel_loop3A_951 : i32 to index
        %parallel_loop3A_953 = arith.constant 16 : index
        %parallel_loop3A_954 = tpu.vector_load %arg9[%parallel_loop3A_952, %parallel_loop3A_953] {strides = array<i32>} : memref<160x64xf32, #tpu.memory_space<vmem>>, vector<1x16xf32>,
        %parallel_loop3A_955 = vector.shape_cast %parallel_loop3A_954 : vector<1x16xf32> to vector<16xf32>
        %parallel_loop3A_956 = vector.shape_cast %parallel_loop3A_949 : vector<16xf32> to vector<1x16xf32>
        tpu.vector_store %arg9[%parallel_loop3A_952, %parallel_loop3A_953], %parallel_loop3A_956 {strides = array<i32>} : memref<160x64xf32, #tpu.memory_space<vmem>>, vector<1x16xf32>,
        %parallel_loop3A_957 = arith.constant 11 : i32
        %parallel_loop3A_958 = arith.addi %parallel_loop3A_95, %parallel_loop3A_957 : i32
        %parallel_loop3A_959 = arith.constant 32 : i32
        %parallel_loop3A_960 = arith.addi %parallel_loop3A_920, %parallel_loop3A_959 : i32
        %parallel_loop3A_961 = arith.index_cast %parallel_loop3A_958 : i32 to index
        %parallel_loop3A_962 = arith.index_cast %parallel_loop3A_960 : i32 to index
        %parallel_loop3A_963 = tpu.vector_load %arg7[%parallel_loop3A_961, %parallel_loop3A_962] {strides = array<i32>} : memref<160x128xf32, #tpu.memory_space<vmem>>, vector<1x16xf32>,
        %parallel_loop3A_964 = vector.shape_cast %parallel_loop3A_963 : vector<1x16xf32> to vector<16xf32>
        %parallel_loop3A_965 = arith.constant 8.000000e+00 : f32
        %parallel_loop3A_966 = vector.broadcast %parallel_loop3A_965 : f32 to vector<16xf32>
        %parallel_loop3A_967 = arith.mulf %parallel_loop3A_964, %parallel_loop3A_966 : vector<16xf32>
        %parallel_loop3A_968 = arith.constant 11 : i32
        %parallel_loop3A_969 = arith.addi %parallel_loop3A_95, %parallel_loop3A_968 : i32
        %parallel_loop3A_970 = arith.index_cast %parallel_loop3A_969 : i32 to index
        %parallel_loop3A_971 = arith.constant 32 : index
        %parallel_loop3A_972 = tpu.vector_load %arg9[%parallel_loop3A_970, %parallel_loop3A_971] {strides = array<i32>} : memref<160x64xf32, #tpu.memory_space<vmem>>, vector<1x16xf32>,
        %parallel_loop3A_973 = vector.shape_cast %parallel_loop3A_972 : vector<1x16xf32> to vector<16xf32>
        %parallel_loop3A_974 = vector.shape_cast %parallel_loop3A_967 : vector<16xf32> to vector<1x16xf32>
        tpu.vector_store %arg9[%parallel_loop3A_970, %parallel_loop3A_971], %parallel_loop3A_974 {strides = array<i32>} : memref<160x64xf32, #tpu.memory_space<vmem>>, vector<1x16xf32>,
        %parallel_loop3A_975 = arith.constant 11 : i32
        %parallel_loop3A_976 = arith.addi %parallel_loop3A_95, %parallel_loop3A_975 : i32
        %parallel_loop3A_977 = arith.constant 48 : i32
        %parallel_loop3A_978 = arith.addi %parallel_loop3A_920, %parallel_loop3A_977 : i32
        %parallel_loop3A_979 = arith.index_cast %parallel_loop3A_976 : i32 to index
        %parallel_loop3A_980 = arith.index_cast %parallel_loop3A_978 : i32 to index
        %parallel_loop3A_981 = tpu.vector_load %arg7[%parallel_loop3A_979, %parallel_loop3A_980] {strides = array<i32>} : memref<160x128xf32, #tpu.memory_space<vmem>>, vector<1x16xf32>,
        %parallel_loop3A_982 = vector.shape_cast %parallel_loop3A_981 : vector<1x16xf32> to vector<16xf32>
        %parallel_loop3A_983 = arith.constant 8.000000e+00 : f32
        %parallel_loop3A_984 = vector.broadcast %parallel_loop3A_983 : f32 to vector<16xf32>
        %parallel_loop3A_985 = arith.mulf %parallel_loop3A_982, %parallel_loop3A_984 : vector<16xf32>
        %parallel_loop3A_986 = arith.constant 11 : i32
        %parallel_loop3A_987 = arith.addi %parallel_loop3A_95, %parallel_loop3A_986 : i32
        %parallel_loop3A_988 = arith.index_cast %parallel_loop3A_987 : i32 to index
        %parallel_loop3A_989 = arith.constant 48 : index
        %parallel_loop3A_990 = tpu.vector_load %arg9[%parallel_loop3A_988, %parallel_loop3A_989] {strides = array<i32>} : memref<160x64xf32, #tpu.memory_space<vmem>>, vector<1x16xf32>,
        %parallel_loop3A_991 = vector.shape_cast %parallel_loop3A_990 : vector<1x16xf32> to vector<16xf32>
        %parallel_loop3A_992 = vector.shape_cast %parallel_loop3A_985 : vector<16xf32> to vector<1x16xf32>
        tpu.vector_store %arg9[%parallel_loop3A_988, %parallel_loop3A_989], %parallel_loop3A_992 {strides = array<i32>} : memref<160x64xf32, #tpu.memory_space<vmem>>, vector<1x16xf32>,
        %parallel_loop3A_993 = vector.extract_strided_slice %parallel_loop3A_104 {offsets = [12], sizes = [1], strides = [1]} : vector<16xi32> to vector<1xi32>
        %parallel_loop3A_994 = vector.extract %parallel_loop3A_993[0] : i32 from vector<1xi32>
        %parallel_loop3A_995 = arith.constant 12 : i32
        %parallel_loop3A_996 = arith.addi %parallel_loop3A_95, %parallel_loop3A_995 : i32
        %parallel_loop3A_997 = arith.constant 0 : i32
        %parallel_loop3A_998 = arith.addi %parallel_loop3A_994, %parallel_loop3A_997 : i32
        %parallel_loop3A_999 = arith.index_cast %parallel_loop3A_996 : i32 to index
        %parallel_loop3A_1000 = arith.index_cast %parallel_loop3A_998 : i32 to index
        %parallel_loop3A_1001 = tpu.vector_load %arg7[%parallel_loop3A_999, %parallel_loop3A_1000] {strides = array<i32>} : memref<160x128xf32, #tpu.memory_space<vmem>>, vector<1x16xf32>,
        %parallel_loop3A_1002 = vector.shape_cast %parallel_loop3A_1001 : vector<1x16xf32> to vector<16xf32>
        %parallel_loop3A_1003 = arith.constant 8.000000e+00 : f32
        %parallel_loop3A_1004 = vector.broadcast %parallel_loop3A_1003 : f32 to vector<16xf32>
        %parallel_loop3A_1005 = arith.mulf %parallel_loop3A_1002, %parallel_loop3A_1004 : vector<16xf32>
        %parallel_loop3A_1006 = arith.constant 12 : i32
        %parallel_loop3A_1007 = arith.addi %parallel_loop3A_95, %parallel_loop3A_1006 : i32
        %parallel_loop3A_1008 = arith.index_cast %parallel_loop3A_1007 : i32 to index
        %parallel_loop3A_1009 = arith.constant 0 : index
        %parallel_loop3A_1010 = tpu.vector_load %arg9[%parallel_loop3A_1008, %parallel_loop3A_1009] {strides = array<i32>} : memref<160x64xf32, #tpu.memory_space<vmem>>, vector<1x16xf32>,
        %parallel_loop3A_1011 = vector.shape_cast %parallel_loop3A_1010 : vector<1x16xf32> to vector<16xf32>
        %parallel_loop3A_1012 = vector.shape_cast %parallel_loop3A_1005 : vector<16xf32> to vector<1x16xf32>
        tpu.vector_store %arg9[%parallel_loop3A_1008, %parallel_loop3A_1009], %parallel_loop3A_1012 {strides = array<i32>} : memref<160x64xf32, #tpu.memory_space<vmem>>, vector<1x16xf32>,
        %parallel_loop3A_1013 = arith.constant 12 : i32
        %parallel_loop3A_1014 = arith.addi %parallel_loop3A_95, %parallel_loop3A_1013 : i32
        %parallel_loop3A_1015 = arith.constant 16 : i32
        %parallel_loop3A_1016 = arith.addi %parallel_loop3A_994, %parallel_loop3A_1015 : i32
        %parallel_loop3A_1017 = arith.index_cast %parallel_loop3A_1014 : i32 to index
        %parallel_loop3A_1018 = arith.index_cast %parallel_loop3A_1016 : i32 to index
        %parallel_loop3A_1019 = tpu.vector_load %arg7[%parallel_loop3A_1017, %parallel_loop3A_1018] {strides = array<i32>} : memref<160x128xf32, #tpu.memory_space<vmem>>, vector<1x16xf32>,
        %parallel_loop3A_1020 = vector.shape_cast %parallel_loop3A_1019 : vector<1x16xf32> to vector<16xf32>
        %parallel_loop3A_1021 = arith.constant 8.000000e+00 : f32
        %parallel_loop3A_1022 = vector.broadcast %parallel_loop3A_1021 : f32 to vector<16xf32>
        %parallel_loop3A_1023 = arith.mulf %parallel_loop3A_1020, %parallel_loop3A_1022 : vector<16xf32>
        %parallel_loop3A_1024 = arith.constant 12 : i32
        %parallel_loop3A_1025 = arith.addi %parallel_loop3A_95, %parallel_loop3A_1024 : i32
        %parallel_loop3A_1026 = arith.index_cast %parallel_loop3A_1025 : i32 to index
        %parallel_loop3A_1027 = arith.constant 16 : index
        %parallel_loop3A_1028 = tpu.vector_load %arg9[%parallel_loop3A_1026, %parallel_loop3A_1027] {strides = array<i32>} : memref<160x64xf32, #tpu.memory_space<vmem>>, vector<1x16xf32>,
        %parallel_loop3A_1029 = vector.shape_cast %parallel_loop3A_1028 : vector<1x16xf32> to vector<16xf32>
        %parallel_loop3A_1030 = vector.shape_cast %parallel_loop3A_1023 : vector<16xf32> to vector<1x16xf32>
        tpu.vector_store %arg9[%parallel_loop3A_1026, %parallel_loop3A_1027], %parallel_loop3A_1030 {strides = array<i32>} : memref<160x64xf32, #tpu.memory_space<vmem>>, vector<1x16xf32>,
        %parallel_loop3A_1031 = arith.constant 12 : i32
        %parallel_loop3A_1032 = arith.addi %parallel_loop3A_95, %parallel_loop3A_1031 : i32
        %parallel_loop3A_1033 = arith.constant 32 : i32
        %parallel_loop3A_1034 = arith.addi %parallel_loop3A_994, %parallel_loop3A_1033 : i32
        %parallel_loop3A_1035 = arith.index_cast %parallel_loop3A_1032 : i32 to index
        %parallel_loop3A_1036 = arith.index_cast %parallel_loop3A_1034 : i32 to index
        %parallel_loop3A_1037 = tpu.vector_load %arg7[%parallel_loop3A_1035, %parallel_loop3A_1036] {strides = array<i32>} : memref<160x128xf32, #tpu.memory_space<vmem>>, vector<1x16xf32>,
        %parallel_loop3A_1038 = vector.shape_cast %parallel_loop3A_1037 : vector<1x16xf32> to vector<16xf32>
        %parallel_loop3A_1039 = arith.constant 8.000000e+00 : f32
        %parallel_loop3A_1040 = vector.broadcast %parallel_loop3A_1039 : f32 to vector<16xf32>
        %parallel_loop3A_1041 = arith.mulf %parallel_loop3A_1038, %parallel_loop3A_1040 : vector<16xf32>
        %parallel_loop3A_1042 = arith.constant 12 : i32
        %parallel_loop3A_1043 = arith.addi %parallel_loop3A_95, %parallel_loop3A_1042 : i32
        %parallel_loop3A_1044 = arith.index_cast %parallel_loop3A_1043 : i32 to index
        %parallel_loop3A_1045 = arith.constant 32 : index
        %parallel_loop3A_1046 = tpu.vector_load %arg9[%parallel_loop3A_1044, %parallel_loop3A_1045] {strides = array<i32>} : memref<160x64xf32, #tpu.memory_space<vmem>>, vector<1x16xf32>,
        %parallel_loop3A_1047 = vector.shape_cast %parallel_loop3A_1046 : vector<1x16xf32> to vector<16xf32>
        %parallel_loop3A_1048 = vector.shape_cast %parallel_loop3A_1041 : vector<16xf32> to vector<1x16xf32>
        tpu.vector_store %arg9[%parallel_loop3A_1044, %parallel_loop3A_1045], %parallel_loop3A_1048 {strides = array<i32>} : memref<160x64xf32, #tpu.memory_space<vmem>>, vector<1x16xf32>,
        %parallel_loop3A_1049 = arith.constant 12 : i32
        %parallel_loop3A_1050 = arith.addi %parallel_loop3A_95, %parallel_loop3A_1049 : i32
        %parallel_loop3A_1051 = arith.constant 48 : i32
        %parallel_loop3A_1052 = arith.addi %parallel_loop3A_994, %parallel_loop3A_1051 : i32
        %parallel_loop3A_1053 = arith.index_cast %parallel_loop3A_1050 : i32 to index
        %parallel_loop3A_1054 = arith.index_cast %parallel_loop3A_1052 : i32 to index
        %parallel_loop3A_1055 = tpu.vector_load %arg7[%parallel_loop3A_1053, %parallel_loop3A_1054] {strides = array<i32>} : memref<160x128xf32, #tpu.memory_space<vmem>>, vector<1x16xf32>,
        %parallel_loop3A_1056 = vector.shape_cast %parallel_loop3A_1055 : vector<1x16xf32> to vector<16xf32>
        %parallel_loop3A_1057 = arith.constant 8.000000e+00 : f32
        %parallel_loop3A_1058 = vector.broadcast %parallel_loop3A_1057 : f32 to vector<16xf32>
        %parallel_loop3A_1059 = arith.mulf %parallel_loop3A_1056, %parallel_loop3A_1058 : vector<16xf32>
        %parallel_loop3A_1060 = arith.constant 12 : i32
        %parallel_loop3A_1061 = arith.addi %parallel_loop3A_95, %parallel_loop3A_1060 : i32
        %parallel_loop3A_1062 = arith.index_cast %parallel_loop3A_1061 : i32 to index
        %parallel_loop3A_1063 = arith.constant 48 : index
        %parallel_loop3A_1064 = tpu.vector_load %arg9[%parallel_loop3A_1062, %parallel_loop3A_1063] {strides = array<i32>} : memref<160x64xf32, #tpu.memory_space<vmem>>, vector<1x16xf32>,
        %parallel_loop3A_1065 = vector.shape_cast %parallel_loop3A_1064 : vector<1x16xf32> to vector<16xf32>
        %parallel_loop3A_1066 = vector.shape_cast %parallel_loop3A_1059 : vector<16xf32> to vector<1x16xf32>
        tpu.vector_store %arg9[%parallel_loop3A_1062, %parallel_loop3A_1063], %parallel_loop3A_1066 {strides = array<i32>} : memref<160x64xf32, #tpu.memory_space<vmem>>, vector<1x16xf32>,
        %parallel_loop3A_1067 = vector.extract_strided_slice %parallel_loop3A_104 {offsets = [13], sizes = [1], strides = [1]} : vector<16xi32> to vector<1xi32>
        %parallel_loop3A_1068 = vector.extract %parallel_loop3A_1067[0] : i32 from vector<1xi32>
        %parallel_loop3A_1069 = arith.constant 13 : i32
        %parallel_loop3A_1070 = arith.addi %parallel_loop3A_95, %parallel_loop3A_1069 : i32
        %parallel_loop3A_1071 = arith.constant 0 : i32
        %parallel_loop3A_1072 = arith.addi %parallel_loop3A_1068, %parallel_loop3A_1071 : i32
        %parallel_loop3A_1073 = arith.index_cast %parallel_loop3A_1070 : i32 to index
        %parallel_loop3A_1074 = arith.index_cast %parallel_loop3A_1072 : i32 to index
        %parallel_loop3A_1075 = tpu.vector_load %arg7[%parallel_loop3A_1073, %parallel_loop3A_1074] {strides = array<i32>} : memref<160x128xf32, #tpu.memory_space<vmem>>, vector<1x16xf32>,
        %parallel_loop3A_1076 = vector.shape_cast %parallel_loop3A_1075 : vector<1x16xf32> to vector<16xf32>
        %parallel_loop3A_1077 = arith.constant 8.000000e+00 : f32
        %parallel_loop3A_1078 = vector.broadcast %parallel_loop3A_1077 : f32 to vector<16xf32>
        %parallel_loop3A_1079 = arith.mulf %parallel_loop3A_1076, %parallel_loop3A_1078 : vector<16xf32>
        %parallel_loop3A_1080 = arith.constant 13 : i32
        %parallel_loop3A_1081 = arith.addi %parallel_loop3A_95, %parallel_loop3A_1080 : i32
        %parallel_loop3A_1082 = arith.index_cast %parallel_loop3A_1081 : i32 to index
        %parallel_loop3A_1083 = arith.constant 0 : index
        %parallel_loop3A_1084 = tpu.vector_load %arg9[%parallel_loop3A_1082, %parallel_loop3A_1083] {strides = array<i32>} : memref<160x64xf32, #tpu.memory_space<vmem>>, vector<1x16xf32>,
        %parallel_loop3A_1085 = vector.shape_cast %parallel_loop3A_1084 : vector<1x16xf32> to vector<16xf32>
        %parallel_loop3A_1086 = vector.shape_cast %parallel_loop3A_1079 : vector<16xf32> to vector<1x16xf32>
        tpu.vector_store %arg9[%parallel_loop3A_1082, %parallel_loop3A_1083], %parallel_loop3A_1086 {strides = array<i32>} : memref<160x64xf32, #tpu.memory_space<vmem>>, vector<1x16xf32>,
        %parallel_loop3A_1087 = arith.constant 13 : i32
        %parallel_loop3A_1088 = arith.addi %parallel_loop3A_95, %parallel_loop3A_1087 : i32
        %parallel_loop3A_1089 = arith.constant 16 : i32
        %parallel_loop3A_1090 = arith.addi %parallel_loop3A_1068, %parallel_loop3A_1089 : i32
        %parallel_loop3A_1091 = arith.index_cast %parallel_loop3A_1088 : i32 to index
        %parallel_loop3A_1092 = arith.index_cast %parallel_loop3A_1090 : i32 to index
        %parallel_loop3A_1093 = tpu.vector_load %arg7[%parallel_loop3A_1091, %parallel_loop3A_1092] {strides = array<i32>} : memref<160x128xf32, #tpu.memory_space<vmem>>, vector<1x16xf32>,
        %parallel_loop3A_1094 = vector.shape_cast %parallel_loop3A_1093 : vector<1x16xf32> to vector<16xf32>
        %parallel_loop3A_1095 = arith.constant 8.000000e+00 : f32
        %parallel_loop3A_1096 = vector.broadcast %parallel_loop3A_1095 : f32 to vector<16xf32>
        %parallel_loop3A_1097 = arith.mulf %parallel_loop3A_1094, %parallel_loop3A_1096 : vector<16xf32>
        %parallel_loop3A_1098 = arith.constant 13 : i32
        %parallel_loop3A_1099 = arith.addi %parallel_loop3A_95, %parallel_loop3A_1098 : i32
        %parallel_loop3A_1100 = arith.index_cast %parallel_loop3A_1099 : i32 to index
        %parallel_loop3A_1101 = arith.constant 16 : index
        %parallel_loop3A_1102 = tpu.vector_load %arg9[%parallel_loop3A_1100, %parallel_loop3A_1101] {strides = array<i32>} : memref<160x64xf32, #tpu.memory_space<vmem>>, vector<1x16xf32>,
        %parallel_loop3A_1103 = vector.shape_cast %parallel_loop3A_1102 : vector<1x16xf32> to vector<16xf32>
        %parallel_loop3A_1104 = vector.shape_cast %parallel_loop3A_1097 : vector<16xf32> to vector<1x16xf32>
        tpu.vector_store %arg9[%parallel_loop3A_1100, %parallel_loop3A_1101], %parallel_loop3A_1104 {strides = array<i32>} : memref<160x64xf32, #tpu.memory_space<vmem>>, vector<1x16xf32>,
        %parallel_loop3A_1105 = arith.constant 13 : i32
        %parallel_loop3A_1106 = arith.addi %parallel_loop3A_95, %parallel_loop3A_1105 : i32
        %parallel_loop3A_1107 = arith.constant 32 : i32
        %parallel_loop3A_1108 = arith.addi %parallel_loop3A_1068, %parallel_loop3A_1107 : i32
        %parallel_loop3A_1109 = arith.index_cast %parallel_loop3A_1106 : i32 to index
        %parallel_loop3A_1110 = arith.index_cast %parallel_loop3A_1108 : i32 to index
        %parallel_loop3A_1111 = tpu.vector_load %arg7[%parallel_loop3A_1109, %parallel_loop3A_1110] {strides = array<i32>} : memref<160x128xf32, #tpu.memory_space<vmem>>, vector<1x16xf32>,
        %parallel_loop3A_1112 = vector.shape_cast %parallel_loop3A_1111 : vector<1x16xf32> to vector<16xf32>
        %parallel_loop3A_1113 = arith.constant 8.000000e+00 : f32
        %parallel_loop3A_1114 = vector.broadcast %parallel_loop3A_1113 : f32 to vector<16xf32>
        %parallel_loop3A_1115 = arith.mulf %parallel_loop3A_1112, %parallel_loop3A_1114 : vector<16xf32>
        %parallel_loop3A_1116 = arith.constant 13 : i32
        %parallel_loop3A_1117 = arith.addi %parallel_loop3A_95, %parallel_loop3A_1116 : i32
        %parallel_loop3A_1118 = arith.index_cast %parallel_loop3A_1117 : i32 to index
        %parallel_loop3A_1119 = arith.constant 32 : index
        %parallel_loop3A_1120 = tpu.vector_load %arg9[%parallel_loop3A_1118, %parallel_loop3A_1119] {strides = array<i32>} : memref<160x64xf32, #tpu.memory_space<vmem>>, vector<1x16xf32>,
        %parallel_loop3A_1121 = vector.shape_cast %parallel_loop3A_1120 : vector<1x16xf32> to vector<16xf32>
        %parallel_loop3A_1122 = vector.shape_cast %parallel_loop3A_1115 : vector<16xf32> to vector<1x16xf32>
        tpu.vector_store %arg9[%parallel_loop3A_1118, %parallel_loop3A_1119], %parallel_loop3A_1122 {strides = array<i32>} : memref<160x64xf32, #tpu.memory_space<vmem>>, vector<1x16xf32>,
        %parallel_loop3A_1123 = arith.constant 13 : i32
        %parallel_loop3A_1124 = arith.addi %parallel_loop3A_95, %parallel_loop3A_1123 : i32
        %parallel_loop3A_1125 = arith.constant 48 : i32
        %parallel_loop3A_1126 = arith.addi %parallel_loop3A_1068, %parallel_loop3A_1125 : i32
        %parallel_loop3A_1127 = arith.index_cast %parallel_loop3A_1124 : i32 to index
        %parallel_loop3A_1128 = arith.index_cast %parallel_loop3A_1126 : i32 to index
        %parallel_loop3A_1129 = tpu.vector_load %arg7[%parallel_loop3A_1127, %parallel_loop3A_1128] {strides = array<i32>} : memref<160x128xf32, #tpu.memory_space<vmem>>, vector<1x16xf32>,
        %parallel_loop3A_1130 = vector.shape_cast %parallel_loop3A_1129 : vector<1x16xf32> to vector<16xf32>
        %parallel_loop3A_1131 = arith.constant 8.000000e+00 : f32
        %parallel_loop3A_1132 = vector.broadcast %parallel_loop3A_1131 : f32 to vector<16xf32>
        %parallel_loop3A_1133 = arith.mulf %parallel_loop3A_1130, %parallel_loop3A_1132 : vector<16xf32>
        %parallel_loop3A_1134 = arith.constant 13 : i32
        %parallel_loop3A_1135 = arith.addi %parallel_loop3A_95, %parallel_loop3A_1134 : i32
        %parallel_loop3A_1136 = arith.index_cast %parallel_loop3A_1135 : i32 to index
        %parallel_loop3A_1137 = arith.constant 48 : index
        %parallel_loop3A_1138 = tpu.vector_load %arg9[%parallel_loop3A_1136, %parallel_loop3A_1137] {strides = array<i32>} : memref<160x64xf32, #tpu.memory_space<vmem>>, vector<1x16xf32>,
        %parallel_loop3A_1139 = vector.shape_cast %parallel_loop3A_1138 : vector<1x16xf32> to vector<16xf32>
        %parallel_loop3A_1140 = vector.shape_cast %parallel_loop3A_1133 : vector<16xf32> to vector<1x16xf32>
        tpu.vector_store %arg9[%parallel_loop3A_1136, %parallel_loop3A_1137], %parallel_loop3A_1140 {strides = array<i32>} : memref<160x64xf32, #tpu.memory_space<vmem>>, vector<1x16xf32>,
        %parallel_loop3A_1141 = vector.extract_strided_slice %parallel_loop3A_104 {offsets = [14], sizes = [1], strides = [1]} : vector<16xi32> to vector<1xi32>
        %parallel_loop3A_1142 = vector.extract %parallel_loop3A_1141[0] : i32 from vector<1xi32>
        %parallel_loop3A_1143 = arith.constant 14 : i32
        %parallel_loop3A_1144 = arith.addi %parallel_loop3A_95, %parallel_loop3A_1143 : i32
        %parallel_loop3A_1145 = arith.constant 0 : i32
        %parallel_loop3A_1146 = arith.addi %parallel_loop3A_1142, %parallel_loop3A_1145 : i32
        %parallel_loop3A_1147 = arith.index_cast %parallel_loop3A_1144 : i32 to index
        %parallel_loop3A_1148 = arith.index_cast %parallel_loop3A_1146 : i32 to index
        %parallel_loop3A_1149 = tpu.vector_load %arg7[%parallel_loop3A_1147, %parallel_loop3A_1148] {strides = array<i32>} : memref<160x128xf32, #tpu.memory_space<vmem>>, vector<1x16xf32>,
        %parallel_loop3A_1150 = vector.shape_cast %parallel_loop3A_1149 : vector<1x16xf32> to vector<16xf32>
        %parallel_loop3A_1151 = arith.constant 8.000000e+00 : f32
        %parallel_loop3A_1152 = vector.broadcast %parallel_loop3A_1151 : f32 to vector<16xf32>
        %parallel_loop3A_1153 = arith.mulf %parallel_loop3A_1150, %parallel_loop3A_1152 : vector<16xf32>
        %parallel_loop3A_1154 = arith.constant 14 : i32
        %parallel_loop3A_1155 = arith.addi %parallel_loop3A_95, %parallel_loop3A_1154 : i32
        %parallel_loop3A_1156 = arith.index_cast %parallel_loop3A_1155 : i32 to index
        %parallel_loop3A_1157 = arith.constant 0 : index
        %parallel_loop3A_1158 = tpu.vector_load %arg9[%parallel_loop3A_1156, %parallel_loop3A_1157] {strides = array<i32>} : memref<160x64xf32, #tpu.memory_space<vmem>>, vector<1x16xf32>,
        %parallel_loop3A_1159 = vector.shape_cast %parallel_loop3A_1158 : vector<1x16xf32> to vector<16xf32>
        %parallel_loop3A_1160 = vector.shape_cast %parallel_loop3A_1153 : vector<16xf32> to vector<1x16xf32>
        tpu.vector_store %arg9[%parallel_loop3A_1156, %parallel_loop3A_1157], %parallel_loop3A_1160 {strides = array<i32>} : memref<160x64xf32, #tpu.memory_space<vmem>>, vector<1x16xf32>,
        %parallel_loop3A_1161 = arith.constant 14 : i32
        %parallel_loop3A_1162 = arith.addi %parallel_loop3A_95, %parallel_loop3A_1161 : i32
        %parallel_loop3A_1163 = arith.constant 16 : i32
        %parallel_loop3A_1164 = arith.addi %parallel_loop3A_1142, %parallel_loop3A_1163 : i32
        %parallel_loop3A_1165 = arith.index_cast %parallel_loop3A_1162 : i32 to index
        %parallel_loop3A_1166 = arith.index_cast %parallel_loop3A_1164 : i32 to index
        %parallel_loop3A_1167 = tpu.vector_load %arg7[%parallel_loop3A_1165, %parallel_loop3A_1166] {strides = array<i32>} : memref<160x128xf32, #tpu.memory_space<vmem>>, vector<1x16xf32>,
        %parallel_loop3A_1168 = vector.shape_cast %parallel_loop3A_1167 : vector<1x16xf32> to vector<16xf32>
        %parallel_loop3A_1169 = arith.constant 8.000000e+00 : f32
        %parallel_loop3A_1170 = vector.broadcast %parallel_loop3A_1169 : f32 to vector<16xf32>
        %parallel_loop3A_1171 = arith.mulf %parallel_loop3A_1168, %parallel_loop3A_1170 : vector<16xf32>
        %parallel_loop3A_1172 = arith.constant 14 : i32
        %parallel_loop3A_1173 = arith.addi %parallel_loop3A_95, %parallel_loop3A_1172 : i32
        %parallel_loop3A_1174 = arith.index_cast %parallel_loop3A_1173 : i32 to index
        %parallel_loop3A_1175 = arith.constant 16 : index
        %parallel_loop3A_1176 = tpu.vector_load %arg9[%parallel_loop3A_1174, %parallel_loop3A_1175] {strides = array<i32>} : memref<160x64xf32, #tpu.memory_space<vmem>>, vector<1x16xf32>,
        %parallel_loop3A_1177 = vector.shape_cast %parallel_loop3A_1176 : vector<1x16xf32> to vector<16xf32>
        %parallel_loop3A_1178 = vector.shape_cast %parallel_loop3A_1171 : vector<16xf32> to vector<1x16xf32>
        tpu.vector_store %arg9[%parallel_loop3A_1174, %parallel_loop3A_1175], %parallel_loop3A_1178 {strides = array<i32>} : memref<160x64xf32, #tpu.memory_space<vmem>>, vector<1x16xf32>,
        %parallel_loop3A_1179 = arith.constant 14 : i32
        %parallel_loop3A_1180 = arith.addi %parallel_loop3A_95, %parallel_loop3A_1179 : i32
        %parallel_loop3A_1181 = arith.constant 32 : i32
        %parallel_loop3A_1182 = arith.addi %parallel_loop3A_1142, %parallel_loop3A_1181 : i32
        %parallel_loop3A_1183 = arith.index_cast %parallel_loop3A_1180 : i32 to index
        %parallel_loop3A_1184 = arith.index_cast %parallel_loop3A_1182 : i32 to index
        %parallel_loop3A_1185 = tpu.vector_load %arg7[%parallel_loop3A_1183, %parallel_loop3A_1184] {strides = array<i32>} : memref<160x128xf32, #tpu.memory_space<vmem>>, vector<1x16xf32>,
        %parallel_loop3A_1186 = vector.shape_cast %parallel_loop3A_1185 : vector<1x16xf32> to vector<16xf32>
        %parallel_loop3A_1187 = arith.constant 8.000000e+00 : f32
        %parallel_loop3A_1188 = vector.broadcast %parallel_loop3A_1187 : f32 to vector<16xf32>
        %parallel_loop3A_1189 = arith.mulf %parallel_loop3A_1186, %parallel_loop3A_1188 : vector<16xf32>
        %parallel_loop3A_1190 = arith.constant 14 : i32
        %parallel_loop3A_1191 = arith.addi %parallel_loop3A_95, %parallel_loop3A_1190 : i32
        %parallel_loop3A_1192 = arith.index_cast %parallel_loop3A_1191 : i32 to index
        %parallel_loop3A_1193 = arith.constant 32 : index
        %parallel_loop3A_1194 = tpu.vector_load %arg9[%parallel_loop3A_1192, %parallel_loop3A_1193] {strides = array<i32>} : memref<160x64xf32, #tpu.memory_space<vmem>>, vector<1x16xf32>,
        %parallel_loop3A_1195 = vector.shape_cast %parallel_loop3A_1194 : vector<1x16xf32> to vector<16xf32>
        %parallel_loop3A_1196 = vector.shape_cast %parallel_loop3A_1189 : vector<16xf32> to vector<1x16xf32>
        tpu.vector_store %arg9[%parallel_loop3A_1192, %parallel_loop3A_1193], %parallel_loop3A_1196 {strides = array<i32>} : memref<160x64xf32, #tpu.memory_space<vmem>>, vector<1x16xf32>,
        %parallel_loop3A_1197 = arith.constant 14 : i32
        %parallel_loop3A_1198 = arith.addi %parallel_loop3A_95, %parallel_loop3A_1197 : i32
        %parallel_loop3A_1199 = arith.constant 48 : i32
        %parallel_loop3A_1200 = arith.addi %parallel_loop3A_1142, %parallel_loop3A_1199 : i32
        %parallel_loop3A_1201 = arith.index_cast %parallel_loop3A_1198 : i32 to index
        %parallel_loop3A_1202 = arith.index_cast %parallel_loop3A_1200 : i32 to index
        %parallel_loop3A_1203 = tpu.vector_load %arg7[%parallel_loop3A_1201, %parallel_loop3A_1202] {strides = array<i32>} : memref<160x128xf32, #tpu.memory_space<vmem>>, vector<1x16xf32>,
        %parallel_loop3A_1204 = vector.shape_cast %parallel_loop3A_1203 : vector<1x16xf32> to vector<16xf32>
        %parallel_loop3A_1205 = arith.constant 8.000000e+00 : f32
        %parallel_loop3A_1206 = vector.broadcast %parallel_loop3A_1205 : f32 to vector<16xf32>
        %parallel_loop3A_1207 = arith.mulf %parallel_loop3A_1204, %parallel_loop3A_1206 : vector<16xf32>
        %parallel_loop3A_1208 = arith.constant 14 : i32
        %parallel_loop3A_1209 = arith.addi %parallel_loop3A_95, %parallel_loop3A_1208 : i32
        %parallel_loop3A_1210 = arith.index_cast %parallel_loop3A_1209 : i32 to index
        %parallel_loop3A_1211 = arith.constant 48 : index
        %parallel_loop3A_1212 = tpu.vector_load %arg9[%parallel_loop3A_1210, %parallel_loop3A_1211] {strides = array<i32>} : memref<160x64xf32, #tpu.memory_space<vmem>>, vector<1x16xf32>,
        %parallel_loop3A_1213 = vector.shape_cast %parallel_loop3A_1212 : vector<1x16xf32> to vector<16xf32>
        %parallel_loop3A_1214 = vector.shape_cast %parallel_loop3A_1207 : vector<16xf32> to vector<1x16xf32>
        tpu.vector_store %arg9[%parallel_loop3A_1210, %parallel_loop3A_1211], %parallel_loop3A_1214 {strides = array<i32>} : memref<160x64xf32, #tpu.memory_space<vmem>>, vector<1x16xf32>,
        %parallel_loop3A_1215 = vector.extract_strided_slice %parallel_loop3A_104 {offsets = [15], sizes = [1], strides = [1]} : vector<16xi32> to vector<1xi32>
        %parallel_loop3A_1216 = vector.extract %parallel_loop3A_1215[0] : i32 from vector<1xi32>
        %parallel_loop3A_1217 = arith.constant 15 : i32
        %parallel_loop3A_1218 = arith.addi %parallel_loop3A_95, %parallel_loop3A_1217 : i32
        %parallel_loop3A_1219 = arith.constant 0 : i32
        %parallel_loop3A_1220 = arith.addi %parallel_loop3A_1216, %parallel_loop3A_1219 : i32
        %parallel_loop3A_1221 = arith.index_cast %parallel_loop3A_1218 : i32 to index
        %parallel_loop3A_1222 = arith.index_cast %parallel_loop3A_1220 : i32 to index
        %parallel_loop3A_1223 = tpu.vector_load %arg7[%parallel_loop3A_1221, %parallel_loop3A_1222] {strides = array<i32>} : memref<160x128xf32, #tpu.memory_space<vmem>>, vector<1x16xf32>,
        %parallel_loop3A_1224 = vector.shape_cast %parallel_loop3A_1223 : vector<1x16xf32> to vector<16xf32>
        %parallel_loop3A_1225 = arith.constant 8.000000e+00 : f32
        %parallel_loop3A_1226 = vector.broadcast %parallel_loop3A_1225 : f32 to vector<16xf32>
        %parallel_loop3A_1227 = arith.mulf %parallel_loop3A_1224, %parallel_loop3A_1226 : vector<16xf32>
        %parallel_loop3A_1228 = arith.constant 15 : i32
        %parallel_loop3A_1229 = arith.addi %parallel_loop3A_95, %parallel_loop3A_1228 : i32
        %parallel_loop3A_1230 = arith.index_cast %parallel_loop3A_1229 : i32 to index
        %parallel_loop3A_1231 = arith.constant 0 : index
        %parallel_loop3A_1232 = tpu.vector_load %arg9[%parallel_loop3A_1230, %parallel_loop3A_1231] {strides = array<i32>} : memref<160x64xf32, #tpu.memory_space<vmem>>, vector<1x16xf32>,
        %parallel_loop3A_1233 = vector.shape_cast %parallel_loop3A_1232 : vector<1x16xf32> to vector<16xf32>
        %parallel_loop3A_1234 = vector.shape_cast %parallel_loop3A_1227 : vector<16xf32> to vector<1x16xf32>
        tpu.vector_store %arg9[%parallel_loop3A_1230, %parallel_loop3A_1231], %parallel_loop3A_1234 {strides = array<i32>} : memref<160x64xf32, #tpu.memory_space<vmem>>, vector<1x16xf32>,
        %parallel_loop3A_1235 = arith.constant 15 : i32
        %parallel_loop3A_1236 = arith.addi %parallel_loop3A_95, %parallel_loop3A_1235 : i32
        %parallel_loop3A_1237 = arith.constant 16 : i32
        %parallel_loop3A_1238 = arith.addi %parallel_loop3A_1216, %parallel_loop3A_1237 : i32
        %parallel_loop3A_1239 = arith.index_cast %parallel_loop3A_1236 : i32 to index
        %parallel_loop3A_1240 = arith.index_cast %parallel_loop3A_1238 : i32 to index
        %parallel_loop3A_1241 = tpu.vector_load %arg7[%parallel_loop3A_1239, %parallel_loop3A_1240] {strides = array<i32>} : memref<160x128xf32, #tpu.memory_space<vmem>>, vector<1x16xf32>,
        %parallel_loop3A_1242 = vector.shape_cast %parallel_loop3A_1241 : vector<1x16xf32> to vector<16xf32>
        %parallel_loop3A_1243 = arith.constant 8.000000e+00 : f32
        %parallel_loop3A_1244 = vector.broadcast %parallel_loop3A_1243 : f32 to vector<16xf32>
        %parallel_loop3A_1245 = arith.mulf %parallel_loop3A_1242, %parallel_loop3A_1244 : vector<16xf32>
        %parallel_loop3A_1246 = arith.constant 15 : i32
        %parallel_loop3A_1247 = arith.addi %parallel_loop3A_95, %parallel_loop3A_1246 : i32
        %parallel_loop3A_1248 = arith.index_cast %parallel_loop3A_1247 : i32 to index
        %parallel_loop3A_1249 = arith.constant 16 : index
        %parallel_loop3A_1250 = tpu.vector_load %arg9[%parallel_loop3A_1248, %parallel_loop3A_1249] {strides = array<i32>} : memref<160x64xf32, #tpu.memory_space<vmem>>, vector<1x16xf32>,
        %parallel_loop3A_1251 = vector.shape_cast %parallel_loop3A_1250 : vector<1x16xf32> to vector<16xf32>
        %parallel_loop3A_1252 = vector.shape_cast %parallel_loop3A_1245 : vector<16xf32> to vector<1x16xf32>
        tpu.vector_store %arg9[%parallel_loop3A_1248, %parallel_loop3A_1249], %parallel_loop3A_1252 {strides = array<i32>} : memref<160x64xf32, #tpu.memory_space<vmem>>, vector<1x16xf32>,
        %parallel_loop3A_1253 = arith.constant 15 : i32
        %parallel_loop3A_1254 = arith.addi %parallel_loop3A_95, %parallel_loop3A_1253 : i32
        %parallel_loop3A_1255 = arith.constant 32 : i32
        %parallel_loop3A_1256 = arith.addi %parallel_loop3A_1216, %parallel_loop3A_1255 : i32
        %parallel_loop3A_1257 = arith.index_cast %parallel_loop3A_1254 : i32 to index
        %parallel_loop3A_1258 = arith.index_cast %parallel_loop3A_1256 : i32 to index
        %parallel_loop3A_1259 = tpu.vector_load %arg7[%parallel_loop3A_1257, %parallel_loop3A_1258] {strides = array<i32>} : memref<160x128xf32, #tpu.memory_space<vmem>>, vector<1x16xf32>,
        %parallel_loop3A_1260 = vector.shape_cast %parallel_loop3A_1259 : vector<1x16xf32> to vector<16xf32>
        %parallel_loop3A_1261 = arith.constant 8.000000e+00 : f32
        %parallel_loop3A_1262 = vector.broadcast %parallel_loop3A_1261 : f32 to vector<16xf32>
        %parallel_loop3A_1263 = arith.mulf %parallel_loop3A_1260, %parallel_loop3A_1262 : vector<16xf32>
        %parallel_loop3A_1264 = arith.constant 15 : i32
        %parallel_loop3A_1265 = arith.addi %parallel_loop3A_95, %parallel_loop3A_1264 : i32
        %parallel_loop3A_1266 = arith.index_cast %parallel_loop3A_1265 : i32 to index
        %parallel_loop3A_1267 = arith.constant 32 : index
        %parallel_loop3A_1268 = tpu.vector_load %arg9[%parallel_loop3A_1266, %parallel_loop3A_1267] {strides = array<i32>} : memref<160x64xf32, #tpu.memory_space<vmem>>, vector<1x16xf32>,
        %parallel_loop3A_1269 = vector.shape_cast %parallel_loop3A_1268 : vector<1x16xf32> to vector<16xf32>
        %parallel_loop3A_1270 = vector.shape_cast %parallel_loop3A_1263 : vector<16xf32> to vector<1x16xf32>
        tpu.vector_store %arg9[%parallel_loop3A_1266, %parallel_loop3A_1267], %parallel_loop3A_1270 {strides = array<i32>} : memref<160x64xf32, #tpu.memory_space<vmem>>, vector<1x16xf32>,
        %parallel_loop3A_1271 = arith.constant 15 : i32
        %parallel_loop3A_1272 = arith.addi %parallel_loop3A_95, %parallel_loop3A_1271 : i32
        %parallel_loop3A_1273 = arith.constant 48 : i32
        %parallel_loop3A_1274 = arith.addi %parallel_loop3A_1216, %parallel_loop3A_1273 : i32
        %parallel_loop3A_1275 = arith.index_cast %parallel_loop3A_1272 : i32 to index
        %parallel_loop3A_1276 = arith.index_cast %parallel_loop3A_1274 : i32 to index
        %parallel_loop3A_1277 = tpu.vector_load %arg7[%parallel_loop3A_1275, %parallel_loop3A_1276] {strides = array<i32>} : memref<160x128xf32, #tpu.memory_space<vmem>>, vector<1x16xf32>,
        %parallel_loop3A_1278 = vector.shape_cast %parallel_loop3A_1277 : vector<1x16xf32> to vector<16xf32>
        %parallel_loop3A_1279 = arith.constant 8.000000e+00 : f32
        %parallel_loop3A_1280 = vector.broadcast %parallel_loop3A_1279 : f32 to vector<16xf32>
        %parallel_loop3A_1281 = arith.mulf %parallel_loop3A_1278, %parallel_loop3A_1280 : vector<16xf32>
        %parallel_loop3A_1282 = arith.constant 15 : i32
        %parallel_loop3A_1283 = arith.addi %parallel_loop3A_95, %parallel_loop3A_1282 : i32
        %parallel_loop3A_1284 = arith.index_cast %parallel_loop3A_1283 : i32 to index
        %parallel_loop3A_1285 = arith.constant 48 : index
        %parallel_loop3A_1286 = tpu.vector_load %arg9[%parallel_loop3A_1284, %parallel_loop3A_1285] {strides = array<i32>} : memref<160x64xf32, #tpu.memory_space<vmem>>, vector<1x16xf32>,
        %parallel_loop3A_1287 = vector.shape_cast %parallel_loop3A_1286 : vector<1x16xf32> to vector<16xf32>
        %parallel_loop3A_1288 = vector.shape_cast %parallel_loop3A_1281 : vector<16xf32> to vector<1x16xf32>
        tpu.vector_store %arg9[%parallel_loop3A_1284, %parallel_loop3A_1285], %parallel_loop3A_1288 {strides = array<i32>} : memref<160x64xf32, #tpu.memory_space<vmem>>, vector<1x16xf32>,
      } {sc.loop_unroll_factor = 1 : i64, sc.parallel_access}
      %mul3A_55 = arith.constant 160 : i32
      %mul3A_56 = arith.muli %add3A_47, %mul3A_55 : i32
      %add3A_57 = arith.addi %mul3A_2, %mul3A_56 : i32
      %dma_start3A_58 = arith.constant 0 : i32
      %dma_start3A_59 = tpu.memref_slice %arg4[%add3A_57, %dma_start3A_58] : memref<819200x64xf32, #tpu.memory_space<hbm>> -> memref<160x64xf32, #tpu.memory_space<hbm>>
      %dma_start3A_60 = arith.constant 0 : i32
      %dma_start3A_61 = tpu.memref_slice %arg4[%add3A_57, %dma_start3A_60] : memref<819200x64xf32, #tpu.memory_space<hbm>> -> memref<160x64xf32, #tpu.memory_space<hbm>>
      tpu.enqueue_dma source(%arg9 : memref<160x64xf32, #tpu.memory_space<vmem>>) target(%dma_start3A_61 : memref<160x64xf32, #tpu.memory_space<hbm>>) target_semaphore(%arg15 : memref<!tpu.dma_semaphore, #tpu.memory_space<semaphore_mem>>)
      %add3A_62 = arith.constant 2 : i32
      %add3A_63 = arith.addi %add3A_47, %add3A_62 : i32
      %lt3A = arith.constant 160 : i32
      %lt3A_64 = arith.cmpi slt, %add3A_63, %lt3A : i32
      %convert_element_type3A_65 = arith.extui %lt3A_64 : i1 to i32
      %cond3A_66 = arith.constant 0 : i32
      %cond3A_67 = arith.cmpi ne, %convert_element_type3A_65, %cond3A_66 : i32
      scf.if %cond3A_67 {
        %add3A_95 = arith.constant 2 : i32
        %add3A_96 = arith.addi %add3A_47, %add3A_95 : i32
        %mul3A_97 = arith.constant 160 : i32
        %mul3A_98 = arith.muli %add3A_96, %mul3A_97 : i32
        %add3A_99 = arith.addi %mul3A_2, %mul3A_98 : i32
        %dma_start3A_100 = tpu.memref_slice %arg3[%add3A_99] : memref<819200xi32, #tpu.memory_space<hbm>> -> memref<160xi32, #tpu.memory_space<hbm>>
        %dma_start3A_101 = tpu.memref_slice %arg3[%add3A_99] : memref<819200xi32, #tpu.memory_space<hbm>> -> memref<160xi32, #tpu.memory_space<hbm>>
        tpu.enqueue_dma source(%dma_start3A_101 : memref<160xi32, #tpu.memory_space<hbm>>) target(%arg11 : memref<160xi32, #tpu.memory_space<vmem>>) target_semaphore(%arg17 : memref<!tpu.dma_semaphore, #tpu.memory_space<semaphore_mem>>)
        %dma_wait3A_102 = tpu.memref_slice %arg3[%mul3A_2] : memref<819200xi32, #tpu.memory_space<hbm>> -> memref<160xi32, #tpu.memory_space<hbm>>
        %dma_wait3A_103 = tpu.memref_slice %arg3[%mul3A_2] : memref<819200xi32, #tpu.memory_space<hbm>> -> memref<160xi32, #tpu.memory_space<hbm>>
        tpu.wait_dma2 semaphore(%arg17 : memref<!tpu.dma_semaphore, #tpu.memory_space<semaphore_mem>>) src(%dma_wait3A_103 : memref<160xi32, #tpu.memory_space<hbm>>) dst(%arg11 : memref<160xi32, #tpu.memory_space<vmem>>)
        %scan3A_104 = arith.constant 0 : i32
        %scan3A_105 = arith.constant 10 : i32
        %scan3A_106 = arith.addi %scan3A_104, %scan3A_105 : i32
        %scan3A_107 = arith.constant 1 : i32
        scf.for %scan3A_112 = %scan3A_104 to %scan3A_106 step %scan3A_107  : i32 {
          %mul3A_113 = arith.constant 16 : i32
          %mul3A_114 = arith.muli %scan3A_112, %mul3A_113 : i32
          %add3A_115 = arith.constant 0 : i32
          %add3A_116 = arith.addi %add3A_115, %mul3A_114 : i32
          %get3A = arith.index_cast %add3A_116 : i32 to index
          %get3A_117 = tpu.vector_load %arg11[%get3A] {strides = array<i32>} : memref<160xi32, #tpu.memory_space<vmem>>, vector<16xi32>,
          %get3A_118 = vector.shape_cast %get3A_117 : vector<16xi32> to vector<16xi32>
          %shift_right_logical3A = arith.constant 1 : i32
          %shift_right_logical3A_119 = vector.broadcast %shift_right_logical3A : i32 to vector<16xi32>
          %shift_right_logical3A_120 = arith.shrui %get3A_118, %shift_right_logical3A_119 : vector<16xi32>
          %swap3A = arith.index_cast %add3A_116 : i32 to index
          %swap3A_121 = tpu.vector_load %arg5[%swap3A] {strides = array<i32>} : memref<160xi32, #tpu.memory_space<vmem>>, vector<16xi32>,
          %swap3A_122 = vector.shape_cast %swap3A_121 : vector<16xi32> to vector<16xi32>
          %swap3A_123 = vector.shape_cast %shift_right_logical3A_120 : vector<16xi32> to vector<16xi32>
          tpu.vector_store %arg5[%swap3A], %swap3A_123 {strides = array<i32>} : memref<160xi32, #tpu.memory_space<vmem>>, vector<16xi32>,
        }
        %scan3A_108 = arith.constant 10 : i32
        %dma_start3A_109 = arith.constant 0 : i32
        %dma_start3A_110 = arith.constant 0 : i32
        %dma_start3A_111 = tpu.memref_slice %arg2[%dma_start3A_109, %dma_start3A_110] : memref<500000x128xf32, #tpu.memory_space<hbm>> -> memref<500000x128xf32, #tpu.memory_space<hbm>>
        tpu.enqueue_indirect_dma source(%dma_start3A_111 : memref<500000x128xf32, #tpu.memory_space<hbm>>) target(%arg7 : memref<160x128xf32, #tpu.memory_space<vmem>>) offsets(%arg5 : memref<160xi32, #tpu.memory_space<vmem>>) semaphore(%arg13 : memref<!tpu.dma_semaphore, #tpu.memory_space<semaphore_mem>>)
      } else {
      }
      %add3A_68 = arith.constant 1 : i32
      %add3A_69 = arith.addi %add3A_45, %add3A_68 : i32
      %dma_wait3A_70 = arith.constant 0 : i32
      %dma_wait3A_71 = arith.constant 0 : i32
      %dma_wait3A_72 = tpu.memref_slice %arg2[%dma_wait3A_70, %dma_wait3A_71] : memref<500000x128xf32, #tpu.memory_space<hbm>> -> memref<500000x128xf32, #tpu.memory_space<hbm>>
      tpu.wait_indirect_dma semaphore(%arg14 : memref<!tpu.dma_semaphore, #tpu.memory_space<semaphore_mem>>) src(%dma_wait3A_72 : memref<500000x128xf32, #tpu.memory_space<hbm>>) dst(%arg8 : memref<160x128xf32, #tpu.memory_space<vmem>>)
      %gt3A_73 = arith.constant 0 : i32
      %gt3A_74 = arith.cmpi sgt, %add3A_45, %gt3A_73 : i32
      %convert_element_type3A_75 = arith.extui %gt3A_74 : i1 to i32
      %cond3A_76 = arith.constant 0 : i32
      %cond3A_77 = arith.cmpi ne, %convert_element_type3A_75, %cond3A_76 : i32
      scf.if %cond3A_77 {
        %dma_wait3A_95 = arith.constant 0 : i32
        %dma_wait3A_96 = tpu.memref_slice %arg4[%mul3A_2, %dma_wait3A_95] : memref<819200x64xf32, #tpu.memory_space<hbm>> -> memref<160x64xf32, #tpu.memory_space<hbm>>
        %dma_wait3A_97 = arith.constant 0 : i32
        %dma_wait3A_98 = tpu.memref_slice %arg4[%mul3A_2, %dma_wait3A_97] : memref<819200x64xf32, #tpu.memory_space<hbm>> -> memref<160x64xf32, #tpu.memory_space<hbm>>
        tpu.wait_dma2 semaphore(%arg16 : memref<!tpu.dma_semaphore, #tpu.memory_space<semaphore_mem>>) src(%arg10 : memref<160x64xf32, #tpu.memory_space<vmem>>) dst(%dma_wait3A_98 : memref<160x64xf32, #tpu.memory_space<hbm>>)
      } else {
      }
      %parallel_loop3A_78 = arith.constant 0 : i32
      %parallel_loop3A_79 = arith.constant 160 : i32
      %parallel_loop3A_80 = arith.constant 16 : i32
      scf.for %parallel_loop3A_95 = %parallel_loop3A_78 to %parallel_loop3A_79 step %parallel_loop3A_80  : i32 {
        %parallel_loop3A_96 = arith.index_cast %parallel_loop3A_95 : i32 to index
        %parallel_loop3A_97 = tpu.vector_load %arg12[%parallel_loop3A_96] {strides = array<i32>} : memref<160xi32, #tpu.memory_space<vmem>>, vector<16xi32>,
        %parallel_loop3A_98 = vector.shape_cast %parallel_loop3A_97 : vector<16xi32> to vector<16xi32>
        %parallel_loop3A_99 = arith.constant 1 : i32
        %parallel_loop3A_100 = vector.broadcast %parallel_loop3A_99 : i32 to vector<16xi32>
        %parallel_loop3A_101 = arith.andi %parallel_loop3A_98, %parallel_loop3A_100 : vector<16xi32>
        %parallel_loop3A_102 = arith.constant 64 : i32
        %parallel_loop3A_103 = vector.broadcast %parallel_loop3A_102 : i32 to vector<16xi32>
        %parallel_loop3A_104 = arith.muli %parallel_loop3A_101, %parallel_loop3A_103 : vector<16xi32>
        %parallel_loop3A_105 = vector.extract_strided_slice %parallel_loop3A_104 {offsets = [0], sizes = [1], strides = [1]} : vector<16xi32> to vector<1xi32>
        %parallel_loop3A_106 = vector.extract %parallel_loop3A_105[0] : i32 from vector<1xi32>
        %parallel_loop3A_107 = arith.constant 0 : i32
        %parallel_loop3A_108 = arith.addi %parallel_loop3A_95, %parallel_loop3A_107 : i32
        %parallel_loop3A_109 = arith.constant 0 : i32
        %parallel_loop3A_110 = arith.addi %parallel_loop3A_106, %parallel_loop3A_109 : i32
        %parallel_loop3A_111 = arith.index_cast %parallel_loop3A_108 : i32 to index
        %parallel_loop3A_112 = arith.index_cast %parallel_loop3A_110 : i32 to index
        %parallel_loop3A_113 = tpu.vector_load %arg8[%parallel_loop3A_111, %parallel_loop3A_112] {strides = array<i32>} : memref<160x128xf32, #tpu.memory_space<vmem>>, vector<1x16xf32>,
        %parallel_loop3A_114 = vector.shape_cast %parallel_loop3A_113 : vector<1x16xf32> to vector<16xf32>
        %parallel_loop3A_115 = arith.constant 8.000000e+00 : f32
        %parallel_loop3A_116 = vector.broadcast %parallel_loop3A_115 : f32 to vector<16xf32>
        %parallel_loop3A_117 = arith.mulf %parallel_loop3A_114, %parallel_loop3A_116 : vector<16xf32>
        %parallel_loop3A_118 = arith.constant 0 : i32
        %parallel_loop3A_119 = arith.addi %parallel_loop3A_95, %parallel_loop3A_118 : i32
        %parallel_loop3A_120 = arith.index_cast %parallel_loop3A_119 : i32 to index
        %parallel_loop3A_121 = arith.constant 0 : index
        %parallel_loop3A_122 = tpu.vector_load %arg10[%parallel_loop3A_120, %parallel_loop3A_121] {strides = array<i32>} : memref<160x64xf32, #tpu.memory_space<vmem>>, vector<1x16xf32>,
        %parallel_loop3A_123 = vector.shape_cast %parallel_loop3A_122 : vector<1x16xf32> to vector<16xf32>
        %parallel_loop3A_124 = vector.shape_cast %parallel_loop3A_117 : vector<16xf32> to vector<1x16xf32>
        tpu.vector_store %arg10[%parallel_loop3A_120, %parallel_loop3A_121], %parallel_loop3A_124 {strides = array<i32>} : memref<160x64xf32, #tpu.memory_space<vmem>>, vector<1x16xf32>,
        %parallel_loop3A_125 = arith.constant 0 : i32
        %parallel_loop3A_126 = arith.addi %parallel_loop3A_95, %parallel_loop3A_125 : i32
        %parallel_loop3A_127 = arith.constant 16 : i32
        %parallel_loop3A_128 = arith.addi %parallel_loop3A_106, %parallel_loop3A_127 : i32
        %parallel_loop3A_129 = arith.index_cast %parallel_loop3A_126 : i32 to index
        %parallel_loop3A_130 = arith.index_cast %parallel_loop3A_128 : i32 to index
        %parallel_loop3A_131 = tpu.vector_load %arg8[%parallel_loop3A_129, %parallel_loop3A_130] {strides = array<i32>} : memref<160x128xf32, #tpu.memory_space<vmem>>, vector<1x16xf32>,
        %parallel_loop3A_132 = vector.shape_cast %parallel_loop3A_131 : vector<1x16xf32> to vector<16xf32>
        %parallel_loop3A_133 = arith.constant 8.000000e+00 : f32
        %parallel_loop3A_134 = vector.broadcast %parallel_loop3A_133 : f32 to vector<16xf32>
        %parallel_loop3A_135 = arith.mulf %parallel_loop3A_132, %parallel_loop3A_134 : vector<16xf32>
        %parallel_loop3A_136 = arith.constant 0 : i32
        %parallel_loop3A_137 = arith.addi %parallel_loop3A_95, %parallel_loop3A_136 : i32
        %parallel_loop3A_138 = arith.index_cast %parallel_loop3A_137 : i32 to index
        %parallel_loop3A_139 = arith.constant 16 : index
        %parallel_loop3A_140 = tpu.vector_load %arg10[%parallel_loop3A_138, %parallel_loop3A_139] {strides = array<i32>} : memref<160x64xf32, #tpu.memory_space<vmem>>, vector<1x16xf32>,
        %parallel_loop3A_141 = vector.shape_cast %parallel_loop3A_140 : vector<1x16xf32> to vector<16xf32>
        %parallel_loop3A_142 = vector.shape_cast %parallel_loop3A_135 : vector<16xf32> to vector<1x16xf32>
        tpu.vector_store %arg10[%parallel_loop3A_138, %parallel_loop3A_139], %parallel_loop3A_142 {strides = array<i32>} : memref<160x64xf32, #tpu.memory_space<vmem>>, vector<1x16xf32>,
        %parallel_loop3A_143 = arith.constant 0 : i32
        %parallel_loop3A_144 = arith.addi %parallel_loop3A_95, %parallel_loop3A_143 : i32
        %parallel_loop3A_145 = arith.constant 32 : i32
        %parallel_loop3A_146 = arith.addi %parallel_loop3A_106, %parallel_loop3A_145 : i32
        %parallel_loop3A_147 = arith.index_cast %parallel_loop3A_144 : i32 to index
        %parallel_loop3A_148 = arith.index_cast %parallel_loop3A_146 : i32 to index
        %parallel_loop3A_149 = tpu.vector_load %arg8[%parallel_loop3A_147, %parallel_loop3A_148] {strides = array<i32>} : memref<160x128xf32, #tpu.memory_space<vmem>>, vector<1x16xf32>,
        %parallel_loop3A_150 = vector.shape_cast %parallel_loop3A_149 : vector<1x16xf32> to vector<16xf32>
        %parallel_loop3A_151 = arith.constant 8.000000e+00 : f32
        %parallel_loop3A_152 = vector.broadcast %parallel_loop3A_151 : f32 to vector<16xf32>
        %parallel_loop3A_153 = arith.mulf %parallel_loop3A_150, %parallel_loop3A_152 : vector<16xf32>
        %parallel_loop3A_154 = arith.constant 0 : i32
        %parallel_loop3A_155 = arith.addi %parallel_loop3A_95, %parallel_loop3A_154 : i32
        %parallel_loop3A_156 = arith.index_cast %parallel_loop3A_155 : i32 to index
        %parallel_loop3A_157 = arith.constant 32 : index
        %parallel_loop3A_158 = tpu.vector_load %arg10[%parallel_loop3A_156, %parallel_loop3A_157] {strides = array<i32>} : memref<160x64xf32, #tpu.memory_space<vmem>>, vector<1x16xf32>,
        %parallel_loop3A_159 = vector.shape_cast %parallel_loop3A_158 : vector<1x16xf32> to vector<16xf32>
        %parallel_loop3A_160 = vector.shape_cast %parallel_loop3A_153 : vector<16xf32> to vector<1x16xf32>
        tpu.vector_store %arg10[%parallel_loop3A_156, %parallel_loop3A_157], %parallel_loop3A_160 {strides = array<i32>} : memref<160x64xf32, #tpu.memory_space<vmem>>, vector<1x16xf32>,
        %parallel_loop3A_161 = arith.constant 0 : i32
        %parallel_loop3A_162 = arith.addi %parallel_loop3A_95, %parallel_loop3A_161 : i32
        %parallel_loop3A_163 = arith.constant 48 : i32
        %parallel_loop3A_164 = arith.addi %parallel_loop3A_106, %parallel_loop3A_163 : i32
        %parallel_loop3A_165 = arith.index_cast %parallel_loop3A_162 : i32 to index
        %parallel_loop3A_166 = arith.index_cast %parallel_loop3A_164 : i32 to index
        %parallel_loop3A_167 = tpu.vector_load %arg8[%parallel_loop3A_165, %parallel_loop3A_166] {strides = array<i32>} : memref<160x128xf32, #tpu.memory_space<vmem>>, vector<1x16xf32>,
        %parallel_loop3A_168 = vector.shape_cast %parallel_loop3A_167 : vector<1x16xf32> to vector<16xf32>
        %parallel_loop3A_169 = arith.constant 8.000000e+00 : f32
        %parallel_loop3A_170 = vector.broadcast %parallel_loop3A_169 : f32 to vector<16xf32>
        %parallel_loop3A_171 = arith.mulf %parallel_loop3A_168, %parallel_loop3A_170 : vector<16xf32>
        %parallel_loop3A_172 = arith.constant 0 : i32
        %parallel_loop3A_173 = arith.addi %parallel_loop3A_95, %parallel_loop3A_172 : i32
        %parallel_loop3A_174 = arith.index_cast %parallel_loop3A_173 : i32 to index
        %parallel_loop3A_175 = arith.constant 48 : index
        %parallel_loop3A_176 = tpu.vector_load %arg10[%parallel_loop3A_174, %parallel_loop3A_175] {strides = array<i32>} : memref<160x64xf32, #tpu.memory_space<vmem>>, vector<1x16xf32>,
        %parallel_loop3A_177 = vector.shape_cast %parallel_loop3A_176 : vector<1x16xf32> to vector<16xf32>
        %parallel_loop3A_178 = vector.shape_cast %parallel_loop3A_171 : vector<16xf32> to vector<1x16xf32>
        tpu.vector_store %arg10[%parallel_loop3A_174, %parallel_loop3A_175], %parallel_loop3A_178 {strides = array<i32>} : memref<160x64xf32, #tpu.memory_space<vmem>>, vector<1x16xf32>,
        %parallel_loop3A_179 = vector.extract_strided_slice %parallel_loop3A_104 {offsets = [1], sizes = [1], strides = [1]} : vector<16xi32> to vector<1xi32>
        %parallel_loop3A_180 = vector.extract %parallel_loop3A_179[0] : i32 from vector<1xi32>
        %parallel_loop3A_181 = arith.constant 1 : i32
        %parallel_loop3A_182 = arith.addi %parallel_loop3A_95, %parallel_loop3A_181 : i32
        %parallel_loop3A_183 = arith.constant 0 : i32
        %parallel_loop3A_184 = arith.addi %parallel_loop3A_180, %parallel_loop3A_183 : i32
        %parallel_loop3A_185 = arith.index_cast %parallel_loop3A_182 : i32 to index
        %parallel_loop3A_186 = arith.index_cast %parallel_loop3A_184 : i32 to index
        %parallel_loop3A_187 = tpu.vector_load %arg8[%parallel_loop3A_185, %parallel_loop3A_186] {strides = array<i32>} : memref<160x128xf32, #tpu.memory_space<vmem>>, vector<1x16xf32>,
        %parallel_loop3A_188 = vector.shape_cast %parallel_loop3A_187 : vector<1x16xf32> to vector<16xf32>
        %parallel_loop3A_189 = arith.constant 8.000000e+00 : f32
        %parallel_loop3A_190 = vector.broadcast %parallel_loop3A_189 : f32 to vector<16xf32>
        %parallel_loop3A_191 = arith.mulf %parallel_loop3A_188, %parallel_loop3A_190 : vector<16xf32>
        %parallel_loop3A_192 = arith.constant 1 : i32
        %parallel_loop3A_193 = arith.addi %parallel_loop3A_95, %parallel_loop3A_192 : i32
        %parallel_loop3A_194 = arith.index_cast %parallel_loop3A_193 : i32 to index
        %parallel_loop3A_195 = arith.constant 0 : index
        %parallel_loop3A_196 = tpu.vector_load %arg10[%parallel_loop3A_194, %parallel_loop3A_195] {strides = array<i32>} : memref<160x64xf32, #tpu.memory_space<vmem>>, vector<1x16xf32>,
        %parallel_loop3A_197 = vector.shape_cast %parallel_loop3A_196 : vector<1x16xf32> to vector<16xf32>
        %parallel_loop3A_198 = vector.shape_cast %parallel_loop3A_191 : vector<16xf32> to vector<1x16xf32>
        tpu.vector_store %arg10[%parallel_loop3A_194, %parallel_loop3A_195], %parallel_loop3A_198 {strides = array<i32>} : memref<160x64xf32, #tpu.memory_space<vmem>>, vector<1x16xf32>,
        %parallel_loop3A_199 = arith.constant 1 : i32
        %parallel_loop3A_200 = arith.addi %parallel_loop3A_95, %parallel_loop3A_199 : i32
        %parallel_loop3A_201 = arith.constant 16 : i32
        %parallel_loop3A_202 = arith.addi %parallel_loop3A_180, %parallel_loop3A_201 : i32
        %parallel_loop3A_203 = arith.index_cast %parallel_loop3A_200 : i32 to index
        %parallel_loop3A_204 = arith.index_cast %parallel_loop3A_202 : i32 to index
        %parallel_loop3A_205 = tpu.vector_load %arg8[%parallel_loop3A_203, %parallel_loop3A_204] {strides = array<i32>} : memref<160x128xf32, #tpu.memory_space<vmem>>, vector<1x16xf32>,
        %parallel_loop3A_206 = vector.shape_cast %parallel_loop3A_205 : vector<1x16xf32> to vector<16xf32>
        %parallel_loop3A_207 = arith.constant 8.000000e+00 : f32
        %parallel_loop3A_208 = vector.broadcast %parallel_loop3A_207 : f32 to vector<16xf32>
        %parallel_loop3A_209 = arith.mulf %parallel_loop3A_206, %parallel_loop3A_208 : vector<16xf32>
        %parallel_loop3A_210 = arith.constant 1 : i32
        %parallel_loop3A_211 = arith.addi %parallel_loop3A_95, %parallel_loop3A_210 : i32
        %parallel_loop3A_212 = arith.index_cast %parallel_loop3A_211 : i32 to index
        %parallel_loop3A_213 = arith.constant 16 : index
        %parallel_loop3A_214 = tpu.vector_load %arg10[%parallel_loop3A_212, %parallel_loop3A_213] {strides = array<i32>} : memref<160x64xf32, #tpu.memory_space<vmem>>, vector<1x16xf32>,
        %parallel_loop3A_215 = vector.shape_cast %parallel_loop3A_214 : vector<1x16xf32> to vector<16xf32>
        %parallel_loop3A_216 = vector.shape_cast %parallel_loop3A_209 : vector<16xf32> to vector<1x16xf32>
        tpu.vector_store %arg10[%parallel_loop3A_212, %parallel_loop3A_213], %parallel_loop3A_216 {strides = array<i32>} : memref<160x64xf32, #tpu.memory_space<vmem>>, vector<1x16xf32>,
        %parallel_loop3A_217 = arith.constant 1 : i32
        %parallel_loop3A_218 = arith.addi %parallel_loop3A_95, %parallel_loop3A_217 : i32
        %parallel_loop3A_219 = arith.constant 32 : i32
        %parallel_loop3A_220 = arith.addi %parallel_loop3A_180, %parallel_loop3A_219 : i32
        %parallel_loop3A_221 = arith.index_cast %parallel_loop3A_218 : i32 to index
        %parallel_loop3A_222 = arith.index_cast %parallel_loop3A_220 : i32 to index
        %parallel_loop3A_223 = tpu.vector_load %arg8[%parallel_loop3A_221, %parallel_loop3A_222] {strides = array<i32>} : memref<160x128xf32, #tpu.memory_space<vmem>>, vector<1x16xf32>,
        %parallel_loop3A_224 = vector.shape_cast %parallel_loop3A_223 : vector<1x16xf32> to vector<16xf32>
        %parallel_loop3A_225 = arith.constant 8.000000e+00 : f32
        %parallel_loop3A_226 = vector.broadcast %parallel_loop3A_225 : f32 to vector<16xf32>
        %parallel_loop3A_227 = arith.mulf %parallel_loop3A_224, %parallel_loop3A_226 : vector<16xf32>
        %parallel_loop3A_228 = arith.constant 1 : i32
        %parallel_loop3A_229 = arith.addi %parallel_loop3A_95, %parallel_loop3A_228 : i32
        %parallel_loop3A_230 = arith.index_cast %parallel_loop3A_229 : i32 to index
        %parallel_loop3A_231 = arith.constant 32 : index
        %parallel_loop3A_232 = tpu.vector_load %arg10[%parallel_loop3A_230, %parallel_loop3A_231] {strides = array<i32>} : memref<160x64xf32, #tpu.memory_space<vmem>>, vector<1x16xf32>,
        %parallel_loop3A_233 = vector.shape_cast %parallel_loop3A_232 : vector<1x16xf32> to vector<16xf32>
        %parallel_loop3A_234 = vector.shape_cast %parallel_loop3A_227 : vector<16xf32> to vector<1x16xf32>
        tpu.vector_store %arg10[%parallel_loop3A_230, %parallel_loop3A_231], %parallel_loop3A_234 {strides = array<i32>} : memref<160x64xf32, #tpu.memory_space<vmem>>, vector<1x16xf32>,
        %parallel_loop3A_235 = arith.constant 1 : i32
        %parallel_loop3A_236 = arith.addi %parallel_loop3A_95, %parallel_loop3A_235 : i32
        %parallel_loop3A_237 = arith.constant 48 : i32
        %parallel_loop3A_238 = arith.addi %parallel_loop3A_180, %parallel_loop3A_237 : i32
        %parallel_loop3A_239 = arith.index_cast %parallel_loop3A_236 : i32 to index
        %parallel_loop3A_240 = arith.index_cast %parallel_loop3A_238 : i32 to index
        %parallel_loop3A_241 = tpu.vector_load %arg8[%parallel_loop3A_239, %parallel_loop3A_240] {strides = array<i32>} : memref<160x128xf32, #tpu.memory_space<vmem>>, vector<1x16xf32>,
        %parallel_loop3A_242 = vector.shape_cast %parallel_loop3A_241 : vector<1x16xf32> to vector<16xf32>
        %parallel_loop3A_243 = arith.constant 8.000000e+00 : f32
        %parallel_loop3A_244 = vector.broadcast %parallel_loop3A_243 : f32 to vector<16xf32>
        %parallel_loop3A_245 = arith.mulf %parallel_loop3A_242, %parallel_loop3A_244 : vector<16xf32>
        %parallel_loop3A_246 = arith.constant 1 : i32
        %parallel_loop3A_247 = arith.addi %parallel_loop3A_95, %parallel_loop3A_246 : i32
        %parallel_loop3A_248 = arith.index_cast %parallel_loop3A_247 : i32 to index
        %parallel_loop3A_249 = arith.constant 48 : index
        %parallel_loop3A_250 = tpu.vector_load %arg10[%parallel_loop3A_248, %parallel_loop3A_249] {strides = array<i32>} : memref<160x64xf32, #tpu.memory_space<vmem>>, vector<1x16xf32>,
        %parallel_loop3A_251 = vector.shape_cast %parallel_loop3A_250 : vector<1x16xf32> to vector<16xf32>
        %parallel_loop3A_252 = vector.shape_cast %parallel_loop3A_245 : vector<16xf32> to vector<1x16xf32>
        tpu.vector_store %arg10[%parallel_loop3A_248, %parallel_loop3A_249], %parallel_loop3A_252 {strides = array<i32>} : memref<160x64xf32, #tpu.memory_space<vmem>>, vector<1x16xf32>,
        %parallel_loop3A_253 = vector.extract_strided_slice %parallel_loop3A_104 {offsets = [2], sizes = [1], strides = [1]} : vector<16xi32> to vector<1xi32>
        %parallel_loop3A_254 = vector.extract %parallel_loop3A_253[0] : i32 from vector<1xi32>
        %parallel_loop3A_255 = arith.constant 2 : i32
        %parallel_loop3A_256 = arith.addi %parallel_loop3A_95, %parallel_loop3A_255 : i32
        %parallel_loop3A_257 = arith.constant 0 : i32
        %parallel_loop3A_258 = arith.addi %parallel_loop3A_254, %parallel_loop3A_257 : i32
        %parallel_loop3A_259 = arith.index_cast %parallel_loop3A_256 : i32 to index
        %parallel_loop3A_260 = arith.index_cast %parallel_loop3A_258 : i32 to index
        %parallel_loop3A_261 = tpu.vector_load %arg8[%parallel_loop3A_259, %parallel_loop3A_260] {strides = array<i32>} : memref<160x128xf32, #tpu.memory_space<vmem>>, vector<1x16xf32>,
        %parallel_loop3A_262 = vector.shape_cast %parallel_loop3A_261 : vector<1x16xf32> to vector<16xf32>
        %parallel_loop3A_263 = arith.constant 8.000000e+00 : f32
        %parallel_loop3A_264 = vector.broadcast %parallel_loop3A_263 : f32 to vector<16xf32>
        %parallel_loop3A_265 = arith.mulf %parallel_loop3A_262, %parallel_loop3A_264 : vector<16xf32>
        %parallel_loop3A_266 = arith.constant 2 : i32
        %parallel_loop3A_267 = arith.addi %parallel_loop3A_95, %parallel_loop3A_266 : i32
        %parallel_loop3A_268 = arith.index_cast %parallel_loop3A_267 : i32 to index
        %parallel_loop3A_269 = arith.constant 0 : index
        %parallel_loop3A_270 = tpu.vector_load %arg10[%parallel_loop3A_268, %parallel_loop3A_269] {strides = array<i32>} : memref<160x64xf32, #tpu.memory_space<vmem>>, vector<1x16xf32>,
        %parallel_loop3A_271 = vector.shape_cast %parallel_loop3A_270 : vector<1x16xf32> to vector<16xf32>
        %parallel_loop3A_272 = vector.shape_cast %parallel_loop3A_265 : vector<16xf32> to vector<1x16xf32>
        tpu.vector_store %arg10[%parallel_loop3A_268, %parallel_loop3A_269], %parallel_loop3A_272 {strides = array<i32>} : memref<160x64xf32, #tpu.memory_space<vmem>>, vector<1x16xf32>,
        %parallel_loop3A_273 = arith.constant 2 : i32
        %parallel_loop3A_274 = arith.addi %parallel_loop3A_95, %parallel_loop3A_273 : i32
        %parallel_loop3A_275 = arith.constant 16 : i32
        %parallel_loop3A_276 = arith.addi %parallel_loop3A_254, %parallel_loop3A_275 : i32
        %parallel_loop3A_277 = arith.index_cast %parallel_loop3A_274 : i32 to index
        %parallel_loop3A_278 = arith.index_cast %parallel_loop3A_276 : i32 to index
        %parallel_loop3A_279 = tpu.vector_load %arg8[%parallel_loop3A_277, %parallel_loop3A_278] {strides = array<i32>} : memref<160x128xf32, #tpu.memory_space<vmem>>, vector<1x16xf32>,
        %parallel_loop3A_280 = vector.shape_cast %parallel_loop3A_279 : vector<1x16xf32> to vector<16xf32>
        %parallel_loop3A_281 = arith.constant 8.000000e+00 : f32
        %parallel_loop3A_282 = vector.broadcast %parallel_loop3A_281 : f32 to vector<16xf32>
        %parallel_loop3A_283 = arith.mulf %parallel_loop3A_280, %parallel_loop3A_282 : vector<16xf32>
        %parallel_loop3A_284 = arith.constant 2 : i32
        %parallel_loop3A_285 = arith.addi %parallel_loop3A_95, %parallel_loop3A_284 : i32
        %parallel_loop3A_286 = arith.index_cast %parallel_loop3A_285 : i32 to index
        %parallel_loop3A_287 = arith.constant 16 : index
        %parallel_loop3A_288 = tpu.vector_load %arg10[%parallel_loop3A_286, %parallel_loop3A_287] {strides = array<i32>} : memref<160x64xf32, #tpu.memory_space<vmem>>, vector<1x16xf32>,
        %parallel_loop3A_289 = vector.shape_cast %parallel_loop3A_288 : vector<1x16xf32> to vector<16xf32>
        %parallel_loop3A_290 = vector.shape_cast %parallel_loop3A_283 : vector<16xf32> to vector<1x16xf32>
        tpu.vector_store %arg10[%parallel_loop3A_286, %parallel_loop3A_287], %parallel_loop3A_290 {strides = array<i32>} : memref<160x64xf32, #tpu.memory_space<vmem>>, vector<1x16xf32>,
        %parallel_loop3A_291 = arith.constant 2 : i32
        %parallel_loop3A_292 = arith.addi %parallel_loop3A_95, %parallel_loop3A_291 : i32
        %parallel_loop3A_293 = arith.constant 32 : i32
        %parallel_loop3A_294 = arith.addi %parallel_loop3A_254, %parallel_loop3A_293 : i32
        %parallel_loop3A_295 = arith.index_cast %parallel_loop3A_292 : i32 to index
        %parallel_loop3A_296 = arith.index_cast %parallel_loop3A_294 : i32 to index
        %parallel_loop3A_297 = tpu.vector_load %arg8[%parallel_loop3A_295, %parallel_loop3A_296] {strides = array<i32>} : memref<160x128xf32, #tpu.memory_space<vmem>>, vector<1x16xf32>,
        %parallel_loop3A_298 = vector.shape_cast %parallel_loop3A_297 : vector<1x16xf32> to vector<16xf32>
        %parallel_loop3A_299 = arith.constant 8.000000e+00 : f32
        %parallel_loop3A_300 = vector.broadcast %parallel_loop3A_299 : f32 to vector<16xf32>
        %parallel_loop3A_301 = arith.mulf %parallel_loop3A_298, %parallel_loop3A_300 : vector<16xf32>
        %parallel_loop3A_302 = arith.constant 2 : i32
        %parallel_loop3A_303 = arith.addi %parallel_loop3A_95, %parallel_loop3A_302 : i32
        %parallel_loop3A_304 = arith.index_cast %parallel_loop3A_303 : i32 to index
        %parallel_loop3A_305 = arith.constant 32 : index
        %parallel_loop3A_306 = tpu.vector_load %arg10[%parallel_loop3A_304, %parallel_loop3A_305] {strides = array<i32>} : memref<160x64xf32, #tpu.memory_space<vmem>>, vector<1x16xf32>,
        %parallel_loop3A_307 = vector.shape_cast %parallel_loop3A_306 : vector<1x16xf32> to vector<16xf32>
        %parallel_loop3A_308 = vector.shape_cast %parallel_loop3A_301 : vector<16xf32> to vector<1x16xf32>
        tpu.vector_store %arg10[%parallel_loop3A_304, %parallel_loop3A_305], %parallel_loop3A_308 {strides = array<i32>} : memref<160x64xf32, #tpu.memory_space<vmem>>, vector<1x16xf32>,
        %parallel_loop3A_309 = arith.constant 2 : i32
        %parallel_loop3A_310 = arith.addi %parallel_loop3A_95, %parallel_loop3A_309 : i32
        %parallel_loop3A_311 = arith.constant 48 : i32
        %parallel_loop3A_312 = arith.addi %parallel_loop3A_254, %parallel_loop3A_311 : i32
        %parallel_loop3A_313 = arith.index_cast %parallel_loop3A_310 : i32 to index
        %parallel_loop3A_314 = arith.index_cast %parallel_loop3A_312 : i32 to index
        %parallel_loop3A_315 = tpu.vector_load %arg8[%parallel_loop3A_313, %parallel_loop3A_314] {strides = array<i32>} : memref<160x128xf32, #tpu.memory_space<vmem>>, vector<1x16xf32>,
        %parallel_loop3A_316 = vector.shape_cast %parallel_loop3A_315 : vector<1x16xf32> to vector<16xf32>
        %parallel_loop3A_317 = arith.constant 8.000000e+00 : f32
        %parallel_loop3A_318 = vector.broadcast %parallel_loop3A_317 : f32 to vector<16xf32>
        %parallel_loop3A_319 = arith.mulf %parallel_loop3A_316, %parallel_loop3A_318 : vector<16xf32>
        %parallel_loop3A_320 = arith.constant 2 : i32
        %parallel_loop3A_321 = arith.addi %parallel_loop3A_95, %parallel_loop3A_320 : i32
        %parallel_loop3A_322 = arith.index_cast %parallel_loop3A_321 : i32 to index
        %parallel_loop3A_323 = arith.constant 48 : index
        %parallel_loop3A_324 = tpu.vector_load %arg10[%parallel_loop3A_322, %parallel_loop3A_323] {strides = array<i32>} : memref<160x64xf32, #tpu.memory_space<vmem>>, vector<1x16xf32>,
        %parallel_loop3A_325 = vector.shape_cast %parallel_loop3A_324 : vector<1x16xf32> to vector<16xf32>
        %parallel_loop3A_326 = vector.shape_cast %parallel_loop3A_319 : vector<16xf32> to vector<1x16xf32>
        tpu.vector_store %arg10[%parallel_loop3A_322, %parallel_loop3A_323], %parallel_loop3A_326 {strides = array<i32>} : memref<160x64xf32, #tpu.memory_space<vmem>>, vector<1x16xf32>,
        %parallel_loop3A_327 = vector.extract_strided_slice %parallel_loop3A_104 {offsets = [3], sizes = [1], strides = [1]} : vector<16xi32> to vector<1xi32>
        %parallel_loop3A_328 = vector.extract %parallel_loop3A_327[0] : i32 from vector<1xi32>
        %parallel_loop3A_329 = arith.constant 3 : i32
        %parallel_loop3A_330 = arith.addi %parallel_loop3A_95, %parallel_loop3A_329 : i32
        %parallel_loop3A_331 = arith.constant 0 : i32
        %parallel_loop3A_332 = arith.addi %parallel_loop3A_328, %parallel_loop3A_331 : i32
        %parallel_loop3A_333 = arith.index_cast %parallel_loop3A_330 : i32 to index
        %parallel_loop3A_334 = arith.index_cast %parallel_loop3A_332 : i32 to index
        %parallel_loop3A_335 = tpu.vector_load %arg8[%parallel_loop3A_333, %parallel_loop3A_334] {strides = array<i32>} : memref<160x128xf32, #tpu.memory_space<vmem>>, vector<1x16xf32>,
        %parallel_loop3A_336 = vector.shape_cast %parallel_loop3A_335 : vector<1x16xf32> to vector<16xf32>
        %parallel_loop3A_337 = arith.constant 8.000000e+00 : f32
        %parallel_loop3A_338 = vector.broadcast %parallel_loop3A_337 : f32 to vector<16xf32>
        %parallel_loop3A_339 = arith.mulf %parallel_loop3A_336, %parallel_loop3A_338 : vector<16xf32>
        %parallel_loop3A_340 = arith.constant 3 : i32
        %parallel_loop3A_341 = arith.addi %parallel_loop3A_95, %parallel_loop3A_340 : i32
        %parallel_loop3A_342 = arith.index_cast %parallel_loop3A_341 : i32 to index
        %parallel_loop3A_343 = arith.constant 0 : index
        %parallel_loop3A_344 = tpu.vector_load %arg10[%parallel_loop3A_342, %parallel_loop3A_343] {strides = array<i32>} : memref<160x64xf32, #tpu.memory_space<vmem>>, vector<1x16xf32>,
        %parallel_loop3A_345 = vector.shape_cast %parallel_loop3A_344 : vector<1x16xf32> to vector<16xf32>
        %parallel_loop3A_346 = vector.shape_cast %parallel_loop3A_339 : vector<16xf32> to vector<1x16xf32>
        tpu.vector_store %arg10[%parallel_loop3A_342, %parallel_loop3A_343], %parallel_loop3A_346 {strides = array<i32>} : memref<160x64xf32, #tpu.memory_space<vmem>>, vector<1x16xf32>,
        %parallel_loop3A_347 = arith.constant 3 : i32
        %parallel_loop3A_348 = arith.addi %parallel_loop3A_95, %parallel_loop3A_347 : i32
        %parallel_loop3A_349 = arith.constant 16 : i32
        %parallel_loop3A_350 = arith.addi %parallel_loop3A_328, %parallel_loop3A_349 : i32
        %parallel_loop3A_351 = arith.index_cast %parallel_loop3A_348 : i32 to index
        %parallel_loop3A_352 = arith.index_cast %parallel_loop3A_350 : i32 to index
        %parallel_loop3A_353 = tpu.vector_load %arg8[%parallel_loop3A_351, %parallel_loop3A_352] {strides = array<i32>} : memref<160x128xf32, #tpu.memory_space<vmem>>, vector<1x16xf32>,
        %parallel_loop3A_354 = vector.shape_cast %parallel_loop3A_353 : vector<1x16xf32> to vector<16xf32>
        %parallel_loop3A_355 = arith.constant 8.000000e+00 : f32
        %parallel_loop3A_356 = vector.broadcast %parallel_loop3A_355 : f32 to vector<16xf32>
        %parallel_loop3A_357 = arith.mulf %parallel_loop3A_354, %parallel_loop3A_356 : vector<16xf32>
        %parallel_loop3A_358 = arith.constant 3 : i32
        %parallel_loop3A_359 = arith.addi %parallel_loop3A_95, %parallel_loop3A_358 : i32
        %parallel_loop3A_360 = arith.index_cast %parallel_loop3A_359 : i32 to index
        %parallel_loop3A_361 = arith.constant 16 : index
        %parallel_loop3A_362 = tpu.vector_load %arg10[%parallel_loop3A_360, %parallel_loop3A_361] {strides = array<i32>} : memref<160x64xf32, #tpu.memory_space<vmem>>, vector<1x16xf32>,
        %parallel_loop3A_363 = vector.shape_cast %parallel_loop3A_362 : vector<1x16xf32> to vector<16xf32>
        %parallel_loop3A_364 = vector.shape_cast %parallel_loop3A_357 : vector<16xf32> to vector<1x16xf32>
        tpu.vector_store %arg10[%parallel_loop3A_360, %parallel_loop3A_361], %parallel_loop3A_364 {strides = array<i32>} : memref<160x64xf32, #tpu.memory_space<vmem>>, vector<1x16xf32>,
        %parallel_loop3A_365 = arith.constant 3 : i32
        %parallel_loop3A_366 = arith.addi %parallel_loop3A_95, %parallel_loop3A_365 : i32
        %parallel_loop3A_367 = arith.constant 32 : i32
        %parallel_loop3A_368 = arith.addi %parallel_loop3A_328, %parallel_loop3A_367 : i32
        %parallel_loop3A_369 = arith.index_cast %parallel_loop3A_366 : i32 to index
        %parallel_loop3A_370 = arith.index_cast %parallel_loop3A_368 : i32 to index
        %parallel_loop3A_371 = tpu.vector_load %arg8[%parallel_loop3A_369, %parallel_loop3A_370] {strides = array<i32>} : memref<160x128xf32, #tpu.memory_space<vmem>>, vector<1x16xf32>,
        %parallel_loop3A_372 = vector.shape_cast %parallel_loop3A_371 : vector<1x16xf32> to vector<16xf32>
        %parallel_loop3A_373 = arith.constant 8.000000e+00 : f32
        %parallel_loop3A_374 = vector.broadcast %parallel_loop3A_373 : f32 to vector<16xf32>
        %parallel_loop3A_375 = arith.mulf %parallel_loop3A_372, %parallel_loop3A_374 : vector<16xf32>
        %parallel_loop3A_376 = arith.constant 3 : i32
        %parallel_loop3A_377 = arith.addi %parallel_loop3A_95, %parallel_loop3A_376 : i32
        %parallel_loop3A_378 = arith.index_cast %parallel_loop3A_377 : i32 to index
        %parallel_loop3A_379 = arith.constant 32 : index
        %parallel_loop3A_380 = tpu.vector_load %arg10[%parallel_loop3A_378, %parallel_loop3A_379] {strides = array<i32>} : memref<160x64xf32, #tpu.memory_space<vmem>>, vector<1x16xf32>,
        %parallel_loop3A_381 = vector.shape_cast %parallel_loop3A_380 : vector<1x16xf32> to vector<16xf32>
        %parallel_loop3A_382 = vector.shape_cast %parallel_loop3A_375 : vector<16xf32> to vector<1x16xf32>
        tpu.vector_store %arg10[%parallel_loop3A_378, %parallel_loop3A_379], %parallel_loop3A_382 {strides = array<i32>} : memref<160x64xf32, #tpu.memory_space<vmem>>, vector<1x16xf32>,
        %parallel_loop3A_383 = arith.constant 3 : i32
        %parallel_loop3A_384 = arith.addi %parallel_loop3A_95, %parallel_loop3A_383 : i32
        %parallel_loop3A_385 = arith.constant 48 : i32
        %parallel_loop3A_386 = arith.addi %parallel_loop3A_328, %parallel_loop3A_385 : i32
        %parallel_loop3A_387 = arith.index_cast %parallel_loop3A_384 : i32 to index
        %parallel_loop3A_388 = arith.index_cast %parallel_loop3A_386 : i32 to index
        %parallel_loop3A_389 = tpu.vector_load %arg8[%parallel_loop3A_387, %parallel_loop3A_388] {strides = array<i32>} : memref<160x128xf32, #tpu.memory_space<vmem>>, vector<1x16xf32>,
        %parallel_loop3A_390 = vector.shape_cast %parallel_loop3A_389 : vector<1x16xf32> to vector<16xf32>
        %parallel_loop3A_391 = arith.constant 8.000000e+00 : f32
        %parallel_loop3A_392 = vector.broadcast %parallel_loop3A_391 : f32 to vector<16xf32>
        %parallel_loop3A_393 = arith.mulf %parallel_loop3A_390, %parallel_loop3A_392 : vector<16xf32>
        %parallel_loop3A_394 = arith.constant 3 : i32
        %parallel_loop3A_395 = arith.addi %parallel_loop3A_95, %parallel_loop3A_394 : i32
        %parallel_loop3A_396 = arith.index_cast %parallel_loop3A_395 : i32 to index
        %parallel_loop3A_397 = arith.constant 48 : index
        %parallel_loop3A_398 = tpu.vector_load %arg10[%parallel_loop3A_396, %parallel_loop3A_397] {strides = array<i32>} : memref<160x64xf32, #tpu.memory_space<vmem>>, vector<1x16xf32>,
        %parallel_loop3A_399 = vector.shape_cast %parallel_loop3A_398 : vector<1x16xf32> to vector<16xf32>
        %parallel_loop3A_400 = vector.shape_cast %parallel_loop3A_393 : vector<16xf32> to vector<1x16xf32>
        tpu.vector_store %arg10[%parallel_loop3A_396, %parallel_loop3A_397], %parallel_loop3A_400 {strides = array<i32>} : memref<160x64xf32, #tpu.memory_space<vmem>>, vector<1x16xf32>,
        %parallel_loop3A_401 = vector.extract_strided_slice %parallel_loop3A_104 {offsets = [4], sizes = [1], strides = [1]} : vector<16xi32> to vector<1xi32>
        %parallel_loop3A_402 = vector.extract %parallel_loop3A_401[0] : i32 from vector<1xi32>
        %parallel_loop3A_403 = arith.constant 4 : i32
        %parallel_loop3A_404 = arith.addi %parallel_loop3A_95, %parallel_loop3A_403 : i32
        %parallel_loop3A_405 = arith.constant 0 : i32
        %parallel_loop3A_406 = arith.addi %parallel_loop3A_402, %parallel_loop3A_405 : i32
        %parallel_loop3A_407 = arith.index_cast %parallel_loop3A_404 : i32 to index
        %parallel_loop3A_408 = arith.index_cast %parallel_loop3A_406 : i32 to index
        %parallel_loop3A_409 = tpu.vector_load %arg8[%parallel_loop3A_407, %parallel_loop3A_408] {strides = array<i32>} : memref<160x128xf32, #tpu.memory_space<vmem>>, vector<1x16xf32>,
        %parallel_loop3A_410 = vector.shape_cast %parallel_loop3A_409 : vector<1x16xf32> to vector<16xf32>
        %parallel_loop3A_411 = arith.constant 8.000000e+00 : f32
        %parallel_loop3A_412 = vector.broadcast %parallel_loop3A_411 : f32 to vector<16xf32>
        %parallel_loop3A_413 = arith.mulf %parallel_loop3A_410, %parallel_loop3A_412 : vector<16xf32>
        %parallel_loop3A_414 = arith.constant 4 : i32
        %parallel_loop3A_415 = arith.addi %parallel_loop3A_95, %parallel_loop3A_414 : i32
        %parallel_loop3A_416 = arith.index_cast %parallel_loop3A_415 : i32 to index
        %parallel_loop3A_417 = arith.constant 0 : index
        %parallel_loop3A_418 = tpu.vector_load %arg10[%parallel_loop3A_416, %parallel_loop3A_417] {strides = array<i32>} : memref<160x64xf32, #tpu.memory_space<vmem>>, vector<1x16xf32>,
        %parallel_loop3A_419 = vector.shape_cast %parallel_loop3A_418 : vector<1x16xf32> to vector<16xf32>
        %parallel_loop3A_420 = vector.shape_cast %parallel_loop3A_413 : vector<16xf32> to vector<1x16xf32>
        tpu.vector_store %arg10[%parallel_loop3A_416, %parallel_loop3A_417], %parallel_loop3A_420 {strides = array<i32>} : memref<160x64xf32, #tpu.memory_space<vmem>>, vector<1x16xf32>,
        %parallel_loop3A_421 = arith.constant 4 : i32
        %parallel_loop3A_422 = arith.addi %parallel_loop3A_95, %parallel_loop3A_421 : i32
        %parallel_loop3A_423 = arith.constant 16 : i32
        %parallel_loop3A_424 = arith.addi %parallel_loop3A_402, %parallel_loop3A_423 : i32
        %parallel_loop3A_425 = arith.index_cast %parallel_loop3A_422 : i32 to index
        %parallel_loop3A_426 = arith.index_cast %parallel_loop3A_424 : i32 to index
        %parallel_loop3A_427 = tpu.vector_load %arg8[%parallel_loop3A_425, %parallel_loop3A_426] {strides = array<i32>} : memref<160x128xf32, #tpu.memory_space<vmem>>, vector<1x16xf32>,
        %parallel_loop3A_428 = vector.shape_cast %parallel_loop3A_427 : vector<1x16xf32> to vector<16xf32>
        %parallel_loop3A_429 = arith.constant 8.000000e+00 : f32
        %parallel_loop3A_430 = vector.broadcast %parallel_loop3A_429 : f32 to vector<16xf32>
        %parallel_loop3A_431 = arith.mulf %parallel_loop3A_428, %parallel_loop3A_430 : vector<16xf32>
        %parallel_loop3A_432 = arith.constant 4 : i32
        %parallel_loop3A_433 = arith.addi %parallel_loop3A_95, %parallel_loop3A_432 : i32
        %parallel_loop3A_434 = arith.index_cast %parallel_loop3A_433 : i32 to index
        %parallel_loop3A_435 = arith.constant 16 : index
        %parallel_loop3A_436 = tpu.vector_load %arg10[%parallel_loop3A_434, %parallel_loop3A_435] {strides = array<i32>} : memref<160x64xf32, #tpu.memory_space<vmem>>, vector<1x16xf32>,
        %parallel_loop3A_437 = vector.shape_cast %parallel_loop3A_436 : vector<1x16xf32> to vector<16xf32>
        %parallel_loop3A_438 = vector.shape_cast %parallel_loop3A_431 : vector<16xf32> to vector<1x16xf32>
        tpu.vector_store %arg10[%parallel_loop3A_434, %parallel_loop3A_435], %parallel_loop3A_438 {strides = array<i32>} : memref<160x64xf32, #tpu.memory_space<vmem>>, vector<1x16xf32>,
        %parallel_loop3A_439 = arith.constant 4 : i32
        %parallel_loop3A_440 = arith.addi %parallel_loop3A_95, %parallel_loop3A_439 : i32
        %parallel_loop3A_441 = arith.constant 32 : i32
        %parallel_loop3A_442 = arith.addi %parallel_loop3A_402, %parallel_loop3A_441 : i32
        %parallel_loop3A_443 = arith.index_cast %parallel_loop3A_440 : i32 to index
        %parallel_loop3A_444 = arith.index_cast %parallel_loop3A_442 : i32 to index
        %parallel_loop3A_445 = tpu.vector_load %arg8[%parallel_loop3A_443, %parallel_loop3A_444] {strides = array<i32>} : memref<160x128xf32, #tpu.memory_space<vmem>>, vector<1x16xf32>,
        %parallel_loop3A_446 = vector.shape_cast %parallel_loop3A_445 : vector<1x16xf32> to vector<16xf32>
        %parallel_loop3A_447 = arith.constant 8.000000e+00 : f32
        %parallel_loop3A_448 = vector.broadcast %parallel_loop3A_447 : f32 to vector<16xf32>
        %parallel_loop3A_449 = arith.mulf %parallel_loop3A_446, %parallel_loop3A_448 : vector<16xf32>
        %parallel_loop3A_450 = arith.constant 4 : i32
        %parallel_loop3A_451 = arith.addi %parallel_loop3A_95, %parallel_loop3A_450 : i32
        %parallel_loop3A_452 = arith.index_cast %parallel_loop3A_451 : i32 to index
        %parallel_loop3A_453 = arith.constant 32 : index
        %parallel_loop3A_454 = tpu.vector_load %arg10[%parallel_loop3A_452, %parallel_loop3A_453] {strides = array<i32>} : memref<160x64xf32, #tpu.memory_space<vmem>>, vector<1x16xf32>,
        %parallel_loop3A_455 = vector.shape_cast %parallel_loop3A_454 : vector<1x16xf32> to vector<16xf32>
        %parallel_loop3A_456 = vector.shape_cast %parallel_loop3A_449 : vector<16xf32> to vector<1x16xf32>
        tpu.vector_store %arg10[%parallel_loop3A_452, %parallel_loop3A_453], %parallel_loop3A_456 {strides = array<i32>} : memref<160x64xf32, #tpu.memory_space<vmem>>, vector<1x16xf32>,
        %parallel_loop3A_457 = arith.constant 4 : i32
        %parallel_loop3A_458 = arith.addi %parallel_loop3A_95, %parallel_loop3A_457 : i32
        %parallel_loop3A_459 = arith.constant 48 : i32
        %parallel_loop3A_460 = arith.addi %parallel_loop3A_402, %parallel_loop3A_459 : i32
        %parallel_loop3A_461 = arith.index_cast %parallel_loop3A_458 : i32 to index
        %parallel_loop3A_462 = arith.index_cast %parallel_loop3A_460 : i32 to index
        %parallel_loop3A_463 = tpu.vector_load %arg8[%parallel_loop3A_461, %parallel_loop3A_462] {strides = array<i32>} : memref<160x128xf32, #tpu.memory_space<vmem>>, vector<1x16xf32>,
        %parallel_loop3A_464 = vector.shape_cast %parallel_loop3A_463 : vector<1x16xf32> to vector<16xf32>
        %parallel_loop3A_465 = arith.constant 8.000000e+00 : f32
        %parallel_loop3A_466 = vector.broadcast %parallel_loop3A_465 : f32 to vector<16xf32>
        %parallel_loop3A_467 = arith.mulf %parallel_loop3A_464, %parallel_loop3A_466 : vector<16xf32>
        %parallel_loop3A_468 = arith.constant 4 : i32
        %parallel_loop3A_469 = arith.addi %parallel_loop3A_95, %parallel_loop3A_468 : i32
        %parallel_loop3A_470 = arith.index_cast %parallel_loop3A_469 : i32 to index
        %parallel_loop3A_471 = arith.constant 48 : index
        %parallel_loop3A_472 = tpu.vector_load %arg10[%parallel_loop3A_470, %parallel_loop3A_471] {strides = array<i32>} : memref<160x64xf32, #tpu.memory_space<vmem>>, vector<1x16xf32>,
        %parallel_loop3A_473 = vector.shape_cast %parallel_loop3A_472 : vector<1x16xf32> to vector<16xf32>
        %parallel_loop3A_474 = vector.shape_cast %parallel_loop3A_467 : vector<16xf32> to vector<1x16xf32>
        tpu.vector_store %arg10[%parallel_loop3A_470, %parallel_loop3A_471], %parallel_loop3A_474 {strides = array<i32>} : memref<160x64xf32, #tpu.memory_space<vmem>>, vector<1x16xf32>,
        %parallel_loop3A_475 = vector.extract_strided_slice %parallel_loop3A_104 {offsets = [5], sizes = [1], strides = [1]} : vector<16xi32> to vector<1xi32>
        %parallel_loop3A_476 = vector.extract %parallel_loop3A_475[0] : i32 from vector<1xi32>
        %parallel_loop3A_477 = arith.constant 5 : i32
        %parallel_loop3A_478 = arith.addi %parallel_loop3A_95, %parallel_loop3A_477 : i32
        %parallel_loop3A_479 = arith.constant 0 : i32
        %parallel_loop3A_480 = arith.addi %parallel_loop3A_476, %parallel_loop3A_479 : i32
        %parallel_loop3A_481 = arith.index_cast %parallel_loop3A_478 : i32 to index
        %parallel_loop3A_482 = arith.index_cast %parallel_loop3A_480 : i32 to index
        %parallel_loop3A_483 = tpu.vector_load %arg8[%parallel_loop3A_481, %parallel_loop3A_482] {strides = array<i32>} : memref<160x128xf32, #tpu.memory_space<vmem>>, vector<1x16xf32>,
        %parallel_loop3A_484 = vector.shape_cast %parallel_loop3A_483 : vector<1x16xf32> to vector<16xf32>
        %parallel_loop3A_485 = arith.constant 8.000000e+00 : f32
        %parallel_loop3A_486 = vector.broadcast %parallel_loop3A_485 : f32 to vector<16xf32>
        %parallel_loop3A_487 = arith.mulf %parallel_loop3A_484, %parallel_loop3A_486 : vector<16xf32>
        %parallel_loop3A_488 = arith.constant 5 : i32
        %parallel_loop3A_489 = arith.addi %parallel_loop3A_95, %parallel_loop3A_488 : i32
        %parallel_loop3A_490 = arith.index_cast %parallel_loop3A_489 : i32 to index
        %parallel_loop3A_491 = arith.constant 0 : index
        %parallel_loop3A_492 = tpu.vector_load %arg10[%parallel_loop3A_490, %parallel_loop3A_491] {strides = array<i32>} : memref<160x64xf32, #tpu.memory_space<vmem>>, vector<1x16xf32>,
        %parallel_loop3A_493 = vector.shape_cast %parallel_loop3A_492 : vector<1x16xf32> to vector<16xf32>
        %parallel_loop3A_494 = vector.shape_cast %parallel_loop3A_487 : vector<16xf32> to vector<1x16xf32>
        tpu.vector_store %arg10[%parallel_loop3A_490, %parallel_loop3A_491], %parallel_loop3A_494 {strides = array<i32>} : memref<160x64xf32, #tpu.memory_space<vmem>>, vector<1x16xf32>,
        %parallel_loop3A_495 = arith.constant 5 : i32
        %parallel_loop3A_496 = arith.addi %parallel_loop3A_95, %parallel_loop3A_495 : i32
        %parallel_loop3A_497 = arith.constant 16 : i32
        %parallel_loop3A_498 = arith.addi %parallel_loop3A_476, %parallel_loop3A_497 : i32
        %parallel_loop3A_499 = arith.index_cast %parallel_loop3A_496 : i32 to index
        %parallel_loop3A_500 = arith.index_cast %parallel_loop3A_498 : i32 to index
        %parallel_loop3A_501 = tpu.vector_load %arg8[%parallel_loop3A_499, %parallel_loop3A_500] {strides = array<i32>} : memref<160x128xf32, #tpu.memory_space<vmem>>, vector<1x16xf32>,
        %parallel_loop3A_502 = vector.shape_cast %parallel_loop3A_501 : vector<1x16xf32> to vector<16xf32>
        %parallel_loop3A_503 = arith.constant 8.000000e+00 : f32
        %parallel_loop3A_504 = vector.broadcast %parallel_loop3A_503 : f32 to vector<16xf32>
        %parallel_loop3A_505 = arith.mulf %parallel_loop3A_502, %parallel_loop3A_504 : vector<16xf32>
        %parallel_loop3A_506 = arith.constant 5 : i32
        %parallel_loop3A_507 = arith.addi %parallel_loop3A_95, %parallel_loop3A_506 : i32
        %parallel_loop3A_508 = arith.index_cast %parallel_loop3A_507 : i32 to index
        %parallel_loop3A_509 = arith.constant 16 : index
        %parallel_loop3A_510 = tpu.vector_load %arg10[%parallel_loop3A_508, %parallel_loop3A_509] {strides = array<i32>} : memref<160x64xf32, #tpu.memory_space<vmem>>, vector<1x16xf32>,
        %parallel_loop3A_511 = vector.shape_cast %parallel_loop3A_510 : vector<1x16xf32> to vector<16xf32>
        %parallel_loop3A_512 = vector.shape_cast %parallel_loop3A_505 : vector<16xf32> to vector<1x16xf32>
        tpu.vector_store %arg10[%parallel_loop3A_508, %parallel_loop3A_509], %parallel_loop3A_512 {strides = array<i32>} : memref<160x64xf32, #tpu.memory_space<vmem>>, vector<1x16xf32>,
        %parallel_loop3A_513 = arith.constant 5 : i32
        %parallel_loop3A_514 = arith.addi %parallel_loop3A_95, %parallel_loop3A_513 : i32
        %parallel_loop3A_515 = arith.constant 32 : i32
        %parallel_loop3A_516 = arith.addi %parallel_loop3A_476, %parallel_loop3A_515 : i32
        %parallel_loop3A_517 = arith.index_cast %parallel_loop3A_514 : i32 to index
        %parallel_loop3A_518 = arith.index_cast %parallel_loop3A_516 : i32 to index
        %parallel_loop3A_519 = tpu.vector_load %arg8[%parallel_loop3A_517, %parallel_loop3A_518] {strides = array<i32>} : memref<160x128xf32, #tpu.memory_space<vmem>>, vector<1x16xf32>,
        %parallel_loop3A_520 = vector.shape_cast %parallel_loop3A_519 : vector<1x16xf32> to vector<16xf32>
        %parallel_loop3A_521 = arith.constant 8.000000e+00 : f32
        %parallel_loop3A_522 = vector.broadcast %parallel_loop3A_521 : f32 to vector<16xf32>
        %parallel_loop3A_523 = arith.mulf %parallel_loop3A_520, %parallel_loop3A_522 : vector<16xf32>
        %parallel_loop3A_524 = arith.constant 5 : i32
        %parallel_loop3A_525 = arith.addi %parallel_loop3A_95, %parallel_loop3A_524 : i32
        %parallel_loop3A_526 = arith.index_cast %parallel_loop3A_525 : i32 to index
        %parallel_loop3A_527 = arith.constant 32 : index
        %parallel_loop3A_528 = tpu.vector_load %arg10[%parallel_loop3A_526, %parallel_loop3A_527] {strides = array<i32>} : memref<160x64xf32, #tpu.memory_space<vmem>>, vector<1x16xf32>,
        %parallel_loop3A_529 = vector.shape_cast %parallel_loop3A_528 : vector<1x16xf32> to vector<16xf32>
        %parallel_loop3A_530 = vector.shape_cast %parallel_loop3A_523 : vector<16xf32> to vector<1x16xf32>
        tpu.vector_store %arg10[%parallel_loop3A_526, %parallel_loop3A_527], %parallel_loop3A_530 {strides = array<i32>} : memref<160x64xf32, #tpu.memory_space<vmem>>, vector<1x16xf32>,
        %parallel_loop3A_531 = arith.constant 5 : i32
        %parallel_loop3A_532 = arith.addi %parallel_loop3A_95, %parallel_loop3A_531 : i32
        %parallel_loop3A_533 = arith.constant 48 : i32
        %parallel_loop3A_534 = arith.addi %parallel_loop3A_476, %parallel_loop3A_533 : i32
        %parallel_loop3A_535 = arith.index_cast %parallel_loop3A_532 : i32 to index
        %parallel_loop3A_536 = arith.index_cast %parallel_loop3A_534 : i32 to index
        %parallel_loop3A_537 = tpu.vector_load %arg8[%parallel_loop3A_535, %parallel_loop3A_536] {strides = array<i32>} : memref<160x128xf32, #tpu.memory_space<vmem>>, vector<1x16xf32>,
        %parallel_loop3A_538 = vector.shape_cast %parallel_loop3A_537 : vector<1x16xf32> to vector<16xf32>
        %parallel_loop3A_539 = arith.constant 8.000000e+00 : f32
        %parallel_loop3A_540 = vector.broadcast %parallel_loop3A_539 : f32 to vector<16xf32>
        %parallel_loop3A_541 = arith.mulf %parallel_loop3A_538, %parallel_loop3A_540 : vector<16xf32>
        %parallel_loop3A_542 = arith.constant 5 : i32
        %parallel_loop3A_543 = arith.addi %parallel_loop3A_95, %parallel_loop3A_542 : i32
        %parallel_loop3A_544 = arith.index_cast %parallel_loop3A_543 : i32 to index
        %parallel_loop3A_545 = arith.constant 48 : index
        %parallel_loop3A_546 = tpu.vector_load %arg10[%parallel_loop3A_544, %parallel_loop3A_545] {strides = array<i32>} : memref<160x64xf32, #tpu.memory_space<vmem>>, vector<1x16xf32>,
        %parallel_loop3A_547 = vector.shape_cast %parallel_loop3A_546 : vector<1x16xf32> to vector<16xf32>
        %parallel_loop3A_548 = vector.shape_cast %parallel_loop3A_541 : vector<16xf32> to vector<1x16xf32>
        tpu.vector_store %arg10[%parallel_loop3A_544, %parallel_loop3A_545], %parallel_loop3A_548 {strides = array<i32>} : memref<160x64xf32, #tpu.memory_space<vmem>>, vector<1x16xf32>,
        %parallel_loop3A_549 = vector.extract_strided_slice %parallel_loop3A_104 {offsets = [6], sizes = [1], strides = [1]} : vector<16xi32> to vector<1xi32>
        %parallel_loop3A_550 = vector.extract %parallel_loop3A_549[0] : i32 from vector<1xi32>
        %parallel_loop3A_551 = arith.constant 6 : i32
        %parallel_loop3A_552 = arith.addi %parallel_loop3A_95, %parallel_loop3A_551 : i32
        %parallel_loop3A_553 = arith.constant 0 : i32
        %parallel_loop3A_554 = arith.addi %parallel_loop3A_550, %parallel_loop3A_553 : i32
        %parallel_loop3A_555 = arith.index_cast %parallel_loop3A_552 : i32 to index
        %parallel_loop3A_556 = arith.index_cast %parallel_loop3A_554 : i32 to index
        %parallel_loop3A_557 = tpu.vector_load %arg8[%parallel_loop3A_555, %parallel_loop3A_556] {strides = array<i32>} : memref<160x128xf32, #tpu.memory_space<vmem>>, vector<1x16xf32>,
        %parallel_loop3A_558 = vector.shape_cast %parallel_loop3A_557 : vector<1x16xf32> to vector<16xf32>
        %parallel_loop3A_559 = arith.constant 8.000000e+00 : f32
        %parallel_loop3A_560 = vector.broadcast %parallel_loop3A_559 : f32 to vector<16xf32>
        %parallel_loop3A_561 = arith.mulf %parallel_loop3A_558, %parallel_loop3A_560 : vector<16xf32>
        %parallel_loop3A_562 = arith.constant 6 : i32
        %parallel_loop3A_563 = arith.addi %parallel_loop3A_95, %parallel_loop3A_562 : i32
        %parallel_loop3A_564 = arith.index_cast %parallel_loop3A_563 : i32 to index
        %parallel_loop3A_565 = arith.constant 0 : index
        %parallel_loop3A_566 = tpu.vector_load %arg10[%parallel_loop3A_564, %parallel_loop3A_565] {strides = array<i32>} : memref<160x64xf32, #tpu.memory_space<vmem>>, vector<1x16xf32>,
        %parallel_loop3A_567 = vector.shape_cast %parallel_loop3A_566 : vector<1x16xf32> to vector<16xf32>
        %parallel_loop3A_568 = vector.shape_cast %parallel_loop3A_561 : vector<16xf32> to vector<1x16xf32>
        tpu.vector_store %arg10[%parallel_loop3A_564, %parallel_loop3A_565], %parallel_loop3A_568 {strides = array<i32>} : memref<160x64xf32, #tpu.memory_space<vmem>>, vector<1x16xf32>,
        %parallel_loop3A_569 = arith.constant 6 : i32
        %parallel_loop3A_570 = arith.addi %parallel_loop3A_95, %parallel_loop3A_569 : i32
        %parallel_loop3A_571 = arith.constant 16 : i32
        %parallel_loop3A_572 = arith.addi %parallel_loop3A_550, %parallel_loop3A_571 : i32
        %parallel_loop3A_573 = arith.index_cast %parallel_loop3A_570 : i32 to index
        %parallel_loop3A_574 = arith.index_cast %parallel_loop3A_572 : i32 to index
        %parallel_loop3A_575 = tpu.vector_load %arg8[%parallel_loop3A_573, %parallel_loop3A_574] {strides = array<i32>} : memref<160x128xf32, #tpu.memory_space<vmem>>, vector<1x16xf32>,
        %parallel_loop3A_576 = vector.shape_cast %parallel_loop3A_575 : vector<1x16xf32> to vector<16xf32>
        %parallel_loop3A_577 = arith.constant 8.000000e+00 : f32
        %parallel_loop3A_578 = vector.broadcast %parallel_loop3A_577 : f32 to vector<16xf32>
        %parallel_loop3A_579 = arith.mulf %parallel_loop3A_576, %parallel_loop3A_578 : vector<16xf32>
        %parallel_loop3A_580 = arith.constant 6 : i32
        %parallel_loop3A_581 = arith.addi %parallel_loop3A_95, %parallel_loop3A_580 : i32
        %parallel_loop3A_582 = arith.index_cast %parallel_loop3A_581 : i32 to index
        %parallel_loop3A_583 = arith.constant 16 : index
        %parallel_loop3A_584 = tpu.vector_load %arg10[%parallel_loop3A_582, %parallel_loop3A_583] {strides = array<i32>} : memref<160x64xf32, #tpu.memory_space<vmem>>, vector<1x16xf32>,
        %parallel_loop3A_585 = vector.shape_cast %parallel_loop3A_584 : vector<1x16xf32> to vector<16xf32>
        %parallel_loop3A_586 = vector.shape_cast %parallel_loop3A_579 : vector<16xf32> to vector<1x16xf32>
        tpu.vector_store %arg10[%parallel_loop3A_582, %parallel_loop3A_583], %parallel_loop3A_586 {strides = array<i32>} : memref<160x64xf32, #tpu.memory_space<vmem>>, vector<1x16xf32>,
        %parallel_loop3A_587 = arith.constant 6 : i32
        %parallel_loop3A_588 = arith.addi %parallel_loop3A_95, %parallel_loop3A_587 : i32
        %parallel_loop3A_589 = arith.constant 32 : i32
        %parallel_loop3A_590 = arith.addi %parallel_loop3A_550, %parallel_loop3A_589 : i32
        %parallel_loop3A_591 = arith.index_cast %parallel_loop3A_588 : i32 to index
        %parallel_loop3A_592 = arith.index_cast %parallel_loop3A_590 : i32 to index
        %parallel_loop3A_593 = tpu.vector_load %arg8[%parallel_loop3A_591, %parallel_loop3A_592] {strides = array<i32>} : memref<160x128xf32, #tpu.memory_space<vmem>>, vector<1x16xf32>,
        %parallel_loop3A_594 = vector.shape_cast %parallel_loop3A_593 : vector<1x16xf32> to vector<16xf32>
        %parallel_loop3A_595 = arith.constant 8.000000e+00 : f32
        %parallel_loop3A_596 = vector.broadcast %parallel_loop3A_595 : f32 to vector<16xf32>
        %parallel_loop3A_597 = arith.mulf %parallel_loop3A_594, %parallel_loop3A_596 : vector<16xf32>
        %parallel_loop3A_598 = arith.constant 6 : i32
        %parallel_loop3A_599 = arith.addi %parallel_loop3A_95, %parallel_loop3A_598 : i32
        %parallel_loop3A_600 = arith.index_cast %parallel_loop3A_599 : i32 to index
        %parallel_loop3A_601 = arith.constant 32 : index
        %parallel_loop3A_602 = tpu.vector_load %arg10[%parallel_loop3A_600, %parallel_loop3A_601] {strides = array<i32>} : memref<160x64xf32, #tpu.memory_space<vmem>>, vector<1x16xf32>,
        %parallel_loop3A_603 = vector.shape_cast %parallel_loop3A_602 : vector<1x16xf32> to vector<16xf32>
        %parallel_loop3A_604 = vector.shape_cast %parallel_loop3A_597 : vector<16xf32> to vector<1x16xf32>
        tpu.vector_store %arg10[%parallel_loop3A_600, %parallel_loop3A_601], %parallel_loop3A_604 {strides = array<i32>} : memref<160x64xf32, #tpu.memory_space<vmem>>, vector<1x16xf32>,
        %parallel_loop3A_605 = arith.constant 6 : i32
        %parallel_loop3A_606 = arith.addi %parallel_loop3A_95, %parallel_loop3A_605 : i32
        %parallel_loop3A_607 = arith.constant 48 : i32
        %parallel_loop3A_608 = arith.addi %parallel_loop3A_550, %parallel_loop3A_607 : i32
        %parallel_loop3A_609 = arith.index_cast %parallel_loop3A_606 : i32 to index
        %parallel_loop3A_610 = arith.index_cast %parallel_loop3A_608 : i32 to index
        %parallel_loop3A_611 = tpu.vector_load %arg8[%parallel_loop3A_609, %parallel_loop3A_610] {strides = array<i32>} : memref<160x128xf32, #tpu.memory_space<vmem>>, vector<1x16xf32>,
        %parallel_loop3A_612 = vector.shape_cast %parallel_loop3A_611 : vector<1x16xf32> to vector<16xf32>
        %parallel_loop3A_613 = arith.constant 8.000000e+00 : f32
        %parallel_loop3A_614 = vector.broadcast %parallel_loop3A_613 : f32 to vector<16xf32>
        %parallel_loop3A_615 = arith.mulf %parallel_loop3A_612, %parallel_loop3A_614 : vector<16xf32>
        %parallel_loop3A_616 = arith.constant 6 : i32
        %parallel_loop3A_617 = arith.addi %parallel_loop3A_95, %parallel_loop3A_616 : i32
        %parallel_loop3A_618 = arith.index_cast %parallel_loop3A_617 : i32 to index
        %parallel_loop3A_619 = arith.constant 48 : index
        %parallel_loop3A_620 = tpu.vector_load %arg10[%parallel_loop3A_618, %parallel_loop3A_619] {strides = array<i32>} : memref<160x64xf32, #tpu.memory_space<vmem>>, vector<1x16xf32>,
        %parallel_loop3A_621 = vector.shape_cast %parallel_loop3A_620 : vector<1x16xf32> to vector<16xf32>
        %parallel_loop3A_622 = vector.shape_cast %parallel_loop3A_615 : vector<16xf32> to vector<1x16xf32>
        tpu.vector_store %arg10[%parallel_loop3A_618, %parallel_loop3A_619], %parallel_loop3A_622 {strides = array<i32>} : memref<160x64xf32, #tpu.memory_space<vmem>>, vector<1x16xf32>,
        %parallel_loop3A_623 = vector.extract_strided_slice %parallel_loop3A_104 {offsets = [7], sizes = [1], strides = [1]} : vector<16xi32> to vector<1xi32>
        %parallel_loop3A_624 = vector.extract %parallel_loop3A_623[0] : i32 from vector<1xi32>
        %parallel_loop3A_625 = arith.constant 7 : i32
        %parallel_loop3A_626 = arith.addi %parallel_loop3A_95, %parallel_loop3A_625 : i32
        %parallel_loop3A_627 = arith.constant 0 : i32
        %parallel_loop3A_628 = arith.addi %parallel_loop3A_624, %parallel_loop3A_627 : i32
        %parallel_loop3A_629 = arith.index_cast %parallel_loop3A_626 : i32 to index
        %parallel_loop3A_630 = arith.index_cast %parallel_loop3A_628 : i32 to index
        %parallel_loop3A_631 = tpu.vector_load %arg8[%parallel_loop3A_629, %parallel_loop3A_630] {strides = array<i32>} : memref<160x128xf32, #tpu.memory_space<vmem>>, vector<1x16xf32>,
        %parallel_loop3A_632 = vector.shape_cast %parallel_loop3A_631 : vector<1x16xf32> to vector<16xf32>
        %parallel_loop3A_633 = arith.constant 8.000000e+00 : f32
        %parallel_loop3A_634 = vector.broadcast %parallel_loop3A_633 : f32 to vector<16xf32>
        %parallel_loop3A_635 = arith.mulf %parallel_loop3A_632, %parallel_loop3A_634 : vector<16xf32>
        %parallel_loop3A_636 = arith.constant 7 : i32
        %parallel_loop3A_637 = arith.addi %parallel_loop3A_95, %parallel_loop3A_636 : i32
        %parallel_loop3A_638 = arith.index_cast %parallel_loop3A_637 : i32 to index
        %parallel_loop3A_639 = arith.constant 0 : index
        %parallel_loop3A_640 = tpu.vector_load %arg10[%parallel_loop3A_638, %parallel_loop3A_639] {strides = array<i32>} : memref<160x64xf32, #tpu.memory_space<vmem>>, vector<1x16xf32>,
        %parallel_loop3A_641 = vector.shape_cast %parallel_loop3A_640 : vector<1x16xf32> to vector<16xf32>
        %parallel_loop3A_642 = vector.shape_cast %parallel_loop3A_635 : vector<16xf32> to vector<1x16xf32>
        tpu.vector_store %arg10[%parallel_loop3A_638, %parallel_loop3A_639], %parallel_loop3A_642 {strides = array<i32>} : memref<160x64xf32, #tpu.memory_space<vmem>>, vector<1x16xf32>,
        %parallel_loop3A_643 = arith.constant 7 : i32
        %parallel_loop3A_644 = arith.addi %parallel_loop3A_95, %parallel_loop3A_643 : i32
        %parallel_loop3A_645 = arith.constant 16 : i32
        %parallel_loop3A_646 = arith.addi %parallel_loop3A_624, %parallel_loop3A_645 : i32
        %parallel_loop3A_647 = arith.index_cast %parallel_loop3A_644 : i32 to index
        %parallel_loop3A_648 = arith.index_cast %parallel_loop3A_646 : i32 to index
        %parallel_loop3A_649 = tpu.vector_load %arg8[%parallel_loop3A_647, %parallel_loop3A_648] {strides = array<i32>} : memref<160x128xf32, #tpu.memory_space<vmem>>, vector<1x16xf32>,
        %parallel_loop3A_650 = vector.shape_cast %parallel_loop3A_649 : vector<1x16xf32> to vector<16xf32>
        %parallel_loop3A_651 = arith.constant 8.000000e+00 : f32
        %parallel_loop3A_652 = vector.broadcast %parallel_loop3A_651 : f32 to vector<16xf32>
        %parallel_loop3A_653 = arith.mulf %parallel_loop3A_650, %parallel_loop3A_652 : vector<16xf32>
        %parallel_loop3A_654 = arith.constant 7 : i32
        %parallel_loop3A_655 = arith.addi %parallel_loop3A_95, %parallel_loop3A_654 : i32
        %parallel_loop3A_656 = arith.index_cast %parallel_loop3A_655 : i32 to index
        %parallel_loop3A_657 = arith.constant 16 : index
        %parallel_loop3A_658 = tpu.vector_load %arg10[%parallel_loop3A_656, %parallel_loop3A_657] {strides = array<i32>} : memref<160x64xf32, #tpu.memory_space<vmem>>, vector<1x16xf32>,
        %parallel_loop3A_659 = vector.shape_cast %parallel_loop3A_658 : vector<1x16xf32> to vector<16xf32>
        %parallel_loop3A_660 = vector.shape_cast %parallel_loop3A_653 : vector<16xf32> to vector<1x16xf32>
        tpu.vector_store %arg10[%parallel_loop3A_656, %parallel_loop3A_657], %parallel_loop3A_660 {strides = array<i32>} : memref<160x64xf32, #tpu.memory_space<vmem>>, vector<1x16xf32>,
        %parallel_loop3A_661 = arith.constant 7 : i32
        %parallel_loop3A_662 = arith.addi %parallel_loop3A_95, %parallel_loop3A_661 : i32
        %parallel_loop3A_663 = arith.constant 32 : i32
        %parallel_loop3A_664 = arith.addi %parallel_loop3A_624, %parallel_loop3A_663 : i32
        %parallel_loop3A_665 = arith.index_cast %parallel_loop3A_662 : i32 to index
        %parallel_loop3A_666 = arith.index_cast %parallel_loop3A_664 : i32 to index
        %parallel_loop3A_667 = tpu.vector_load %arg8[%parallel_loop3A_665, %parallel_loop3A_666] {strides = array<i32>} : memref<160x128xf32, #tpu.memory_space<vmem>>, vector<1x16xf32>,
        %parallel_loop3A_668 = vector.shape_cast %parallel_loop3A_667 : vector<1x16xf32> to vector<16xf32>
        %parallel_loop3A_669 = arith.constant 8.000000e+00 : f32
        %parallel_loop3A_670 = vector.broadcast %parallel_loop3A_669 : f32 to vector<16xf32>
        %parallel_loop3A_671 = arith.mulf %parallel_loop3A_668, %parallel_loop3A_670 : vector<16xf32>
        %parallel_loop3A_672 = arith.constant 7 : i32
        %parallel_loop3A_673 = arith.addi %parallel_loop3A_95, %parallel_loop3A_672 : i32
        %parallel_loop3A_674 = arith.index_cast %parallel_loop3A_673 : i32 to index
        %parallel_loop3A_675 = arith.constant 32 : index
        %parallel_loop3A_676 = tpu.vector_load %arg10[%parallel_loop3A_674, %parallel_loop3A_675] {strides = array<i32>} : memref<160x64xf32, #tpu.memory_space<vmem>>, vector<1x16xf32>,
        %parallel_loop3A_677 = vector.shape_cast %parallel_loop3A_676 : vector<1x16xf32> to vector<16xf32>
        %parallel_loop3A_678 = vector.shape_cast %parallel_loop3A_671 : vector<16xf32> to vector<1x16xf32>
        tpu.vector_store %arg10[%parallel_loop3A_674, %parallel_loop3A_675], %parallel_loop3A_678 {strides = array<i32>} : memref<160x64xf32, #tpu.memory_space<vmem>>, vector<1x16xf32>,
        %parallel_loop3A_679 = arith.constant 7 : i32
        %parallel_loop3A_680 = arith.addi %parallel_loop3A_95, %parallel_loop3A_679 : i32
        %parallel_loop3A_681 = arith.constant 48 : i32
        %parallel_loop3A_682 = arith.addi %parallel_loop3A_624, %parallel_loop3A_681 : i32
        %parallel_loop3A_683 = arith.index_cast %parallel_loop3A_680 : i32 to index
        %parallel_loop3A_684 = arith.index_cast %parallel_loop3A_682 : i32 to index
        %parallel_loop3A_685 = tpu.vector_load %arg8[%parallel_loop3A_683, %parallel_loop3A_684] {strides = array<i32>} : memref<160x128xf32, #tpu.memory_space<vmem>>, vector<1x16xf32>,
        %parallel_loop3A_686 = vector.shape_cast %parallel_loop3A_685 : vector<1x16xf32> to vector<16xf32>
        %parallel_loop3A_687 = arith.constant 8.000000e+00 : f32
        %parallel_loop3A_688 = vector.broadcast %parallel_loop3A_687 : f32 to vector<16xf32>
        %parallel_loop3A_689 = arith.mulf %parallel_loop3A_686, %parallel_loop3A_688 : vector<16xf32>
        %parallel_loop3A_690 = arith.constant 7 : i32
        %parallel_loop3A_691 = arith.addi %parallel_loop3A_95, %parallel_loop3A_690 : i32
        %parallel_loop3A_692 = arith.index_cast %parallel_loop3A_691 : i32 to index
        %parallel_loop3A_693 = arith.constant 48 : index
        %parallel_loop3A_694 = tpu.vector_load %arg10[%parallel_loop3A_692, %parallel_loop3A_693] {strides = array<i32>} : memref<160x64xf32, #tpu.memory_space<vmem>>, vector<1x16xf32>,
        %parallel_loop3A_695 = vector.shape_cast %parallel_loop3A_694 : vector<1x16xf32> to vector<16xf32>
        %parallel_loop3A_696 = vector.shape_cast %parallel_loop3A_689 : vector<16xf32> to vector<1x16xf32>
        tpu.vector_store %arg10[%parallel_loop3A_692, %parallel_loop3A_693], %parallel_loop3A_696 {strides = array<i32>} : memref<160x64xf32, #tpu.memory_space<vmem>>, vector<1x16xf32>,
        %parallel_loop3A_697 = vector.extract_strided_slice %parallel_loop3A_104 {offsets = [8], sizes = [1], strides = [1]} : vector<16xi32> to vector<1xi32>
        %parallel_loop3A_698 = vector.extract %parallel_loop3A_697[0] : i32 from vector<1xi32>
        %parallel_loop3A_699 = arith.constant 8 : i32
        %parallel_loop3A_700 = arith.addi %parallel_loop3A_95, %parallel_loop3A_699 : i32
        %parallel_loop3A_701 = arith.constant 0 : i32
        %parallel_loop3A_702 = arith.addi %parallel_loop3A_698, %parallel_loop3A_701 : i32
        %parallel_loop3A_703 = arith.index_cast %parallel_loop3A_700 : i32 to index
        %parallel_loop3A_704 = arith.index_cast %parallel_loop3A_702 : i32 to index
        %parallel_loop3A_705 = tpu.vector_load %arg8[%parallel_loop3A_703, %parallel_loop3A_704] {strides = array<i32>} : memref<160x128xf32, #tpu.memory_space<vmem>>, vector<1x16xf32>,
        %parallel_loop3A_706 = vector.shape_cast %parallel_loop3A_705 : vector<1x16xf32> to vector<16xf32>
        %parallel_loop3A_707 = arith.constant 8.000000e+00 : f32
        %parallel_loop3A_708 = vector.broadcast %parallel_loop3A_707 : f32 to vector<16xf32>
        %parallel_loop3A_709 = arith.mulf %parallel_loop3A_706, %parallel_loop3A_708 : vector<16xf32>
        %parallel_loop3A_710 = arith.constant 8 : i32
        %parallel_loop3A_711 = arith.addi %parallel_loop3A_95, %parallel_loop3A_710 : i32
        %parallel_loop3A_712 = arith.index_cast %parallel_loop3A_711 : i32 to index
        %parallel_loop3A_713 = arith.constant 0 : index
        %parallel_loop3A_714 = tpu.vector_load %arg10[%parallel_loop3A_712, %parallel_loop3A_713] {strides = array<i32>} : memref<160x64xf32, #tpu.memory_space<vmem>>, vector<1x16xf32>,
        %parallel_loop3A_715 = vector.shape_cast %parallel_loop3A_714 : vector<1x16xf32> to vector<16xf32>
        %parallel_loop3A_716 = vector.shape_cast %parallel_loop3A_709 : vector<16xf32> to vector<1x16xf32>
        tpu.vector_store %arg10[%parallel_loop3A_712, %parallel_loop3A_713], %parallel_loop3A_716 {strides = array<i32>} : memref<160x64xf32, #tpu.memory_space<vmem>>, vector<1x16xf32>,
        %parallel_loop3A_717 = arith.constant 8 : i32
        %parallel_loop3A_718 = arith.addi %parallel_loop3A_95, %parallel_loop3A_717 : i32
        %parallel_loop3A_719 = arith.constant 16 : i32
        %parallel_loop3A_720 = arith.addi %parallel_loop3A_698, %parallel_loop3A_719 : i32
        %parallel_loop3A_721 = arith.index_cast %parallel_loop3A_718 : i32 to index
        %parallel_loop3A_722 = arith.index_cast %parallel_loop3A_720 : i32 to index
        %parallel_loop3A_723 = tpu.vector_load %arg8[%parallel_loop3A_721, %parallel_loop3A_722] {strides = array<i32>} : memref<160x128xf32, #tpu.memory_space<vmem>>, vector<1x16xf32>,
        %parallel_loop3A_724 = vector.shape_cast %parallel_loop3A_723 : vector<1x16xf32> to vector<16xf32>
        %parallel_loop3A_725 = arith.constant 8.000000e+00 : f32
        %parallel_loop3A_726 = vector.broadcast %parallel_loop3A_725 : f32 to vector<16xf32>
        %parallel_loop3A_727 = arith.mulf %parallel_loop3A_724, %parallel_loop3A_726 : vector<16xf32>
        %parallel_loop3A_728 = arith.constant 8 : i32
        %parallel_loop3A_729 = arith.addi %parallel_loop3A_95, %parallel_loop3A_728 : i32
        %parallel_loop3A_730 = arith.index_cast %parallel_loop3A_729 : i32 to index
        %parallel_loop3A_731 = arith.constant 16 : index
        %parallel_loop3A_732 = tpu.vector_load %arg10[%parallel_loop3A_730, %parallel_loop3A_731] {strides = array<i32>} : memref<160x64xf32, #tpu.memory_space<vmem>>, vector<1x16xf32>,
        %parallel_loop3A_733 = vector.shape_cast %parallel_loop3A_732 : vector<1x16xf32> to vector<16xf32>
        %parallel_loop3A_734 = vector.shape_cast %parallel_loop3A_727 : vector<16xf32> to vector<1x16xf32>
        tpu.vector_store %arg10[%parallel_loop3A_730, %parallel_loop3A_731], %parallel_loop3A_734 {strides = array<i32>} : memref<160x64xf32, #tpu.memory_space<vmem>>, vector<1x16xf32>,
        %parallel_loop3A_735 = arith.constant 8 : i32
        %parallel_loop3A_736 = arith.addi %parallel_loop3A_95, %parallel_loop3A_735 : i32
        %parallel_loop3A_737 = arith.constant 32 : i32
        %parallel_loop3A_738 = arith.addi %parallel_loop3A_698, %parallel_loop3A_737 : i32
        %parallel_loop3A_739 = arith.index_cast %parallel_loop3A_736 : i32 to index
        %parallel_loop3A_740 = arith.index_cast %parallel_loop3A_738 : i32 to index
        %parallel_loop3A_741 = tpu.vector_load %arg8[%parallel_loop3A_739, %parallel_loop3A_740] {strides = array<i32>} : memref<160x128xf32, #tpu.memory_space<vmem>>, vector<1x16xf32>,
        %parallel_loop3A_742 = vector.shape_cast %parallel_loop3A_741 : vector<1x16xf32> to vector<16xf32>
        %parallel_loop3A_743 = arith.constant 8.000000e+00 : f32
        %parallel_loop3A_744 = vector.broadcast %parallel_loop3A_743 : f32 to vector<16xf32>
        %parallel_loop3A_745 = arith.mulf %parallel_loop3A_742, %parallel_loop3A_744 : vector<16xf32>
        %parallel_loop3A_746 = arith.constant 8 : i32
        %parallel_loop3A_747 = arith.addi %parallel_loop3A_95, %parallel_loop3A_746 : i32
        %parallel_loop3A_748 = arith.index_cast %parallel_loop3A_747 : i32 to index
        %parallel_loop3A_749 = arith.constant 32 : index
        %parallel_loop3A_750 = tpu.vector_load %arg10[%parallel_loop3A_748, %parallel_loop3A_749] {strides = array<i32>} : memref<160x64xf32, #tpu.memory_space<vmem>>, vector<1x16xf32>,
        %parallel_loop3A_751 = vector.shape_cast %parallel_loop3A_750 : vector<1x16xf32> to vector<16xf32>
        %parallel_loop3A_752 = vector.shape_cast %parallel_loop3A_745 : vector<16xf32> to vector<1x16xf32>
        tpu.vector_store %arg10[%parallel_loop3A_748, %parallel_loop3A_749], %parallel_loop3A_752 {strides = array<i32>} : memref<160x64xf32, #tpu.memory_space<vmem>>, vector<1x16xf32>,
        %parallel_loop3A_753 = arith.constant 8 : i32
        %parallel_loop3A_754 = arith.addi %parallel_loop3A_95, %parallel_loop3A_753 : i32
        %parallel_loop3A_755 = arith.constant 48 : i32
        %parallel_loop3A_756 = arith.addi %parallel_loop3A_698, %parallel_loop3A_755 : i32
        %parallel_loop3A_757 = arith.index_cast %parallel_loop3A_754 : i32 to index
        %parallel_loop3A_758 = arith.index_cast %parallel_loop3A_756 : i32 to index
        %parallel_loop3A_759 = tpu.vector_load %arg8[%parallel_loop3A_757, %parallel_loop3A_758] {strides = array<i32>} : memref<160x128xf32, #tpu.memory_space<vmem>>, vector<1x16xf32>,
        %parallel_loop3A_760 = vector.shape_cast %parallel_loop3A_759 : vector<1x16xf32> to vector<16xf32>
        %parallel_loop3A_761 = arith.constant 8.000000e+00 : f32
        %parallel_loop3A_762 = vector.broadcast %parallel_loop3A_761 : f32 to vector<16xf32>
        %parallel_loop3A_763 = arith.mulf %parallel_loop3A_760, %parallel_loop3A_762 : vector<16xf32>
        %parallel_loop3A_764 = arith.constant 8 : i32
        %parallel_loop3A_765 = arith.addi %parallel_loop3A_95, %parallel_loop3A_764 : i32
        %parallel_loop3A_766 = arith.index_cast %parallel_loop3A_765 : i32 to index
        %parallel_loop3A_767 = arith.constant 48 : index
        %parallel_loop3A_768 = tpu.vector_load %arg10[%parallel_loop3A_766, %parallel_loop3A_767] {strides = array<i32>} : memref<160x64xf32, #tpu.memory_space<vmem>>, vector<1x16xf32>,
        %parallel_loop3A_769 = vector.shape_cast %parallel_loop3A_768 : vector<1x16xf32> to vector<16xf32>
        %parallel_loop3A_770 = vector.shape_cast %parallel_loop3A_763 : vector<16xf32> to vector<1x16xf32>
        tpu.vector_store %arg10[%parallel_loop3A_766, %parallel_loop3A_767], %parallel_loop3A_770 {strides = array<i32>} : memref<160x64xf32, #tpu.memory_space<vmem>>, vector<1x16xf32>,
        %parallel_loop3A_771 = vector.extract_strided_slice %parallel_loop3A_104 {offsets = [9], sizes = [1], strides = [1]} : vector<16xi32> to vector<1xi32>
        %parallel_loop3A_772 = vector.extract %parallel_loop3A_771[0] : i32 from vector<1xi32>
        %parallel_loop3A_773 = arith.constant 9 : i32
        %parallel_loop3A_774 = arith.addi %parallel_loop3A_95, %parallel_loop3A_773 : i32
        %parallel_loop3A_775 = arith.constant 0 : i32
        %parallel_loop3A_776 = arith.addi %parallel_loop3A_772, %parallel_loop3A_775 : i32
        %parallel_loop3A_777 = arith.index_cast %parallel_loop3A_774 : i32 to index
        %parallel_loop3A_778 = arith.index_cast %parallel_loop3A_776 : i32 to index
        %parallel_loop3A_779 = tpu.vector_load %arg8[%parallel_loop3A_777, %parallel_loop3A_778] {strides = array<i32>} : memref<160x128xf32, #tpu.memory_space<vmem>>, vector<1x16xf32>,
        %parallel_loop3A_780 = vector.shape_cast %parallel_loop3A_779 : vector<1x16xf32> to vector<16xf32>
        %parallel_loop3A_781 = arith.constant 8.000000e+00 : f32
        %parallel_loop3A_782 = vector.broadcast %parallel_loop3A_781 : f32 to vector<16xf32>
        %parallel_loop3A_783 = arith.mulf %parallel_loop3A_780, %parallel_loop3A_782 : vector<16xf32>
        %parallel_loop3A_784 = arith.constant 9 : i32
        %parallel_loop3A_785 = arith.addi %parallel_loop3A_95, %parallel_loop3A_784 : i32
        %parallel_loop3A_786 = arith.index_cast %parallel_loop3A_785 : i32 to index
        %parallel_loop3A_787 = arith.constant 0 : index
        %parallel_loop3A_788 = tpu.vector_load %arg10[%parallel_loop3A_786, %parallel_loop3A_787] {strides = array<i32>} : memref<160x64xf32, #tpu.memory_space<vmem>>, vector<1x16xf32>,
        %parallel_loop3A_789 = vector.shape_cast %parallel_loop3A_788 : vector<1x16xf32> to vector<16xf32>
        %parallel_loop3A_790 = vector.shape_cast %parallel_loop3A_783 : vector<16xf32> to vector<1x16xf32>
        tpu.vector_store %arg10[%parallel_loop3A_786, %parallel_loop3A_787], %parallel_loop3A_790 {strides = array<i32>} : memref<160x64xf32, #tpu.memory_space<vmem>>, vector<1x16xf32>,
        %parallel_loop3A_791 = arith.constant 9 : i32
        %parallel_loop3A_792 = arith.addi %parallel_loop3A_95, %parallel_loop3A_791 : i32
        %parallel_loop3A_793 = arith.constant 16 : i32
        %parallel_loop3A_794 = arith.addi %parallel_loop3A_772, %parallel_loop3A_793 : i32
        %parallel_loop3A_795 = arith.index_cast %parallel_loop3A_792 : i32 to index
        %parallel_loop3A_796 = arith.index_cast %parallel_loop3A_794 : i32 to index
        %parallel_loop3A_797 = tpu.vector_load %arg8[%parallel_loop3A_795, %parallel_loop3A_796] {strides = array<i32>} : memref<160x128xf32, #tpu.memory_space<vmem>>, vector<1x16xf32>,
        %parallel_loop3A_798 = vector.shape_cast %parallel_loop3A_797 : vector<1x16xf32> to vector<16xf32>
        %parallel_loop3A_799 = arith.constant 8.000000e+00 : f32
        %parallel_loop3A_800 = vector.broadcast %parallel_loop3A_799 : f32 to vector<16xf32>
        %parallel_loop3A_801 = arith.mulf %parallel_loop3A_798, %parallel_loop3A_800 : vector<16xf32>
        %parallel_loop3A_802 = arith.constant 9 : i32
        %parallel_loop3A_803 = arith.addi %parallel_loop3A_95, %parallel_loop3A_802 : i32
        %parallel_loop3A_804 = arith.index_cast %parallel_loop3A_803 : i32 to index
        %parallel_loop3A_805 = arith.constant 16 : index
        %parallel_loop3A_806 = tpu.vector_load %arg10[%parallel_loop3A_804, %parallel_loop3A_805] {strides = array<i32>} : memref<160x64xf32, #tpu.memory_space<vmem>>, vector<1x16xf32>,
        %parallel_loop3A_807 = vector.shape_cast %parallel_loop3A_806 : vector<1x16xf32> to vector<16xf32>
        %parallel_loop3A_808 = vector.shape_cast %parallel_loop3A_801 : vector<16xf32> to vector<1x16xf32>
        tpu.vector_store %arg10[%parallel_loop3A_804, %parallel_loop3A_805], %parallel_loop3A_808 {strides = array<i32>} : memref<160x64xf32, #tpu.memory_space<vmem>>, vector<1x16xf32>,
        %parallel_loop3A_809 = arith.constant 9 : i32
        %parallel_loop3A_810 = arith.addi %parallel_loop3A_95, %parallel_loop3A_809 : i32
        %parallel_loop3A_811 = arith.constant 32 : i32
        %parallel_loop3A_812 = arith.addi %parallel_loop3A_772, %parallel_loop3A_811 : i32
        %parallel_loop3A_813 = arith.index_cast %parallel_loop3A_810 : i32 to index
        %parallel_loop3A_814 = arith.index_cast %parallel_loop3A_812 : i32 to index
        %parallel_loop3A_815 = tpu.vector_load %arg8[%parallel_loop3A_813, %parallel_loop3A_814] {strides = array<i32>} : memref<160x128xf32, #tpu.memory_space<vmem>>, vector<1x16xf32>,
        %parallel_loop3A_816 = vector.shape_cast %parallel_loop3A_815 : vector<1x16xf32> to vector<16xf32>
        %parallel_loop3A_817 = arith.constant 8.000000e+00 : f32
        %parallel_loop3A_818 = vector.broadcast %parallel_loop3A_817 : f32 to vector<16xf32>
        %parallel_loop3A_819 = arith.mulf %parallel_loop3A_816, %parallel_loop3A_818 : vector<16xf32>
        %parallel_loop3A_820 = arith.constant 9 : i32
        %parallel_loop3A_821 = arith.addi %parallel_loop3A_95, %parallel_loop3A_820 : i32
        %parallel_loop3A_822 = arith.index_cast %parallel_loop3A_821 : i32 to index
        %parallel_loop3A_823 = arith.constant 32 : index
        %parallel_loop3A_824 = tpu.vector_load %arg10[%parallel_loop3A_822, %parallel_loop3A_823] {strides = array<i32>} : memref<160x64xf32, #tpu.memory_space<vmem>>, vector<1x16xf32>,
        %parallel_loop3A_825 = vector.shape_cast %parallel_loop3A_824 : vector<1x16xf32> to vector<16xf32>
        %parallel_loop3A_826 = vector.shape_cast %parallel_loop3A_819 : vector<16xf32> to vector<1x16xf32>
        tpu.vector_store %arg10[%parallel_loop3A_822, %parallel_loop3A_823], %parallel_loop3A_826 {strides = array<i32>} : memref<160x64xf32, #tpu.memory_space<vmem>>, vector<1x16xf32>,
        %parallel_loop3A_827 = arith.constant 9 : i32
        %parallel_loop3A_828 = arith.addi %parallel_loop3A_95, %parallel_loop3A_827 : i32
        %parallel_loop3A_829 = arith.constant 48 : i32
        %parallel_loop3A_830 = arith.addi %parallel_loop3A_772, %parallel_loop3A_829 : i32
        %parallel_loop3A_831 = arith.index_cast %parallel_loop3A_828 : i32 to index
        %parallel_loop3A_832 = arith.index_cast %parallel_loop3A_830 : i32 to index
        %parallel_loop3A_833 = tpu.vector_load %arg8[%parallel_loop3A_831, %parallel_loop3A_832] {strides = array<i32>} : memref<160x128xf32, #tpu.memory_space<vmem>>, vector<1x16xf32>,
        %parallel_loop3A_834 = vector.shape_cast %parallel_loop3A_833 : vector<1x16xf32> to vector<16xf32>
        %parallel_loop3A_835 = arith.constant 8.000000e+00 : f32
        %parallel_loop3A_836 = vector.broadcast %parallel_loop3A_835 : f32 to vector<16xf32>
        %parallel_loop3A_837 = arith.mulf %parallel_loop3A_834, %parallel_loop3A_836 : vector<16xf32>
        %parallel_loop3A_838 = arith.constant 9 : i32
        %parallel_loop3A_839 = arith.addi %parallel_loop3A_95, %parallel_loop3A_838 : i32
        %parallel_loop3A_840 = arith.index_cast %parallel_loop3A_839 : i32 to index
        %parallel_loop3A_841 = arith.constant 48 : index
        %parallel_loop3A_842 = tpu.vector_load %arg10[%parallel_loop3A_840, %parallel_loop3A_841] {strides = array<i32>} : memref<160x64xf32, #tpu.memory_space<vmem>>, vector<1x16xf32>,
        %parallel_loop3A_843 = vector.shape_cast %parallel_loop3A_842 : vector<1x16xf32> to vector<16xf32>
        %parallel_loop3A_844 = vector.shape_cast %parallel_loop3A_837 : vector<16xf32> to vector<1x16xf32>
        tpu.vector_store %arg10[%parallel_loop3A_840, %parallel_loop3A_841], %parallel_loop3A_844 {strides = array<i32>} : memref<160x64xf32, #tpu.memory_space<vmem>>, vector<1x16xf32>,
        %parallel_loop3A_845 = vector.extract_strided_slice %parallel_loop3A_104 {offsets = [10], sizes = [1], strides = [1]} : vector<16xi32> to vector<1xi32>
        %parallel_loop3A_846 = vector.extract %parallel_loop3A_845[0] : i32 from vector<1xi32>
        %parallel_loop3A_847 = arith.constant 10 : i32
        %parallel_loop3A_848 = arith.addi %parallel_loop3A_95, %parallel_loop3A_847 : i32
        %parallel_loop3A_849 = arith.constant 0 : i32
        %parallel_loop3A_850 = arith.addi %parallel_loop3A_846, %parallel_loop3A_849 : i32
        %parallel_loop3A_851 = arith.index_cast %parallel_loop3A_848 : i32 to index
        %parallel_loop3A_852 = arith.index_cast %parallel_loop3A_850 : i32 to index
        %parallel_loop3A_853 = tpu.vector_load %arg8[%parallel_loop3A_851, %parallel_loop3A_852] {strides = array<i32>} : memref<160x128xf32, #tpu.memory_space<vmem>>, vector<1x16xf32>,
        %parallel_loop3A_854 = vector.shape_cast %parallel_loop3A_853 : vector<1x16xf32> to vector<16xf32>
        %parallel_loop3A_855 = arith.constant 8.000000e+00 : f32
        %parallel_loop3A_856 = vector.broadcast %parallel_loop3A_855 : f32 to vector<16xf32>
        %parallel_loop3A_857 = arith.mulf %parallel_loop3A_854, %parallel_loop3A_856 : vector<16xf32>
        %parallel_loop3A_858 = arith.constant 10 : i32
        %parallel_loop3A_859 = arith.addi %parallel_loop3A_95, %parallel_loop3A_858 : i32
        %parallel_loop3A_860 = arith.index_cast %parallel_loop3A_859 : i32 to index
        %parallel_loop3A_861 = arith.constant 0 : index
        %parallel_loop3A_862 = tpu.vector_load %arg10[%parallel_loop3A_860, %parallel_loop3A_861] {strides = array<i32>} : memref<160x64xf32, #tpu.memory_space<vmem>>, vector<1x16xf32>,
        %parallel_loop3A_863 = vector.shape_cast %parallel_loop3A_862 : vector<1x16xf32> to vector<16xf32>
        %parallel_loop3A_864 = vector.shape_cast %parallel_loop3A_857 : vector<16xf32> to vector<1x16xf32>
        tpu.vector_store %arg10[%parallel_loop3A_860, %parallel_loop3A_861], %parallel_loop3A_864 {strides = array<i32>} : memref<160x64xf32, #tpu.memory_space<vmem>>, vector<1x16xf32>,
        %parallel_loop3A_865 = arith.constant 10 : i32
        %parallel_loop3A_866 = arith.addi %parallel_loop3A_95, %parallel_loop3A_865 : i32
        %parallel_loop3A_867 = arith.constant 16 : i32
        %parallel_loop3A_868 = arith.addi %parallel_loop3A_846, %parallel_loop3A_867 : i32
        %parallel_loop3A_869 = arith.index_cast %parallel_loop3A_866 : i32 to index
        %parallel_loop3A_870 = arith.index_cast %parallel_loop3A_868 : i32 to index
        %parallel_loop3A_871 = tpu.vector_load %arg8[%parallel_loop3A_869, %parallel_loop3A_870] {strides = array<i32>} : memref<160x128xf32, #tpu.memory_space<vmem>>, vector<1x16xf32>,
        %parallel_loop3A_872 = vector.shape_cast %parallel_loop3A_871 : vector<1x16xf32> to vector<16xf32>
        %parallel_loop3A_873 = arith.constant 8.000000e+00 : f32
        %parallel_loop3A_874 = vector.broadcast %parallel_loop3A_873 : f32 to vector<16xf32>
        %parallel_loop3A_875 = arith.mulf %parallel_loop3A_872, %parallel_loop3A_874 : vector<16xf32>
        %parallel_loop3A_876 = arith.constant 10 : i32
        %parallel_loop3A_877 = arith.addi %parallel_loop3A_95, %parallel_loop3A_876 : i32
        %parallel_loop3A_878 = arith.index_cast %parallel_loop3A_877 : i32 to index
        %parallel_loop3A_879 = arith.constant 16 : index
        %parallel_loop3A_880 = tpu.vector_load %arg10[%parallel_loop3A_878, %parallel_loop3A_879] {strides = array<i32>} : memref<160x64xf32, #tpu.memory_space<vmem>>, vector<1x16xf32>,
        %parallel_loop3A_881 = vector.shape_cast %parallel_loop3A_880 : vector<1x16xf32> to vector<16xf32>
        %parallel_loop3A_882 = vector.shape_cast %parallel_loop3A_875 : vector<16xf32> to vector<1x16xf32>
        tpu.vector_store %arg10[%parallel_loop3A_878, %parallel_loop3A_879], %parallel_loop3A_882 {strides = array<i32>} : memref<160x64xf32, #tpu.memory_space<vmem>>, vector<1x16xf32>,
        %parallel_loop3A_883 = arith.constant 10 : i32
        %parallel_loop3A_884 = arith.addi %parallel_loop3A_95, %parallel_loop3A_883 : i32
        %parallel_loop3A_885 = arith.constant 32 : i32
        %parallel_loop3A_886 = arith.addi %parallel_loop3A_846, %parallel_loop3A_885 : i32
        %parallel_loop3A_887 = arith.index_cast %parallel_loop3A_884 : i32 to index
        %parallel_loop3A_888 = arith.index_cast %parallel_loop3A_886 : i32 to index
        %parallel_loop3A_889 = tpu.vector_load %arg8[%parallel_loop3A_887, %parallel_loop3A_888] {strides = array<i32>} : memref<160x128xf32, #tpu.memory_space<vmem>>, vector<1x16xf32>,
        %parallel_loop3A_890 = vector.shape_cast %parallel_loop3A_889 : vector<1x16xf32> to vector<16xf32>
        %parallel_loop3A_891 = arith.constant 8.000000e+00 : f32
        %parallel_loop3A_892 = vector.broadcast %parallel_loop3A_891 : f32 to vector<16xf32>
        %parallel_loop3A_893 = arith.mulf %parallel_loop3A_890, %parallel_loop3A_892 : vector<16xf32>
        %parallel_loop3A_894 = arith.constant 10 : i32
        %parallel_loop3A_895 = arith.addi %parallel_loop3A_95, %parallel_loop3A_894 : i32
        %parallel_loop3A_896 = arith.index_cast %parallel_loop3A_895 : i32 to index
        %parallel_loop3A_897 = arith.constant 32 : index
        %parallel_loop3A_898 = tpu.vector_load %arg10[%parallel_loop3A_896, %parallel_loop3A_897] {strides = array<i32>} : memref<160x64xf32, #tpu.memory_space<vmem>>, vector<1x16xf32>,
        %parallel_loop3A_899 = vector.shape_cast %parallel_loop3A_898 : vector<1x16xf32> to vector<16xf32>
        %parallel_loop3A_900 = vector.shape_cast %parallel_loop3A_893 : vector<16xf32> to vector<1x16xf32>
        tpu.vector_store %arg10[%parallel_loop3A_896, %parallel_loop3A_897], %parallel_loop3A_900 {strides = array<i32>} : memref<160x64xf32, #tpu.memory_space<vmem>>, vector<1x16xf32>,
        %parallel_loop3A_901 = arith.constant 10 : i32
        %parallel_loop3A_902 = arith.addi %parallel_loop3A_95, %parallel_loop3A_901 : i32
        %parallel_loop3A_903 = arith.constant 48 : i32
        %parallel_loop3A_904 = arith.addi %parallel_loop3A_846, %parallel_loop3A_903 : i32
        %parallel_loop3A_905 = arith.index_cast %parallel_loop3A_902 : i32 to index
        %parallel_loop3A_906 = arith.index_cast %parallel_loop3A_904 : i32 to index
        %parallel_loop3A_907 = tpu.vector_load %arg8[%parallel_loop3A_905, %parallel_loop3A_906] {strides = array<i32>} : memref<160x128xf32, #tpu.memory_space<vmem>>, vector<1x16xf32>,
        %parallel_loop3A_908 = vector.shape_cast %parallel_loop3A_907 : vector<1x16xf32> to vector<16xf32>
        %parallel_loop3A_909 = arith.constant 8.000000e+00 : f32
        %parallel_loop3A_910 = vector.broadcast %parallel_loop3A_909 : f32 to vector<16xf32>
        %parallel_loop3A_911 = arith.mulf %parallel_loop3A_908, %parallel_loop3A_910 : vector<16xf32>
        %parallel_loop3A_912 = arith.constant 10 : i32
        %parallel_loop3A_913 = arith.addi %parallel_loop3A_95, %parallel_loop3A_912 : i32
        %parallel_loop3A_914 = arith.index_cast %parallel_loop3A_913 : i32 to index
        %parallel_loop3A_915 = arith.constant 48 : index
        %parallel_loop3A_916 = tpu.vector_load %arg10[%parallel_loop3A_914, %parallel_loop3A_915] {strides = array<i32>} : memref<160x64xf32, #tpu.memory_space<vmem>>, vector<1x16xf32>,
        %parallel_loop3A_917 = vector.shape_cast %parallel_loop3A_916 : vector<1x16xf32> to vector<16xf32>
        %parallel_loop3A_918 = vector.shape_cast %parallel_loop3A_911 : vector<16xf32> to vector<1x16xf32>
        tpu.vector_store %arg10[%parallel_loop3A_914, %parallel_loop3A_915], %parallel_loop3A_918 {strides = array<i32>} : memref<160x64xf32, #tpu.memory_space<vmem>>, vector<1x16xf32>,
        %parallel_loop3A_919 = vector.extract_strided_slice %parallel_loop3A_104 {offsets = [11], sizes = [1], strides = [1]} : vector<16xi32> to vector<1xi32>
        %parallel_loop3A_920 = vector.extract %parallel_loop3A_919[0] : i32 from vector<1xi32>
        %parallel_loop3A_921 = arith.constant 11 : i32
        %parallel_loop3A_922 = arith.addi %parallel_loop3A_95, %parallel_loop3A_921 : i32
        %parallel_loop3A_923 = arith.constant 0 : i32
        %parallel_loop3A_924 = arith.addi %parallel_loop3A_920, %parallel_loop3A_923 : i32
        %parallel_loop3A_925 = arith.index_cast %parallel_loop3A_922 : i32 to index
        %parallel_loop3A_926 = arith.index_cast %parallel_loop3A_924 : i32 to index
        %parallel_loop3A_927 = tpu.vector_load %arg8[%parallel_loop3A_925, %parallel_loop3A_926] {strides = array<i32>} : memref<160x128xf32, #tpu.memory_space<vmem>>, vector<1x16xf32>,
        %parallel_loop3A_928 = vector.shape_cast %parallel_loop3A_927 : vector<1x16xf32> to vector<16xf32>
        %parallel_loop3A_929 = arith.constant 8.000000e+00 : f32
        %parallel_loop3A_930 = vector.broadcast %parallel_loop3A_929 : f32 to vector<16xf32>
        %parallel_loop3A_931 = arith.mulf %parallel_loop3A_928, %parallel_loop3A_930 : vector<16xf32>
        %parallel_loop3A_932 = arith.constant 11 : i32
        %parallel_loop3A_933 = arith.addi %parallel_loop3A_95, %parallel_loop3A_932 : i32
        %parallel_loop3A_934 = arith.index_cast %parallel_loop3A_933 : i32 to index
        %parallel_loop3A_935 = arith.constant 0 : index
        %parallel_loop3A_936 = tpu.vector_load %arg10[%parallel_loop3A_934, %parallel_loop3A_935] {strides = array<i32>} : memref<160x64xf32, #tpu.memory_space<vmem>>, vector<1x16xf32>,
        %parallel_loop3A_937 = vector.shape_cast %parallel_loop3A_936 : vector<1x16xf32> to vector<16xf32>
        %parallel_loop3A_938 = vector.shape_cast %parallel_loop3A_931 : vector<16xf32> to vector<1x16xf32>
        tpu.vector_store %arg10[%parallel_loop3A_934, %parallel_loop3A_935], %parallel_loop3A_938 {strides = array<i32>} : memref<160x64xf32, #tpu.memory_space<vmem>>, vector<1x16xf32>,
        %parallel_loop3A_939 = arith.constant 11 : i32
        %parallel_loop3A_940 = arith.addi %parallel_loop3A_95, %parallel_loop3A_939 : i32
        %parallel_loop3A_941 = arith.constant 16 : i32
        %parallel_loop3A_942 = arith.addi %parallel_loop3A_920, %parallel_loop3A_941 : i32
        %parallel_loop3A_943 = arith.index_cast %parallel_loop3A_940 : i32 to index
        %parallel_loop3A_944 = arith.index_cast %parallel_loop3A_942 : i32 to index
        %parallel_loop3A_945 = tpu.vector_load %arg8[%parallel_loop3A_943, %parallel_loop3A_944] {strides = array<i32>} : memref<160x128xf32, #tpu.memory_space<vmem>>, vector<1x16xf32>,
        %parallel_loop3A_946 = vector.shape_cast %parallel_loop3A_945 : vector<1x16xf32> to vector<16xf32>
        %parallel_loop3A_947 = arith.constant 8.000000e+00 : f32
        %parallel_loop3A_948 = vector.broadcast %parallel_loop3A_947 : f32 to vector<16xf32>
        %parallel_loop3A_949 = arith.mulf %parallel_loop3A_946, %parallel_loop3A_948 : vector<16xf32>
        %parallel_loop3A_950 = arith.constant 11 : i32
        %parallel_loop3A_951 = arith.addi %parallel_loop3A_95, %parallel_loop3A_950 : i32
        %parallel_loop3A_952 = arith.index_cast %parallel_loop3A_951 : i32 to index
        %parallel_loop3A_953 = arith.constant 16 : index
        %parallel_loop3A_954 = tpu.vector_load %arg10[%parallel_loop3A_952, %parallel_loop3A_953] {strides = array<i32>} : memref<160x64xf32, #tpu.memory_space<vmem>>, vector<1x16xf32>,
        %parallel_loop3A_955 = vector.shape_cast %parallel_loop3A_954 : vector<1x16xf32> to vector<16xf32>
        %parallel_loop3A_956 = vector.shape_cast %parallel_loop3A_949 : vector<16xf32> to vector<1x16xf32>
        tpu.vector_store %arg10[%parallel_loop3A_952, %parallel_loop3A_953], %parallel_loop3A_956 {strides = array<i32>} : memref<160x64xf32, #tpu.memory_space<vmem>>, vector<1x16xf32>,
        %parallel_loop3A_957 = arith.constant 11 : i32
        %parallel_loop3A_958 = arith.addi %parallel_loop3A_95, %parallel_loop3A_957 : i32
        %parallel_loop3A_959 = arith.constant 32 : i32
        %parallel_loop3A_960 = arith.addi %parallel_loop3A_920, %parallel_loop3A_959 : i32
        %parallel_loop3A_961 = arith.index_cast %parallel_loop3A_958 : i32 to index
        %parallel_loop3A_962 = arith.index_cast %parallel_loop3A_960 : i32 to index
        %parallel_loop3A_963 = tpu.vector_load %arg8[%parallel_loop3A_961, %parallel_loop3A_962] {strides = array<i32>} : memref<160x128xf32, #tpu.memory_space<vmem>>, vector<1x16xf32>,
        %parallel_loop3A_964 = vector.shape_cast %parallel_loop3A_963 : vector<1x16xf32> to vector<16xf32>
        %parallel_loop3A_965 = arith.constant 8.000000e+00 : f32
        %parallel_loop3A_966 = vector.broadcast %parallel_loop3A_965 : f32 to vector<16xf32>
        %parallel_loop3A_967 = arith.mulf %parallel_loop3A_964, %parallel_loop3A_966 : vector<16xf32>
        %parallel_loop3A_968 = arith.constant 11 : i32
        %parallel_loop3A_969 = arith.addi %parallel_loop3A_95, %parallel_loop3A_968 : i32
        %parallel_loop3A_970 = arith.index_cast %parallel_loop3A_969 : i32 to index
        %parallel_loop3A_971 = arith.constant 32 : index
        %parallel_loop3A_972 = tpu.vector_load %arg10[%parallel_loop3A_970, %parallel_loop3A_971] {strides = array<i32>} : memref<160x64xf32, #tpu.memory_space<vmem>>, vector<1x16xf32>,
        %parallel_loop3A_973 = vector.shape_cast %parallel_loop3A_972 : vector<1x16xf32> to vector<16xf32>
        %parallel_loop3A_974 = vector.shape_cast %parallel_loop3A_967 : vector<16xf32> to vector<1x16xf32>
        tpu.vector_store %arg10[%parallel_loop3A_970, %parallel_loop3A_971], %parallel_loop3A_974 {strides = array<i32>} : memref<160x64xf32, #tpu.memory_space<vmem>>, vector<1x16xf32>,
        %parallel_loop3A_975 = arith.constant 11 : i32
        %parallel_loop3A_976 = arith.addi %parallel_loop3A_95, %parallel_loop3A_975 : i32
        %parallel_loop3A_977 = arith.constant 48 : i32
        %parallel_loop3A_978 = arith.addi %parallel_loop3A_920, %parallel_loop3A_977 : i32
        %parallel_loop3A_979 = arith.index_cast %parallel_loop3A_976 : i32 to index
        %parallel_loop3A_980 = arith.index_cast %parallel_loop3A_978 : i32 to index
        %parallel_loop3A_981 = tpu.vector_load %arg8[%parallel_loop3A_979, %parallel_loop3A_980] {strides = array<i32>} : memref<160x128xf32, #tpu.memory_space<vmem>>, vector<1x16xf32>,
        %parallel_loop3A_982 = vector.shape_cast %parallel_loop3A_981 : vector<1x16xf32> to vector<16xf32>
        %parallel_loop3A_983 = arith.constant 8.000000e+00 : f32
        %parallel_loop3A_984 = vector.broadcast %parallel_loop3A_983 : f32 to vector<16xf32>
        %parallel_loop3A_985 = arith.mulf %parallel_loop3A_982, %parallel_loop3A_984 : vector<16xf32>
        %parallel_loop3A_986 = arith.constant 11 : i32
        %parallel_loop3A_987 = arith.addi %parallel_loop3A_95, %parallel_loop3A_986 : i32
        %parallel_loop3A_988 = arith.index_cast %parallel_loop3A_987 : i32 to index
        %parallel_loop3A_989 = arith.constant 48 : index
        %parallel_loop3A_990 = tpu.vector_load %arg10[%parallel_loop3A_988, %parallel_loop3A_989] {strides = array<i32>} : memref<160x64xf32, #tpu.memory_space<vmem>>, vector<1x16xf32>,
        %parallel_loop3A_991 = vector.shape_cast %parallel_loop3A_990 : vector<1x16xf32> to vector<16xf32>
        %parallel_loop3A_992 = vector.shape_cast %parallel_loop3A_985 : vector<16xf32> to vector<1x16xf32>
        tpu.vector_store %arg10[%parallel_loop3A_988, %parallel_loop3A_989], %parallel_loop3A_992 {strides = array<i32>} : memref<160x64xf32, #tpu.memory_space<vmem>>, vector<1x16xf32>,
        %parallel_loop3A_993 = vector.extract_strided_slice %parallel_loop3A_104 {offsets = [12], sizes = [1], strides = [1]} : vector<16xi32> to vector<1xi32>
        %parallel_loop3A_994 = vector.extract %parallel_loop3A_993[0] : i32 from vector<1xi32>
        %parallel_loop3A_995 = arith.constant 12 : i32
        %parallel_loop3A_996 = arith.addi %parallel_loop3A_95, %parallel_loop3A_995 : i32
        %parallel_loop3A_997 = arith.constant 0 : i32
        %parallel_loop3A_998 = arith.addi %parallel_loop3A_994, %parallel_loop3A_997 : i32
        %parallel_loop3A_999 = arith.index_cast %parallel_loop3A_996 : i32 to index
        %parallel_loop3A_1000 = arith.index_cast %parallel_loop3A_998 : i32 to index
        %parallel_loop3A_1001 = tpu.vector_load %arg8[%parallel_loop3A_999, %parallel_loop3A_1000] {strides = array<i32>} : memref<160x128xf32, #tpu.memory_space<vmem>>, vector<1x16xf32>,
        %parallel_loop3A_1002 = vector.shape_cast %parallel_loop3A_1001 : vector<1x16xf32> to vector<16xf32>
        %parallel_loop3A_1003 = arith.constant 8.000000e+00 : f32
        %parallel_loop3A_1004 = vector.broadcast %parallel_loop3A_1003 : f32 to vector<16xf32>
        %parallel_loop3A_1005 = arith.mulf %parallel_loop3A_1002, %parallel_loop3A_1004 : vector<16xf32>
        %parallel_loop3A_1006 = arith.constant 12 : i32
        %parallel_loop3A_1007 = arith.addi %parallel_loop3A_95, %parallel_loop3A_1006 : i32
        %parallel_loop3A_1008 = arith.index_cast %parallel_loop3A_1007 : i32 to index
        %parallel_loop3A_1009 = arith.constant 0 : index
        %parallel_loop3A_1010 = tpu.vector_load %arg10[%parallel_loop3A_1008, %parallel_loop3A_1009] {strides = array<i32>} : memref<160x64xf32, #tpu.memory_space<vmem>>, vector<1x16xf32>,
        %parallel_loop3A_1011 = vector.shape_cast %parallel_loop3A_1010 : vector<1x16xf32> to vector<16xf32>
        %parallel_loop3A_1012 = vector.shape_cast %parallel_loop3A_1005 : vector<16xf32> to vector<1x16xf32>
        tpu.vector_store %arg10[%parallel_loop3A_1008, %parallel_loop3A_1009], %parallel_loop3A_1012 {strides = array<i32>} : memref<160x64xf32, #tpu.memory_space<vmem>>, vector<1x16xf32>,
        %parallel_loop3A_1013 = arith.constant 12 : i32
        %parallel_loop3A_1014 = arith.addi %parallel_loop3A_95, %parallel_loop3A_1013 : i32
        %parallel_loop3A_1015 = arith.constant 16 : i32
        %parallel_loop3A_1016 = arith.addi %parallel_loop3A_994, %parallel_loop3A_1015 : i32
        %parallel_loop3A_1017 = arith.index_cast %parallel_loop3A_1014 : i32 to index
        %parallel_loop3A_1018 = arith.index_cast %parallel_loop3A_1016 : i32 to index
        %parallel_loop3A_1019 = tpu.vector_load %arg8[%parallel_loop3A_1017, %parallel_loop3A_1018] {strides = array<i32>} : memref<160x128xf32, #tpu.memory_space<vmem>>, vector<1x16xf32>,
        %parallel_loop3A_1020 = vector.shape_cast %parallel_loop3A_1019 : vector<1x16xf32> to vector<16xf32>
        %parallel_loop3A_1021 = arith.constant 8.000000e+00 : f32
        %parallel_loop3A_1022 = vector.broadcast %parallel_loop3A_1021 : f32 to vector<16xf32>
        %parallel_loop3A_1023 = arith.mulf %parallel_loop3A_1020, %parallel_loop3A_1022 : vector<16xf32>
        %parallel_loop3A_1024 = arith.constant 12 : i32
        %parallel_loop3A_1025 = arith.addi %parallel_loop3A_95, %parallel_loop3A_1024 : i32
        %parallel_loop3A_1026 = arith.index_cast %parallel_loop3A_1025 : i32 to index
        %parallel_loop3A_1027 = arith.constant 16 : index
        %parallel_loop3A_1028 = tpu.vector_load %arg10[%parallel_loop3A_1026, %parallel_loop3A_1027] {strides = array<i32>} : memref<160x64xf32, #tpu.memory_space<vmem>>, vector<1x16xf32>,
        %parallel_loop3A_1029 = vector.shape_cast %parallel_loop3A_1028 : vector<1x16xf32> to vector<16xf32>
        %parallel_loop3A_1030 = vector.shape_cast %parallel_loop3A_1023 : vector<16xf32> to vector<1x16xf32>
        tpu.vector_store %arg10[%parallel_loop3A_1026, %parallel_loop3A_1027], %parallel_loop3A_1030 {strides = array<i32>} : memref<160x64xf32, #tpu.memory_space<vmem>>, vector<1x16xf32>,
        %parallel_loop3A_1031 = arith.constant 12 : i32
        %parallel_loop3A_1032 = arith.addi %parallel_loop3A_95, %parallel_loop3A_1031 : i32
        %parallel_loop3A_1033 = arith.constant 32 : i32
        %parallel_loop3A_1034 = arith.addi %parallel_loop3A_994, %parallel_loop3A_1033 : i32
        %parallel_loop3A_1035 = arith.index_cast %parallel_loop3A_1032 : i32 to index
        %parallel_loop3A_1036 = arith.index_cast %parallel_loop3A_1034 : i32 to index
        %parallel_loop3A_1037 = tpu.vector_load %arg8[%parallel_loop3A_1035, %parallel_loop3A_1036] {strides = array<i32>} : memref<160x128xf32, #tpu.memory_space<vmem>>, vector<1x16xf32>,
        %parallel_loop3A_1038 = vector.shape_cast %parallel_loop3A_1037 : vector<1x16xf32> to vector<16xf32>
        %parallel_loop3A_1039 = arith.constant 8.000000e+00 : f32
        %parallel_loop3A_1040 = vector.broadcast %parallel_loop3A_1039 : f32 to vector<16xf32>
        %parallel_loop3A_1041 = arith.mulf %parallel_loop3A_1038, %parallel_loop3A_1040 : vector<16xf32>
        %parallel_loop3A_1042 = arith.constant 12 : i32
        %parallel_loop3A_1043 = arith.addi %parallel_loop3A_95, %parallel_loop3A_1042 : i32
        %parallel_loop3A_1044 = arith.index_cast %parallel_loop3A_1043 : i32 to index
        %parallel_loop3A_1045 = arith.constant 32 : index
        %parallel_loop3A_1046 = tpu.vector_load %arg10[%parallel_loop3A_1044, %parallel_loop3A_1045] {strides = array<i32>} : memref<160x64xf32, #tpu.memory_space<vmem>>, vector<1x16xf32>,
        %parallel_loop3A_1047 = vector.shape_cast %parallel_loop3A_1046 : vector<1x16xf32> to vector<16xf32>
        %parallel_loop3A_1048 = vector.shape_cast %parallel_loop3A_1041 : vector<16xf32> to vector<1x16xf32>
        tpu.vector_store %arg10[%parallel_loop3A_1044, %parallel_loop3A_1045], %parallel_loop3A_1048 {strides = array<i32>} : memref<160x64xf32, #tpu.memory_space<vmem>>, vector<1x16xf32>,
        %parallel_loop3A_1049 = arith.constant 12 : i32
        %parallel_loop3A_1050 = arith.addi %parallel_loop3A_95, %parallel_loop3A_1049 : i32
        %parallel_loop3A_1051 = arith.constant 48 : i32
        %parallel_loop3A_1052 = arith.addi %parallel_loop3A_994, %parallel_loop3A_1051 : i32
        %parallel_loop3A_1053 = arith.index_cast %parallel_loop3A_1050 : i32 to index
        %parallel_loop3A_1054 = arith.index_cast %parallel_loop3A_1052 : i32 to index
        %parallel_loop3A_1055 = tpu.vector_load %arg8[%parallel_loop3A_1053, %parallel_loop3A_1054] {strides = array<i32>} : memref<160x128xf32, #tpu.memory_space<vmem>>, vector<1x16xf32>,
        %parallel_loop3A_1056 = vector.shape_cast %parallel_loop3A_1055 : vector<1x16xf32> to vector<16xf32>
        %parallel_loop3A_1057 = arith.constant 8.000000e+00 : f32
        %parallel_loop3A_1058 = vector.broadcast %parallel_loop3A_1057 : f32 to vector<16xf32>
        %parallel_loop3A_1059 = arith.mulf %parallel_loop3A_1056, %parallel_loop3A_1058 : vector<16xf32>
        %parallel_loop3A_1060 = arith.constant 12 : i32
        %parallel_loop3A_1061 = arith.addi %parallel_loop3A_95, %parallel_loop3A_1060 : i32
        %parallel_loop3A_1062 = arith.index_cast %parallel_loop3A_1061 : i32 to index
        %parallel_loop3A_1063 = arith.constant 48 : index
        %parallel_loop3A_1064 = tpu.vector_load %arg10[%parallel_loop3A_1062, %parallel_loop3A_1063] {strides = array<i32>} : memref<160x64xf32, #tpu.memory_space<vmem>>, vector<1x16xf32>,
        %parallel_loop3A_1065 = vector.shape_cast %parallel_loop3A_1064 : vector<1x16xf32> to vector<16xf32>
        %parallel_loop3A_1066 = vector.shape_cast %parallel_loop3A_1059 : vector<16xf32> to vector<1x16xf32>
        tpu.vector_store %arg10[%parallel_loop3A_1062, %parallel_loop3A_1063], %parallel_loop3A_1066 {strides = array<i32>} : memref<160x64xf32, #tpu.memory_space<vmem>>, vector<1x16xf32>,
        %parallel_loop3A_1067 = vector.extract_strided_slice %parallel_loop3A_104 {offsets = [13], sizes = [1], strides = [1]} : vector<16xi32> to vector<1xi32>
        %parallel_loop3A_1068 = vector.extract %parallel_loop3A_1067[0] : i32 from vector<1xi32>
        %parallel_loop3A_1069 = arith.constant 13 : i32
        %parallel_loop3A_1070 = arith.addi %parallel_loop3A_95, %parallel_loop3A_1069 : i32
        %parallel_loop3A_1071 = arith.constant 0 : i32
        %parallel_loop3A_1072 = arith.addi %parallel_loop3A_1068, %parallel_loop3A_1071 : i32
        %parallel_loop3A_1073 = arith.index_cast %parallel_loop3A_1070 : i32 to index
        %parallel_loop3A_1074 = arith.index_cast %parallel_loop3A_1072 : i32 to index
        %parallel_loop3A_1075 = tpu.vector_load %arg8[%parallel_loop3A_1073, %parallel_loop3A_1074] {strides = array<i32>} : memref<160x128xf32, #tpu.memory_space<vmem>>, vector<1x16xf32>,
        %parallel_loop3A_1076 = vector.shape_cast %parallel_loop3A_1075 : vector<1x16xf32> to vector<16xf32>
        %parallel_loop3A_1077 = arith.constant 8.000000e+00 : f32
        %parallel_loop3A_1078 = vector.broadcast %parallel_loop3A_1077 : f32 to vector<16xf32>
        %parallel_loop3A_1079 = arith.mulf %parallel_loop3A_1076, %parallel_loop3A_1078 : vector<16xf32>
        %parallel_loop3A_1080 = arith.constant 13 : i32
        %parallel_loop3A_1081 = arith.addi %parallel_loop3A_95, %parallel_loop3A_1080 : i32
        %parallel_loop3A_1082 = arith.index_cast %parallel_loop3A_1081 : i32 to index
        %parallel_loop3A_1083 = arith.constant 0 : index
        %parallel_loop3A_1084 = tpu.vector_load %arg10[%parallel_loop3A_1082, %parallel_loop3A_1083] {strides = array<i32>} : memref<160x64xf32, #tpu.memory_space<vmem>>, vector<1x16xf32>,
        %parallel_loop3A_1085 = vector.shape_cast %parallel_loop3A_1084 : vector<1x16xf32> to vector<16xf32>
        %parallel_loop3A_1086 = vector.shape_cast %parallel_loop3A_1079 : vector<16xf32> to vector<1x16xf32>
        tpu.vector_store %arg10[%parallel_loop3A_1082, %parallel_loop3A_1083], %parallel_loop3A_1086 {strides = array<i32>} : memref<160x64xf32, #tpu.memory_space<vmem>>, vector<1x16xf32>,
        %parallel_loop3A_1087 = arith.constant 13 : i32
        %parallel_loop3A_1088 = arith.addi %parallel_loop3A_95, %parallel_loop3A_1087 : i32
        %parallel_loop3A_1089 = arith.constant 16 : i32
        %parallel_loop3A_1090 = arith.addi %parallel_loop3A_1068, %parallel_loop3A_1089 : i32
        %parallel_loop3A_1091 = arith.index_cast %parallel_loop3A_1088 : i32 to index
        %parallel_loop3A_1092 = arith.index_cast %parallel_loop3A_1090 : i32 to index
        %parallel_loop3A_1093 = tpu.vector_load %arg8[%parallel_loop3A_1091, %parallel_loop3A_1092] {strides = array<i32>} : memref<160x128xf32, #tpu.memory_space<vmem>>, vector<1x16xf32>,
        %parallel_loop3A_1094 = vector.shape_cast %parallel_loop3A_1093 : vector<1x16xf32> to vector<16xf32>
        %parallel_loop3A_1095 = arith.constant 8.000000e+00 : f32
        %parallel_loop3A_1096 = vector.broadcast %parallel_loop3A_1095 : f32 to vector<16xf32>
        %parallel_loop3A_1097 = arith.mulf %parallel_loop3A_1094, %parallel_loop3A_1096 : vector<16xf32>
        %parallel_loop3A_1098 = arith.constant 13 : i32
        %parallel_loop3A_1099 = arith.addi %parallel_loop3A_95, %parallel_loop3A_1098 : i32
        %parallel_loop3A_1100 = arith.index_cast %parallel_loop3A_1099 : i32 to index
        %parallel_loop3A_1101 = arith.constant 16 : index
        %parallel_loop3A_1102 = tpu.vector_load %arg10[%parallel_loop3A_1100, %parallel_loop3A_1101] {strides = array<i32>} : memref<160x64xf32, #tpu.memory_space<vmem>>, vector<1x16xf32>,
        %parallel_loop3A_1103 = vector.shape_cast %parallel_loop3A_1102 : vector<1x16xf32> to vector<16xf32>
        %parallel_loop3A_1104 = vector.shape_cast %parallel_loop3A_1097 : vector<16xf32> to vector<1x16xf32>
        tpu.vector_store %arg10[%parallel_loop3A_1100, %parallel_loop3A_1101], %parallel_loop3A_1104 {strides = array<i32>} : memref<160x64xf32, #tpu.memory_space<vmem>>, vector<1x16xf32>,
        %parallel_loop3A_1105 = arith.constant 13 : i32
        %parallel_loop3A_1106 = arith.addi %parallel_loop3A_95, %parallel_loop3A_1105 : i32
        %parallel_loop3A_1107 = arith.constant 32 : i32
        %parallel_loop3A_1108 = arith.addi %parallel_loop3A_1068, %parallel_loop3A_1107 : i32
        %parallel_loop3A_1109 = arith.index_cast %parallel_loop3A_1106 : i32 to index
        %parallel_loop3A_1110 = arith.index_cast %parallel_loop3A_1108 : i32 to index
        %parallel_loop3A_1111 = tpu.vector_load %arg8[%parallel_loop3A_1109, %parallel_loop3A_1110] {strides = array<i32>} : memref<160x128xf32, #tpu.memory_space<vmem>>, vector<1x16xf32>,
        %parallel_loop3A_1112 = vector.shape_cast %parallel_loop3A_1111 : vector<1x16xf32> to vector<16xf32>
        %parallel_loop3A_1113 = arith.constant 8.000000e+00 : f32
        %parallel_loop3A_1114 = vector.broadcast %parallel_loop3A_1113 : f32 to vector<16xf32>
        %parallel_loop3A_1115 = arith.mulf %parallel_loop3A_1112, %parallel_loop3A_1114 : vector<16xf32>
        %parallel_loop3A_1116 = arith.constant 13 : i32
        %parallel_loop3A_1117 = arith.addi %parallel_loop3A_95, %parallel_loop3A_1116 : i32
        %parallel_loop3A_1118 = arith.index_cast %parallel_loop3A_1117 : i32 to index
        %parallel_loop3A_1119 = arith.constant 32 : index
        %parallel_loop3A_1120 = tpu.vector_load %arg10[%parallel_loop3A_1118, %parallel_loop3A_1119] {strides = array<i32>} : memref<160x64xf32, #tpu.memory_space<vmem>>, vector<1x16xf32>,
        %parallel_loop3A_1121 = vector.shape_cast %parallel_loop3A_1120 : vector<1x16xf32> to vector<16xf32>
        %parallel_loop3A_1122 = vector.shape_cast %parallel_loop3A_1115 : vector<16xf32> to vector<1x16xf32>
        tpu.vector_store %arg10[%parallel_loop3A_1118, %parallel_loop3A_1119], %parallel_loop3A_1122 {strides = array<i32>} : memref<160x64xf32, #tpu.memory_space<vmem>>, vector<1x16xf32>,
        %parallel_loop3A_1123 = arith.constant 13 : i32
        %parallel_loop3A_1124 = arith.addi %parallel_loop3A_95, %parallel_loop3A_1123 : i32
        %parallel_loop3A_1125 = arith.constant 48 : i32
        %parallel_loop3A_1126 = arith.addi %parallel_loop3A_1068, %parallel_loop3A_1125 : i32
        %parallel_loop3A_1127 = arith.index_cast %parallel_loop3A_1124 : i32 to index
        %parallel_loop3A_1128 = arith.index_cast %parallel_loop3A_1126 : i32 to index
        %parallel_loop3A_1129 = tpu.vector_load %arg8[%parallel_loop3A_1127, %parallel_loop3A_1128] {strides = array<i32>} : memref<160x128xf32, #tpu.memory_space<vmem>>, vector<1x16xf32>,
        %parallel_loop3A_1130 = vector.shape_cast %parallel_loop3A_1129 : vector<1x16xf32> to vector<16xf32>
        %parallel_loop3A_1131 = arith.constant 8.000000e+00 : f32
        %parallel_loop3A_1132 = vector.broadcast %parallel_loop3A_1131 : f32 to vector<16xf32>
        %parallel_loop3A_1133 = arith.mulf %parallel_loop3A_1130, %parallel_loop3A_1132 : vector<16xf32>
        %parallel_loop3A_1134 = arith.constant 13 : i32
        %parallel_loop3A_1135 = arith.addi %parallel_loop3A_95, %parallel_loop3A_1134 : i32
        %parallel_loop3A_1136 = arith.index_cast %parallel_loop3A_1135 : i32 to index
        %parallel_loop3A_1137 = arith.constant 48 : index
        %parallel_loop3A_1138 = tpu.vector_load %arg10[%parallel_loop3A_1136, %parallel_loop3A_1137] {strides = array<i32>} : memref<160x64xf32, #tpu.memory_space<vmem>>, vector<1x16xf32>,
        %parallel_loop3A_1139 = vector.shape_cast %parallel_loop3A_1138 : vector<1x16xf32> to vector<16xf32>
        %parallel_loop3A_1140 = vector.shape_cast %parallel_loop3A_1133 : vector<16xf32> to vector<1x16xf32>
        tpu.vector_store %arg10[%parallel_loop3A_1136, %parallel_loop3A_1137], %parallel_loop3A_1140 {strides = array<i32>} : memref<160x64xf32, #tpu.memory_space<vmem>>, vector<1x16xf32>,
        %parallel_loop3A_1141 = vector.extract_strided_slice %parallel_loop3A_104 {offsets = [14], sizes = [1], strides = [1]} : vector<16xi32> to vector<1xi32>
        %parallel_loop3A_1142 = vector.extract %parallel_loop3A_1141[0] : i32 from vector<1xi32>
        %parallel_loop3A_1143 = arith.constant 14 : i32
        %parallel_loop3A_1144 = arith.addi %parallel_loop3A_95, %parallel_loop3A_1143 : i32
        %parallel_loop3A_1145 = arith.constant 0 : i32
        %parallel_loop3A_1146 = arith.addi %parallel_loop3A_1142, %parallel_loop3A_1145 : i32
        %parallel_loop3A_1147 = arith.index_cast %parallel_loop3A_1144 : i32 to index
        %parallel_loop3A_1148 = arith.index_cast %parallel_loop3A_1146 : i32 to index
        %parallel_loop3A_1149 = tpu.vector_load %arg8[%parallel_loop3A_1147, %parallel_loop3A_1148] {strides = array<i32>} : memref<160x128xf32, #tpu.memory_space<vmem>>, vector<1x16xf32>,
        %parallel_loop3A_1150 = vector.shape_cast %parallel_loop3A_1149 : vector<1x16xf32> to vector<16xf32>
        %parallel_loop3A_1151 = arith.constant 8.000000e+00 : f32
        %parallel_loop3A_1152 = vector.broadcast %parallel_loop3A_1151 : f32 to vector<16xf32>
        %parallel_loop3A_1153 = arith.mulf %parallel_loop3A_1150, %parallel_loop3A_1152 : vector<16xf32>
        %parallel_loop3A_1154 = arith.constant 14 : i32
        %parallel_loop3A_1155 = arith.addi %parallel_loop3A_95, %parallel_loop3A_1154 : i32
        %parallel_loop3A_1156 = arith.index_cast %parallel_loop3A_1155 : i32 to index
        %parallel_loop3A_1157 = arith.constant 0 : index
        %parallel_loop3A_1158 = tpu.vector_load %arg10[%parallel_loop3A_1156, %parallel_loop3A_1157] {strides = array<i32>} : memref<160x64xf32, #tpu.memory_space<vmem>>, vector<1x16xf32>,
        %parallel_loop3A_1159 = vector.shape_cast %parallel_loop3A_1158 : vector<1x16xf32> to vector<16xf32>
        %parallel_loop3A_1160 = vector.shape_cast %parallel_loop3A_1153 : vector<16xf32> to vector<1x16xf32>
        tpu.vector_store %arg10[%parallel_loop3A_1156, %parallel_loop3A_1157], %parallel_loop3A_1160 {strides = array<i32>} : memref<160x64xf32, #tpu.memory_space<vmem>>, vector<1x16xf32>,
        %parallel_loop3A_1161 = arith.constant 14 : i32
        %parallel_loop3A_1162 = arith.addi %parallel_loop3A_95, %parallel_loop3A_1161 : i32
        %parallel_loop3A_1163 = arith.constant 16 : i32
        %parallel_loop3A_1164 = arith.addi %parallel_loop3A_1142, %parallel_loop3A_1163 : i32
        %parallel_loop3A_1165 = arith.index_cast %parallel_loop3A_1162 : i32 to index
        %parallel_loop3A_1166 = arith.index_cast %parallel_loop3A_1164 : i32 to index
        %parallel_loop3A_1167 = tpu.vector_load %arg8[%parallel_loop3A_1165, %parallel_loop3A_1166] {strides = array<i32>} : memref<160x128xf32, #tpu.memory_space<vmem>>, vector<1x16xf32>,
        %parallel_loop3A_1168 = vector.shape_cast %parallel_loop3A_1167 : vector<1x16xf32> to vector<16xf32>
        %parallel_loop3A_1169 = arith.constant 8.000000e+00 : f32
        %parallel_loop3A_1170 = vector.broadcast %parallel_loop3A_1169 : f32 to vector<16xf32>
        %parallel_loop3A_1171 = arith.mulf %parallel_loop3A_1168, %parallel_loop3A_1170 : vector<16xf32>
        %parallel_loop3A_1172 = arith.constant 14 : i32
        %parallel_loop3A_1173 = arith.addi %parallel_loop3A_95, %parallel_loop3A_1172 : i32
        %parallel_loop3A_1174 = arith.index_cast %parallel_loop3A_1173 : i32 to index
        %parallel_loop3A_1175 = arith.constant 16 : index
        %parallel_loop3A_1176 = tpu.vector_load %arg10[%parallel_loop3A_1174, %parallel_loop3A_1175] {strides = array<i32>} : memref<160x64xf32, #tpu.memory_space<vmem>>, vector<1x16xf32>,
        %parallel_loop3A_1177 = vector.shape_cast %parallel_loop3A_1176 : vector<1x16xf32> to vector<16xf32>
        %parallel_loop3A_1178 = vector.shape_cast %parallel_loop3A_1171 : vector<16xf32> to vector<1x16xf32>
        tpu.vector_store %arg10[%parallel_loop3A_1174, %parallel_loop3A_1175], %parallel_loop3A_1178 {strides = array<i32>} : memref<160x64xf32, #tpu.memory_space<vmem>>, vector<1x16xf32>,
        %parallel_loop3A_1179 = arith.constant 14 : i32
        %parallel_loop3A_1180 = arith.addi %parallel_loop3A_95, %parallel_loop3A_1179 : i32
        %parallel_loop3A_1181 = arith.constant 32 : i32
        %parallel_loop3A_1182 = arith.addi %parallel_loop3A_1142, %parallel_loop3A_1181 : i32
        %parallel_loop3A_1183 = arith.index_cast %parallel_loop3A_1180 : i32 to index
        %parallel_loop3A_1184 = arith.index_cast %parallel_loop3A_1182 : i32 to index
        %parallel_loop3A_1185 = tpu.vector_load %arg8[%parallel_loop3A_1183, %parallel_loop3A_1184] {strides = array<i32>} : memref<160x128xf32, #tpu.memory_space<vmem>>, vector<1x16xf32>,
        %parallel_loop3A_1186 = vector.shape_cast %parallel_loop3A_1185 : vector<1x16xf32> to vector<16xf32>
        %parallel_loop3A_1187 = arith.constant 8.000000e+00 : f32
        %parallel_loop3A_1188 = vector.broadcast %parallel_loop3A_1187 : f32 to vector<16xf32>
        %parallel_loop3A_1189 = arith.mulf %parallel_loop3A_1186, %parallel_loop3A_1188 : vector<16xf32>
        %parallel_loop3A_1190 = arith.constant 14 : i32
        %parallel_loop3A_1191 = arith.addi %parallel_loop3A_95, %parallel_loop3A_1190 : i32
        %parallel_loop3A_1192 = arith.index_cast %parallel_loop3A_1191 : i32 to index
        %parallel_loop3A_1193 = arith.constant 32 : index
        %parallel_loop3A_1194 = tpu.vector_load %arg10[%parallel_loop3A_1192, %parallel_loop3A_1193] {strides = array<i32>} : memref<160x64xf32, #tpu.memory_space<vmem>>, vector<1x16xf32>,
        %parallel_loop3A_1195 = vector.shape_cast %parallel_loop3A_1194 : vector<1x16xf32> to vector<16xf32>
        %parallel_loop3A_1196 = vector.shape_cast %parallel_loop3A_1189 : vector<16xf32> to vector<1x16xf32>
        tpu.vector_store %arg10[%parallel_loop3A_1192, %parallel_loop3A_1193], %parallel_loop3A_1196 {strides = array<i32>} : memref<160x64xf32, #tpu.memory_space<vmem>>, vector<1x16xf32>,
        %parallel_loop3A_1197 = arith.constant 14 : i32
        %parallel_loop3A_1198 = arith.addi %parallel_loop3A_95, %parallel_loop3A_1197 : i32
        %parallel_loop3A_1199 = arith.constant 48 : i32
        %parallel_loop3A_1200 = arith.addi %parallel_loop3A_1142, %parallel_loop3A_1199 : i32
        %parallel_loop3A_1201 = arith.index_cast %parallel_loop3A_1198 : i32 to index
        %parallel_loop3A_1202 = arith.index_cast %parallel_loop3A_1200 : i32 to index
        %parallel_loop3A_1203 = tpu.vector_load %arg8[%parallel_loop3A_1201, %parallel_loop3A_1202] {strides = array<i32>} : memref<160x128xf32, #tpu.memory_space<vmem>>, vector<1x16xf32>,
        %parallel_loop3A_1204 = vector.shape_cast %parallel_loop3A_1203 : vector<1x16xf32> to vector<16xf32>
        %parallel_loop3A_1205 = arith.constant 8.000000e+00 : f32
        %parallel_loop3A_1206 = vector.broadcast %parallel_loop3A_1205 : f32 to vector<16xf32>
        %parallel_loop3A_1207 = arith.mulf %parallel_loop3A_1204, %parallel_loop3A_1206 : vector<16xf32>
        %parallel_loop3A_1208 = arith.constant 14 : i32
        %parallel_loop3A_1209 = arith.addi %parallel_loop3A_95, %parallel_loop3A_1208 : i32
        %parallel_loop3A_1210 = arith.index_cast %parallel_loop3A_1209 : i32 to index
        %parallel_loop3A_1211 = arith.constant 48 : index
        %parallel_loop3A_1212 = tpu.vector_load %arg10[%parallel_loop3A_1210, %parallel_loop3A_1211] {strides = array<i32>} : memref<160x64xf32, #tpu.memory_space<vmem>>, vector<1x16xf32>,
        %parallel_loop3A_1213 = vector.shape_cast %parallel_loop3A_1212 : vector<1x16xf32> to vector<16xf32>
        %parallel_loop3A_1214 = vector.shape_cast %parallel_loop3A_1207 : vector<16xf32> to vector<1x16xf32>
        tpu.vector_store %arg10[%parallel_loop3A_1210, %parallel_loop3A_1211], %parallel_loop3A_1214 {strides = array<i32>} : memref<160x64xf32, #tpu.memory_space<vmem>>, vector<1x16xf32>,
        %parallel_loop3A_1215 = vector.extract_strided_slice %parallel_loop3A_104 {offsets = [15], sizes = [1], strides = [1]} : vector<16xi32> to vector<1xi32>
        %parallel_loop3A_1216 = vector.extract %parallel_loop3A_1215[0] : i32 from vector<1xi32>
        %parallel_loop3A_1217 = arith.constant 15 : i32
        %parallel_loop3A_1218 = arith.addi %parallel_loop3A_95, %parallel_loop3A_1217 : i32
        %parallel_loop3A_1219 = arith.constant 0 : i32
        %parallel_loop3A_1220 = arith.addi %parallel_loop3A_1216, %parallel_loop3A_1219 : i32
        %parallel_loop3A_1221 = arith.index_cast %parallel_loop3A_1218 : i32 to index
        %parallel_loop3A_1222 = arith.index_cast %parallel_loop3A_1220 : i32 to index
        %parallel_loop3A_1223 = tpu.vector_load %arg8[%parallel_loop3A_1221, %parallel_loop3A_1222] {strides = array<i32>} : memref<160x128xf32, #tpu.memory_space<vmem>>, vector<1x16xf32>,
        %parallel_loop3A_1224 = vector.shape_cast %parallel_loop3A_1223 : vector<1x16xf32> to vector<16xf32>
        %parallel_loop3A_1225 = arith.constant 8.000000e+00 : f32
        %parallel_loop3A_1226 = vector.broadcast %parallel_loop3A_1225 : f32 to vector<16xf32>
        %parallel_loop3A_1227 = arith.mulf %parallel_loop3A_1224, %parallel_loop3A_1226 : vector<16xf32>
        %parallel_loop3A_1228 = arith.constant 15 : i32
        %parallel_loop3A_1229 = arith.addi %parallel_loop3A_95, %parallel_loop3A_1228 : i32
        %parallel_loop3A_1230 = arith.index_cast %parallel_loop3A_1229 : i32 to index
        %parallel_loop3A_1231 = arith.constant 0 : index
        %parallel_loop3A_1232 = tpu.vector_load %arg10[%parallel_loop3A_1230, %parallel_loop3A_1231] {strides = array<i32>} : memref<160x64xf32, #tpu.memory_space<vmem>>, vector<1x16xf32>,
        %parallel_loop3A_1233 = vector.shape_cast %parallel_loop3A_1232 : vector<1x16xf32> to vector<16xf32>
        %parallel_loop3A_1234 = vector.shape_cast %parallel_loop3A_1227 : vector<16xf32> to vector<1x16xf32>
        tpu.vector_store %arg10[%parallel_loop3A_1230, %parallel_loop3A_1231], %parallel_loop3A_1234 {strides = array<i32>} : memref<160x64xf32, #tpu.memory_space<vmem>>, vector<1x16xf32>,
        %parallel_loop3A_1235 = arith.constant 15 : i32
        %parallel_loop3A_1236 = arith.addi %parallel_loop3A_95, %parallel_loop3A_1235 : i32
        %parallel_loop3A_1237 = arith.constant 16 : i32
        %parallel_loop3A_1238 = arith.addi %parallel_loop3A_1216, %parallel_loop3A_1237 : i32
        %parallel_loop3A_1239 = arith.index_cast %parallel_loop3A_1236 : i32 to index
        %parallel_loop3A_1240 = arith.index_cast %parallel_loop3A_1238 : i32 to index
        %parallel_loop3A_1241 = tpu.vector_load %arg8[%parallel_loop3A_1239, %parallel_loop3A_1240] {strides = array<i32>} : memref<160x128xf32, #tpu.memory_space<vmem>>, vector<1x16xf32>,
        %parallel_loop3A_1242 = vector.shape_cast %parallel_loop3A_1241 : vector<1x16xf32> to vector<16xf32>
        %parallel_loop3A_1243 = arith.constant 8.000000e+00 : f32
        %parallel_loop3A_1244 = vector.broadcast %parallel_loop3A_1243 : f32 to vector<16xf32>
        %parallel_loop3A_1245 = arith.mulf %parallel_loop3A_1242, %parallel_loop3A_1244 : vector<16xf32>
        %parallel_loop3A_1246 = arith.constant 15 : i32
        %parallel_loop3A_1247 = arith.addi %parallel_loop3A_95, %parallel_loop3A_1246 : i32
        %parallel_loop3A_1248 = arith.index_cast %parallel_loop3A_1247 : i32 to index
        %parallel_loop3A_1249 = arith.constant 16 : index
        %parallel_loop3A_1250 = tpu.vector_load %arg10[%parallel_loop3A_1248, %parallel_loop3A_1249] {strides = array<i32>} : memref<160x64xf32, #tpu.memory_space<vmem>>, vector<1x16xf32>,
        %parallel_loop3A_1251 = vector.shape_cast %parallel_loop3A_1250 : vector<1x16xf32> to vector<16xf32>
        %parallel_loop3A_1252 = vector.shape_cast %parallel_loop3A_1245 : vector<16xf32> to vector<1x16xf32>
        tpu.vector_store %arg10[%parallel_loop3A_1248, %parallel_loop3A_1249], %parallel_loop3A_1252 {strides = array<i32>} : memref<160x64xf32, #tpu.memory_space<vmem>>, vector<1x16xf32>,
        %parallel_loop3A_1253 = arith.constant 15 : i32
        %parallel_loop3A_1254 = arith.addi %parallel_loop3A_95, %parallel_loop3A_1253 : i32
        %parallel_loop3A_1255 = arith.constant 32 : i32
        %parallel_loop3A_1256 = arith.addi %parallel_loop3A_1216, %parallel_loop3A_1255 : i32
        %parallel_loop3A_1257 = arith.index_cast %parallel_loop3A_1254 : i32 to index
        %parallel_loop3A_1258 = arith.index_cast %parallel_loop3A_1256 : i32 to index
        %parallel_loop3A_1259 = tpu.vector_load %arg8[%parallel_loop3A_1257, %parallel_loop3A_1258] {strides = array<i32>} : memref<160x128xf32, #tpu.memory_space<vmem>>, vector<1x16xf32>,
        %parallel_loop3A_1260 = vector.shape_cast %parallel_loop3A_1259 : vector<1x16xf32> to vector<16xf32>
        %parallel_loop3A_1261 = arith.constant 8.000000e+00 : f32
        %parallel_loop3A_1262 = vector.broadcast %parallel_loop3A_1261 : f32 to vector<16xf32>
        %parallel_loop3A_1263 = arith.mulf %parallel_loop3A_1260, %parallel_loop3A_1262 : vector<16xf32>
        %parallel_loop3A_1264 = arith.constant 15 : i32
        %parallel_loop3A_1265 = arith.addi %parallel_loop3A_95, %parallel_loop3A_1264 : i32
        %parallel_loop3A_1266 = arith.index_cast %parallel_loop3A_1265 : i32 to index
        %parallel_loop3A_1267 = arith.constant 32 : index
        %parallel_loop3A_1268 = tpu.vector_load %arg10[%parallel_loop3A_1266, %parallel_loop3A_1267] {strides = array<i32>} : memref<160x64xf32, #tpu.memory_space<vmem>>, vector<1x16xf32>,
        %parallel_loop3A_1269 = vector.shape_cast %parallel_loop3A_1268 : vector<1x16xf32> to vector<16xf32>
        %parallel_loop3A_1270 = vector.shape_cast %parallel_loop3A_1263 : vector<16xf32> to vector<1x16xf32>
        tpu.vector_store %arg10[%parallel_loop3A_1266, %parallel_loop3A_1267], %parallel_loop3A_1270 {strides = array<i32>} : memref<160x64xf32, #tpu.memory_space<vmem>>, vector<1x16xf32>,
        %parallel_loop3A_1271 = arith.constant 15 : i32
        %parallel_loop3A_1272 = arith.addi %parallel_loop3A_95, %parallel_loop3A_1271 : i32
        %parallel_loop3A_1273 = arith.constant 48 : i32
        %parallel_loop3A_1274 = arith.addi %parallel_loop3A_1216, %parallel_loop3A_1273 : i32
        %parallel_loop3A_1275 = arith.index_cast %parallel_loop3A_1272 : i32 to index
        %parallel_loop3A_1276 = arith.index_cast %parallel_loop3A_1274 : i32 to index
        %parallel_loop3A_1277 = tpu.vector_load %arg8[%parallel_loop3A_1275, %parallel_loop3A_1276] {strides = array<i32>} : memref<160x128xf32, #tpu.memory_space<vmem>>, vector<1x16xf32>,
        %parallel_loop3A_1278 = vector.shape_cast %parallel_loop3A_1277 : vector<1x16xf32> to vector<16xf32>
        %parallel_loop3A_1279 = arith.constant 8.000000e+00 : f32
        %parallel_loop3A_1280 = vector.broadcast %parallel_loop3A_1279 : f32 to vector<16xf32>
        %parallel_loop3A_1281 = arith.mulf %parallel_loop3A_1278, %parallel_loop3A_1280 : vector<16xf32>
        %parallel_loop3A_1282 = arith.constant 15 : i32
        %parallel_loop3A_1283 = arith.addi %parallel_loop3A_95, %parallel_loop3A_1282 : i32
        %parallel_loop3A_1284 = arith.index_cast %parallel_loop3A_1283 : i32 to index
        %parallel_loop3A_1285 = arith.constant 48 : index
        %parallel_loop3A_1286 = tpu.vector_load %arg10[%parallel_loop3A_1284, %parallel_loop3A_1285] {strides = array<i32>} : memref<160x64xf32, #tpu.memory_space<vmem>>, vector<1x16xf32>,
        %parallel_loop3A_1287 = vector.shape_cast %parallel_loop3A_1286 : vector<1x16xf32> to vector<16xf32>
        %parallel_loop3A_1288 = vector.shape_cast %parallel_loop3A_1281 : vector<16xf32> to vector<1x16xf32>
        tpu.vector_store %arg10[%parallel_loop3A_1284, %parallel_loop3A_1285], %parallel_loop3A_1288 {strides = array<i32>} : memref<160x64xf32, #tpu.memory_space<vmem>>, vector<1x16xf32>,
      } {sc.loop_unroll_factor = 1 : i64, sc.parallel_access}
      %mul3A_81 = arith.constant 160 : i32
      %mul3A_82 = arith.muli %add3A_69, %mul3A_81 : i32
      %add3A_83 = arith.addi %mul3A_2, %mul3A_82 : i32
      %dma_start3A_84 = arith.constant 0 : i32
      %dma_start3A_85 = tpu.memref_slice %arg4[%add3A_83, %dma_start3A_84] : memref<819200x64xf32, #tpu.memory_space<hbm>> -> memref<160x64xf32, #tpu.memory_space<hbm>>
      %dma_start3A_86 = arith.constant 0 : i32
      %dma_start3A_87 = tpu.memref_slice %arg4[%add3A_83, %dma_start3A_86] : memref<819200x64xf32, #tpu.memory_space<hbm>> -> memref<160x64xf32, #tpu.memory_space<hbm>>
      tpu.enqueue_dma source(%arg10 : memref<160x64xf32, #tpu.memory_space<vmem>>) target(%dma_start3A_87 : memref<160x64xf32, #tpu.memory_space<hbm>>) target_semaphore(%arg16 : memref<!tpu.dma_semaphore, #tpu.memory_space<semaphore_mem>>)
      %add3A_88 = arith.constant 2 : i32
      %add3A_89 = arith.addi %add3A_69, %add3A_88 : i32
      %lt3A_90 = arith.constant 160 : i32
      %lt3A_91 = arith.cmpi slt, %add3A_89, %lt3A_90 : i32
      %convert_element_type3A_92 = arith.extui %lt3A_91 : i1 to i32
      %cond3A_93 = arith.constant 0 : i32
      %cond3A_94 = arith.cmpi ne, %convert_element_type3A_92, %cond3A_93 : i32
      scf.if %cond3A_94 {
        %add3A_95 = arith.constant 2 : i32
        %add3A_96 = arith.addi %add3A_69, %add3A_95 : i32
        %mul3A_97 = arith.constant 160 : i32
        %mul3A_98 = arith.muli %add3A_96, %mul3A_97 : i32
        %add3A_99 = arith.addi %mul3A_2, %mul3A_98 : i32
        %dma_start3A_100 = tpu.memref_slice %arg3[%add3A_99] : memref<819200xi32, #tpu.memory_space<hbm>> -> memref<160xi32, #tpu.memory_space<hbm>>
        %dma_start3A_101 = tpu.memref_slice %arg3[%add3A_99] : memref<819200xi32, #tpu.memory_space<hbm>> -> memref<160xi32, #tpu.memory_space<hbm>>
        tpu.enqueue_dma source(%dma_start3A_101 : memref<160xi32, #tpu.memory_space<hbm>>) target(%arg12 : memref<160xi32, #tpu.memory_space<vmem>>) target_semaphore(%arg18 : memref<!tpu.dma_semaphore, #tpu.memory_space<semaphore_mem>>)
        %dma_wait3A_102 = tpu.memref_slice %arg3[%mul3A_2] : memref<819200xi32, #tpu.memory_space<hbm>> -> memref<160xi32, #tpu.memory_space<hbm>>
        %dma_wait3A_103 = tpu.memref_slice %arg3[%mul3A_2] : memref<819200xi32, #tpu.memory_space<hbm>> -> memref<160xi32, #tpu.memory_space<hbm>>
        tpu.wait_dma2 semaphore(%arg18 : memref<!tpu.dma_semaphore, #tpu.memory_space<semaphore_mem>>) src(%dma_wait3A_103 : memref<160xi32, #tpu.memory_space<hbm>>) dst(%arg12 : memref<160xi32, #tpu.memory_space<vmem>>)
        %scan3A_104 = arith.constant 0 : i32
        %scan3A_105 = arith.constant 10 : i32
        %scan3A_106 = arith.addi %scan3A_104, %scan3A_105 : i32
        %scan3A_107 = arith.constant 1 : i32
        scf.for %scan3A_112 = %scan3A_104 to %scan3A_106 step %scan3A_107  : i32 {
          %mul3A_113 = arith.constant 16 : i32
          %mul3A_114 = arith.muli %scan3A_112, %mul3A_113 : i32
          %add3A_115 = arith.constant 0 : i32
          %add3A_116 = arith.addi %add3A_115, %mul3A_114 : i32
          %get3A = arith.index_cast %add3A_116 : i32 to index
          %get3A_117 = tpu.vector_load %arg12[%get3A] {strides = array<i32>} : memref<160xi32, #tpu.memory_space<vmem>>, vector<16xi32>,
          %get3A_118 = vector.shape_cast %get3A_117 : vector<16xi32> to vector<16xi32>
          %shift_right_logical3A = arith.constant 1 : i32
          %shift_right_logical3A_119 = vector.broadcast %shift_right_logical3A : i32 to vector<16xi32>
          %shift_right_logical3A_120 = arith.shrui %get3A_118, %shift_right_logical3A_119 : vector<16xi32>
          %swap3A = arith.index_cast %add3A_116 : i32 to index
          %swap3A_121 = tpu.vector_load %arg6[%swap3A] {strides = array<i32>} : memref<160xi32, #tpu.memory_space<vmem>>, vector<16xi32>,
          %swap3A_122 = vector.shape_cast %swap3A_121 : vector<16xi32> to vector<16xi32>
          %swap3A_123 = vector.shape_cast %shift_right_logical3A_120 : vector<16xi32> to vector<16xi32>
          tpu.vector_store %arg6[%swap3A], %swap3A_123 {strides = array<i32>} : memref<160xi32, #tpu.memory_space<vmem>>, vector<16xi32>,
        }
        %scan3A_108 = arith.constant 10 : i32
        %dma_start3A_109 = arith.constant 0 : i32
        %dma_start3A_110 = arith.constant 0 : i32
        %dma_start3A_111 = tpu.memref_slice %arg2[%dma_start3A_109, %dma_start3A_110] : memref<500000x128xf32, #tpu.memory_space<hbm>> -> memref<500000x128xf32, #tpu.memory_space<hbm>>
        tpu.enqueue_indirect_dma source(%dma_start3A_111 : memref<500000x128xf32, #tpu.memory_space<hbm>>) target(%arg8 : memref<160x128xf32, #tpu.memory_space<vmem>>) offsets(%arg6 : memref<160xi32, #tpu.memory_space<vmem>>) semaphore(%arg14 : memref<!tpu.dma_semaphore, #tpu.memory_space<semaphore_mem>>)
      } else {
      }
    }
    %scan3A_32 = arith.constant 80 : i32
    %dma_wait3A_33 = arith.constant 0 : i32
    %dma_wait3A_34 = tpu.memref_slice %arg4[%mul3A_2, %dma_wait3A_33] : memref<819200x64xf32, #tpu.memory_space<hbm>> -> memref<160x64xf32, #tpu.memory_space<hbm>>
    %dma_wait3A_35 = arith.constant 0 : i32
    %dma_wait3A_36 = tpu.memref_slice %arg4[%mul3A_2, %dma_wait3A_35] : memref<819200x64xf32, #tpu.memory_space<hbm>> -> memref<160x64xf32, #tpu.memory_space<hbm>>
    tpu.wait_dma2 semaphore(%arg15 : memref<!tpu.dma_semaphore, #tpu.memory_space<semaphore_mem>>) src(%arg9 : memref<160x64xf32, #tpu.memory_space<vmem>>) dst(%dma_wait3A_36 : memref<160x64xf32, #tpu.memory_space<hbm>>)
    %dma_wait3A_37 = arith.constant 0 : i32
    %dma_wait3A_38 = tpu.memref_slice %arg4[%mul3A_2, %dma_wait3A_37] : memref<819200x64xf32, #tpu.memory_space<hbm>> -> memref<160x64xf32, #tpu.memory_space<hbm>>
    %dma_wait3A_39 = arith.constant 0 : i32
    %dma_wait3A_40 = tpu.memref_slice %arg4[%mul3A_2, %dma_wait3A_39] : memref<819200x64xf32, #tpu.memory_space<hbm>> -> memref<160x64xf32, #tpu.memory_space<hbm>>
    tpu.wait_dma2 semaphore(%arg16 : memref<!tpu.dma_semaphore, #tpu.memory_space<semaphore_mem>>) src(%arg10 : memref<160x64xf32, #tpu.memory_space<vmem>>) dst(%dma_wait3A_40 : memref<160x64xf32, #tpu.memory_space<hbm>>)
    return
  }
}

</mosaic_0001>

<sc_bundles>
// kernel: kernel.3.cloned.1.call-start
scs
__scs_entry_jumppad:
0x0: {  	(pc) =	sbr.rel $0x88, $3  }
0x1: {  	(tag) =	ssettag $0x0;
	lr =	simm.s32 $0x1  }
0x2: {  	[smem:$0x3F9F] =	sst lr;
	_ =	strace $0xD0000000  }
0x3: {  	_ = 	snop  }
0x4: {  	_ = 	snop  }
0x5: {  	_ = 	snop  }
0x6: {  	_ = 	snop  }
0x7: {  	_ = 	snop  }
__scs_overlays_trampoline_lowered:
0x8: {  	[smem:$0x3FAE] =	sst s0  }
0x9: {  	[smem:$0x3FAF] =	sst s1  }
0xa: {  	[smem:$0x3FB0] =	sst s2  }
0xb: {  	[smem:$0x3FB1] =	sst s3  }
0xc: {  	[smem:$0x3FB2] =	sst s4  }
0xd: {  	[smem:$0x3FB3] =	sst s5  }
0xe: {  	[smem:$0x3FB4] =	sst s6  }
0xf: {  	[smem:$0x3FB5] =	sst s7  }
0x10: {  	[smem:$0x3FB6] =	sst s8  }
0x11: {  	[smem:$0x3FB7] =	sst s9;
	s0 =	simm.s32 @!p0 $0x0  }
0x12: {  	s1 =	sld [smem:$0x3F9D];
	s0 =	simm.s32 @p0 $0x1  }
0x13: {  	[smem:$0x3FB8] =	sst s0;
	s0 =	simm.s32 @!p1 $0x0  }
0x14: {  	s2 =	sld [smem:$0x3F9C];
	s0 =	simm.s32 @p1 $0x1  }
0x15: {  	[smem:$0x3FB9] =	sst s0;
	s0 =	simm.s32 @!p2 $0x0  }
0x16: {  	s3 =	sld [smem:$0x3FDB];
	s0 =	simm.s32 @p2 $0x1  }
0x17: {  	s4 =	simm.s32 $0x1BF5;
	[smem:$0x3FBB] =	sst s0  }
0x18: {  	s0 =	sld [smem:$0x3F9E];
	_ =	swait.ge [sflag:s4], $0x0  }
0x19: {  	s7 =	sld [smem:$0x3F9F]  }
0x1a: {  	s8 =	sadd.s32 $0xFFFFE003, lr  }
0x1b: {  	s9 =	sadd.s32 $0xFFFFFEF7, lr;
	s5 =	simm.s32 $0xFFFFFFFF;
	p2 =	slt.u32 s8, $0xFFFFF086  }
0x1c: {  	p1 =	slt.u32 s9, $0xF7A;
	s5 =	simm.s32 @!p2 $0x0  }
0x1d: {  	s5 =	simm.s32 @p1 $0x1;
	p0 =	seq.s32 s7, s2  }
0x1e: {  	s7 =	smul.u32 @!p0 $0xF7A, s2;
	p2 =	seq.s32 @!p0 s5, $0x0  }
0x1f: {  	s9 =	smul.u32 $0xF7A, s1;
	s8 =	simm.s32 @!p0 $0x1BF5;
	p2 =	por !p2, p0  }
0x20: {  	[sflag:s8] =	ssyncset.s32 @!p0 $0xFFFFF086;
	s6 =	sadd.s32 @!p0 s3, s7;
	s7 =	simm.s32 @!p0 $0x108  }
0x21: {  	s3 =	sadd.s32 s3, s9;
	s6 =	sadd.s32 @!p0 $0x88, s6;
	s7 =	simm.s32 @p2 $0x1082  }
0x22: {  	[simem:s7], [sflag:s8] =	dma.local @!p0 [hbm:s6], $0xF7A  }
0x23: {  	s9 =	sor.u32 $0xD0000000, s2;
	s6 =	simm.s32 $0x108;
	_ =	swait.ge @!p0 [sflag:s8], $0x0  }
0x24: {  	s3 =	sadd.s32 $0x88, s3;
	s6 =	simm.s32 @!p1 $0x1082;
	[sflag:s4] =	ssyncset.s32 $0xFFFFF086  }
0x25: {  	[simem:s6], [sflag:s4] =	dma.local [hbm:s3], $0xF7A  }
0x26: {  	[smem:$0x3F9F] =	sst s1;
	(tag) =	ssettag s2;
	_ =	strace s9  }
0x27: {  	s1 =	sld [smem:$0x3FAF]  }
0x28: {  	s2 =	sld [smem:$0x3FB0]  }
0x29: {  	s4 =	sld [smem:$0x3FB2]  }
0x2a: {  	p0 =	seq.s32 s5, $0x0;
	s5 =	sld [smem:$0x3FB3]  }
0x2b: {  	s6 =	sld [smem:$0x3FB4]  }
0x2c: {  	s7 =	sld [smem:$0x3FB5]  }
0x2d: {  	s3 =	simm.s32 $0x108;
	s8 =	sld [smem:$0x3FB6]  }
0x2e: {  	s3 =	simm.s32 @!p0 $0x1082;
	s9 =	sld [smem:$0x3FB7]  }
0x2f: {  	lr =	sadd.s32 s0, s3;
	s0 =	sld [smem:$0x3FAE]  }
0x30: {  	s3 =	sld [smem:$0x3FB1]  }
0x31: {  	[smem:$0x3FBA] =	sst s10  }
0x32: {  	s10 =	sld [smem:$0x3FB8];
	_ =	sdelay $0x3  }
0x33: {  	p0 =	seq.s32 s10, $0x1;
	s10 =	sld [smem:$0x3FBA];
	_ =	sdelay $0x3  }
0x34: {  	[smem:$0x3FBA] =	sst s10  }
0x35: {  	s10 =	sld [smem:$0x3FB9];
	_ =	sdelay $0x3  }
0x36: {  	p1 =	seq.s32 s10, $0x1;
	s10 =	sld [smem:$0x3FBA];
	_ =	sdelay $0x3  }
0x37: {  	[smem:$0x3FBA] =	sst s10  }
0x38: {  	s10 =	sld [smem:$0x3FBB]  }
0x39: {  	_ = 	snop;
	(pc) =	sbr.ind lr, $3  }
0x3a: {  	_ = 	snop  }
0x3b: {  	_ = 	snop  }
0x3c: {  	p2 =	seq.s32 s10, $0x1;
	s10 =	sld [smem:$0x3FBA]  }
0x3d: {  	_ =	shalt  }
0x3e: {  	_ =	shalt  }
0x3f: {  	_ =	shalt  }
0x40: {  	_ =	shalt  }
0x41: {  	_ =	shalt  }
0x42: {  	_ =	shalt  }
0x43: {  	_ =	shalt  }
0x44: {  	_ =	shalt  }
0x45: {  	_ =	shalt  }
0x46: {  	_ =	shalt  }
0x47: {  	_ =	shalt  }
0x48: {  	_ =	shalt  }
0x49: {  	_ =	shalt  }
0x4a: {  	_ =	shalt  }
0x4b: {  	_ =	shalt  }
0x4c: {  	_ =	shalt  }
0x4d: {  	_ =	shalt  }
0x4e: {  	_ =	shalt  }
0x4f: {  	_ =	shalt  }
0x50: {  	_ =	shalt  }
0x51: {  	_ =	shalt  }
0x52: {  	_ =	shalt  }
0x53: {  	_ =	shalt  }
0x54: {  	_ =	shalt  }
0x55: {  	_ =	shalt  }
0x56: {  	_ =	shalt  }
0x57: {  	_ =	shalt  }
0x58: {  	_ =	shalt  }
0x59: {  	_ =	shalt  }
0x5a: {  	_ =	shalt  }
0x5b: {  	_ =	shalt  }
0x5c: {  	_ =	shalt  }
0x5d: {  	_ =	shalt  }
0x5e: {  	_ =	shalt  }
0x5f: {  	_ =	shalt  }
0x60: {  	_ =	shalt  }
0x61: {  	_ =	shalt  }
0x62: {  	_ =	shalt  }
0x63: {  	_ =	shalt  }
0x64: {  	_ =	shalt  }
0x65: {  	_ =	shalt  }
0x66: {  	_ =	shalt  }
0x67: {  	_ =	shalt  }
0x68: {  	_ =	shalt  }
0x69: {  	_ =	shalt  }
0x6a: {  	_ =	shalt  }
0x6b: {  	_ =	shalt  }
0x6c: {  	_ =	shalt  }
0x6d: {  	_ =	shalt  }
0x6e: {  	_ =	shalt  }
0x6f: {  	_ =	shalt  }
0x70: {  	_ =	shalt  }
0x71: {  	_ =	shalt  }
0x72: {  	_ =	shalt  }
0x73: {  	_ =	shalt  }
0x74: {  	_ =	shalt  }
0x75: {  	_ =	shalt  }
0x76: {  	_ =	shalt  }
0x77: {  	_ =	shalt  }
0x78: {  	_ =	shalt  }
0x79: {  	_ =	shalt  }
0x7a: {  	_ =	shalt  }
0x7b: {  	_ =	shalt  }
0x7c: {  	_ =	shalt  }
0x7d: {  	_ =	shalt  }
0x7e: {  	_ =	shalt  }
0x7f: {  	_ =	shalt  }
0x80: {  	_ =	shalt  }
0x81: {  	_ =	shalt  }
0x82: {  	_ =	shalt  }
0x83: {  	_ =	shalt  }
0x84: {  	_ =	shalt  }
0x85: {  	_ =	shalt  }
0x86: {  	_ =	shalt  }
0x87: {  	_ =	shalt  }
.Lfunc_end0:
.L_simem_size_0:
called_computation.1_lowered:
.L_overlay_start_0:
0x88: {  	s2 =	sld [smem:$0x3FD9]  }
0x89: {  	s3 =	sld [smem:$0x3FFE];
	_ =	sdelay $0x1  }
0x8a: {  	s1 =	srdreg.scid  }
0x8b: {  	s0 =	sand.u32 $0x1, s1  }
0x8c: {  	s17 =	sshll.u32 s0, $0xA;
	s2 =	sadd.s32 s3, s2  }
0x8d: {  	s2 =	sadd.s32 s2, s17  }
0x8e: {  	[smem:$0x3FC6] =	sst s2  }
0x8f: {  	_ = 	snop  }
0x90: {  	s2 =	sld [smem:$0x3FD0];
	(tm) =	ssettm $0x1  }
0x91: {  	s18 =	sld [smem:$0x3FFB];
	_ =	sdelay $0x3  }
0x92: {  	_ =	strace s18  }
0x93: {  	s3 =	sld [smem:$0x3FFC];
	_ =	sdelay $0x3  }
0x94: {  	_ =	strace s3  }
0x95: {  	s3 =	sld [smem:$0x3FFD];
	_ =	sdelay $0x3  }
0x96: {  	_ =	strace s3  }
0x97: {  	_ =	strace $0x8FFFFFFF  }
0x98: {  	s19 =	sld [smem:$0x3FDB];
	_ =	sdelay $0x1  }
0x99: {  	s4 =	simm.s32 $_scs_section_size  }
0x9a: {  	s5 =	simm.s32 $_size__tile_overlayer_lowered;
	s6 =	simm.s32 $_tile_overlayer_lowered  }
0x9b: {  	s22 =	simm.s32 $0x1BFF;
	s21 =	sshll.u32 s6, $0x1;
	s3 =	sadd.s32 s4, s19  }
0x9c: {  	s7 =	simm.s32 $0x0;
	s20 =	sshll.u32 s5, $0x1;
	s5 =	sadd.s32 s21, s3  }
0x9d: {  	[timem:s7], [sflag:s22] =	dma.local [hbm:s5], s20  }
0x9e: {  	_ =	swait.ge [sflag:s22], s20  }
0x9f: {  	s4 =	ssub.s32 $0x0, s20;
	[sflag:s22] =	ssyncset.done $0x0  }
0xa0: {  	[sflag:s22] =	ssyncadd.s32 s4;
	_ =	sdelay $0x1  }
0xa1: {  	s23 =	simm.s32 $0x1B8B  }
0xa2: {  	_ =	swait.ge [sflag:s23], $0x1  }
0xa3: {  	[sflag:s23] =	ssyncset.done $0x0  }
0xa4: {  	s25 =	simm.s32 $0x1B8E;
	s24 =	sld [smem:$0x3FFE];
	[sflag:s23] =	ssyncadd.s32 $0xFFFFFFFF  }
0xa5: {  	s26 =	simm.s32 $execute0_lowered;
	[smem:$0x3FD2] =	sst s25  }
0xa6: {  	s5 =	sshll.u32 s26, $0x1;
	_ =	strace $0x80000046;
	[dreg:$0x1] =	wrdreg $0xFFFFFFFF  }
0xa7: {  	s28 =	simm.s32 $_size_execute0_lowered;
	s3 =	sadd.s32 s3, s5;
	[dreg:$0x0] =	wrdreg $0x0  }
0xa8: {  	s5 =	sshll.u32 s28, $0x1;
	[dreg:$0x2] =	wrdreg s3  }
0xa9: {  	[dreg:$0x3] =	wrdreg s5  }
0xaa: {  	[dreg:$0x4] =	wrdreg $0xC0  }
0xab: {  	_ =	task [dreg:s7], $0x5FFFF  }
0xac: {  	[dreg:$0x1] =	wrdreg $0xFFFFFFFF  }
0xad: {  	[dreg:$0x0] =	wrdreg $0x60  }
0xae: {  	[dreg:$0x2] =	wrdreg s24  }
0xaf: {  	[dreg:$0x3] =	wrdreg s2  }
0xb0: {  	[dreg:$0x4] =	wrdreg $0x9  }
0xb1: {  	_ =	task.clear_ibuf [dreg:s7], $0x5FFFF;
	_ =	strace $0x90000046  }
0xb2: {  	s29 =	simm.s32 $0x9;
	_ =	strace $0x80000048  }
0xb3: {  	_ =	swait.ge [sflag:s29], $0x1  }
0xb4: {  	[sflag:s29] =	ssyncadd.s32 $0xFFFFFFFF  }
0xb5: {  	_ =	strace $0x90000048  }
0xb6: {  	_ =	sfence  }
0xb7: {  	s30 =	sld [smem:$0x0];
	_ =	sdelay $0x2  }
0xb8: {  	s31 =	sshll.u32 s1, $0xD;
	s1 =	sshrl.u32 s1, $0x2  }
0xb9: {  	s3 =	sand.u32 $0x4000, s31;
	s1 =	sadd.s32 s1, s30  }
0xba: {  	s0 =	sor.u32 s3, s0;
	s1 =	sshll.u32 s1, $0x11  }
0xbb: {  	s0 =	sor.u32 s1, s0  }
0xbc: {  	s0 =	sadd.s32 $0x8F2B, s0  }
0xbd: {  	[sflag:s0] =	ssyncadd.remote.s32 $0x1  }
0xbe: {  	_ =	sfence.sel $0xFFFF  }
0xbf: {  	[dreg:$0x0] =	wrdreg $0xFFFFFFFF;
	(pc) =	sbr.abs _section_cstart, $3  }
0xc0: {  	[dreg:$0x1] =	wrdreg $0xFFFFFFFF  }
0xc1: {  	_ =	task.clear_ibuf [dreg:s7], $0x2FFFF;
	_ =	strace $0x9FFFFFFF  }
0xc2: {  	(tm) =	ssettm $0x7FFFFFFF  }
0xc3: {  	_ =	shalt  }
tec
execute0_lowered:
.L_overlay_start_1:
0x0: {  	(tag) =	ssettag $0x1  }
0x1: {  	s0 =	rddreg [dreg:$0x0];
	s1 =	srdreg.scid  }
0x2: {  	s2 =	stileid.u32;
	s3 =	rddreg [dreg:$0x1];
	s4 =	simm.s32 $0x0  }
0x3: {  	s1 =	sand.u32 $0x1, s1;
	s2 =	sshll.u32 s2, $0x1;
	[smem:$0x7FF] =	sst s4  }
0x4: {  	s24 =	sadd.s32 $0xF42E00, s0;
	s0 =	sadd.s32 $0xA00, s0;
	s2 =	sor.u32 s1, s2  }
0x5: {  	_ =	strace $0x80000047;
	[dreg:$0x4] =	wrdreg s24;
	s5 =	smul.u32 $0x6400, s2  }
0x6: {  	s1 =	ssub.s32 $0x2, s1;
	[dreg:$0x5] =	wrdreg s0  }
0x7: {  	s26 =	sshrl.u32 s1, $0x1;
	s29 =	sor.u32 $0x140, s5;
	[dreg:$0x3] =	wrdreg s5  }
0x8: {  	s0 =	ssub.s32 s1, s26;
	s30 =	sor.u32 $0xA0, s5;
	[dreg:$0x8] =	wrdreg s29  }
.Ltmp0:
0x9: {  	s31 =	sor.u32 $0x1E0, s5;
	[dreg:$0x9] =	wrdreg s30;
	(pc) =	sbr.rel .LBB2_1-.Ltmp0, $4  }
0xa: {  	s25 =	sshrl.u32 s5, $0x3;
	s0 =	smax.u32 s0, $0x1;
	[dreg:$0xa] =	wrdreg s31  }
0xb: {  	s2 =	sadd.s32 s3, s25;
	[dreg:$0xb] =	wrdreg s0  }
0xc: {  	[dreg:$0x6] =	wrdreg s2;
	s28 =	sadd.s32 $0x14, s2  }
0xd: {  	s2 =	simm.s32 $0x0;
	[dreg:$0x7] =	wrdreg s28  }
.LBB2_12:
0xe: {  	s0 =	simm.s32 $0x3  }
0xf: {  	_ =	swait.ge [sflag:s0], $0x5000  }
0x10: {  	[sflag:s0] =	ssyncset.done $0x0  }
0x11: {  	s1 =	simm.s32 $0x4;
	[sflag:s0] =	ssyncadd.s32 $0xFFFFB000  }
0x12: {  	_ =	swait.ge [sflag:s1], $0x5000  }
0x13: {  	s2 =	rddreg [dreg:$0xc]  }
0x14: {  	s31 =	rddreg [dreg:$0xb];
	s2 =	sadd.s32 $0x1, s2  }
0x15: {  	p0 =	sne.s32 s2, s31  }
.Ltmp1:
0x16: {  	_ = 	snop;
	(pc) =	sbr.rel @!p0 .LBB2_13-.Ltmp1, $3  }
0x17: {  	_ =	sdelay $0x1  }
0x18: {  	[sflag:s1] =	ssyncset.done $0x0  }
0x19: {  	[sflag:s1] =	ssyncadd.s32 $0xFFFFB000  }
.LBB2_1:
0x1a: {  	[dreg:$0xc] =	wrdreg s2  }
0x1b: {  	s0 =	rddreg [dreg:$0x6];
	s1 =	simm.s32 $0x14200  }
0x1c: {  	[tilespmem:s1], [sflag:$0x5] =	stream.linear.gather [hbm4b:s0+s4], $0xA0, $0x38;
	[tilespmem:$0x14400] =	vst v63  }
0x1d: {  	s23 =	rddreg [dreg:$0x7];
	s24 =	simm.s32 $0x14300;
	s25 =	simm.s32 $0x5  }
0x1e: {  	[tilespmem:s24], [sflag:$0x6] =	stream.linear.gather [hbm4b:s23+s4], $0xA0, $0x38;
	[tilespmem:$0x14400] =	vst v63  }
0x1f: {  	_ =	swait.ge [sflag:s25], $0xA0  }
0x20: {  	[sflag:s25] =	ssyncset.done $0x0  }
0x21: {  	[sflag:s25] =	ssyncadd.s32 $0xFFFFFF60  }
0x22: {  	v0 =	vld [tilespmem:$0x14200]  }
0x23: {  	v1 =	vld [tilespmem:$0x14210]  }
0x24: {  	v2 =	vld [tilespmem:$0x14220]  }
0x25: {  	v3 =	vld [tilespmem:$0x14230]  }
0x26: {  	v4 =	vld [tilespmem:$0x14240]  }
0x27: {  	v5 =	vld [tilespmem:$0x14250];
	v0 =	vshrl.u32 v0, $0x1  }
0x28: {  	v33 =	vld [tilespmem:$0x14260];
	v32 =	vshrl.u32 v1, $0x1;
	[tilespmem:$0x0] =	vst v0  }
0x29: {  	v35 =	vld [tilespmem:$0x14270];
	v34 =	vshrl.u32 v2, $0x1;
	[tilespmem:$0x10] =	vst v32  }
0x2a: {  	v37 =	vld [tilespmem:$0x14280];
	v36 =	vshrl.u32 v3, $0x1;
	[tilespmem:$0x20] =	vst v34  }
0x2b: {  	v39 =	vld [tilespmem:$0x14290];
	v38 =	vshrl.u32 v4, $0x1;
	[tilespmem:$0x30] =	vst v36  }
0x2c: {  	v40 =	vshrl.u32 v5, $0x1;
	[tilespmem:$0x40] =	vst v38  }
0x2d: {  	v41 =	vshrl.u32 v33, $0x1;
	[tilespmem:$0x50] =	vst v40  }
0x2e: {  	v42 =	vshrl.u32 v35, $0x1;
	[tilespmem:$0x60] =	vst v41  }
0x2f: {  	v43 =	vshrl.u32 v37, $0x1;
	[tilespmem:$0x70] =	vst v42  }
0x30: {  	s28 =	simm.s32 $0xA0;
	v44 =	vshrl.u32 v39, $0x1;
	[tilespmem:$0x80] =	vst v43  }
0x31: {  	s29 =	simm.s32 $0x200;
	s30 =	simm.s32 $0x6;
	s26 =	rddreg [dreg:$0x4];
	[tilespmem:$0x90] =	vst v44  }
0x32: {  	[tilespmem:s29], [sflag:$0x1] =	stream.indirect.gather [hbm4b:s26+s28], $0x80, s4, s28, $0xb8;
	[tilespmem:$0x14400] =	vst v63  }
0x33: {  	_ =	swait.ge [sflag:s30], $0xA0  }
0x34: {  	[sflag:s30] =	ssyncset.done $0x0  }
0x35: {  	[sflag:s30] =	ssyncadd.s32 $0xFFFFFF60  }
0x36: {  	v45 =	vld [tilespmem:$0x14300]  }
0x37: {  	v46 =	vld [tilespmem:$0x14310]  }
0x38: {  	v47 =	vld [tilespmem:$0x14320]  }
0x39: {  	v48 =	vld [tilespmem:$0x14330]  }
0x3a: {  	v49 =	vld [tilespmem:$0x14340]  }
0x3b: {  	v50 =	vld [tilespmem:$0x14350];
	v0 =	vshrl.u32 v45, $0x1  }
0x3c: {  	v52 =	vld [tilespmem:$0x14360];
	v51 =	vshrl.u32 v46, $0x1;
	[tilespmem:$0x100] =	vst v0  }
0x3d: {  	v54 =	vld [tilespmem:$0x14370];
	v53 =	vshrl.u32 v47, $0x1;
	[tilespmem:$0x110] =	vst v51  }
0x3e: {  	v56 =	vld [tilespmem:$0x14380];
	v55 =	vshrl.u32 v48, $0x1;
	[tilespmem:$0x120] =	vst v53  }
0x3f: {  	v58 =	vld [tilespmem:$0x14390];
	v57 =	vshrl.u32 v49, $0x1;
	[tilespmem:$0x130] =	vst v55  }
0x40: {  	v59 =	vshrl.u32 v50, $0x1;
	[tilespmem:$0x140] =	vst v57  }
0x41: {  	v60 =	vshrl.u32 v52, $0x1;
	[tilespmem:$0x150] =	vst v59  }
0x42: {  	v61 =	vshrl.u32 v54, $0x1;
	[tilespmem:$0x160] =	vst v60  }
0x43: {  	v62 =	vshrl.u32 v56, $0x1;
	[tilespmem:$0x170] =	vst v61  }
0x44: {  	v63 =	vshrl.u32 v58, $0x1;
	[tilespmem:$0x180] =	vst v62  }
0x45: {  	s31 =	simm.s32 $0x100;
	s3 =	simm.s32 $0x5200;
	s5 =	simm.s32 $0x0;
	[tilespmem:$0x190] =	vst v63  }
0x46: {  	[tilespmem:s3], [sflag:$0x2] =	stream.indirect.gather [hbm4b:s26+s28], $0x80, s31, s28, $0xb8;
	[tilespmem:$0x14400] =	vst v63  }
.LBB2_2:
0x47: {  	s0 =	simm.s32 $0x1  }
0x48: {  	_ =	swait.ge [sflag:s0], $0x5000  }
0x49: {  	p0 =	seq.s32 s5, $0x0;
	[sflag:s0] =	ssyncset.done $0x0  }
0x4a: {  	[dreg:$0xd] =	wrdreg s5;
	[sflag:s0] =	ssyncadd.s32 $0xFFFFB000;
	s0 =	simm.s32 @!p0 $0x3  }
0x4b: {  	_ =	swait.ge @!p0 [sflag:s0], $0x5000  }
0x4c: {  	[sflag:s0] =	ssyncset.done @!p0 $0x0  }
0x4d: {  	s20 =	simm.s32 $0x14200;
	[sflag:s0] =	ssyncadd.s32 @!p0 $0xFFFFB000  }
0x4e: {  	v0 =	vld [tilespmem:s20+$0x0];
	_ =	sdelay $0x4  }
0x4f: {  	v0 =	vshll.u32 v0, $0x6  }
0x50: {  	s7 =	simm.s32 $0x0;
	v0 =	vand.u32 $0x40, v0  }
0x51: {  	v6 =	vadd.s32 s7, v0  }
0x52: {  	(v2sf) =	vpush v6, $0x0;
	_ =	sdelay $0xe  }
0x53: {  	s21 =	spop (v2sf)  }
0x54: {  	v0 =	vld [tilespmem:s21+$0x200];
	_ =	sdelay $0x4  }
0x55: {  	v0 =	vmul.f32 $8.000000000e+00, v0;
	_ =	sdelay $0x1  }
0x56: {  	[tilespmem:s7+$0xA200] =	vst v0  }
0x57: {  	v0 =	vld [tilespmem:s21+$0x210];
	_ =	sdelay $0x4  }
0x58: {  	v0 =	vmul.f32 $8.000000000e+00, v0;
	_ =	sdelay $0x1  }
0x59: {  	[tilespmem:s7+$0xA210] =	vst v0  }
0x5a: {  	(v2sf) =	vpush v6, $0x1;
	v0 =	vld [tilespmem:s21+$0x220];
	_ =	sdelay $0x4  }
0x5b: {  	v0 =	vmul.f32 $8.000000000e+00, v0;
	_ =	sdelay $0x1  }
0x5c: {  	[tilespmem:s7+$0xA220] =	vst v0  }
0x5d: {  	v0 =	vld [tilespmem:s21+$0x230];
	_ =	sdelay $0x4  }
0x5e: {  	v0 =	vmul.f32 $8.000000000e+00, v0;
	_ =	sdelay $0x1  }
0x5f: {  	s22 =	spop (v2sf);
	[tilespmem:s7+$0xA230] =	vst v0  }
0x60: {  	v0 =	vld [tilespmem:s22+$0x280];
	_ =	sdelay $0x4  }
0x61: {  	v0 =	vmul.f32 $8.000000000e+00, v0  }
0x62: {  	s1 =	simm.s32 $0x14210  }
0x63: {  	v1 =	vld [tilespmem:s1+$0x0];
	[tilespmem:s7+$0xA280] =	vst v0  }
0x64: {  	v0 =	vld [tilespmem:s22+$0x290];
	_ =	sdelay $0x3  }
0x65: {  	v1 =	vshll.u32 v1, $0x6  }
0x66: {  	s30 =	simm.s32 $0x800;
	v1 =	vand.u32 $0x40, v1;
	v0 =	vmul.f32 $8.000000000e+00, v0  }
0x67: {  	v1 =	vadd.s32 s30, v1;
	(v2sf) =	vpush v6, $0x2  }
0x68: {  	(v2sf) =	vpush v1, $0x0;
	[tilespmem:s7+$0xA290] =	vst v0  }
0x69: {  	v0 =	vld [tilespmem:s22+$0x2A0];
	_ =	sdelay $0x4  }
0x6a: {  	v0 =	vmul.f32 $8.000000000e+00, v0;
	_ =	sdelay $0x1  }
0x6b: {  	[tilespmem:s7+$0xA2A0] =	vst v0  }
0x6c: {  	v0 =	vld [tilespmem:s22+$0x2B0];
	_ =	sdelay $0x4  }
0x6d: {  	s23 =	spop (v2sf);
	v0 =	vmul.f32 $8.000000000e+00, v0  }
0x6e: {  	s24 =	spop (v2sf)  }
0x6f: {  	v2 =	vld [tilespmem:s24+$0x200];
	[tilespmem:s7+$0xA2B0] =	vst v0  }
0x70: {  	v0 =	vld [tilespmem:s23+$0x300];
	_ =	sdelay $0x3  }
0x71: {  	v2 =	vmul.f32 $8.000000000e+00, v2  }
0x72: {  	v0 =	vmul.f32 $8.000000000e+00, v0  }
0x73: {  	[tilespmem:s30+$0xA200] =	vst v2  }
0x74: {  	v2 =	vld [tilespmem:s24+$0x210];
	[tilespmem:s7+$0xA300] =	vst v0  }
0x75: {  	v0 =	vld [tilespmem:s23+$0x310];
	_ =	sdelay $0x3  }
0x76: {  	v2 =	vmul.f32 $8.000000000e+00, v2  }
0x77: {  	v0 =	vmul.f32 $8.000000000e+00, v0  }
0x78: {  	(v2sf) =	vpush v6, $0x3;
	[tilespmem:s30+$0xA210] =	vst v2  }
0x79: {  	(v2sf) =	vpush v1, $0x1;
	v2 =	vld [tilespmem:s24+$0x220];
	[tilespmem:s7+$0xA310] =	vst v0  }
0x7a: {  	v0 =	vld [tilespmem:s23+$0x320];
	_ =	sdelay $0x3  }
0x7b: {  	v2 =	vmul.f32 $8.000000000e+00, v2  }
0x7c: {  	v0 =	vmul.f32 $8.000000000e+00, v0  }
0x7d: {  	[tilespmem:s30+$0xA220] =	vst v2  }
0x7e: {  	v2 =	vld [tilespmem:s24+$0x230];
	[tilespmem:s7+$0xA320] =	vst v0  }
0x7f: {  	v0 =	vld [tilespmem:s23+$0x330];
	_ =	sdelay $0x3  }
0x80: {  	v2 =	vmul.f32 $8.000000000e+00, v2  }
0x81: {  	s25 =	spop (v2sf);
	v0 =	vmul.f32 $8.000000000e+00, v0  }
0x82: {  	s26 =	spop (v2sf);
	[tilespmem:s30+$0xA230] =	vst v2  }
0x83: {  	v2 =	vld [tilespmem:s26+$0x280];
	[tilespmem:s7+$0xA330] =	vst v0  }
0x84: {  	v0 =	vld [tilespmem:s25+$0x380];
	_ =	sdelay $0x3  }
0x85: {  	v2 =	vmul.f32 $8.000000000e+00, v2  }
0x86: {  	v0 =	vmul.f32 $8.000000000e+00, v0  }
0x87: {  	[tilespmem:s30+$0xA280] =	vst v2  }
0x88: {  	v2 =	vld [tilespmem:s26+$0x290];
	[tilespmem:s7+$0xA380] =	vst v0  }
0x89: {  	v0 =	vld [tilespmem:s25+$0x390]  }
0x8a: {  	s2 =	simm.s32 $0x14220  }
0x8b: {  	v3 =	vld [tilespmem:s2+$0x0];
	_ =	sdelay $0x1  }
0x8c: {  	v2 =	vmul.f32 $8.000000000e+00, v2  }
0x8d: {  	v0 =	vmul.f32 $8.000000000e+00, v0  }
0x8e: {  	[tilespmem:s30+$0xA290] =	vst v2  }
0x8f: {  	(v2sf) =	vpush v6, $0x4;
	[tilespmem:s7+$0xA390] =	vst v0;
	v0 =	vshll.u32 v3, $0x6;
	v3 =	vld [tilespmem:s26+$0x2A0]  }
0x90: {  	s31 =	simm.s32 $0x1000;
	(v2sf) =	vpush v1, $0x2;
	v2 =	vld [tilespmem:s25+$0x3A0];
	v0 =	vand.u32 $0x40, v0  }
0x91: {  	v0 =	vadd.s32 s31, v0  }
0x92: {  	(v2sf) =	vpush v0, $0x0;
	_ =	sdelay $0x1  }
0x93: {  	v3 =	vmul.f32 $8.000000000e+00, v3  }
0x94: {  	v2 =	vmul.f32 $8.000000000e+00, v2  }
0x95: {  	[tilespmem:s30+$0xA2A0] =	vst v3  }
0x96: {  	[tilespmem:s7+$0xA3A0] =	vst v2;
	v3 =	vld [tilespmem:s26+$0x2B0]  }
0x97: {  	v2 =	vld [tilespmem:s25+$0x3B0];
	_ =	sdelay $0x3  }
0x98: {  	v3 =	vmul.f32 $8.000000000e+00, v3  }
0x99: {  	v2 =	vmul.f32 $8.000000000e+00, v2  }
0x9a: {  	s28 =	simm.s32 $0x14230;
	s29 =	spop (v2sf);
	[tilespmem:s30+$0xA2B0] =	vst v3  }
0x9b: {  	s2 =	spop (v2sf);
	[tilespmem:s7+$0xA3B0] =	vst v2;
	v2 =	vld [tilespmem:s28+$0x0]  }
0x9c: {  	v3 =	vld [tilespmem:s29+$0x400]  }
0x9d: {  	v4 =	vld [tilespmem:s2+$0x300];
	s3 =	spop (v2sf)  }
0x9e: {  	v5 =	vld [tilespmem:s3+$0x200];
	_ =	sdelay $0x2  }
0x9f: {  	v3 =	vmul.f32 $8.000000000e+00, v3  }
0xa0: {  	v4 =	vmul.f32 $8.000000000e+00, v4  }
0xa1: {  	v5 =	vmul.f32 $8.000000000e+00, v5;
	[tilespmem:s7+$0xA400] =	vst v3  }
0xa2: {  	[tilespmem:s30+$0xA300] =	vst v4;
	v3 =	vld [tilespmem:s29+$0x410]  }
0xa3: {  	v4 =	vld [tilespmem:s2+$0x310];
	[tilespmem:s31+$0xA200] =	vst v5  }
0xa4: {  	v5 =	vld [tilespmem:s3+$0x210];
	_ =	sdelay $0x2  }
0xa5: {  	v3 =	vmul.f32 $8.000000000e+00, v3  }
0xa6: {  	v4 =	vmul.f32 $8.000000000e+00, v4  }
0xa7: {  	v5 =	vmul.f32 $8.000000000e+00, v5;
	[tilespmem:s7+$0xA410] =	vst v3  }
0xa8: {  	(v2sf) =	vpush v6, $0x5;
	[tilespmem:s30+$0xA310] =	vst v4;
	v3 =	vld [tilespmem:s29+$0x420]  }
0xa9: {  	(v2sf) =	vpush v1, $0x3;
	v4 =	vld [tilespmem:s2+$0x320];
	[tilespmem:s31+$0xA210] =	vst v5  }
0xaa: {  	(v2sf) =	vpush v0, $0x1;
	v5 =	vld [tilespmem:s3+$0x220];
	_ =	sdelay $0x2  }
0xab: {  	v3 =	vmul.f32 $8.000000000e+00, v3  }
0xac: {  	v4 =	vmul.f32 $8.000000000e+00, v4  }
0xad: {  	v5 =	vmul.f32 $8.000000000e+00, v5;
	[tilespmem:s7+$0xA420] =	vst v3  }
0xae: {  	[tilespmem:s30+$0xA320] =	vst v4;
	v3 =	vld [tilespmem:s29+$0x430]  }
0xaf: {  	v4 =	vld [tilespmem:s2+$0x330];
	[tilespmem:s31+$0xA220] =	vst v5  }
0xb0: {  	v5 =	vld [tilespmem:s3+$0x230];
	_ =	sdelay $0x2  }
0xb1: {  	v3 =	vmul.f32 $8.000000000e+00, v3  }
0xb2: {  	v4 =	vmul.f32 $8.000000000e+00, v4  }
0xb3: {  	s4 =	spop (v2sf);
	v5 =	vmul.f32 $8.000000000e+00, v5;
	[tilespmem:s7+$0xA430] =	vst v3  }
0xb4: {  	s5 =	spop (v2sf);
	[tilespmem:s30+$0xA330] =	vst v4;
	v3 =	vld [tilespmem:s4+$0x480]  }
0xb5: {  	s3 =	spop (v2sf);
	v4 =	vld [tilespmem:s5+$0x380];
	[tilespmem:s31+$0xA230] =	vst v5  }
0xb6: {  	v5 =	vld [tilespmem:s3+$0x280];
	_ =	sdelay $0x2  }
0xb7: {  	v3 =	vmul.f32 $8.000000000e+00, v3  }
0xb8: {  	v4 =	vmul.f32 $8.000000000e+00, v4  }
0xb9: {  	v5 =	vmul.f32 $8.000000000e+00, v5;
	[tilespmem:s7+$0xA480] =	vst v3  }
0xba: {  	[tilespmem:s30+$0xA380] =	vst v4;
	v3 =	vld [tilespmem:s4+$0x490]  }
0xbb: {  	v4 =	vld [tilespmem:s5+$0x390];
	[tilespmem:s31+$0xA280] =	vst v5  }
0xbc: {  	v5 =	vld [tilespmem:s3+$0x290];
	_ =	sdelay $0x2  }
0xbd: {  	v3 =	vmul.f32 $8.000000000e+00, v3  }
0xbe: {  	v4 =	vmul.f32 $8.000000000e+00, v4  }
0xbf: {  	v5 =	vmul.f32 $8.000000000e+00, v5;
	[tilespmem:s7+$0xA490] =	vst v3  }
0xc0: {  	v2 =	vshll.u32 v2, $0x6;
	(v2sf) =	vpush v6, $0x6;
	[tilespmem:s30+$0xA390] =	vst v4;
	v3 =	vld [tilespmem:s4+$0x4A0]  }
0xc1: {  	s1 =	simm.s32 $0x1800;
	v2 =	vand.u32 $0x40, v2;
	(v2sf) =	vpush v1, $0x4;
	v4 =	vld [tilespmem:s5+$0x3A0];
	[tilespmem:s31+$0xA290] =	vst v5  }
0xc2: {  	v2 =	vadd.s32 s1, v2;
	(v2sf) =	vpush v0, $0x2;
	v5 =	vld [tilespmem:s3+$0x2A0]  }
0xc3: {  	(v2sf) =	vpush v2, $0x0;
	_ =	sdelay $0x1  }
0xc4: {  	v3 =	vmul.f32 $8.000000000e+00, v3  }
0xc5: {  	v4 =	vmul.f32 $8.000000000e+00, v4  }
0xc6: {  	v5 =	vmul.f32 $8.000000000e+00, v5;
	[tilespmem:s7+$0xA4A0] =	vst v3  }
0xc7: {  	[tilespmem:s30+$0xA3A0] =	vst v4;
	v3 =	vld [tilespmem:s4+$0x4B0]  }
0xc8: {  	v4 =	vld [tilespmem:s5+$0x3B0];
	[tilespmem:s31+$0xA2A0] =	vst v5  }
0xc9: {  	v5 =	vld [tilespmem:s3+$0x2B0];
	_ =	sdelay $0x2  }
0xca: {  	v3 =	vmul.f32 $8.000000000e+00, v3  }
0xcb: {  	v4 =	vmul.f32 $8.000000000e+00, v4  }
0xcc: {  	s6 =	spop (v2sf);
	v5 =	vmul.f32 $8.000000000e+00, v5;
	[tilespmem:s7+$0xA4B0] =	vst v3  }
0xcd: {  	s8 =	spop (v2sf);
	[tilespmem:s30+$0xA3B0] =	vst v4;
	v3 =	vld [tilespmem:s6+$0x500]  }
0xce: {  	s9 =	spop (v2sf);
	v4 =	vld [tilespmem:s8+$0x400];
	[tilespmem:s31+$0xA2B0] =	vst v5  }
0xcf: {  	s4 =	spop (v2sf);
	v5 =	vld [tilespmem:s9+$0x300]  }
0xd0: {  	v7 =	vld [tilespmem:s4+$0x200];
	_ =	sdelay $0x1  }
0xd1: {  	v3 =	vmul.f32 $8.000000000e+00, v3  }
0xd2: {  	v4 =	vmul.f32 $8.000000000e+00, v4  }
0xd3: {  	v5 =	vmul.f32 $8.000000000e+00, v5;
	[tilespmem:s7+$0xA500] =	vst v3  }
0xd4: {  	v3 =	vmul.f32 $8.000000000e+00, v7;
	[tilespmem:s30+$0xA400] =	vst v4;
	v4 =	vld [tilespmem:s6+$0x510]  }
0xd5: {  	[tilespmem:s31+$0xA300] =	vst v5;
	v5 =	vld [tilespmem:s8+$0x410]  }
0xd6: {  	[tilespmem:s1+$0xA200] =	vst v3;
	v3 =	vld [tilespmem:s9+$0x310]  }
0xd7: {  	v7 =	vld [tilespmem:s4+$0x210];
	_ =	sdelay $0x1  }
0xd8: {  	v4 =	vmul.f32 $8.000000000e+00, v4  }
0xd9: {  	v5 =	vmul.f32 $8.000000000e+00, v5  }
0xda: {  	v3 =	vmul.f32 $8.000000000e+00, v3;
	[tilespmem:s7+$0xA510] =	vst v4  }
0xdb: {  	(v2sf) =	vpush v6, $0x7;
	v4 =	vmul.f32 $8.000000000e+00, v7;
	[tilespmem:s30+$0xA410] =	vst v5;
	v5 =	vld [tilespmem:s6+$0x520]  }
0xdc: {  	(v2sf) =	vpush v1, $0x5;
	[tilespmem:s31+$0xA310] =	vst v3;
	v3 =	vld [tilespmem:s8+$0x420]  }
0xdd: {  	(v2sf) =	vpush v0, $0x3;
	[tilespmem:s1+$0xA210] =	vst v4;
	v4 =	vld [tilespmem:s9+$0x320]  }
0xde: {  	(v2sf) =	vpush v2, $0x1;
	v7 =	vld [tilespmem:s4+$0x220];
	_ =	sdelay $0x1  }
0xdf: {  	v5 =	vmul.f32 $8.000000000e+00, v5  }
0xe0: {  	v3 =	vmul.f32 $8.000000000e+00, v3  }
0xe1: {  	v4 =	vmul.f32 $8.000000000e+00, v4;
	[tilespmem:s7+$0xA520] =	vst v5  }
0xe2: {  	v5 =	vmul.f32 $8.000000000e+00, v7;
	[tilespmem:s30+$0xA420] =	vst v3;
	v3 =	vld [tilespmem:s6+$0x530]  }
0xe3: {  	[tilespmem:s31+$0xA320] =	vst v4;
	v4 =	vld [tilespmem:s8+$0x430]  }
0xe4: {  	[tilespmem:s1+$0xA220] =	vst v5;
	v5 =	vld [tilespmem:s9+$0x330]  }
0xe5: {  	v7 =	vld [tilespmem:s4+$0x230];
	_ =	sdelay $0x1  }
0xe6: {  	v3 =	vmul.f32 $8.000000000e+00, v3  }
0xe7: {  	v4 =	vmul.f32 $8.000000000e+00, v4  }
0xe8: {  	s10 =	spop (v2sf);
	v5 =	vmul.f32 $8.000000000e+00, v5;
	[tilespmem:s7+$0xA530] =	vst v3  }
0xe9: {  	s11 =	spop (v2sf);
	v3 =	vmul.f32 $8.000000000e+00, v7;
	[tilespmem:s30+$0xA430] =	vst v4;
	v4 =	vld [tilespmem:s10+$0x580]  }
0xea: {  	s12 =	spop (v2sf);
	[tilespmem:s31+$0xA330] =	vst v5;
	v5 =	vld [tilespmem:s11+$0x480]  }
0xeb: {  	s13 =	spop (v2sf);
	[tilespmem:s1+$0xA230] =	vst v3;
	v3 =	vld [tilespmem:s12+$0x380]  }
0xec: {  	v7 =	vld [tilespmem:s13+$0x280];
	_ =	sdelay $0x1  }
0xed: {  	v4 =	vmul.f32 $8.000000000e+00, v4  }
0xee: {  	v5 =	vmul.f32 $8.000000000e+00, v5  }
0xef: {  	v3 =	vmul.f32 $8.000000000e+00, v3;
	[tilespmem:s7+$0xA580] =	vst v4  }
0xf0: {  	v4 =	vmul.f32 $8.000000000e+00, v7;
	[tilespmem:s30+$0xA480] =	vst v5;
	v5 =	vld [tilespmem:s10+$0x590]  }
0xf1: {  	[tilespmem:s31+$0xA380] =	vst v3;
	v3 =	vld [tilespmem:s11+$0x490]  }
0xf2: {  	[tilespmem:s1+$0xA280] =	vst v4;
	v4 =	vld [tilespmem:s12+$0x390]  }
0xf3: {  	s14 =	simm.s32 $0x14240;
	v7 =	vld [tilespmem:s13+$0x290]  }
0xf4: {  	v8 =	vld [tilespmem:s14+$0x0]  }
0xf5: {  	v5 =	vmul.f32 $8.000000000e+00, v5  }
0xf6: {  	v3 =	vmul.f32 $8.000000000e+00, v3  }
0xf7: {  	v4 =	vmul.f32 $8.000000000e+00, v4;
	[tilespmem:s7+$0xA590] =	vst v5  }
0xf8: {  	(v2sf) =	vpush v6, $0x8;
	v5 =	vmul.f32 $8.000000000e+00, v7;
	[tilespmem:s30+$0xA490] =	vst v3;
	v7 =	vld [tilespmem:s10+$0x5A0]  }
0xf9: {  	(v2sf) =	vpush v1, $0x6;
	v3 =	vshll.u32 v8, $0x6;
	[tilespmem:s31+$0xA390] =	vst v4;
	v4 =	vld [tilespmem:s11+$0x4A0]  }
0xfa: {  	s0 =	simm.s32 $0x2000;
	(v2sf) =	vpush v0, $0x4;
	v3 =	vand.u32 $0x40, v3;
	[tilespmem:s1+$0xA290] =	vst v5;
	v5 =	vld [tilespmem:s12+$0x3A0]  }
0xfb: {  	(v2sf) =	vpush v2, $0x2;
	v3 =	vadd.s32 s0, v3;
	v8 =	vld [tilespmem:s13+$0x2A0]  }
0xfc: {  	(v2sf) =	vpush v3, $0x0  }
0xfd: {  	v7 =	vmul.f32 $8.000000000e+00, v7  }
0xfe: {  	v4 =	vmul.f32 $8.000000000e+00, v4  }
0xff: {  	v5 =	vmul.f32 $8.000000000e+00, v5;
	[tilespmem:s7+$0xA5A0] =	vst v7  }
0x100: {  	v7 =	vmul.f32 $8.000000000e+00, v8;
	[tilespmem:s30+$0xA4A0] =	vst v4;
	v4 =	vld [tilespmem:s10+$0x5B0]  }
0x101: {  	[tilespmem:s31+$0xA3A0] =	vst v5;
	v5 =	vld [tilespmem:s11+$0x4B0]  }
0x102: {  	[tilespmem:s1+$0xA2A0] =	vst v7;
	v7 =	vld [tilespmem:s12+$0x3B0]  }
0x103: {  	v8 =	vld [tilespmem:s13+$0x2B0];
	_ =	sdelay $0x1  }
0x104: {  	v4 =	vmul.f32 $8.000000000e+00, v4  }
0x105: {  	v5 =	vmul.f32 $8.000000000e+00, v5  }
0x106: {  	s15 =	spop (v2sf);
	v7 =	vmul.f32 $8.000000000e+00, v7;
	[tilespmem:s7+$0xA5B0] =	vst v4  }
0x107: {  	s16 =	spop (v2sf);
	v4 =	vmul.f32 $8.000000000e+00, v8;
	[tilespmem:s30+$0xA4B0] =	vst v5;
	v5 =	vld [tilespmem:s15+$0x600]  }
0x108: {  	s17 =	spop (v2sf);
	[tilespmem:s31+$0xA3B0] =	vst v7;
	v7 =	vld [tilespmem:s16+$0x500]  }
0x109: {  	s18 =	spop (v2sf);
	[tilespmem:s1+$0xA2B0] =	vst v4;
	v4 =	vld [tilespmem:s17+$0x400]  }
0x10a: {  	s6 =	spop (v2sf);
	v8 =	vld [tilespmem:s18+$0x300]  }
0x10b: {  	v9 =	vld [tilespmem:s6+$0x200]  }
0x10c: {  	v5 =	vmul.f32 $8.000000000e+00, v5  }
0x10d: {  	v7 =	vmul.f32 $8.000000000e+00, v7  }
0x10e: {  	v4 =	vmul.f32 $8.000000000e+00, v4;
	[tilespmem:s7+$0xA600] =	vst v5  }
0x10f: {  	v5 =	vmul.f32 $8.000000000e+00, v8;
	[tilespmem:s30+$0xA500] =	vst v7;
	v7 =	vld [tilespmem:s15+$0x610]  }
0x110: {  	v8 =	vmul.f32 $8.000000000e+00, v9;
	[tilespmem:s31+$0xA400] =	vst v4;
	v4 =	vld [tilespmem:s16+$0x510]  }
0x111: {  	[tilespmem:s1+$0xA300] =	vst v5;
	v5 =	vld [tilespmem:s17+$0x410]  }
0x112: {  	[tilespmem:s0+$0xA200] =	vst v8;
	v8 =	vld [tilespmem:s18+$0x310]  }
0x113: {  	v9 =	vld [tilespmem:s6+$0x210]  }
0x114: {  	v7 =	vmul.f32 $8.000000000e+00, v7  }
0x115: {  	v4 =	vmul.f32 $8.000000000e+00, v4  }
0x116: {  	v5 =	vmul.f32 $8.000000000e+00, v5;
	[tilespmem:s7+$0xA610] =	vst v7  }
0x117: {  	(v2sf) =	vpush v6, $0x9;
	v7 =	vmul.f32 $8.000000000e+00, v8;
	[tilespmem:s30+$0xA510] =	vst v4;
	v4 =	vld [tilespmem:s15+$0x620]  }
0x118: {  	(v2sf) =	vpush v1, $0x7;
	v8 =	vmul.f32 $8.000000000e+00, v9;
	[tilespmem:s31+$0xA410] =	vst v5;
	v5 =	vld [tilespmem:s16+$0x520]  }
0x119: {  	(v2sf) =	vpush v0, $0x5;
	[tilespmem:s1+$0xA310] =	vst v7;
	v7 =	vld [tilespmem:s17+$0x420]  }
0x11a: {  	(v2sf) =	vpush v2, $0x3;
	[tilespmem:s0+$0xA210] =	vst v8;
	v8 =	vld [tilespmem:s18+$0x320]  }
0x11b: {  	(v2sf) =	vpush v3, $0x1;
	v9 =	vld [tilespmem:s6+$0x220]  }
0x11c: {  	v4 =	vmul.f32 $8.000000000e+00, v4  }
0x11d: {  	v5 =	vmul.f32 $8.000000000e+00, v5  }
0x11e: {  	v7 =	vmul.f32 $8.000000000e+00, v7;
	[tilespmem:s7+$0xA620] =	vst v4  }
0x11f: {  	v4 =	vmul.f32 $8.000000000e+00, v8;
	[tilespmem:s30+$0xA520] =	vst v5;
	v5 =	vld [tilespmem:s15+$0x630]  }
0x120: {  	v8 =	vmul.f32 $8.000000000e+00, v9;
	[tilespmem:s31+$0xA420] =	vst v7;
	v7 =	vld [tilespmem:s16+$0x530]  }
0x121: {  	[tilespmem:s1+$0xA320] =	vst v4;
	v4 =	vld [tilespmem:s17+$0x430]  }
0x122: {  	[tilespmem:s0+$0xA220] =	vst v8;
	v8 =	vld [tilespmem:s18+$0x330]  }
0x123: {  	v9 =	vld [tilespmem:s6+$0x230]  }
0x124: {  	v5 =	vmul.f32 $8.000000000e+00, v5  }
0x125: {  	v7 =	vmul.f32 $8.000000000e+00, v7  }
0x126: {  	s19 =	spop (v2sf);
	v4 =	vmul.f32 $8.000000000e+00, v4;
	[tilespmem:s7+$0xA630] =	vst v5  }
0x127: {  	s20 =	spop (v2sf);
	v5 =	vmul.f32 $8.000000000e+00, v8;
	[tilespmem:s30+$0xA530] =	vst v7;
	v7 =	vld [tilespmem:s19+$0x680]  }
0x128: {  	s21 =	spop (v2sf);
	v8 =	vmul.f32 $8.000000000e+00, v9;
	[tilespmem:s31+$0xA430] =	vst v4;
	v4 =	vld [tilespmem:s20+$0x580]  }
0x129: {  	s22 =	spop (v2sf);
	[tilespmem:s1+$0xA330] =	vst v5;
	v5 =	vld [tilespmem:s21+$0x480]  }
0x12a: {  	s23 =	spop (v2sf);
	[tilespmem:s0+$0xA230] =	vst v8;
	v8 =	vld [tilespmem:s22+$0x380]  }
0x12b: {  	v9 =	vld [tilespmem:s23+$0x280]  }
0x12c: {  	v7 =	vmul.f32 $8.000000000e+00, v7  }
0x12d: {  	v4 =	vmul.f32 $8.000000000e+00, v4  }
0x12e: {  	v5 =	vmul.f32 $8.000000000e+00, v5;
	[tilespmem:s7+$0xA680] =	vst v7  }
0x12f: {  	v7 =	vmul.f32 $8.000000000e+00, v8;
	[tilespmem:s30+$0xA580] =	vst v4;
	v4 =	vld [tilespmem:s19+$0x690]  }
0x130: {  	v8 =	vmul.f32 $8.000000000e+00, v9;
	[tilespmem:s31+$0xA480] =	vst v5;
	v5 =	vld [tilespmem:s20+$0x590]  }
0x131: {  	[tilespmem:s1+$0xA380] =	vst v7;
	v7 =	vld [tilespmem:s21+$0x490]  }
0x132: {  	[tilespmem:s0+$0xA280] =	vst v8;
	v8 =	vld [tilespmem:s22+$0x390]  }
0x133: {  	s8 =	simm.s32 $0x14250;
	v9 =	vld [tilespmem:s23+$0x290]  }
0x134: {  	v10 =	vld [tilespmem:s8+$0x0];
	v4 =	vmul.f32 $8.000000000e+00, v4  }
0x135: {  	v5 =	vmul.f32 $8.000000000e+00, v5  }
0x136: {  	v7 =	vmul.f32 $8.000000000e+00, v7;
	[tilespmem:s7+$0xA690] =	vst v4  }
0x137: {  	(v2sf) =	vpush v6, $0xA;
	v4 =	vmul.f32 $8.000000000e+00, v8;
	[tilespmem:s30+$0xA590] =	vst v5;
	v5 =	vld [tilespmem:s19+$0x6A0]  }
0x138: {  	(v2sf) =	vpush v1, $0x8;
	v8 =	vmul.f32 $8.000000000e+00, v9;
	[tilespmem:s31+$0xA490] =	vst v7;
	v7 =	vld [tilespmem:s20+$0x5A0]  }
0x139: {  	(v2sf) =	vpush v0, $0x6;
	v9 =	vshll.u32 v10, $0x6;
	[tilespmem:s1+$0xA390] =	vst v4;
	v10 =	vld [tilespmem:s21+$0x4A0]  }
0x13a: {  	s8 =	simm.s32 $0x2800;
	(v2sf) =	vpush v2, $0x4;
	v4 =	vand.u32 $0x40, v9;
	[tilespmem:s0+$0xA290] =	vst v8;
	v8 =	vld [tilespmem:s22+$0x3A0]  }
0x13b: {  	(v2sf) =	vpush v3, $0x2;
	v4 =	vadd.s32 s8, v4;
	v9 =	vld [tilespmem:s23+$0x2A0]  }
0x13c: {  	(v2sf) =	vpush v4, $0x0;
	v5 =	vmul.f32 $8.000000000e+00, v5  }
0x13d: {  	v7 =	vmul.f32 $8.000000000e+00, v7  }
0x13e: {  	v10 =	vmul.f32 $8.000000000e+00, v10;
	[tilespmem:s7+$0xA6A0] =	vst v5  }
0x13f: {  	v5 =	vmul.f32 $8.000000000e+00, v8;
	[tilespmem:s30+$0xA5A0] =	vst v7;
	v7 =	vld [tilespmem:s19+$0x6B0]  }
0x140: {  	v8 =	vmul.f32 $8.000000000e+00, v9;
	[tilespmem:s31+$0xA4A0] =	vst v10;
	v9 =	vld [tilespmem:s20+$0x5B0]  }
0x141: {  	[tilespmem:s1+$0xA3A0] =	vst v5;
	v5 =	vld [tilespmem:s21+$0x4B0]  }
0x142: {  	[tilespmem:s0+$0xA2A0] =	vst v8;
	v8 =	vld [tilespmem:s22+$0x3B0]  }
0x143: {  	v10 =	vld [tilespmem:s23+$0x2B0]  }
0x144: {  	v7 =	vmul.f32 $8.000000000e+00, v7  }
0x145: {  	v9 =	vmul.f32 $8.000000000e+00, v9  }
0x146: {  	s24 =	spop (v2sf);
	v5 =	vmul.f32 $8.000000000e+00, v5;
	[tilespmem:s7+$0xA6B0] =	vst v7  }
0x147: {  	s25 =	spop (v2sf);
	v7 =	vmul.f32 $8.000000000e+00, v8;
	[tilespmem:s30+$0xA5B0] =	vst v9;
	v8 =	vld [tilespmem:s24+$0x700]  }
0x148: {  	s26 =	spop (v2sf);
	v9 =	vmul.f32 $8.000000000e+00, v10;
	[tilespmem:s31+$0xA4B0] =	vst v5;
	v5 =	vld [tilespmem:s25+$0x600]  }
0x149: {  	s28 =	spop (v2sf);
	[tilespmem:s1+$0xA3B0] =	vst v7;
	v7 =	vld [tilespmem:s26+$0x500]  }
0x14a: {  	s29 =	spop (v2sf);
	[tilespmem:s0+$0xA2B0] =	vst v9;
	v9 =	vld [tilespmem:s28+$0x400]  }
0x14b: {  	s9 =	spop (v2sf);
	v10 =	vld [tilespmem:s29+$0x300]  }
0x14c: {  	v11 =	vld [tilespmem:s9+$0x200];
	v8 =	vmul.f32 $8.000000000e+00, v8  }
0x14d: {  	v5 =	vmul.f32 $8.000000000e+00, v5  }
0x14e: {  	v7 =	vmul.f32 $8.000000000e+00, v7;
	[tilespmem:s7+$0xA700] =	vst v8  }
0x14f: {  	v8 =	vmul.f32 $8.000000000e+00, v9;
	[tilespmem:s30+$0xA600] =	vst v5;
	v5 =	vld [tilespmem:s24+$0x710]  }
0x150: {  	v9 =	vmul.f32 $8.000000000e+00, v10;
	[tilespmem:s31+$0xA500] =	vst v7;
	v7 =	vld [tilespmem:s25+$0x610]  }
0x151: {  	v10 =	vmul.f32 $8.000000000e+00, v11;
	[tilespmem:s1+$0xA400] =	vst v8;
	v8 =	vld [tilespmem:s26+$0x510]  }
0x152: {  	[tilespmem:s0+$0xA300] =	vst v9;
	v9 =	vld [tilespmem:s28+$0x410]  }
0x153: {  	[tilespmem:s8+$0xA200] =	vst v10;
	v10 =	vld [tilespmem:s29+$0x310]  }
0x154: {  	v11 =	vld [tilespmem:s9+$0x210];
	v5 =	vmul.f32 $8.000000000e+00, v5  }
0x155: {  	v7 =	vmul.f32 $8.000000000e+00, v7  }
0x156: {  	v8 =	vmul.f32 $8.000000000e+00, v8;
	[tilespmem:s7+$0xA710] =	vst v5  }
0x157: {  	(v2sf) =	vpush v6, $0xB;
	v5 =	vmul.f32 $8.000000000e+00, v9;
	[tilespmem:s30+$0xA610] =	vst v7;
	v7 =	vld [tilespmem:s24+$0x720]  }
0x158: {  	(v2sf) =	vpush v1, $0x9;
	v9 =	vmul.f32 $8.000000000e+00, v10;
	[tilespmem:s31+$0xA510] =	vst v8;
	v8 =	vld [tilespmem:s25+$0x620]  }
0x159: {  	(v2sf) =	vpush v0, $0x7;
	v10 =	vmul.f32 $8.000000000e+00, v11;
	[tilespmem:s1+$0xA410] =	vst v5;
	v5 =	vld [tilespmem:s26+$0x520]  }
0x15a: {  	(v2sf) =	vpush v2, $0x5;
	[tilespmem:s0+$0xA310] =	vst v9;
	v9 =	vld [tilespmem:s28+$0x420]  }
0x15b: {  	(v2sf) =	vpush v3, $0x3;
	[tilespmem:s8+$0xA210] =	vst v10;
	v10 =	vld [tilespmem:s29+$0x320]  }
0x15c: {  	(v2sf) =	vpush v4, $0x1;
	v11 =	vld [tilespmem:s9+$0x220];
	v7 =	vmul.f32 $8.000000000e+00, v7  }
0x15d: {  	v8 =	vmul.f32 $8.000000000e+00, v8  }
0x15e: {  	v5 =	vmul.f32 $8.000000000e+00, v5;
	[tilespmem:s7+$0xA720] =	vst v7  }
0x15f: {  	v7 =	vmul.f32 $8.000000000e+00, v9;
	[tilespmem:s30+$0xA620] =	vst v8;
	v8 =	vld [tilespmem:s24+$0x730]  }
0x160: {  	v9 =	vmul.f32 $8.000000000e+00, v10;
	[tilespmem:s31+$0xA520] =	vst v5;
	v5 =	vld [tilespmem:s25+$0x630]  }
0x161: {  	v10 =	vmul.f32 $8.000000000e+00, v11;
	[tilespmem:s1+$0xA420] =	vst v7;
	v7 =	vld [tilespmem:s26+$0x530]  }
0x162: {  	[tilespmem:s0+$0xA320] =	vst v9;
	v9 =	vld [tilespmem:s28+$0x430]  }
0x163: {  	[tilespmem:s8+$0xA220] =	vst v10;
	v10 =	vld [tilespmem:s29+$0x330]  }
0x164: {  	v11 =	vld [tilespmem:s9+$0x230];
	v8 =	vmul.f32 $8.000000000e+00, v8  }
0x165: {  	v5 =	vmul.f32 $8.000000000e+00, v5  }
0x166: {  	s4 =	spop (v2sf);
	v7 =	vmul.f32 $8.000000000e+00, v7;
	[tilespmem:s7+$0xA730] =	vst v8  }
0x167: {  	s5 =	spop (v2sf);
	v8 =	vmul.f32 $8.000000000e+00, v9;
	[tilespmem:s30+$0xA630] =	vst v5;
	v5 =	vld [tilespmem:s4+$0x780]  }
0x168: {  	s6 =	spop (v2sf);
	v9 =	vmul.f32 $8.000000000e+00, v10;
	[tilespmem:s31+$0xA530] =	vst v7;
	v7 =	vld [tilespmem:s5+$0x680]  }
0x169: {  	s9 =	spop (v2sf);
	v10 =	vmul.f32 $8.000000000e+00, v11;
	[tilespmem:s1+$0xA430] =	vst v8;
	v8 =	vld [tilespmem:s6+$0x580]  }
0x16a: {  	s11 =	spop (v2sf);
	[tilespmem:s0+$0xA330] =	vst v9;
	v9 =	vld [tilespmem:s9+$0x480]  }
0x16b: {  	s13 =	spop (v2sf);
	[tilespmem:s8+$0xA230] =	vst v10;
	v10 =	vld [tilespmem:s11+$0x380]  }
0x16c: {  	v11 =	vld [tilespmem:s13+$0x280];
	v5 =	vmul.f32 $8.000000000e+00, v5  }
0x16d: {  	v7 =	vmul.f32 $8.000000000e+00, v7  }
0x16e: {  	v8 =	vmul.f32 $8.000000000e+00, v8;
	[tilespmem:s7+$0xA780] =	vst v5  }
0x16f: {  	v5 =	vmul.f32 $8.000000000e+00, v9;
	[tilespmem:s30+$0xA680] =	vst v7;
	v7 =	vld [tilespmem:s4+$0x790]  }
0x170: {  	v9 =	vmul.f32 $8.000000000e+00, v10;
	[tilespmem:s31+$0xA580] =	vst v8;
	v8 =	vld [tilespmem:s5+$0x690]  }
0x171: {  	v10 =	vmul.f32 $8.000000000e+00, v11;
	[tilespmem:s1+$0xA480] =	vst v5;
	v5 =	vld [tilespmem:s6+$0x590]  }
0x172: {  	[tilespmem:s0+$0xA380] =	vst v9;
	v9 =	vld [tilespmem:s9+$0x490]  }
0x173: {  	[tilespmem:s8+$0xA280] =	vst v10;
	v10 =	vld [tilespmem:s11+$0x390]  }
0x174: {  	s10 =	simm.s32 $0x14260;
	v11 =	vld [tilespmem:s13+$0x290];
	v7 =	vmul.f32 $8.000000000e+00, v7  }
0x175: {  	v12 =	vld [tilespmem:s10+$0x0];
	v8 =	vmul.f32 $8.000000000e+00, v8  }
0x176: {  	v5 =	vmul.f32 $8.000000000e+00, v5;
	[tilespmem:s7+$0xA790] =	vst v7  }
0x177: {  	(v2sf) =	vpush v6, $0xC;
	v7 =	vmul.f32 $8.000000000e+00, v9;
	[tilespmem:s30+$0xA690] =	vst v8;
	v8 =	vld [tilespmem:s4+$0x7A0]  }
0x178: {  	(v2sf) =	vpush v1, $0xA;
	v9 =	vmul.f32 $8.000000000e+00, v10;
	[tilespmem:s31+$0xA590] =	vst v5;
	v10 =	vld [tilespmem:s5+$0x6A0]  }
0x179: {  	(v2sf) =	vpush v0, $0x8;
	v5 =	vmul.f32 $8.000000000e+00, v11;
	[tilespmem:s1+$0xA490] =	vst v7;
	v7 =	vld [tilespmem:s6+$0x5A0]  }
0x17a: {  	(v2sf) =	vpush v2, $0x6;
	v11 =	vshll.u32 v12, $0x6;
	[tilespmem:s0+$0xA390] =	vst v9;
	v9 =	vld [tilespmem:s9+$0x4A0]  }
0x17b: {  	s12 =	simm.s32 $0x3000;
	(v2sf) =	vpush v3, $0x4;
	v11 =	vand.u32 $0x40, v11;
	[tilespmem:s8+$0xA290] =	vst v5;
	v12 =	vld [tilespmem:s11+$0x3A0]  }
0x17c: {  	(v2sf) =	vpush v4, $0x2;
	v5 =	vadd.s32 s12, v11;
	v11 =	vld [tilespmem:s13+$0x2A0];
	v8 =	vmul.f32 $8.000000000e+00, v8  }
0x17d: {  	(v2sf) =	vpush v5, $0x0;
	v10 =	vmul.f32 $8.000000000e+00, v10  }
0x17e: {  	v7 =	vmul.f32 $8.000000000e+00, v7;
	[tilespmem:s7+$0xA7A0] =	vst v8  }
0x17f: {  	v8 =	vmul.f32 $8.000000000e+00, v9;
	[tilespmem:s30+$0xA6A0] =	vst v10;
	v9 =	vld [tilespmem:s4+$0x7B0]  }
0x180: {  	v10 =	vmul.f32 $8.000000000e+00, v12;
	[tilespmem:s31+$0xA5A0] =	vst v7;
	v7 =	vld [tilespmem:s5+$0x6B0]  }
0x181: {  	v11 =	vmul.f32 $8.000000000e+00, v11;
	[tilespmem:s1+$0xA4A0] =	vst v8;
	v8 =	vld [tilespmem:s6+$0x5B0]  }
0x182: {  	[tilespmem:s0+$0xA3A0] =	vst v10;
	v10 =	vld [tilespmem:s9+$0x4B0]  }
0x183: {  	[tilespmem:s8+$0xA2A0] =	vst v11;
	v11 =	vld [tilespmem:s11+$0x3B0]  }
0x184: {  	v12 =	vld [tilespmem:s13+$0x2B0];
	v9 =	vmul.f32 $8.000000000e+00, v9  }
0x185: {  	v7 =	vmul.f32 $8.000000000e+00, v7  }
0x186: {  	s14 =	spop (v2sf);
	v8 =	vmul.f32 $8.000000000e+00, v8;
	[tilespmem:s7+$0xA7B0] =	vst v9  }
0x187: {  	s15 =	spop (v2sf);
	v9 =	vmul.f32 $8.000000000e+00, v10;
	[tilespmem:s30+$0xA6B0] =	vst v7;
	v7 =	vld [tilespmem:s14+$0x800]  }
0x188: {  	s16 =	spop (v2sf);
	v10 =	vmul.f32 $8.000000000e+00, v11;
	[tilespmem:s31+$0xA5B0] =	vst v8;
	v8 =	vld [tilespmem:s15+$0x700]  }
0x189: {  	s17 =	spop (v2sf);
	v11 =	vmul.f32 $8.000000000e+00, v12;
	[tilespmem:s1+$0xA4B0] =	vst v9;
	v9 =	vld [tilespmem:s16+$0x600]  }
0x18a: {  	s18 =	spop (v2sf);
	[tilespmem:s0+$0xA3B0] =	vst v10;
	v10 =	vld [tilespmem:s17+$0x500]  }
0x18b: {  	s19 =	spop (v2sf);
	[tilespmem:s8+$0xA2B0] =	vst v11;
	v11 =	vld [tilespmem:s18+$0x400]  }
0x18c: {  	s20 =	spop (v2sf);
	v12 =	vld [tilespmem:s19+$0x300];
	v7 =	vmul.f32 $8.000000000e+00, v7  }
0x18d: {  	v13 =	vld [tilespmem:s20+$0x200];
	v8 =	vmul.f32 $8.000000000e+00, v8  }
0x18e: {  	v9 =	vmul.f32 $8.000000000e+00, v9;
	[tilespmem:s7+$0xA800] =	vst v7  }
0x18f: {  	v7 =	vmul.f32 $8.000000000e+00, v10;
	[tilespmem:s30+$0xA700] =	vst v8;
	v8 =	vld [tilespmem:s14+$0x810]  }
0x190: {  	v10 =	vmul.f32 $8.000000000e+00, v11;
	[tilespmem:s31+$0xA600] =	vst v9;
	v9 =	vld [tilespmem:s15+$0x710]  }
0x191: {  	v11 =	vmul.f32 $8.000000000e+00, v12;
	[tilespmem:s1+$0xA500] =	vst v7;
	v7 =	vld [tilespmem:s16+$0x610]  }
0x192: {  	v12 =	vmul.f32 $8.000000000e+00, v13;
	[tilespmem:s0+$0xA400] =	vst v10;
	v10 =	vld [tilespmem:s17+$0x510]  }
0x193: {  	[tilespmem:s8+$0xA300] =	vst v11;
	v11 =	vld [tilespmem:s18+$0x410]  }
0x194: {  	[tilespmem:s12+$0xA200] =	vst v12;
	v12 =	vld [tilespmem:s19+$0x310];
	v8 =	vmul.f32 $8.000000000e+00, v8  }
0x195: {  	v13 =	vld [tilespmem:s20+$0x210];
	v9 =	vmul.f32 $8.000000000e+00, v9  }
0x196: {  	v7 =	vmul.f32 $8.000000000e+00, v7;
	[tilespmem:s7+$0xA810] =	vst v8  }
0x197: {  	(v2sf) =	vpush v6, $0xD;
	v8 =	vmul.f32 $8.000000000e+00, v10;
	[tilespmem:s30+$0xA710] =	vst v9;
	v9 =	vld [tilespmem:s14+$0x820]  }
0x198: {  	(v2sf) =	vpush v1, $0xB;
	v10 =	vmul.f32 $8.000000000e+00, v11;
	[tilespmem:s31+$0xA610] =	vst v7;
	v7 =	vld [tilespmem:s15+$0x720]  }
0x199: {  	(v2sf) =	vpush v0, $0x9;
	v11 =	vmul.f32 $8.000000000e+00, v12;
	[tilespmem:s1+$0xA510] =	vst v8;
	v8 =	vld [tilespmem:s16+$0x620]  }
0x19a: {  	(v2sf) =	vpush v2, $0x7;
	v12 =	vmul.f32 $8.000000000e+00, v13;
	[tilespmem:s0+$0xA410] =	vst v10;
	v10 =	vld [tilespmem:s17+$0x520]  }
0x19b: {  	(v2sf) =	vpush v3, $0x5;
	[tilespmem:s8+$0xA310] =	vst v11;
	v11 =	vld [tilespmem:s18+$0x420]  }
0x19c: {  	(v2sf) =	vpush v4, $0x3;
	[tilespmem:s12+$0xA210] =	vst v12;
	v12 =	vld [tilespmem:s19+$0x320];
	v9 =	vmul.f32 $8.000000000e+00, v9  }
0x19d: {  	v13 =	vld [tilespmem:s20+$0x220];
	v7 =	vmul.f32 $8.000000000e+00, v7  }
0x19e: {  	v8 =	vmul.f32 $8.000000000e+00, v8;
	[tilespmem:s7+$0xA820] =	vst v9  }
0x19f: {  	(v2sf) =	vpush v5, $0x1;
	v9 =	vmul.f32 $8.000000000e+00, v10;
	[tilespmem:s30+$0xA720] =	vst v7;
	v7 =	vld [tilespmem:s14+$0x830]  }
0x1a0: {  	v10 =	vmul.f32 $8.000000000e+00, v11;
	[tilespmem:s31+$0xA620] =	vst v8;
	v8 =	vld [tilespmem:s15+$0x730]  }
0x1a1: {  	v11 =	vmul.f32 $8.000000000e+00, v12;
	[tilespmem:s1+$0xA520] =	vst v9;
	v9 =	vld [tilespmem:s16+$0x630]  }
0x1a2: {  	v12 =	vmul.f32 $8.000000000e+00, v13;
	[tilespmem:s0+$0xA420] =	vst v10;
	v10 =	vld [tilespmem:s17+$0x530]  }
0x1a3: {  	[tilespmem:s8+$0xA320] =	vst v11;
	v11 =	vld [tilespmem:s18+$0x430]  }
0x1a4: {  	[tilespmem:s12+$0xA220] =	vst v12;
	v12 =	vld [tilespmem:s19+$0x330];
	v7 =	vmul.f32 $8.000000000e+00, v7  }
0x1a5: {  	v13 =	vld [tilespmem:s20+$0x230];
	v8 =	vmul.f32 $8.000000000e+00, v8  }
0x1a6: {  	s21 =	spop (v2sf);
	v9 =	vmul.f32 $8.000000000e+00, v9;
	[tilespmem:s7+$0xA830] =	vst v7  }
0x1a7: {  	s22 =	spop (v2sf);
	v7 =	vmul.f32 $8.000000000e+00, v10;
	[tilespmem:s30+$0xA730] =	vst v8;
	v8 =	vld [tilespmem:s21+$0x880]  }
0x1a8: {  	s23 =	spop (v2sf);
	v10 =	vmul.f32 $8.000000000e+00, v11;
	[tilespmem:s31+$0xA630] =	vst v9;
	v9 =	vld [tilespmem:s22+$0x780]  }
0x1a9: {  	s24 =	spop (v2sf);
	v11 =	vmul.f32 $8.000000000e+00, v12;
	[tilespmem:s1+$0xA530] =	vst v7;
	v7 =	vld [tilespmem:s23+$0x680]  }
0x1aa: {  	s25 =	spop (v2sf);
	v12 =	vmul.f32 $8.000000000e+00, v13;
	[tilespmem:s0+$0xA430] =	vst v10;
	v10 =	vld [tilespmem:s24+$0x580]  }
0x1ab: {  	s28 =	spop (v2sf);
	[tilespmem:s8+$0xA330] =	vst v11;
	v11 =	vld [tilespmem:s25+$0x480]  }
0x1ac: {  	[tilespmem:s12+$0xA230] =	vst v12;
	v12 =	vld [tilespmem:s28+$0x380];
	v8 =	vmul.f32 $8.000000000e+00, v8  }
0x1ad: {  	v9 =	vmul.f32 $8.000000000e+00, v9  }
0x1ae: {  	s29 =	spop (v2sf);
	v7 =	vmul.f32 $8.000000000e+00, v7;
	[tilespmem:s7+$0xA880] =	vst v8  }
0x1af: {  	v13 =	vld [tilespmem:s29+$0x280];
	v8 =	vmul.f32 $8.000000000e+00, v10;
	[tilespmem:s30+$0xA780] =	vst v9  }
0x1b0: {  	v9 =	vld [tilespmem:s21+$0x890];
	v10 =	vmul.f32 $8.000000000e+00, v11;
	[tilespmem:s31+$0xA680] =	vst v7  }
0x1b1: {  	v7 =	vld [tilespmem:s22+$0x790];
	v11 =	vmul.f32 $8.000000000e+00, v12;
	[tilespmem:s1+$0xA580] =	vst v8  }
0x1b2: {  	[tilespmem:s0+$0xA480] =	vst v10;
	v10 =	vld [tilespmem:s24+$0x590]  }
0x1b3: {  	[tilespmem:s8+$0xA380] =	vst v11;
	v11 =	vld [tilespmem:s25+$0x490]  }
0x1b4: {  	v12 =	vmul.f32 $8.000000000e+00, v13  }
0x1b5: {  	v9 =	vmul.f32 $8.000000000e+00, v9  }
0x1b6: {  	[tilespmem:s12+$0xA280] =	vst v12;
	v7 =	vmul.f32 $8.000000000e+00, v7  }
0x1b7: {  	v8 =	vld [tilespmem:s23+$0x690];
	[tilespmem:s7+$0xA890] =	vst v9;
	v9 =	vmul.f32 $8.000000000e+00, v10  }
0x1b8: {  	[tilespmem:s30+$0xA790] =	vst v7;
	v7 =	vld [tilespmem:s21+$0x8A0];
	v10 =	vmul.f32 $8.000000000e+00, v11  }
0x1b9: {  	v12 =	vld [tilespmem:s28+$0x390];
	[tilespmem:s1+$0xA590] =	vst v9  }
0x1ba: {  	[tilespmem:s0+$0xA490] =	vst v10;
	v10 =	vld [tilespmem:s24+$0x5A0]  }
0x1bb: {  	s11 =	simm.s32 $0x14270;
	v13 =	vld [tilespmem:s29+$0x290]  }
0x1bc: {  	v14 =	vld [tilespmem:s11+$0x0];
	v8 =	vmul.f32 $8.000000000e+00, v8  }
0x1bd: {  	(v2sf) =	vpush v6, $0xE;
	v7 =	vmul.f32 $8.000000000e+00, v7  }
0x1be: {  	(v2sf) =	vpush v1, $0xC;
	[tilespmem:s31+$0xA690] =	vst v8;
	v8 =	vld [tilespmem:s22+$0x7A0];
	v11 =	vmul.f32 $8.000000000e+00, v12  }
0x1bf: {  	(v2sf) =	vpush v0, $0xA;
	v9 =	vld [tilespmem:s23+$0x6A0];
	[tilespmem:s7+$0xA8A0] =	vst v7;
	v7 =	vmul.f32 $8.000000000e+00, v10  }
0x1c0: {  	(v2sf) =	vpush v2, $0x8;
	v12 =	vmul.f32 $8.000000000e+00, v13;
	[tilespmem:s8+$0xA390] =	vst v11  }
0x1c1: {  	(v2sf) =	vpush v3, $0x6;
	v11 =	vld [tilespmem:s25+$0x4A0];
	[tilespmem:s1+$0xA5A0] =	vst v7;
	v7 =	vshll.u32 v14, $0x6  }
0x1c2: {  	s26 =	simm.s32 $0x3800;
	(v2sf) =	vpush v4, $0x4;
	[tilespmem:s12+$0xA290] =	vst v12;
	v12 =	vld [tilespmem:s28+$0x3A0];
	v7 =	vand.u32 $0x40, v7  }
0x1c3: {  	(v2sf) =	vpush v5, $0x2;
	v15 =	vld [tilespmem:s29+$0x2A0];
	v8 =	vmul.f32 $8.000000000e+00, v8;
	v7 =	vadd.s32 s26, v7  }
0x1c4: {  	v9 =	vmul.f32 $8.000000000e+00, v9;
	(v2sf) =	vpush v7, $0x0  }
0x1c5: {  	[tilespmem:s30+$0xA7A0] =	vst v8;
	v8 =	vld [tilespmem:s21+$0x8B0]  }
0x1c6: {  	v10 =	vmul.f32 $8.000000000e+00, v11;
	[tilespmem:s31+$0xA6A0] =	vst v9;
	v16 =	vld [tilespmem:s22+$0x7B0]  }
0x1c7: {  	v9 =	vmul.f32 $8.000000000e+00, v12;
	v13 =	vld [tilespmem:s23+$0x6B0]  }
0x1c8: {  	v11 =	vmul.f32 $8.000000000e+00, v15;
	[tilespmem:s0+$0xA4A0] =	vst v10;
	v14 =	vld [tilespmem:s24+$0x5B0]  }
0x1c9: {  	[tilespmem:s8+$0xA3A0] =	vst v9;
	v12 =	vld [tilespmem:s25+$0x4B0]  }
0x1ca: {  	[tilespmem:s12+$0xA2A0] =	vst v11;
	v10 =	vld [tilespmem:s28+$0x3B0];
	v9 =	vmul.f32 $8.000000000e+00, v8  }
0x1cb: {  	s2 =	simm.s32 $0x70;
	s4 =	simm.s32 $0xE000;
	s9 =	simm.s32 $0x14280;
	v11 =	vld [tilespmem:s29+$0x2B0];
	v15 =	vmul.f32 $8.000000000e+00, v16  }
.LBB2_3:
0x1cc: {  	v8 =	vld [tilespmem:s9+$0x0];
	v13 =	vmul.f32 $8.000000000e+00, v13;
	[tilespmem:s7+$0xA8B0] =	vst v9;
	s3 =	spop (v2sf);
	s10 =	smov.u32 s31;
	s31 =	smov.u32 s1  }
0x1cd: {  	s1 =	smov.u32 s0;
	s0 =	smov.u32 s8;
	v9 =	vmul.f32 $8.000000000e+00, v14;
	[tilespmem:s30+$0xA7B0] =	vst v15;
	s5 =	spop (v2sf);
	v14 =	vld [tilespmem:s3+$0x900]  }
0x1ce: {  	s8 =	smov.u32 s12;
	s12 =	smov.u32 s26;
	v12 =	vmul.f32 $8.000000000e+00, v12;
	[tilespmem:s10+$0xA6B0] =	vst v13;
	s6 =	spop (v2sf);
	v13 =	vld [tilespmem:s5+$0x800]  }
0x1cf: {  	v10 =	vmul.f32 $8.000000000e+00, v10;
	[tilespmem:s31+$0xA5B0] =	vst v9;
	s11 =	spop (v2sf);
	v9 =	vld [tilespmem:s6+$0x700]  }
0x1d0: {  	v11 =	vmul.f32 $8.000000000e+00, v11;
	[tilespmem:s1+$0xA4B0] =	vst v12;
	s13 =	spop (v2sf);
	v12 =	vld [tilespmem:s11+$0x600]  }
0x1d1: {  	[tilespmem:s0+$0xA3B0] =	vst v10;
	s15 =	spop (v2sf);
	v10 =	vld [tilespmem:s13+$0x500]  }
0x1d2: {  	[tilespmem:s8+$0xA2B0] =	vst v11;
	s14 =	spop (v2sf);
	v11 =	vld [tilespmem:s15+$0x400];
	v14 =	vmul.f32 $8.000000000e+00, v14  }
0x1d3: {  	s16 =	spop (v2sf);
	v15 =	vld [tilespmem:s14+$0x300];
	v13 =	vmul.f32 $8.000000000e+00, v13  }
0x1d4: {  	v16 =	vld [tilespmem:s16+$0x200];
	v9 =	vmul.f32 $8.000000000e+00, v9;
	[tilespmem:s7+$0xA900] =	vst v14  }
0x1d5: {  	v12 =	vmul.f32 $8.000000000e+00, v12;
	[tilespmem:s30+$0xA800] =	vst v13;
	v13 =	vld [tilespmem:s3+$0x910]  }
0x1d6: {  	v10 =	vmul.f32 $8.000000000e+00, v10;
	[tilespmem:s10+$0xA700] =	vst v9;
	v9 =	vld [tilespmem:s5+$0x810]  }
0x1d7: {  	v11 =	vmul.f32 $8.000000000e+00, v11;
	[tilespmem:s31+$0xA600] =	vst v12;
	v12 =	vld [tilespmem:s6+$0x710]  }
0x1d8: {  	v14 =	vmul.f32 $8.000000000e+00, v15;
	[tilespmem:s1+$0xA500] =	vst v10;
	v10 =	vld [tilespmem:s11+$0x610]  }
0x1d9: {  	v15 =	vmul.f32 $8.000000000e+00, v16;
	[tilespmem:s0+$0xA400] =	vst v11;
	v11 =	vld [tilespmem:s13+$0x510]  }
0x1da: {  	[tilespmem:s8+$0xA300] =	vst v14;
	v14 =	vld [tilespmem:s15+$0x410];
	v13 =	vmul.f32 $8.000000000e+00, v13  }
0x1db: {  	[tilespmem:s12+$0xA200] =	vst v15;
	v15 =	vld [tilespmem:s14+$0x310];
	v9 =	vmul.f32 $8.000000000e+00, v9  }
0x1dc: {  	v16 =	vld [tilespmem:s16+$0x210];
	v12 =	vmul.f32 $8.000000000e+00, v12;
	[tilespmem:s7+$0xA910] =	vst v13  }
0x1dd: {  	v10 =	vmul.f32 $8.000000000e+00, v10;
	[tilespmem:s30+$0xA810] =	vst v9;
	v9 =	vld [tilespmem:s3+$0x920];
	(v2sf) =	vpush v6, $0xF;
	v6 =	vmovc v1;
	v1 =	vmovc v0;
	v0 =	vmov v2  }
0x1de: {  	v2 =	vmovc v3;
	v3 =	vmovc v4;
	v4 =	vmov v5;
	v11 =	vmul.f32 $8.000000000e+00, v11;
	[tilespmem:s10+$0xA710] =	vst v12;
	v12 =	vld [tilespmem:s5+$0x820];
	(v2sf) =	vpush v6, $0xD  }
0x1df: {  	v5 =	vmov v7;
	v13 =	vmul.f32 $8.000000000e+00, v14;
	[tilespmem:s31+$0xA610] =	vst v10;
	v10 =	vld [tilespmem:s6+$0x720];
	(v2sf) =	vpush v1, $0xB  }
0x1e0: {  	v7 =	vmul.f32 $8.000000000e+00, v15;
	[tilespmem:s1+$0xA510] =	vst v11;
	v11 =	vld [tilespmem:s11+$0x620];
	(v2sf) =	vpush v0, $0x9  }
0x1e1: {  	v14 =	vmul.f32 $8.000000000e+00, v16;
	[tilespmem:s0+$0xA410] =	vst v13;
	v13 =	vld [tilespmem:s13+$0x520];
	(v2sf) =	vpush v2, $0x7  }
0x1e2: {  	[tilespmem:s8+$0xA310] =	vst v7;
	v7 =	vld [tilespmem:s15+$0x420];
	(v2sf) =	vpush v3, $0x5;
	v9 =	vmul.f32 $8.000000000e+00, v9  }
0x1e3: {  	[tilespmem:s12+$0xA210] =	vst v14;
	v14 =	vld [tilespmem:s14+$0x320];
	(v2sf) =	vpush v4, $0x3;
	v12 =	vmul.f32 $8.000000000e+00, v12  }
0x1e4: {  	v15 =	vld [tilespmem:s16+$0x220];
	(v2sf) =	vpush v5, $0x1;
	v10 =	vmul.f32 $8.000000000e+00, v10;
	[tilespmem:s7+$0xA920] =	vst v9  }
0x1e5: {  	v9 =	vmul.f32 $8.000000000e+00, v11;
	[tilespmem:s30+$0xA820] =	vst v12;
	v11 =	vld [tilespmem:s3+$0x930]  }
0x1e6: {  	v12 =	vmul.f32 $8.000000000e+00, v13;
	[tilespmem:s10+$0xA720] =	vst v10;
	v10 =	vld [tilespmem:s5+$0x830]  }
0x1e7: {  	v7 =	vmul.f32 $8.000000000e+00, v7;
	[tilespmem:s31+$0xA620] =	vst v9;
	v9 =	vld [tilespmem:s6+$0x730]  }
0x1e8: {  	v13 =	vmul.f32 $8.000000000e+00, v14;
	[tilespmem:s1+$0xA520] =	vst v12;
	v12 =	vld [tilespmem:s11+$0x630]  }
0x1e9: {  	v14 =	vmul.f32 $8.000000000e+00, v15;
	[tilespmem:s0+$0xA420] =	vst v7;
	v7 =	vld [tilespmem:s13+$0x530]  }
0x1ea: {  	[tilespmem:s8+$0xA320] =	vst v13;
	v13 =	vld [tilespmem:s15+$0x430];
	v11 =	vmul.f32 $8.000000000e+00, v11  }
0x1eb: {  	[tilespmem:s12+$0xA220] =	vst v14;
	v14 =	vld [tilespmem:s14+$0x330];
	v10 =	vmul.f32 $8.000000000e+00, v10  }
0x1ec: {  	v15 =	vld [tilespmem:s16+$0x230];
	v9 =	vmul.f32 $8.000000000e+00, v9;
	[tilespmem:s7+$0xA930] =	vst v11;
	s5 =	spop (v2sf)  }
0x1ed: {  	v11 =	vmul.f32 $8.000000000e+00, v12;
	[tilespmem:s30+$0xA830] =	vst v10;
	s3 =	spop (v2sf);
	v10 =	vld [tilespmem:s5+$0x980]  }
0x1ee: {  	v7 =	vmul.f32 $8.000000000e+00, v7;
	[tilespmem:s10+$0xA730] =	vst v9;
	s6 =	spop (v2sf);
	v9 =	vld [tilespmem:s3+$0x880]  }
0x1ef: {  	v12 =	vmul.f32 $8.000000000e+00, v13;
	[tilespmem:s31+$0xA630] =	vst v11;
	s11 =	spop (v2sf);
	v11 =	vld [tilespmem:s6+$0x780]  }
0x1f0: {  	v13 =	vmul.f32 $8.000000000e+00, v14;
	[tilespmem:s1+$0xA530] =	vst v7;
	s13 =	spop (v2sf);
	v7 =	vld [tilespmem:s11+$0x680]  }
0x1f1: {  	v14 =	vmul.f32 $8.000000000e+00, v15;
	[tilespmem:s0+$0xA430] =	vst v12;
	s15 =	spop (v2sf);
	v12 =	vld [tilespmem:s13+$0x580]  }
0x1f2: {  	[tilespmem:s8+$0xA330] =	vst v13;
	s14 =	spop (v2sf);
	v13 =	vld [tilespmem:s15+$0x480];
	v10 =	vmul.f32 $8.000000000e+00, v10  }
0x1f3: {  	[tilespmem:s12+$0xA230] =	vst v14;
	s16 =	spop (v2sf);
	v14 =	vld [tilespmem:s14+$0x380];
	v9 =	vmul.f32 $8.000000000e+00, v9  }
0x1f4: {  	v15 =	vld [tilespmem:s16+$0x280];
	v11 =	vmul.f32 $8.000000000e+00, v11;
	[tilespmem:s7+$0xA980] =	vst v10  }
0x1f5: {  	v7 =	vmul.f32 $8.000000000e+00, v7;
	[tilespmem:s30+$0xA880] =	vst v9;
	v9 =	vld [tilespmem:s5+$0x990]  }
0x1f6: {  	v10 =	vmul.f32 $8.000000000e+00, v12;
	[tilespmem:s10+$0xA780] =	vst v11;
	v11 =	vld [tilespmem:s3+$0x890]  }
0x1f7: {  	v12 =	vmul.f32 $8.000000000e+00, v13;
	[tilespmem:s31+$0xA680] =	vst v7;
	v7 =	vld [tilespmem:s6+$0x790]  }
0x1f8: {  	v13 =	vmul.f32 $8.000000000e+00, v14;
	[tilespmem:s1+$0xA580] =	vst v10;
	v10 =	vld [tilespmem:s11+$0x690]  }
0x1f9: {  	v14 =	vmul.f32 $8.000000000e+00, v15;
	[tilespmem:s0+$0xA480] =	vst v12;
	v12 =	vld [tilespmem:s13+$0x590]  }
0x1fa: {  	[tilespmem:s8+$0xA380] =	vst v13;
	v13 =	vld [tilespmem:s15+$0x490];
	v9 =	vmul.f32 $8.000000000e+00, v9  }
0x1fb: {  	[tilespmem:s12+$0xA280] =	vst v14;
	v14 =	vld [tilespmem:s14+$0x390];
	v11 =	vmul.f32 $8.000000000e+00, v11  }
0x1fc: {  	v15 =	vld [tilespmem:s16+$0x290];
	v7 =	vmul.f32 $8.000000000e+00, v7;
	[tilespmem:s7+$0xA990] =	vst v9  }
0x1fd: {  	s2 =	sadd.s32 $0x10, s2;
	v9 =	vmul.f32 $8.000000000e+00, v10;
	[tilespmem:s30+$0xA890] =	vst v11;
	v10 =	vld [tilespmem:s5+$0x9A0]  }
0x1fe: {  	p1 =	slt.u32 s2, $0x90;
	v11 =	vmul.f32 $8.000000000e+00, v12;
	[tilespmem:s10+$0xA790] =	vst v7;
	v7 =	vld [tilespmem:s3+$0x8A0];
	(v2sf) =	vpush v6, $0xE  }
0x1ff: {  	v12 =	vmul.f32 $8.000000000e+00, v13;
	[tilespmem:s31+$0xA690] =	vst v9;
	v9 =	vld [tilespmem:s6+$0x7A0];
	(v2sf) =	vpush v1, $0xC  }
0x200: {  	v13 =	vmul.f32 $8.000000000e+00, v14;
	[tilespmem:s1+$0xA590] =	vst v11;
	v11 =	vld [tilespmem:s11+$0x6A0];
	(v2sf) =	vpush v0, $0xA  }
0x201: {  	v14 =	vmul.f32 $8.000000000e+00, v15;
	[tilespmem:s0+$0xA490] =	vst v12;
	v12 =	vld [tilespmem:s13+$0x5A0];
	(v2sf) =	vpush v2, $0x8  }
0x202: {  	s4 =	sadd.s32 $0x2000, s4;
	v8 =	vshll.u32 v8, $0x6;
	[tilespmem:s8+$0xA390] =	vst v13;
	v13 =	vld [tilespmem:s15+$0x4A0];
	(v2sf) =	vpush v3, $0x6;
	v10 =	vmul.f32 $8.000000000e+00, v10  }
0x203: {  	s26 =	sshra.s32 s4, $0x2;
	v8 =	vand.u32 $0x40, v8;
	[tilespmem:s12+$0xA290] =	vst v14;
	v14 =	vld [tilespmem:s14+$0x3A0];
	(v2sf) =	vpush v4, $0x4;
	v15 =	vmul.f32 $8.000000000e+00, v7  }
0x204: {  	v7 =	vadd.s32 s26, v8;
	v8 =	vld [tilespmem:s16+$0x2A0];
	(v2sf) =	vpush v5, $0x2;
	v9 =	vmul.f32 $8.000000000e+00, v9;
	[tilespmem:s7+$0xA9A0] =	vst v10  }
0x205: {  	(v2sf) =	vpush v7, $0x0;
	v10 =	vmul.f32 $8.000000000e+00, v11;
	[tilespmem:s30+$0xA8A0] =	vst v15;
	v11 =	vld [tilespmem:s5+$0x9B0]  }
0x206: {  	v12 =	vmul.f32 $8.000000000e+00, v12;
	[tilespmem:s10+$0xA7A0] =	vst v9;
	v9 =	vld [tilespmem:s3+$0x8B0]  }
0x207: {  	v15 =	vmul.f32 $8.000000000e+00, v13;
	[tilespmem:s31+$0xA6A0] =	vst v10;
	v16 =	vld [tilespmem:s6+$0x7B0]  }
.Ltmp2:
0x208: {  	v10 =	vmul.f32 $8.000000000e+00, v14;
	[tilespmem:s1+$0xA5A0] =	vst v12;
	v13 =	vld [tilespmem:s11+$0x6B0];
	(pc) =	sbr.rel @p1 .LBB2_3-.Ltmp2, $4  }
0x209: {  	v8 =	vmul.f32 $8.000000000e+00, v8;
	[tilespmem:s0+$0xA4A0] =	vst v15;
	v14 =	vld [tilespmem:s13+$0x5B0]  }
0x20a: {  	[tilespmem:s8+$0xA3A0] =	vst v10;
	v12 =	vld [tilespmem:s15+$0x4B0];
	v17 =	vmul.f32 $8.000000000e+00, v11  }
0x20b: {  	[tilespmem:s12+$0xA2A0] =	vst v8;
	v10 =	vld [tilespmem:s14+$0x3B0];
	v9 =	vmul.f32 $8.000000000e+00, v9  }
0x20c: {  	s9 =	sadd.s32 $0x10, s9;
	v11 =	vld [tilespmem:s16+$0x2B0];
	v15 =	vmul.f32 $8.000000000e+00, v16;
	[tilespmem:s7+$0xA9B0] =	vst v17;
	s7 =	smov.u32 s30;
	s30 =	smov.u32 s10  }
0x20d: {  	s2 =	spop (v2sf)  }
0x20e: {  	s6 =	spop (v2sf)  }
0x20f: {  	s9 =	spop (v2sf)  }
0x210: {  	s3 =	spop (v2sf)  }
0x211: {  	v8 =	vmul.f32 $8.000000000e+00, v13;
	s10 =	spop (v2sf)  }
0x212: {  	[tilespmem:s30+$0xA7B0] =	vst v15;
	s4 =	spop (v2sf)  }
0x213: {  	v50 =	vmul.f32 $8.000000000e+00, v14;
	[tilespmem:s31+$0xA6B0] =	vst v8;
	v51 =	vld [tilespmem:s6+$0x800];
	s5 =	spop (v2sf)  }
0x214: {  	v12 =	vmul.f32 $8.000000000e+00, v12;
	v52 =	vld [tilespmem:s9+$0x700];
	s11 =	spop (v2sf)  }
0x215: {  	[tilespmem:s1+$0xA5B0] =	vst v50;
	v10 =	vmul.f32 $8.000000000e+00, v10;
	v55 =	vld [tilespmem:s11+$0x200]  }
0x216: {  	[tilespmem:s0+$0xA4B0] =	vst v12;
	v53 =	vld [tilespmem:s3+$0x600];
	v11 =	vmul.f32 $8.000000000e+00, v11  }
0x217: {  	v54 =	vld [tilespmem:s10+$0x500];
	[tilespmem:s8+$0xA3B0] =	vst v10  }
0x218: {  	[tilespmem:s12+$0xA2B0] =	vst v11;
	v10 =	vld [tilespmem:s4+$0x400];
	v8 =	vmul.f32 $8.000000000e+00, v51  }
0x219: {  	v57 =	vld [tilespmem:s5+$0x300];
	v56 =	vmul.f32 $8.000000000e+00, v52  }
0x21a: {  	[tilespmem:s30+$0xA800] =	vst v8;
	v61 =	vmul.f32 $8.000000000e+00, v55  }
0x21b: {  	v12 =	vmul.f32 $8.000000000e+00, v53;
	[tilespmem:s31+$0xA700] =	vst v56;
	v59 =	vld [tilespmem:s6+$0x810]  }
0x21c: {  	v58 =	vmul.f32 $8.000000000e+00, v54;
	v60 =	vld [tilespmem:s9+$0x710];
	[tilespmem:s26+$0xA200] =	vst v61  }
0x21d: {  	[tilespmem:s1+$0xA600] =	vst v12;
	v10 =	vmul.f32 $8.000000000e+00, v10;
	v14 =	vld [tilespmem:s11+$0x210]  }
0x21e: {  	(v2sf) =	vpush v6, $0xF;
	[tilespmem:s0+$0xA500] =	vst v58;
	v62 =	vld [tilespmem:s3+$0x610];
	v13 =	vmul.f32 $8.000000000e+00, v57  }
0x21f: {  	(v2sf) =	vpush v1, $0xD;
	v63 =	vld [tilespmem:s10+$0x510];
	[tilespmem:s8+$0xA400] =	vst v10  }
0x220: {  	(v2sf) =	vpush v0, $0xB;
	[tilespmem:s12+$0xA300] =	vst v13;
	v19 =	vld [tilespmem:s4+$0x410];
	v18 =	vmul.f32 $8.000000000e+00, v59  }
0x221: {  	[tilespmem:s7+$0xA8B0] =	vst v9;
	(v2sf) =	vpush v2, $0x9;
	v21 =	vld [tilespmem:s5+$0x310];
	v20 =	vmul.f32 $8.000000000e+00, v60  }
0x222: {  	v30 =	vld [tilespmem:s2+$0x900];
	(v2sf) =	vpush v3, $0x7;
	[tilespmem:s30+$0xA810] =	vst v18;
	v25 =	vmul.f32 $8.000000000e+00, v14  }
0x223: {  	(v2sf) =	vpush v4, $0x5;
	v8 =	vmul.f32 $8.000000000e+00, v62;
	[tilespmem:s31+$0xA710] =	vst v20;
	v23 =	vld [tilespmem:s6+$0x820]  }
0x224: {  	(v2sf) =	vpush v5, $0x3;
	v22 =	vmul.f32 $8.000000000e+00, v63;
	v24 =	vld [tilespmem:s9+$0x720];
	[tilespmem:s26+$0xA210] =	vst v25  }
0x225: {  	(v2sf) =	vpush v7, $0x1;
	[tilespmem:s1+$0xA610] =	vst v8;
	v6 =	vmul.f32 $8.000000000e+00, v19;
	v29 =	vld [tilespmem:s11+$0x220]  }
0x226: {  	[tilespmem:s0+$0xA510] =	vst v22;
	v26 =	vld [tilespmem:s3+$0x620];
	v28 =	vmul.f32 $8.000000000e+00, v21  }
0x227: {  	v13 =	vmul.f32 $8.000000000e+00, v30;
	v27 =	vld [tilespmem:s10+$0x520];
	[tilespmem:s8+$0xA410] =	vst v6  }
0x228: {  	[tilespmem:s12+$0xA310] =	vst v28;
	v32 =	vld [tilespmem:s4+$0x420];
	v31 =	vmul.f32 $8.000000000e+00, v23  }
0x229: {  	[tilespmem:s7+$0xA900] =	vst v13;
	v33 =	vld [tilespmem:s5+$0x320];
	v8 =	vmul.f32 $8.000000000e+00, v24  }
0x22a: {  	v13 =	vld [tilespmem:s2+$0x910];
	[tilespmem:s30+$0xA820] =	vst v31;
	v12 =	vmul.f32 $8.000000000e+00, v29  }
0x22b: {  	v10 =	vmul.f32 $8.000000000e+00, v26;
	[tilespmem:s31+$0xA720] =	vst v8;
	v35 =	vld [tilespmem:s6+$0x830]  }
0x22c: {  	v34 =	vmul.f32 $8.000000000e+00, v27;
	v36 =	vld [tilespmem:s9+$0x730];
	[tilespmem:s26+$0xA220] =	vst v12  }
0x22d: {  	s18 =	spop (v2sf);
	[tilespmem:s1+$0xA620] =	vst v10;
	v9 =	vmul.f32 $8.000000000e+00, v32;
	v12 =	vld [tilespmem:s11+$0x230]  }
0x22e: {  	s19 =	spop (v2sf);
	[tilespmem:s0+$0xA520] =	vst v34;
	v37 =	vld [tilespmem:s3+$0x630];
	v11 =	vmul.f32 $8.000000000e+00, v33  }
0x22f: {  	s20 =	spop (v2sf);
	v13 =	vmul.f32 $8.000000000e+00, v13;
	v38 =	vld [tilespmem:s10+$0x530];
	[tilespmem:s8+$0xA420] =	vst v9  }
0x230: {  	s21 =	spop (v2sf);
	[tilespmem:s12+$0xA320] =	vst v11;
	v9 =	vld [tilespmem:s4+$0x430];
	v8 =	vmul.f32 $8.000000000e+00, v35  }
0x231: {  	s22 =	spop (v2sf);
	[tilespmem:s7+$0xA910] =	vst v13;
	v11 =	vld [tilespmem:s5+$0x330];
	v10 =	vmul.f32 $8.000000000e+00, v36  }
0x232: {  	s23 =	spop (v2sf);
	v13 =	vld [tilespmem:s2+$0x920];
	[tilespmem:s30+$0xA830] =	vst v8;
	v12 =	vmul.f32 $8.000000000e+00, v12  }
0x233: {  	s24 =	spop (v2sf);
	v6 =	vmul.f32 $8.000000000e+00, v37;
	[tilespmem:s31+$0xA730] =	vst v10;
	v40 =	vld [tilespmem:s19+$0x880]  }
0x234: {  	s13 =	spop (v2sf);
	v39 =	vmul.f32 $8.000000000e+00, v38;
	v41 =	vld [tilespmem:s20+$0x780];
	[tilespmem:s26+$0xA230] =	vst v12  }
0x235: {  	[tilespmem:s1+$0xA630] =	vst v6;
	v9 =	vmul.f32 $8.000000000e+00, v9;
	v12 =	vld [tilespmem:s13+$0x280]  }
0x236: {  	[tilespmem:s0+$0xA530] =	vst v39;
	v42 =	vld [tilespmem:s21+$0x680];
	v11 =	vmul.f32 $8.000000000e+00, v11  }
0x237: {  	v13 =	vmul.f32 $8.000000000e+00, v13;
	v43 =	vld [tilespmem:s22+$0x580];
	[tilespmem:s8+$0xA430] =	vst v9  }
0x238: {  	[tilespmem:s12+$0xA330] =	vst v11;
	v45 =	vld [tilespmem:s23+$0x480];
	v44 =	vmul.f32 $8.000000000e+00, v40  }
0x239: {  	[tilespmem:s7+$0xA920] =	vst v13;
	v11 =	vld [tilespmem:s24+$0x380];
	v6 =	vmul.f32 $8.000000000e+00, v41  }
0x23a: {  	v13 =	vld [tilespmem:s2+$0x930];
	[tilespmem:s30+$0xA880] =	vst v44;
	v12 =	vmul.f32 $8.000000000e+00, v12  }
0x23b: {  	v8 =	vmul.f32 $8.000000000e+00, v42;
	[tilespmem:s31+$0xA780] =	vst v6;
	v47 =	vld [tilespmem:s19+$0x890]  }
0x23c: {  	v46 =	vmul.f32 $8.000000000e+00, v43;
	v48 =	vld [tilespmem:s20+$0x790];
	[tilespmem:s26+$0xA280] =	vst v12  }
0x23d: {  	[tilespmem:s1+$0xA680] =	vst v8;
	v10 =	vmul.f32 $8.000000000e+00, v45;
	v12 =	vld [tilespmem:s13+$0x290]  }
0x23e: {  	[tilespmem:s0+$0xA580] =	vst v46;
	v49 =	vld [tilespmem:s21+$0x690];
	v11 =	vmul.f32 $8.000000000e+00, v11  }
0x23f: {  	(v2sf) =	vpush v1, $0xE;
	v13 =	vmul.f32 $8.000000000e+00, v13;
	v50 =	vld [tilespmem:s22+$0x590];
	[tilespmem:s8+$0xA480] =	vst v10  }
0x240: {  	(v2sf) =	vpush v0, $0xC;
	[tilespmem:s12+$0xA380] =	vst v11;
	v10 =	vld [tilespmem:s23+$0x490];
	v6 =	vmul.f32 $8.000000000e+00, v47  }
0x241: {  	(v2sf) =	vpush v2, $0xA;
	[tilespmem:s7+$0xA930] =	vst v13;
	v11 =	vld [tilespmem:s24+$0x390];
	v8 =	vmul.f32 $8.000000000e+00, v48  }
0x242: {  	(v2sf) =	vpush v3, $0x8;
	v13 =	vld [tilespmem:s18+$0x980];
	[tilespmem:s30+$0xA890] =	vst v6;
	v12 =	vmul.f32 $8.000000000e+00, v12  }
0x243: {  	(v2sf) =	vpush v4, $0x6;
	v9 =	vmul.f32 $8.000000000e+00, v49;
	[tilespmem:s31+$0xA790] =	vst v8;
	v52 =	vld [tilespmem:s19+$0x8A0]  }
0x244: {  	(v2sf) =	vpush v5, $0x4;
	v51 =	vmul.f32 $8.000000000e+00, v50;
	v53 =	vld [tilespmem:s20+$0x7A0];
	[tilespmem:s26+$0xA290] =	vst v12  }
0x245: {  	(v2sf) =	vpush v7, $0x2;
	[tilespmem:s1+$0xA690] =	vst v9;
	v10 =	vmul.f32 $8.000000000e+00, v10;
	v12 =	vld [tilespmem:s13+$0x2A0]  }
0x246: {  	[tilespmem:s0+$0xA590] =	vst v51;
	v54 =	vld [tilespmem:s21+$0x6A0];
	v11 =	vmul.f32 $8.000000000e+00, v11  }
0x247: {  	v13 =	vmul.f32 $8.000000000e+00, v13;
	v55 =	vld [tilespmem:s22+$0x5A0];
	[tilespmem:s8+$0xA490] =	vst v10  }
0x248: {  	[tilespmem:s12+$0xA390] =	vst v11;
	v10 =	vld [tilespmem:s23+$0x4A0];
	v8 =	vmul.f32 $8.000000000e+00, v52  }
0x249: {  	[tilespmem:s7+$0xA980] =	vst v13;
	v11 =	vld [tilespmem:s24+$0x3A0];
	v9 =	vmul.f32 $8.000000000e+00, v53  }
0x24a: {  	v13 =	vld [tilespmem:s18+$0x990];
	[tilespmem:s30+$0xA8A0] =	vst v8;
	v12 =	vmul.f32 $8.000000000e+00, v12  }
0x24b: {  	v6 =	vmul.f32 $8.000000000e+00, v54;
	[tilespmem:s31+$0xA7A0] =	vst v9;
	v57 =	vld [tilespmem:s19+$0x8B0]  }
0x24c: {  	v56 =	vmul.f32 $8.000000000e+00, v55;
	v58 =	vld [tilespmem:s20+$0x7B0];
	[tilespmem:s26+$0xA2A0] =	vst v12  }
0x24d: {  	[tilespmem:s1+$0xA6A0] =	vst v6;
	v10 =	vmul.f32 $8.000000000e+00, v10;
	v12 =	vld [tilespmem:s13+$0x2B0]  }
0x24e: {  	s25 =	spop (v2sf);
	[tilespmem:s0+$0xA5A0] =	vst v56;
	v59 =	vld [tilespmem:s21+$0x6B0];
	v11 =	vmul.f32 $8.000000000e+00, v11  }
0x24f: {  	s28 =	spop (v2sf);
	v60 =	vld [tilespmem:s22+$0x5B0];
	[tilespmem:s8+$0xA4A0] =	vst v10  }
0x250: {  	s9 =	spop (v2sf);
	[tilespmem:s12+$0xA3A0] =	vst v11;
	v10 =	vld [tilespmem:s23+$0x4B0];
	v9 =	vmul.f32 $8.000000000e+00, v57  }
0x251: {  	v11 =	vld [tilespmem:s24+$0x3B0];
	s24 =	spop (v2sf);
	v6 =	vmul.f32 $8.000000000e+00, v58  }
0x252: {  	s5 =	spop (v2sf);
	[tilespmem:s30+$0xA8B0] =	vst v9;
	v12 =	vmul.f32 $8.000000000e+00, v12  }
0x253: {  	v8 =	vmul.f32 $8.000000000e+00, v59;
	s29 =	spop (v2sf);
	[tilespmem:s31+$0xA7B0] =	vst v6;
	v62 =	vld [tilespmem:s25+$0x900]  }
0x254: {  	v61 =	vmul.f32 $8.000000000e+00, v60;
	s11 =	spop (v2sf);
	v63 =	vld [tilespmem:s28+$0x800];
	[tilespmem:s26+$0xA2B0] =	vst v12  }
0x255: {  	v13 =	vmul.f32 $8.000000000e+00, v13;
	[tilespmem:s1+$0xA6B0] =	vst v8;
	v12 =	vld [tilespmem:s11+$0x300]  }
0x256: {  	v10 =	vmul.f32 $8.000000000e+00, v10;
	[tilespmem:s0+$0xA5B0] =	vst v61;
	v16 =	vld [tilespmem:s9+$0x700]  }
0x257: {  	[tilespmem:s7+$0xA990] =	vst v13;
	v11 =	vmul.f32 $8.000000000e+00, v11;
	v17 =	vld [tilespmem:s24+$0x600]  }
0x258: {  	v13 =	vld [tilespmem:s18+$0x9A0];
	[tilespmem:s8+$0xA4B0] =	vst v10;
	v6 =	vmul.f32 $8.000000000e+00, v62  }
0x259: {  	[tilespmem:s12+$0xA3B0] =	vst v11;
	v10 =	vld [tilespmem:s5+$0x500];
	v8 =	vmul.f32 $8.000000000e+00, v63  }
0x25a: {  	v11 =	vld [tilespmem:s29+$0x400];
	[tilespmem:s30+$0xA900] =	vst v6;
	v12 =	vmul.f32 $8.000000000e+00, v12  }
0x25b: {  	v9 =	vmul.f32 $8.000000000e+00, v16;
	[tilespmem:s31+$0xA800] =	vst v8;
	v19 =	vld [tilespmem:s25+$0x910]  }
0x25c: {  	v18 =	vmul.f32 $8.000000000e+00, v17;
	v20 =	vld [tilespmem:s28+$0x810];
	[tilespmem:s26+$0xA300] =	vst v12  }
0x25d: {  	v13 =	vmul.f32 $8.000000000e+00, v13;
	[tilespmem:s1+$0xA700] =	vst v9;
	v12 =	vld [tilespmem:s11+$0x310]  }
0x25e: {  	v10 =	vmul.f32 $8.000000000e+00, v10;
	[tilespmem:s0+$0xA600] =	vst v18;
	v21 =	vld [tilespmem:s9+$0x710]  }
0x25f: {  	(v2sf) =	vpush v1, $0xF;
	[tilespmem:s7+$0xA9A0] =	vst v13;
	v11 =	vmul.f32 $8.000000000e+00, v11;
	v22 =	vld [tilespmem:s24+$0x610]  }
0x260: {  	(v2sf) =	vpush v0, $0xD;
	v13 =	vld [tilespmem:s18+$0x9B0];
	[tilespmem:s8+$0xA500] =	vst v10;
	v8 =	vmul.f32 $8.000000000e+00, v19  }
0x261: {  	(v2sf) =	vpush v2, $0xB;
	[tilespmem:s12+$0xA400] =	vst v11;
	v10 =	vld [tilespmem:s5+$0x510];
	v9 =	vmul.f32 $8.000000000e+00, v20  }
0x262: {  	(v2sf) =	vpush v3, $0x9;
	v23 =	vld [tilespmem:s29+$0x410];
	[tilespmem:s30+$0xA910] =	vst v8;
	v27 =	vmul.f32 $8.000000000e+00, v12  }
0x263: {  	(v2sf) =	vpush v4, $0x7;
	v6 =	vmul.f32 $8.000000000e+00, v21;
	[tilespmem:s31+$0xA810] =	vst v9;
	v25 =	vld [tilespmem:s25+$0x920]  }
0x264: {  	(v2sf) =	vpush v5, $0x5;
	v24 =	vmul.f32 $8.000000000e+00, v22;
	v26 =	vld [tilespmem:s28+$0x820];
	[tilespmem:s26+$0xA310] =	vst v27  }
0x265: {  	(v2sf) =	vpush v7, $0x3;
	v28 =	vmul.f32 $8.000000000e+00, v13;
	[tilespmem:s1+$0xA710] =	vst v6;
	v11 =	vld [tilespmem:s11+$0x320]  }
0x266: {  	v30 =	vmul.f32 $8.000000000e+00, v10;
	[tilespmem:s0+$0xA610] =	vst v24;
	v29 =	vld [tilespmem:s9+$0x720]  }
0x267: {  	[tilespmem:s7+$0xA9B0] =	vst v28;
	v1 =	vmul.f32 $8.000000000e+00, v23;
	v31 =	vld [tilespmem:s24+$0x620]  }
0x268: {  	[tilespmem:s8+$0xA510] =	vst v30;
	v9 =	vmul.f32 $8.000000000e+00, v25  }
0x269: {  	[tilespmem:s12+$0xA410] =	vst v1;
	v32 =	vmul.f32 $8.000000000e+00, v26  }
0x26a: {  	[tilespmem:s30+$0xA920] =	vst v9;
	v38 =	vmul.f32 $8.000000000e+00, v11  }
0x26b: {  	v8 =	vld [tilespmem:s5+$0x520];
	v34 =	vmul.f32 $8.000000000e+00, v29;
	[tilespmem:s31+$0xA820] =	vst v32  }
0x26c: {  	v33 =	vld [tilespmem:s29+$0x420];
	v35 =	vmul.f32 $8.000000000e+00, v31;
	[tilespmem:s26+$0xA320] =	vst v38  }
0x26d: {  	[tilespmem:s1+$0xA720] =	vst v34;
	v39 =	vld [tilespmem:s11+$0x330]  }
0x26e: {  	s13 =	spop (v2sf);
	v36 =	vld [tilespmem:s25+$0x930];
	[tilespmem:s0+$0xA620] =	vst v35  }
0x26f: {  	v37 =	vld [tilespmem:s28+$0x830];
	[dreg:$0xf] =	wrdreg s13;
	s13 =	spop (v2sf)  }
0x270: {  	s15 =	spop (v2sf)  }
0x271: {  	s23 =	spop (v2sf)  }
0x272: {  	s21 =	spop (v2sf);
	v9 =	vmul.f32 $8.000000000e+00, v39  }
0x273: {  	s14 =	spop (v2sf)  }
0x274: {  	s16 =	spop (v2sf);
	[tilespmem:s26+$0xA330] =	vst v9  }
0x275: {  	v9 =	vld [tilespmem:s16+$0x380];
	_ =	sdelay $0x4  }
0x276: {  	v9 =	vmul.f32 $8.000000000e+00, v9;
	_ =	sdelay $0x1  }
0x277: {  	[tilespmem:s26+$0xA380] =	vst v9  }
0x278: {  	v9 =	vld [tilespmem:s16+$0x390];
	_ =	sdelay $0x2  }
0x279: {  	(v2sf) =	vpush v0, $0xE  }
0x27a: {  	(v2sf) =	vpush v2, $0xC  }
0x27b: {  	(v2sf) =	vpush v3, $0xA;
	v9 =	vmul.f32 $8.000000000e+00, v9  }
0x27c: {  	(v2sf) =	vpush v4, $0x8  }
0x27d: {  	(v2sf) =	vpush v5, $0x6;
	[tilespmem:s26+$0xA390] =	vst v9  }
0x27e: {  	(v2sf) =	vpush v7, $0x4;
	v9 =	vld [tilespmem:s16+$0x3A0];
	_ =	sdelay $0x4  }
0x27f: {  	v9 =	vmul.f32 $8.000000000e+00, v9;
	_ =	sdelay $0x1  }
0x280: {  	[tilespmem:s26+$0xA3A0] =	vst v9  }
0x281: {  	v9 =	vld [tilespmem:s16+$0x3B0];
	_ =	sdelay $0x1  }
0x282: {  	s28 =	spop (v2sf)  }
0x283: {  	s25 =	spop (v2sf)  }
0x284: {  	s18 =	spop (v2sf)  }
0x285: {  	s20 =	spop (v2sf);
	v9 =	vmul.f32 $8.000000000e+00, v9  }
0x286: {  	s17 =	spop (v2sf)  }
0x287: {  	s22 =	spop (v2sf);
	[tilespmem:s26+$0xA3B0] =	vst v9  }
0x288: {  	v9 =	vld [tilespmem:s22+$0x400];
	_ =	sdelay $0x4  }
0x289: {  	v9 =	vmul.f32 $8.000000000e+00, v9;
	_ =	sdelay $0x1  }
0x28a: {  	[tilespmem:s26+$0xA400] =	vst v9  }
0x28b: {  	v9 =	vld [tilespmem:s22+$0x410];
	_ =	sdelay $0x2  }
0x28c: {  	(v2sf) =	vpush v0, $0xF  }
0x28d: {  	(v2sf) =	vpush v2, $0xD  }
0x28e: {  	(v2sf) =	vpush v3, $0xB;
	v40 =	vmul.f32 $8.000000000e+00, v9  }
0x28f: {  	(v2sf) =	vpush v4, $0x9  }
0x290: {  	(v2sf) =	vpush v5, $0x7;
	[tilespmem:s26+$0xA410] =	vst v40  }
0x291: {  	(v2sf) =	vpush v7, $0x5;
	v0 =	vld [tilespmem:s22+$0x420];
	_ =	sdelay $0x3  }
0x292: {  	v41 =	vmul.f32 $8.000000000e+00, v33  }
0x293: {  	v0 =	vmul.f32 $8.000000000e+00, v0  }
0x294: {  	[tilespmem:s12+$0xA420] =	vst v41  }
0x295: {  	v9 =	vld [tilespmem:s29+$0x430];
	[tilespmem:s26+$0xA420] =	vst v0  }
0x296: {  	v0 =	vld [tilespmem:s22+$0x430];
	_ =	sdelay $0x1  }
0x297: {  	s29 =	spop (v2sf)  }
0x298: {  	s19 =	spop (v2sf)  }
0x299: {  	s10 =	spop (v2sf);
	v9 =	vmul.f32 $8.000000000e+00, v9  }
0x29a: {  	s7 =	spop (v2sf);
	[dreg:$0x11] =	wrdreg s29;
	v0 =	vmul.f32 $8.000000000e+00, v0  }
0x29b: {  	s2 =	spop (v2sf);
	[tilespmem:s12+$0xA430] =	vst v9  }
0x29c: {  	s3 =	spop (v2sf);
	v9 =	vld [tilespmem:s14+$0x480];
	[tilespmem:s26+$0xA430] =	vst v0  }
0x29d: {  	v0 =	vld [tilespmem:s3+$0x480];
	_ =	sdelay $0x3  }
0x29e: {  	v9 =	vmul.f32 $8.000000000e+00, v9  }
0x29f: {  	v0 =	vmul.f32 $8.000000000e+00, v0  }
0x2a0: {  	[tilespmem:s12+$0xA480] =	vst v9  }
0x2a1: {  	v9 =	vld [tilespmem:s14+$0x490];
	[tilespmem:s26+$0xA480] =	vst v0  }
0x2a2: {  	v0 =	vld [tilespmem:s3+$0x490];
	_ =	sdelay $0x3  }
0x2a3: {  	(v2sf) =	vpush v2, $0xE;
	v9 =	vmul.f32 $8.000000000e+00, v9  }
0x2a4: {  	(v2sf) =	vpush v3, $0xC;
	v0 =	vmul.f32 $8.000000000e+00, v0  }
0x2a5: {  	(v2sf) =	vpush v4, $0xA;
	[tilespmem:s12+$0xA490] =	vst v9  }
0x2a6: {  	(v2sf) =	vpush v5, $0x8;
	v9 =	vld [tilespmem:s14+$0x4A0];
	[tilespmem:s26+$0xA490] =	vst v0  }
0x2a7: {  	(v2sf) =	vpush v7, $0x6;
	v0 =	vld [tilespmem:s3+$0x4A0];
	_ =	sdelay $0x3  }
0x2a8: {  	v9 =	vmul.f32 $8.000000000e+00, v9  }
0x2a9: {  	v0 =	vmul.f32 $8.000000000e+00, v0  }
0x2aa: {  	[tilespmem:s12+$0xA4A0] =	vst v9  }
0x2ab: {  	v9 =	vld [tilespmem:s14+$0x4B0];
	[tilespmem:s26+$0xA4A0] =	vst v0  }
0x2ac: {  	v0 =	vld [tilespmem:s3+$0x4B0];
	_ =	sdelay $0x2  }
0x2ad: {  	s14 =	spop (v2sf)  }
0x2ae: {  	s11 =	spop (v2sf);
	v9 =	vmul.f32 $8.000000000e+00, v9  }
0x2af: {  	s6 =	spop (v2sf);
	v0 =	vmul.f32 $8.000000000e+00, v0  }
0x2b0: {  	s29 =	spop (v2sf);
	[tilespmem:s12+$0xA4B0] =	vst v9  }
0x2b1: {  	s16 =	spop (v2sf);
	v9 =	vld [tilespmem:s17+$0x500];
	[tilespmem:s26+$0xA4B0] =	vst v0  }
0x2b2: {  	v0 =	vld [tilespmem:s16+$0x500];
	_ =	sdelay $0x3  }
0x2b3: {  	v9 =	vmul.f32 $8.000000000e+00, v9  }
0x2b4: {  	v0 =	vmul.f32 $8.000000000e+00, v0  }
0x2b5: {  	[tilespmem:s12+$0xA500] =	vst v9  }
0x2b6: {  	v9 =	vld [tilespmem:s17+$0x510];
	[tilespmem:s26+$0xA500] =	vst v0  }
0x2b7: {  	v0 =	vld [tilespmem:s16+$0x510];
	_ =	sdelay $0x3  }
0x2b8: {  	(v2sf) =	vpush v2, $0xF;
	v9 =	vmul.f32 $8.000000000e+00, v9  }
0x2b9: {  	(v2sf) =	vpush v3, $0xD;
	v0 =	vmul.f32 $8.000000000e+00, v0  }
0x2ba: {  	(v2sf) =	vpush v4, $0xB;
	[tilespmem:s12+$0xA510] =	vst v9  }
0x2bb: {  	(v2sf) =	vpush v5, $0x9;
	v42 =	vld [tilespmem:s17+$0x520];
	[tilespmem:s26+$0xA510] =	vst v0  }
0x2bc: {  	(v2sf) =	vpush v7, $0x7;
	v0 =	vld [tilespmem:s16+$0x520];
	_ =	sdelay $0x2  }
0x2bd: {  	v8 =	vmul.f32 $8.000000000e+00, v8  }
0x2be: {  	v2 =	vmul.f32 $8.000000000e+00, v42  }
0x2bf: {  	[tilespmem:s8+$0xA520] =	vst v8;
	v0 =	vmul.f32 $8.000000000e+00, v0  }
0x2c0: {  	v8 =	vld [tilespmem:s5+$0x530];
	[tilespmem:s12+$0xA520] =	vst v2  }
0x2c1: {  	v2 =	vld [tilespmem:s17+$0x530];
	[tilespmem:s26+$0xA520] =	vst v0  }
0x2c2: {  	v0 =	vld [tilespmem:s16+$0x530];
	_ =	sdelay $0x2  }
0x2c3: {  	v8 =	vmul.f32 $8.000000000e+00, v8;
	s17 =	spop (v2sf)  }
0x2c4: {  	v2 =	vmul.f32 $8.000000000e+00, v2;
	s16 =	spop (v2sf)  }
0x2c5: {  	[tilespmem:s8+$0xA530] =	vst v8;
	s5 =	spop (v2sf);
	v0 =	vmul.f32 $8.000000000e+00, v0  }
0x2c6: {  	v8 =	vld [tilespmem:s21+$0x580];
	[tilespmem:s12+$0xA530] =	vst v2;
	s4 =	spop (v2sf)  }
0x2c7: {  	v2 =	vld [tilespmem:s2+$0x580];
	s22 =	spop (v2sf);
	[tilespmem:s26+$0xA530] =	vst v0  }
0x2c8: {  	v0 =	vld [tilespmem:s22+$0x580];
	_ =	sdelay $0x2  }
0x2c9: {  	v8 =	vmul.f32 $8.000000000e+00, v8  }
0x2ca: {  	v2 =	vmul.f32 $8.000000000e+00, v2  }
0x2cb: {  	[tilespmem:s8+$0xA580] =	vst v8;
	v0 =	vmul.f32 $8.000000000e+00, v0  }
0x2cc: {  	v8 =	vld [tilespmem:s21+$0x590];
	[tilespmem:s12+$0xA580] =	vst v2  }
0x2cd: {  	v2 =	vld [tilespmem:s2+$0x590];
	[tilespmem:s26+$0xA580] =	vst v0  }
0x2ce: {  	v0 =	vld [tilespmem:s22+$0x590];
	_ =	sdelay $0x2  }
0x2cf: {  	v8 =	vmul.f32 $8.000000000e+00, v8  }
0x2d0: {  	v2 =	vmul.f32 $8.000000000e+00, v2  }
0x2d1: {  	[tilespmem:s8+$0xA590] =	vst v8;
	(v2sf) =	vpush v3, $0xE;
	v0 =	vmul.f32 $8.000000000e+00, v0  }
0x2d2: {  	v8 =	vld [tilespmem:s21+$0x5A0];
	(v2sf) =	vpush v4, $0xC;
	[tilespmem:s12+$0xA590] =	vst v2  }
0x2d3: {  	(v2sf) =	vpush v5, $0xA;
	v2 =	vld [tilespmem:s2+$0x5A0];
	[tilespmem:s26+$0xA590] =	vst v0  }
0x2d4: {  	(v2sf) =	vpush v7, $0x8;
	v0 =	vld [tilespmem:s22+$0x5A0];
	_ =	sdelay $0x2  }
0x2d5: {  	v8 =	vmul.f32 $8.000000000e+00, v8  }
0x2d6: {  	v2 =	vmul.f32 $8.000000000e+00, v2  }
0x2d7: {  	[tilespmem:s8+$0xA5A0] =	vst v8;
	v0 =	vmul.f32 $8.000000000e+00, v0  }
0x2d8: {  	v8 =	vld [tilespmem:s21+$0x5B0];
	[tilespmem:s12+$0xA5A0] =	vst v2  }
0x2d9: {  	v2 =	vld [tilespmem:s2+$0x5B0];
	[tilespmem:s26+$0xA5A0] =	vst v0  }
0x2da: {  	v0 =	vld [tilespmem:s22+$0x5B0];
	_ =	sdelay $0x2  }
0x2db: {  	v8 =	vmul.f32 $8.000000000e+00, v8  }
0x2dc: {  	v2 =	vmul.f32 $8.000000000e+00, v2;
	s22 =	spop (v2sf)  }
0x2dd: {  	[tilespmem:s8+$0xA5B0] =	vst v8;
	s21 =	spop (v2sf);
	v0 =	vmul.f32 $8.000000000e+00, v0  }
0x2de: {  	v8 =	vld [tilespmem:s20+$0x600];
	[tilespmem:s12+$0xA5B0] =	vst v2;
	s3 =	spop (v2sf)  }
0x2df: {  	v2 =	vld [tilespmem:s29+$0x600];
	s2 =	spop (v2sf);
	[tilespmem:s26+$0xA5B0] =	vst v0  }
0x2e0: {  	v0 =	vld [tilespmem:s2+$0x600];
	_ =	sdelay $0x2  }
0x2e1: {  	v8 =	vmul.f32 $8.000000000e+00, v8  }
0x2e2: {  	v2 =	vmul.f32 $8.000000000e+00, v2  }
0x2e3: {  	[tilespmem:s8+$0xA600] =	vst v8;
	v0 =	vmul.f32 $8.000000000e+00, v0  }
0x2e4: {  	v8 =	vld [tilespmem:s20+$0x610];
	[tilespmem:s12+$0xA600] =	vst v2  }
0x2e5: {  	v2 =	vld [tilespmem:s29+$0x610];
	[tilespmem:s26+$0xA600] =	vst v0  }
0x2e6: {  	v0 =	vld [tilespmem:s2+$0x610];
	_ =	sdelay $0x2  }
0x2e7: {  	v8 =	vmul.f32 $8.000000000e+00, v8  }
0x2e8: {  	v2 =	vmul.f32 $8.000000000e+00, v2  }
0x2e9: {  	[tilespmem:s8+$0xA610] =	vst v8;
	(v2sf) =	vpush v3, $0xF;
	v0 =	vmul.f32 $8.000000000e+00, v0  }
0x2ea: {  	v43 =	vld [tilespmem:s20+$0x620];
	(v2sf) =	vpush v4, $0xD;
	[tilespmem:s12+$0xA610] =	vst v2  }
0x2eb: {  	(v2sf) =	vpush v5, $0xB;
	v2 =	vld [tilespmem:s29+$0x620];
	[tilespmem:s26+$0xA610] =	vst v0  }
0x2ec: {  	(v2sf) =	vpush v7, $0x9;
	v0 =	vld [tilespmem:s2+$0x620];
	_ =	sdelay $0x2  }
0x2ed: {  	v3 =	vmul.f32 $8.000000000e+00, v43  }
0x2ee: {  	v2 =	vmul.f32 $8.000000000e+00, v2  }
0x2ef: {  	v44 =	vld [tilespmem:s24+$0x630];
	[tilespmem:s8+$0xA620] =	vst v3;
	v0 =	vmul.f32 $8.000000000e+00, v0  }
0x2f0: {  	v3 =	vld [tilespmem:s20+$0x630];
	[tilespmem:s12+$0xA620] =	vst v2  }
0x2f1: {  	v2 =	vld [tilespmem:s29+$0x630];
	[tilespmem:s26+$0xA620] =	vst v0  }
0x2f2: {  	v0 =	vld [tilespmem:s2+$0x630];
	_ =	sdelay $0x1  }
0x2f3: {  	v8 =	vmul.f32 $8.000000000e+00, v44  }
0x2f4: {  	v3 =	vmul.f32 $8.000000000e+00, v3  }
0x2f5: {  	[tilespmem:s0+$0xA630] =	vst v8;
	s20 =	spop (v2sf);
	v2 =	vmul.f32 $8.000000000e+00, v2  }
0x2f6: {  	v8 =	vld [tilespmem:s23+$0x680];
	[tilespmem:s8+$0xA630] =	vst v3;
	s24 =	spop (v2sf);
	v0 =	vmul.f32 $8.000000000e+00, v0  }
0x2f7: {  	v3 =	vld [tilespmem:s7+$0x680];
	s29 =	spop (v2sf);
	[tilespmem:s12+$0xA630] =	vst v2  }
0x2f8: {  	s2 =	spop (v2sf);
	v2 =	vld [tilespmem:s4+$0x680];
	[tilespmem:s26+$0xA630] =	vst v0  }
0x2f9: {  	v0 =	vld [tilespmem:s2+$0x680];
	_ =	sdelay $0x1  }
0x2fa: {  	v8 =	vmul.f32 $8.000000000e+00, v8  }
0x2fb: {  	v3 =	vmul.f32 $8.000000000e+00, v3  }
0x2fc: {  	[tilespmem:s0+$0xA680] =	vst v8;
	v2 =	vmul.f32 $8.000000000e+00, v2  }
0x2fd: {  	v8 =	vld [tilespmem:s23+$0x690];
	[tilespmem:s8+$0xA680] =	vst v3;
	v0 =	vmul.f32 $8.000000000e+00, v0  }
0x2fe: {  	v3 =	vld [tilespmem:s7+$0x690];
	[tilespmem:s12+$0xA680] =	vst v2  }
0x2ff: {  	v2 =	vld [tilespmem:s4+$0x690];
	[tilespmem:s26+$0xA680] =	vst v0  }
0x300: {  	v0 =	vld [tilespmem:s2+$0x690];
	_ =	sdelay $0x1  }
0x301: {  	v8 =	vmul.f32 $8.000000000e+00, v8  }
0x302: {  	v3 =	vmul.f32 $8.000000000e+00, v3  }
0x303: {  	[tilespmem:s0+$0xA690] =	vst v8;
	v2 =	vmul.f32 $8.000000000e+00, v2  }
0x304: {  	v8 =	vld [tilespmem:s23+$0x6A0];
	[tilespmem:s8+$0xA690] =	vst v3;
	v0 =	vmul.f32 $8.000000000e+00, v0  }
0x305: {  	(v2sf) =	vpush v4, $0xE;
	v3 =	vld [tilespmem:s7+$0x6A0];
	[tilespmem:s12+$0xA690] =	vst v2  }
0x306: {  	(v2sf) =	vpush v5, $0xC;
	v2 =	vld [tilespmem:s4+$0x6A0];
	[tilespmem:s26+$0xA690] =	vst v0  }
0x307: {  	(v2sf) =	vpush v7, $0xA;
	v0 =	vld [tilespmem:s2+$0x6A0];
	_ =	sdelay $0x1  }
0x308: {  	v8 =	vmul.f32 $8.000000000e+00, v8  }
0x309: {  	v3 =	vmul.f32 $8.000000000e+00, v3  }
0x30a: {  	[tilespmem:s0+$0xA6A0] =	vst v8;
	v2 =	vmul.f32 $8.000000000e+00, v2  }
0x30b: {  	v8 =	vld [tilespmem:s23+$0x6B0];
	[tilespmem:s8+$0xA6A0] =	vst v3;
	v0 =	vmul.f32 $8.000000000e+00, v0  }
0x30c: {  	v3 =	vld [tilespmem:s7+$0x6B0];
	[tilespmem:s12+$0xA6A0] =	vst v2  }
0x30d: {  	v2 =	vld [tilespmem:s4+$0x6B0];
	[tilespmem:s26+$0xA6A0] =	vst v0  }
0x30e: {  	v0 =	vld [tilespmem:s2+$0x6B0];
	_ =	sdelay $0x1  }
0x30f: {  	v8 =	vmul.f32 $8.000000000e+00, v8  }
0x310: {  	v3 =	vmul.f32 $8.000000000e+00, v3  }
0x311: {  	[tilespmem:s0+$0xA6B0] =	vst v8;
	v2 =	vmul.f32 $8.000000000e+00, v2  }
0x312: {  	v8 =	vld [tilespmem:s18+$0x700];
	[tilespmem:s8+$0xA6B0] =	vst v3;
	s4 =	spop (v2sf);
	v0 =	vmul.f32 $8.000000000e+00, v0  }
0x313: {  	v3 =	vld [tilespmem:s6+$0x700];
	s23 =	spop (v2sf);
	[tilespmem:s12+$0xA6B0] =	vst v2  }
0x314: {  	s7 =	spop (v2sf);
	v2 =	vld [tilespmem:s3+$0x700];
	[tilespmem:s26+$0xA6B0] =	vst v0  }
0x315: {  	v0 =	vld [tilespmem:s7+$0x700];
	_ =	sdelay $0x1  }
0x316: {  	v8 =	vmul.f32 $8.000000000e+00, v8  }
0x317: {  	v3 =	vmul.f32 $8.000000000e+00, v3  }
0x318: {  	[tilespmem:s0+$0xA700] =	vst v8;
	v2 =	vmul.f32 $8.000000000e+00, v2  }
0x319: {  	v8 =	vld [tilespmem:s18+$0x710];
	[tilespmem:s8+$0xA700] =	vst v3;
	v0 =	vmul.f32 $8.000000000e+00, v0  }
0x31a: {  	v3 =	vld [tilespmem:s6+$0x710];
	[tilespmem:s12+$0xA700] =	vst v2  }
0x31b: {  	v2 =	vld [tilespmem:s3+$0x710];
	[tilespmem:s26+$0xA700] =	vst v0  }
0x31c: {  	v0 =	vld [tilespmem:s7+$0x710];
	_ =	sdelay $0x1  }
0x31d: {  	v8 =	vmul.f32 $8.000000000e+00, v8  }
0x31e: {  	v3 =	vmul.f32 $8.000000000e+00, v3  }
0x31f: {  	[tilespmem:s0+$0xA710] =	vst v8;
	v2 =	vmul.f32 $8.000000000e+00, v2  }
0x320: {  	v8 =	vld [tilespmem:s18+$0x720];
	[tilespmem:s8+$0xA710] =	vst v3;
	v0 =	vmul.f32 $8.000000000e+00, v0  }
0x321: {  	(v2sf) =	vpush v4, $0xF;
	v3 =	vld [tilespmem:s6+$0x720];
	[tilespmem:s12+$0xA710] =	vst v2  }
0x322: {  	(v2sf) =	vpush v5, $0xD;
	v2 =	vld [tilespmem:s3+$0x720];
	[tilespmem:s26+$0xA710] =	vst v0  }
0x323: {  	(v2sf) =	vpush v7, $0xB;
	v0 =	vld [tilespmem:s7+$0x720];
	_ =	sdelay $0x1  }
0x324: {  	v45 =	vmul.f32 $8.000000000e+00, v8  }
0x325: {  	v3 =	vmul.f32 $8.000000000e+00, v3  }
0x326: {  	v46 =	vld [tilespmem:s9+$0x730];
	[tilespmem:s0+$0xA720] =	vst v45;
	v2 =	vmul.f32 $8.000000000e+00, v2  }
0x327: {  	v4 =	vld [tilespmem:s18+$0x730];
	[tilespmem:s8+$0xA720] =	vst v3;
	v0 =	vmul.f32 $8.000000000e+00, v0  }
0x328: {  	v3 =	vld [tilespmem:s6+$0x730];
	[tilespmem:s12+$0xA720] =	vst v2  }
0x329: {  	v2 =	vld [tilespmem:s3+$0x730];
	[tilespmem:s26+$0xA720] =	vst v0  }
0x32a: {  	v0 =	vld [tilespmem:s7+$0x730]  }
0x32b: {  	v8 =	vmul.f32 $8.000000000e+00, v46  }
0x32c: {  	v4 =	vmul.f32 $8.000000000e+00, v4  }
0x32d: {  	[tilespmem:s1+$0xA730] =	vst v8;
	v3 =	vmul.f32 $8.000000000e+00, v3  }
0x32e: {  	v8 =	vld [tilespmem:s15+$0x780];
	[tilespmem:s0+$0xA730] =	vst v4;
	v2 =	vmul.f32 $8.000000000e+00, v2  }
0x32f: {  	v4 =	vld [tilespmem:s10+$0x780];
	s2 =	spop (v2sf);
	[tilespmem:s8+$0xA730] =	vst v3;
	v0 =	vmul.f32 $8.000000000e+00, v0  }
0x330: {  	v3 =	vld [tilespmem:s5+$0x780];
	s7 =	spop (v2sf);
	[tilespmem:s12+$0xA730] =	vst v2  }
0x331: {  	s9 =	spop (v2sf);
	v2 =	vld [tilespmem:s29+$0x780];
	[tilespmem:s26+$0xA730] =	vst v0  }
0x332: {  	v0 =	vld [tilespmem:s9+$0x780]  }
0x333: {  	v8 =	vmul.f32 $8.000000000e+00, v8  }
0x334: {  	v4 =	vmul.f32 $8.000000000e+00, v4  }
0x335: {  	[tilespmem:s1+$0xA780] =	vst v8;
	v3 =	vmul.f32 $8.000000000e+00, v3  }
0x336: {  	v8 =	vld [tilespmem:s15+$0x790];
	[tilespmem:s0+$0xA780] =	vst v4;
	v2 =	vmul.f32 $8.000000000e+00, v2  }
0x337: {  	v4 =	vld [tilespmem:s10+$0x790];
	[tilespmem:s8+$0xA780] =	vst v3;
	v0 =	vmul.f32 $8.000000000e+00, v0  }
0x338: {  	v3 =	vld [tilespmem:s5+$0x790];
	[tilespmem:s12+$0xA780] =	vst v2  }
0x339: {  	v2 =	vld [tilespmem:s29+$0x790];
	[tilespmem:s26+$0xA780] =	vst v0  }
0x33a: {  	v0 =	vld [tilespmem:s9+$0x790]  }
0x33b: {  	v8 =	vmul.f32 $8.000000000e+00, v8  }
0x33c: {  	v4 =	vmul.f32 $8.000000000e+00, v4  }
0x33d: {  	[tilespmem:s1+$0xA790] =	vst v8;
	v3 =	vmul.f32 $8.000000000e+00, v3  }
0x33e: {  	v8 =	vld [tilespmem:s15+$0x7A0];
	[tilespmem:s0+$0xA790] =	vst v4;
	v2 =	vmul.f32 $8.000000000e+00, v2  }
0x33f: {  	v4 =	vld [tilespmem:s10+$0x7A0];
	[tilespmem:s8+$0xA790] =	vst v3;
	v0 =	vmul.f32 $8.000000000e+00, v0  }
0x340: {  	v3 =	vld [tilespmem:s5+$0x7A0];
	[tilespmem:s12+$0xA790] =	vst v2  }
0x341: {  	(v2sf) =	vpush v5, $0xE;
	v2 =	vld [tilespmem:s29+$0x7A0];
	[tilespmem:s26+$0xA790] =	vst v0  }
0x342: {  	(v2sf) =	vpush v7, $0xC;
	v0 =	vld [tilespmem:s9+$0x7A0]  }
0x343: {  	v8 =	vmul.f32 $8.000000000e+00, v8  }
0x344: {  	v4 =	vmul.f32 $8.000000000e+00, v4  }
0x345: {  	[tilespmem:s1+$0xA7A0] =	vst v8;
	v3 =	vmul.f32 $8.000000000e+00, v3  }
0x346: {  	v8 =	vld [tilespmem:s15+$0x7B0];
	[tilespmem:s0+$0xA7A0] =	vst v4;
	v2 =	vmul.f32 $8.000000000e+00, v2  }
0x347: {  	v4 =	vld [tilespmem:s10+$0x7B0];
	[tilespmem:s8+$0xA7A0] =	vst v3;
	v0 =	vmul.f32 $8.000000000e+00, v0  }
0x348: {  	v3 =	vld [tilespmem:s5+$0x7B0];
	[tilespmem:s12+$0xA7A0] =	vst v2  }
0x349: {  	v2 =	vld [tilespmem:s29+$0x7B0];
	[tilespmem:s26+$0xA7A0] =	vst v0  }
0x34a: {  	v0 =	vld [tilespmem:s9+$0x7B0]  }
0x34b: {  	v8 =	vmul.f32 $8.000000000e+00, v8  }
0x34c: {  	v4 =	vmul.f32 $8.000000000e+00, v4  }
0x34d: {  	[tilespmem:s1+$0xA7B0] =	vst v8;
	v3 =	vmul.f32 $8.000000000e+00, v3  }
0x34e: {  	v8 =	vld [tilespmem:s25+$0x800];
	[tilespmem:s0+$0xA7B0] =	vst v4;
	v2 =	vmul.f32 $8.000000000e+00, v2  }
0x34f: {  	v4 =	vld [tilespmem:s11+$0x800];
	[tilespmem:s8+$0xA7B0] =	vst v3;
	v0 =	vmul.f32 $8.000000000e+00, v0  }
0x350: {  	s15 =	spop (v2sf);
	v3 =	vld [tilespmem:s21+$0x800];
	[tilespmem:s12+$0xA7B0] =	vst v2  }
0x351: {  	s18 =	spop (v2sf);
	v2 =	vld [tilespmem:s23+$0x800];
	[tilespmem:s26+$0xA7B0] =	vst v0  }
0x352: {  	v0 =	vld [tilespmem:s18+$0x800]  }
0x353: {  	v8 =	vmul.f32 $8.000000000e+00, v8  }
0x354: {  	v4 =	vmul.f32 $8.000000000e+00, v4  }
0x355: {  	[tilespmem:s1+$0xA800] =	vst v8;
	v3 =	vmul.f32 $8.000000000e+00, v3  }
0x356: {  	v8 =	vld [tilespmem:s25+$0x810];
	[tilespmem:s0+$0xA800] =	vst v4;
	v2 =	vmul.f32 $8.000000000e+00, v2  }
0x357: {  	v4 =	vld [tilespmem:s11+$0x810];
	[tilespmem:s8+$0xA800] =	vst v3;
	v0 =	vmul.f32 $8.000000000e+00, v0  }
0x358: {  	v3 =	vld [tilespmem:s21+$0x810];
	[tilespmem:s12+$0xA800] =	vst v2  }
0x359: {  	v2 =	vld [tilespmem:s23+$0x810];
	[tilespmem:s26+$0xA800] =	vst v0  }
0x35a: {  	v0 =	vld [tilespmem:s18+$0x810]  }
0x35b: {  	v8 =	vmul.f32 $8.000000000e+00, v8  }
0x35c: {  	v4 =	vmul.f32 $8.000000000e+00, v4  }
0x35d: {  	[tilespmem:s1+$0xA810] =	vst v8;
	v3 =	vmul.f32 $8.000000000e+00, v3  }
0x35e: {  	v8 =	vld [tilespmem:s25+$0x820];
	[tilespmem:s0+$0xA810] =	vst v4;
	v2 =	vmul.f32 $8.000000000e+00, v2  }
0x35f: {  	v4 =	vld [tilespmem:s11+$0x820];
	[tilespmem:s8+$0xA810] =	vst v3;
	v0 =	vmul.f32 $8.000000000e+00, v0  }
0x360: {  	v3 =	vld [tilespmem:s21+$0x820];
	[tilespmem:s12+$0xA810] =	vst v2  }
0x361: {  	(v2sf) =	vpush v5, $0xF;
	v2 =	vld [tilespmem:s23+$0x820];
	[tilespmem:s26+$0xA810] =	vst v0  }
0x362: {  	(v2sf) =	vpush v7, $0xD;
	v0 =	vld [tilespmem:s18+$0x820]  }
0x363: {  	v47 =	vmul.f32 $8.000000000e+00, v8  }
0x364: {  	v4 =	vmul.f32 $8.000000000e+00, v4  }
0x365: {  	[tilespmem:s1+$0xA820] =	vst v47;
	v3 =	vmul.f32 $8.000000000e+00, v3  }
0x366: {  	v5 =	vld [tilespmem:s25+$0x830];
	[tilespmem:s0+$0xA820] =	vst v4;
	v2 =	vmul.f32 $8.000000000e+00, v2  }
0x367: {  	v4 =	vld [tilespmem:s11+$0x830];
	[tilespmem:s8+$0xA820] =	vst v3;
	v0 =	vmul.f32 $8.000000000e+00, v0  }
0x368: {  	v3 =	vld [tilespmem:s21+$0x830];
	[tilespmem:s12+$0xA820] =	vst v2  }
0x369: {  	v48 =	vmul.f32 $8.000000000e+00, v37;
	v2 =	vld [tilespmem:s23+$0x830];
	[tilespmem:s26+$0xA820] =	vst v0  }
0x36a: {  	v49 =	vld [tilespmem:s18+$0x830]  }
0x36b: {  	[tilespmem:s31+$0xA830] =	vst v48;
	v5 =	vmul.f32 $8.000000000e+00, v5  }
0x36c: {  	v51 =	vld [tilespmem:s13+$0x880];
	v50 =	vmul.f32 $8.000000000e+00, v4  }
0x36d: {  	[tilespmem:s1+$0xA830] =	vst v5;
	v3 =	vmul.f32 $8.000000000e+00, v3  }
0x36e: {  	v5 =	vld [tilespmem:s19+$0x880];
	[tilespmem:s0+$0xA830] =	vst v50;
	v52 =	vmul.f32 $8.000000000e+00, v2  }
0x36f: {  	v53 =	vld [tilespmem:s16+$0x880];
	[tilespmem:s8+$0xA830] =	vst v3;
	v54 =	vmul.f32 $8.000000000e+00, v49  }
0x370: {  	s21 =	spop (v2sf);
	v55 =	vld [tilespmem:s24+$0x880];
	[tilespmem:s12+$0xA830] =	vst v52  }
0x371: {  	v56 =	vmul.f32 $8.000000000e+00, v51;
	s23 =	spop (v2sf);
	v0 =	vld [tilespmem:s7+$0x880];
	[tilespmem:s26+$0xA830] =	vst v54  }
0x372: {  	v57 =	vld [tilespmem:s23+$0x880]  }
0x373: {  	[tilespmem:s31+$0xA880] =	vst v56;
	v5 =	vmul.f32 $8.000000000e+00, v5  }
0x374: {  	v3 =	vld [tilespmem:s13+$0x890];
	v2 =	vmul.f32 $8.000000000e+00, v53  }
0x375: {  	[tilespmem:s1+$0xA880] =	vst v5;
	v58 =	vmul.f32 $8.000000000e+00, v55  }
0x376: {  	v59 =	vld [tilespmem:s19+$0x890];
	[tilespmem:s0+$0xA880] =	vst v2;
	v0 =	vmul.f32 $8.000000000e+00, v0  }
0x377: {  	[tilespmem:s8+$0xA880] =	vst v58;
	v2 =	vld [tilespmem:s16+$0x890];
	v4 =	vmul.f32 $8.000000000e+00, v57  }
0x378: {  	v5 =	vld [tilespmem:s24+$0x890];
	[tilespmem:s12+$0xA880] =	vst v0  }
0x379: {  	v3 =	vmul.f32 $8.000000000e+00, v3;
	v0 =	vld [tilespmem:s7+$0x890];
	[tilespmem:s26+$0xA880] =	vst v4  }
0x37a: {  	v4 =	vld [tilespmem:s23+$0x890]  }
0x37b: {  	v6 =	vmul.f32 $8.000000000e+00, v59;
	[tilespmem:s31+$0xA890] =	vst v3  }
0x37c: {  	v3 =	vld [tilespmem:s13+$0x8A0];
	v2 =	vmul.f32 $8.000000000e+00, v2  }
0x37d: {  	[tilespmem:s1+$0xA890] =	vst v6;
	v5 =	vmul.f32 $8.000000000e+00, v5  }
0x37e: {  	v6 =	vld [tilespmem:s19+$0x8A0];
	[tilespmem:s0+$0xA890] =	vst v2;
	v0 =	vmul.f32 $8.000000000e+00, v0  }
0x37f: {  	[tilespmem:s8+$0xA890] =	vst v5;
	v2 =	vld [tilespmem:s16+$0x8A0];
	v4 =	vmul.f32 $8.000000000e+00, v4  }
0x380: {  	v5 =	vld [tilespmem:s24+$0x8A0];
	[tilespmem:s12+$0xA890] =	vst v0  }
0x381: {  	v3 =	vmul.f32 $8.000000000e+00, v3;
	v0 =	vld [tilespmem:s7+$0x8A0];
	[tilespmem:s26+$0xA890] =	vst v4  }
0x382: {  	(v2sf) =	vpush v7, $0xE;
	v4 =	vld [tilespmem:s23+$0x8A0]  }
0x383: {  	v6 =	vmul.f32 $8.000000000e+00, v6;
	[tilespmem:s31+$0xA8A0] =	vst v3  }
0x384: {  	v3 =	vld [tilespmem:s13+$0x8B0];
	v2 =	vmul.f32 $8.000000000e+00, v2  }
0x385: {  	[tilespmem:s1+$0xA8A0] =	vst v6;
	v5 =	vmul.f32 $8.000000000e+00, v5  }
0x386: {  	v6 =	vld [tilespmem:s19+$0x8B0];
	[tilespmem:s0+$0xA8A0] =	vst v2;
	v0 =	vmul.f32 $8.000000000e+00, v0  }
0x387: {  	[tilespmem:s8+$0xA8A0] =	vst v5;
	v2 =	vld [tilespmem:s16+$0x8B0];
	v4 =	vmul.f32 $8.000000000e+00, v4  }
0x388: {  	v5 =	vld [tilespmem:s24+$0x8B0];
	[tilespmem:s12+$0xA8A0] =	vst v0  }
0x389: {  	v3 =	vmul.f32 $8.000000000e+00, v3;
	v0 =	vld [tilespmem:s7+$0x8B0];
	[tilespmem:s26+$0xA8A0] =	vst v4  }
0x38a: {  	v4 =	vld [tilespmem:s23+$0x8B0]  }
0x38b: {  	v6 =	vmul.f32 $8.000000000e+00, v6;
	[tilespmem:s31+$0xA8B0] =	vst v3  }
0x38c: {  	v3 =	vld [tilespmem:s28+$0x900];
	v2 =	vmul.f32 $8.000000000e+00, v2  }
0x38d: {  	[tilespmem:s1+$0xA8B0] =	vst v6;
	v5 =	vmul.f32 $8.000000000e+00, v5  }
0x38e: {  	v6 =	vld [tilespmem:s14+$0x900];
	[tilespmem:s0+$0xA8B0] =	vst v2;
	v0 =	vmul.f32 $8.000000000e+00, v0  }
0x38f: {  	[tilespmem:s8+$0xA8B0] =	vst v5;
	v2 =	vld [tilespmem:s22+$0x900];
	v4 =	vmul.f32 $8.000000000e+00, v4  }
0x390: {  	v5 =	vld [tilespmem:s4+$0x900];
	[tilespmem:s12+$0xA8B0] =	vst v0  }
0x391: {  	s24 =	spop (v2sf);
	v3 =	vmul.f32 $8.000000000e+00, v3;
	v0 =	vld [tilespmem:s15+$0x900];
	[tilespmem:s26+$0xA8B0] =	vst v4  }
0x392: {  	v4 =	vld [tilespmem:s24+$0x900]  }
0x393: {  	v6 =	vmul.f32 $8.000000000e+00, v6;
	[tilespmem:s31+$0xA900] =	vst v3  }
0x394: {  	v3 =	vld [tilespmem:s28+$0x910];
	v2 =	vmul.f32 $8.000000000e+00, v2  }
0x395: {  	[tilespmem:s1+$0xA900] =	vst v6;
	v5 =	vmul.f32 $8.000000000e+00, v5  }
0x396: {  	v6 =	vld [tilespmem:s14+$0x910];
	[tilespmem:s0+$0xA900] =	vst v2;
	v0 =	vmul.f32 $8.000000000e+00, v0  }
0x397: {  	[tilespmem:s8+$0xA900] =	vst v5;
	v2 =	vld [tilespmem:s22+$0x910];
	v4 =	vmul.f32 $8.000000000e+00, v4  }
0x398: {  	v5 =	vld [tilespmem:s4+$0x910];
	[tilespmem:s12+$0xA900] =	vst v0  }
0x399: {  	v3 =	vmul.f32 $8.000000000e+00, v3;
	v0 =	vld [tilespmem:s15+$0x910];
	[tilespmem:s26+$0xA900] =	vst v4  }
0x39a: {  	v4 =	vld [tilespmem:s24+$0x910]  }
0x39b: {  	v6 =	vmul.f32 $8.000000000e+00, v6;
	[tilespmem:s31+$0xA910] =	vst v3  }
0x39c: {  	v3 =	vld [tilespmem:s28+$0x920];
	v2 =	vmul.f32 $8.000000000e+00, v2  }
0x39d: {  	[tilespmem:s1+$0xA910] =	vst v6;
	v5 =	vmul.f32 $8.000000000e+00, v5  }
0x39e: {  	v6 =	vld [tilespmem:s14+$0x920];
	[tilespmem:s0+$0xA910] =	vst v2;
	v0 =	vmul.f32 $8.000000000e+00, v0  }
0x39f: {  	[tilespmem:s8+$0xA910] =	vst v5;
	v2 =	vld [tilespmem:s22+$0x920];
	v4 =	vmul.f32 $8.000000000e+00, v4  }
0x3a0: {  	v5 =	vld [tilespmem:s4+$0x920];
	[tilespmem:s12+$0xA910] =	vst v0  }
0x3a1: {  	v3 =	vmul.f32 $8.000000000e+00, v3;
	v0 =	vld [tilespmem:s15+$0x920];
	[tilespmem:s26+$0xA910] =	vst v4  }
0x3a2: {  	(v2sf) =	vpush v7, $0xF;
	v4 =	vld [tilespmem:s24+$0x920]  }
0x3a3: {  	v6 =	vmul.f32 $8.000000000e+00, v6;
	[tilespmem:s31+$0xA920] =	vst v3  }
0x3a4: {  	v3 =	vld [tilespmem:s28+$0x930];
	v2 =	vmul.f32 $8.000000000e+00, v2  }
0x3a5: {  	[tilespmem:s1+$0xA920] =	vst v6;
	v5 =	vmul.f32 $8.000000000e+00, v5  }
0x3a6: {  	v6 =	vld [tilespmem:s14+$0x930];
	[tilespmem:s0+$0xA920] =	vst v2;
	v0 =	vmul.f32 $8.000000000e+00, v0  }
0x3a7: {  	[tilespmem:s8+$0xA920] =	vst v5;
	v2 =	vld [tilespmem:s22+$0x930];
	v4 =	vmul.f32 $8.000000000e+00, v4  }
0x3a8: {  	v60 =	vmul.f32 $8.000000000e+00, v36;
	v5 =	vld [tilespmem:s4+$0x930];
	[tilespmem:s12+$0xA920] =	vst v0  }
0x3a9: {  	v3 =	vmul.f32 $8.000000000e+00, v3;
	v61 =	vld [tilespmem:s15+$0x930];
	[tilespmem:s26+$0xA920] =	vst v4  }
0x3aa: {  	[tilespmem:s30+$0xA930] =	vst v60;
	v4 =	vld [tilespmem:s24+$0x930]  }
0x3ab: {  	v62 =	vmul.f32 $8.000000000e+00, v6;
	s25 =	rddreg [dreg:$0xf];
	[tilespmem:s31+$0xA930] =	vst v3  }
0x3ac: {  	v2 =	vmul.f32 $8.000000000e+00, v2;
	v63 =	vld [tilespmem:s25+$0x980];
	s28 =	rddreg [dreg:$0x11]  }
0x3ad: {  	v9 =	vmul.f32 $8.000000000e+00, v5;
	[tilespmem:s1+$0xA930] =	vst v62;
	v3 =	vld [tilespmem:s28+$0x980]  }
0x3ae: {  	v1 =	vmul.f32 $8.000000000e+00, v61;
	[tilespmem:s0+$0xA930] =	vst v2;
	v10 =	vld [tilespmem:s17+$0x980]  }
0x3af: {  	[tilespmem:s8+$0xA930] =	vst v9;
	v2 =	vld [tilespmem:s20+$0x980];
	v11 =	vmul.f32 $8.000000000e+00, v4  }
0x3b0: {  	[tilespmem:s12+$0xA930] =	vst v1;
	v12 =	vld [tilespmem:s2+$0x980]  }
0x3b1: {  	s29 =	spop (v2sf);
	v14 =	vld [tilespmem:s21+$0x980];
	v13 =	vmul.f32 $8.000000000e+00, v63;
	[tilespmem:s26+$0xA930] =	vst v11  }
0x3b2: {  	v15 =	vmul.f32 $8.000000000e+00, v3;
	v16 =	vld [tilespmem:s29+$0x980]  }
0x3b3: {  	v17 =	vmul.f32 $8.000000000e+00, v10;
	[tilespmem:s30+$0xA980] =	vst v13  }
0x3b4: {  	v19 =	vmul.f32 $8.000000000e+00, v2;
	v18 =	vld [tilespmem:s25+$0x990];
	[tilespmem:s31+$0xA980] =	vst v15  }
0x3b5: {  	v21 =	vmul.f32 $8.000000000e+00, v12;
	[tilespmem:s1+$0xA980] =	vst v17;
	v20 =	vld [tilespmem:s28+$0x990]  }
0x3b6: {  	v23 =	vmul.f32 $8.000000000e+00, v14;
	[tilespmem:s0+$0xA980] =	vst v19;
	v22 =	vld [tilespmem:s17+$0x990]  }
0x3b7: {  	[tilespmem:s8+$0xA980] =	vst v21;
	v24 =	vld [tilespmem:s20+$0x990];
	v25 =	vmul.f32 $8.000000000e+00, v16  }
0x3b8: {  	[tilespmem:s12+$0xA980] =	vst v23;
	v26 =	vld [tilespmem:s2+$0x990]  }
0x3b9: {  	v28 =	vld [tilespmem:s21+$0x990];
	v27 =	vmul.f32 $8.000000000e+00, v18;
	[tilespmem:s26+$0xA980] =	vst v25  }
0x3ba: {  	v29 =	vmul.f32 $8.000000000e+00, v20;
	v30 =	vld [tilespmem:s29+$0x990]  }
0x3bb: {  	v31 =	vmul.f32 $8.000000000e+00, v22;
	[tilespmem:s30+$0xA990] =	vst v27  }
0x3bc: {  	v33 =	vmul.f32 $8.000000000e+00, v24;
	v32 =	vld [tilespmem:s25+$0x9A0];
	[tilespmem:s31+$0xA990] =	vst v29  }
0x3bd: {  	v35 =	vmul.f32 $8.000000000e+00, v26;
	[tilespmem:s1+$0xA990] =	vst v31;
	v34 =	vld [tilespmem:s28+$0x9A0]  }
0x3be: {  	v37 =	vmul.f32 $8.000000000e+00, v28;
	[tilespmem:s0+$0xA990] =	vst v33;
	v36 =	vld [tilespmem:s17+$0x9A0]  }
0x3bf: {  	[tilespmem:s8+$0xA990] =	vst v35;
	v38 =	vld [tilespmem:s20+$0x9A0];
	v39 =	vmul.f32 $8.000000000e+00, v30  }
0x3c0: {  	[tilespmem:s12+$0xA990] =	vst v37;
	v40 =	vld [tilespmem:s2+$0x9A0]  }
0x3c1: {  	v42 =	vld [tilespmem:s21+$0x9A0];
	v41 =	vmul.f32 $8.000000000e+00, v32;
	[tilespmem:s26+$0xA990] =	vst v39  }
0x3c2: {  	v43 =	vmul.f32 $8.000000000e+00, v34;
	v44 =	vld [tilespmem:s29+$0x9A0]  }
0x3c3: {  	v45 =	vmul.f32 $8.000000000e+00, v36;
	[tilespmem:s30+$0xA9A0] =	vst v41  }
0x3c4: {  	v47 =	vmul.f32 $8.000000000e+00, v38;
	v46 =	vld [tilespmem:s25+$0x9B0];
	[tilespmem:s31+$0xA9A0] =	vst v43  }
0x3c5: {  	v49 =	vmul.f32 $8.000000000e+00, v40;
	[tilespmem:s1+$0xA9A0] =	vst v45;
	v48 =	vld [tilespmem:s28+$0x9B0]  }
0x3c6: {  	v51 =	vmul.f32 $8.000000000e+00, v42;
	[tilespmem:s0+$0xA9A0] =	vst v47;
	v50 =	vld [tilespmem:s17+$0x9B0]  }
0x3c7: {  	[tilespmem:s8+$0xA9A0] =	vst v49;
	v52 =	vld [tilespmem:s20+$0x9B0];
	v53 =	vmul.f32 $8.000000000e+00, v44  }
0x3c8: {  	[tilespmem:s12+$0xA9A0] =	vst v51;
	v54 =	vld [tilespmem:s2+$0x9B0]  }
0x3c9: {  	v56 =	vld [tilespmem:s21+$0x9B0];
	v55 =	vmul.f32 $8.000000000e+00, v46;
	[tilespmem:s26+$0xA9A0] =	vst v53  }
0x3ca: {  	v57 =	vmul.f32 $8.000000000e+00, v48;
	v58 =	vld [tilespmem:s29+$0x9B0]  }
0x3cb: {  	v59 =	vmul.f32 $8.000000000e+00, v50;
	[tilespmem:s30+$0xA9B0] =	vst v55  }
0x3cc: {  	v60 =	vmul.f32 $8.000000000e+00, v52;
	[tilespmem:s31+$0xA9B0] =	vst v57  }
0x3cd: {  	v61 =	vmul.f32 $8.000000000e+00, v54;
	[tilespmem:s1+$0xA9B0] =	vst v59  }
0x3ce: {  	v62 =	vmul.f32 $8.000000000e+00, v56;
	s30 =	rddreg [dreg:$0xd];
	[tilespmem:s0+$0xA9B0] =	vst v60  }
0x3cf: {  	[tilespmem:s8+$0xA9B0] =	vst v61;
	s4 =	smul.u32 $0x140, s30;
	p1 =	sne.s32 s30, $0x4F;
	v63 =	vmul.f32 $8.000000000e+00, v58  }
.Ltmp3:
0x3d0: {  	s0 =	rddreg [dreg:$0x3];
	[tilespmem:s12+$0xA9B0] =	vst v62;
	(pc) =	sbr.rel @p1 .LBB2_6-.Ltmp3, $4  }
0x3d1: {  	s0 =	sadd.s32 s0, s4;
	[tilespmem:s26+$0xA9B0] =	vst v63  }
0x3d2: {  	s2 =	simm.s32 $0x0;
	s0 =	sshll.u32 s0, $0x4;
	s1 =	rddreg [dreg:$0x5]  }
0x3d3: {  	s31 =	simm.s32 $0xA200;
	[dreg:$0xe] =	wrdreg s4;
	s0 =	sadd.s32 s1, s0  }
0x3d4: {  	[hbm4b:s0+s2] =	stream.linear.scatter [tilespmem:s31], [sflag:$0x3], $0x5000, $0x38;
	[tilespmem:$0x14400] =	vst v63  }
.Ltmp4:
0x3d5: {  	(pc) =	sbr.rel .LBB2_7-.Ltmp4, $4  }
0x3d6: {  	s0 =	simm.s32 $0x2  }
0x3d7: {  	_ =	swait.ge [sflag:s0], $0x5000  }
0x3d8: {  	[sflag:s0] =	ssyncset.done $0x0  }
0x3d9: {  	[sflag:s0] =	ssyncadd.s32 $0xFFFFB000  }
.LBB2_6:
0x3da: {  	s0 =	rddreg [dreg:$0x8]  }
0x3db: {  	s0 =	sadd.s32 s4, s0  }
0x3dc: {  	s1 =	rddreg [dreg:$0x1];
	s0 =	sshrl.u32 s0, $0x3  }
0x3dd: {  	s26 =	simm.s32 $0x14200;
	s28 =	simm.s32 $0x5;
	s0 =	sadd.s32 s1, s0  }
0x3de: {  	[tilespmem:s26], [sflag:$0x5] =	stream.linear.gather [hbm4b:s0+s2], $0xA0, $0x38;
	[tilespmem:$0x14400] =	vst v63  }
0x3df: {  	_ =	swait.ge [sflag:s28], $0xA0  }
0x3e0: {  	[sflag:s28] =	ssyncset.done $0x0  }
0x3e1: {  	[sflag:s28] =	ssyncadd.s32 $0xFFFFFF60  }
0x3e2: {  	v0 =	vld [tilespmem:$0x14200]  }
0x3e3: {  	v1 =	vld [tilespmem:$0x14210]  }
0x3e4: {  	v2 =	vld [tilespmem:$0x14220]  }
0x3e5: {  	v3 =	vld [tilespmem:$0x14230]  }
0x3e6: {  	v4 =	vld [tilespmem:$0x14240]  }
0x3e7: {  	v5 =	vld [tilespmem:$0x14250];
	v0 =	vshrl.u32 v0, $0x1  }
0x3e8: {  	v52 =	vld [tilespmem:$0x14260];
	v51 =	vshrl.u32 v1, $0x1;
	[tilespmem:$0x0] =	vst v0  }
0x3e9: {  	v54 =	vld [tilespmem:$0x14270];
	v53 =	vshrl.u32 v2, $0x1;
	[tilespmem:$0x10] =	vst v51  }
0x3ea: {  	v56 =	vld [tilespmem:$0x14280];
	v55 =	vshrl.u32 v3, $0x1;
	[tilespmem:$0x20] =	vst v53  }
0x3eb: {  	v58 =	vld [tilespmem:$0x14290];
	v57 =	vshrl.u32 v4, $0x1;
	[tilespmem:$0x30] =	vst v55  }
0x3ec: {  	v59 =	vshrl.u32 v5, $0x1;
	[tilespmem:$0x40] =	vst v57  }
0x3ed: {  	v60 =	vshrl.u32 v52, $0x1;
	[tilespmem:$0x50] =	vst v59  }
0x3ee: {  	v61 =	vshrl.u32 v54, $0x1;
	[tilespmem:$0x60] =	vst v60  }
0x3ef: {  	v62 =	vshrl.u32 v56, $0x1;
	[tilespmem:$0x70] =	vst v61  }
0x3f0: {  	s30 =	simm.s32 $0xA0;
	s3 =	simm.s32 $0x200;
	v63 =	vshrl.u32 v58, $0x1;
	[tilespmem:$0x80] =	vst v62  }
.Ltmp5:
0x3f1: {  	s31 =	simm.s32 $0x2;
	s29 =	rddreg [dreg:$0x4];
	[tilespmem:$0x90] =	vst v63;
	(pc) =	sbr.rel @p0 .LBB2_8-.Ltmp5, $4  }
0x3f2: {  	[tilespmem:s3], [sflag:$0x1] =	stream.indirect.gather [hbm4b:s29+s30], $0x80, s2, s30, $0xb8;
	[tilespmem:$0x14400] =	vst v63  }
0x3f3: {  	_ =	swait.ge [sflag:s31], $0x5000  }
0x3f4: {  	[sflag:s31] =	ssyncset.done $0x0  }
0x3f5: {  	[sflag:s31] =	ssyncadd.s32 $0xFFFFB000  }
.LBB2_7:
0x3f6: {  	s0 =	simm.s32 $0x4  }
0x3f7: {  	_ =	swait.ge [sflag:s0], $0x5000  }
0x3f8: {  	[sflag:s0] =	ssyncset.done $0x0  }
0x3f9: {  	[sflag:s0] =	ssyncadd.s32 $0xFFFFB000  }
.LBB2_8:
0x3fa: {  	s0 =	simm.s32 $0x14300  }
0x3fb: {  	v0 =	vld [tilespmem:s0+$0x0];
	_ =	sdelay $0x4  }
0x3fc: {  	v0 =	vshll.u32 v0, $0x6  }
0x3fd: {  	s26 =	simm.s32 $0x0;
	v0 =	vand.u32 $0x40, v0  }
0x3fe: {  	v6 =	vadd.s32 s26, v0  }
0x3ff: {  	(v2sf) =	vpush v6, $0x0;
	_ =	sdelay $0xe  }
0x400: {  	s17 =	spop (v2sf)  }
0x401: {  	v0 =	vld [tilespmem:s17+$0x5200];
	_ =	sdelay $0x4  }
0x402: {  	v0 =	vmul.f32 $8.000000000e+00, v0;
	_ =	sdelay $0x1  }
0x403: {  	[tilespmem:s26+$0xF200] =	vst v0  }
0x404: {  	v0 =	vld [tilespmem:s17+$0x5210];
	_ =	sdelay $0x4  }
0x405: {  	v0 =	vmul.f32 $8.000000000e+00, v0;
	_ =	sdelay $0x1  }
0x406: {  	[tilespmem:s26+$0xF210] =	vst v0  }
0x407: {  	(v2sf) =	vpush v6, $0x1;
	v0 =	vld [tilespmem:s17+$0x5220];
	_ =	sdelay $0x4  }
0x408: {  	v0 =	vmul.f32 $8.000000000e+00, v0;
	_ =	sdelay $0x1  }
0x409: {  	[tilespmem:s26+$0xF220] =	vst v0  }
0x40a: {  	v0 =	vld [tilespmem:s17+$0x5230];
	_ =	sdelay $0x4  }
0x40b: {  	v0 =	vmul.f32 $8.000000000e+00, v0;
	_ =	sdelay $0x1  }
0x40c: {  	s18 =	spop (v2sf);
	[tilespmem:s26+$0xF230] =	vst v0  }
0x40d: {  	v0 =	vld [tilespmem:s18+$0x5280];
	_ =	sdelay $0x4  }
0x40e: {  	v0 =	vmul.f32 $8.000000000e+00, v0  }
0x40f: {  	s1 =	simm.s32 $0x14310  }
0x410: {  	v1 =	vld [tilespmem:s1+$0x0];
	[tilespmem:s26+$0xF280] =	vst v0  }
0x411: {  	v0 =	vld [tilespmem:s18+$0x5290];
	_ =	sdelay $0x3  }
0x412: {  	v1 =	vshll.u32 v1, $0x6  }
0x413: {  	s31 =	simm.s32 $0x800;
	v1 =	vand.u32 $0x40, v1;
	v0 =	vmul.f32 $8.000000000e+00, v0  }
0x414: {  	v1 =	vadd.s32 s31, v1;
	(v2sf) =	vpush v6, $0x2  }
0x415: {  	(v2sf) =	vpush v1, $0x0;
	[tilespmem:s26+$0xF290] =	vst v0  }
0x416: {  	v0 =	vld [tilespmem:s18+$0x52A0];
	_ =	sdelay $0x4  }
0x417: {  	v0 =	vmul.f32 $8.000000000e+00, v0;
	_ =	sdelay $0x1  }
0x418: {  	[tilespmem:s26+$0xF2A0] =	vst v0  }
0x419: {  	v0 =	vld [tilespmem:s18+$0x52B0];
	_ =	sdelay $0x4  }
0x41a: {  	s19 =	spop (v2sf);
	v0 =	vmul.f32 $8.000000000e+00, v0  }
0x41b: {  	s20 =	spop (v2sf)  }
0x41c: {  	v2 =	vld [tilespmem:s20+$0x5200];
	[tilespmem:s26+$0xF2B0] =	vst v0  }
0x41d: {  	v0 =	vld [tilespmem:s19+$0x5300];
	_ =	sdelay $0x3  }
0x41e: {  	v2 =	vmul.f32 $8.000000000e+00, v2  }
0x41f: {  	v0 =	vmul.f32 $8.000000000e+00, v0  }
0x420: {  	[tilespmem:s31+$0xF200] =	vst v2  }
0x421: {  	v2 =	vld [tilespmem:s20+$0x5210];
	[tilespmem:s26+$0xF300] =	vst v0  }
0x422: {  	v0 =	vld [tilespmem:s19+$0x5310];
	_ =	sdelay $0x3  }
0x423: {  	v2 =	vmul.f32 $8.000000000e+00, v2  }
0x424: {  	v0 =	vmul.f32 $8.000000000e+00, v0  }
0x425: {  	(v2sf) =	vpush v6, $0x3;
	[tilespmem:s31+$0xF210] =	vst v2  }
0x426: {  	(v2sf) =	vpush v1, $0x1;
	v2 =	vld [tilespmem:s20+$0x5220];
	[tilespmem:s26+$0xF310] =	vst v0  }
0x427: {  	v0 =	vld [tilespmem:s19+$0x5320];
	_ =	sdelay $0x3  }
0x428: {  	v2 =	vmul.f32 $8.000000000e+00, v2  }
0x429: {  	v0 =	vmul.f32 $8.000000000e+00, v0  }
0x42a: {  	[tilespmem:s31+$0xF220] =	vst v2  }
0x42b: {  	v2 =	vld [tilespmem:s20+$0x5230];
	[tilespmem:s26+$0xF320] =	vst v0  }
0x42c: {  	v0 =	vld [tilespmem:s19+$0x5330];
	_ =	sdelay $0x3  }
0x42d: {  	v2 =	vmul.f32 $8.000000000e+00, v2  }
0x42e: {  	s21 =	spop (v2sf);
	v0 =	vmul.f32 $8.000000000e+00, v0  }
0x42f: {  	s2 =	spop (v2sf);
	[tilespmem:s31+$0xF230] =	vst v2  }
0x430: {  	v2 =	vld [tilespmem:s2+$0x5280];
	[tilespmem:s26+$0xF330] =	vst v0  }
0x431: {  	v0 =	vld [tilespmem:s21+$0x5380];
	_ =	sdelay $0x3  }
0x432: {  	v2 =	vmul.f32 $8.000000000e+00, v2  }
0x433: {  	v0 =	vmul.f32 $8.000000000e+00, v0  }
0x434: {  	[tilespmem:s31+$0xF280] =	vst v2  }
0x435: {  	v2 =	vld [tilespmem:s2+$0x5290];
	[tilespmem:s26+$0xF380] =	vst v0  }
0x436: {  	v0 =	vld [tilespmem:s21+$0x5390]  }
0x437: {  	s22 =	simm.s32 $0x14320  }
0x438: {  	v3 =	vld [tilespmem:s22+$0x0];
	_ =	sdelay $0x1  }
0x439: {  	v2 =	vmul.f32 $8.000000000e+00, v2  }
0x43a: {  	v0 =	vmul.f32 $8.000000000e+00, v0  }
0x43b: {  	[tilespmem:s31+$0xF290] =	vst v2  }
0x43c: {  	(v2sf) =	vpush v6, $0x4;
	[tilespmem:s26+$0xF390] =	vst v0;
	v0 =	vshll.u32 v3, $0x6;
	v3 =	vld [tilespmem:s2+$0x52A0]  }
0x43d: {  	s1 =	simm.s32 $0x1000;
	(v2sf) =	vpush v1, $0x2;
	v2 =	vld [tilespmem:s21+$0x53A0];
	v0 =	vand.u32 $0x40, v0  }
0x43e: {  	v0 =	vadd.s32 s1, v0  }
0x43f: {  	(v2sf) =	vpush v0, $0x0;
	_ =	sdelay $0x1  }
0x440: {  	v3 =	vmul.f32 $8.000000000e+00, v3  }
0x441: {  	v2 =	vmul.f32 $8.000000000e+00, v2  }
0x442: {  	[tilespmem:s31+$0xF2A0] =	vst v3  }
0x443: {  	[tilespmem:s26+$0xF3A0] =	vst v2;
	v3 =	vld [tilespmem:s2+$0x52B0]  }
0x444: {  	v2 =	vld [tilespmem:s21+$0x53B0];
	_ =	sdelay $0x3  }
0x445: {  	v3 =	vmul.f32 $8.000000000e+00, v3  }
0x446: {  	v2 =	vmul.f32 $8.000000000e+00, v2  }
0x447: {  	s23 =	simm.s32 $0x14330;
	s24 =	spop (v2sf);
	[tilespmem:s31+$0xF2B0] =	vst v3  }
0x448: {  	s25 =	spop (v2sf);
	[tilespmem:s26+$0xF3B0] =	vst v2;
	v2 =	vld [tilespmem:s23+$0x0]  }
0x449: {  	v3 =	vld [tilespmem:s24+$0x5400]  }
0x44a: {  	v4 =	vld [tilespmem:s25+$0x5300];
	s3 =	spop (v2sf)  }
0x44b: {  	v5 =	vld [tilespmem:s3+$0x5200];
	_ =	sdelay $0x2  }
0x44c: {  	v3 =	vmul.f32 $8.000000000e+00, v3  }
0x44d: {  	v4 =	vmul.f32 $8.000000000e+00, v4  }
0x44e: {  	v5 =	vmul.f32 $8.000000000e+00, v5;
	[tilespmem:s26+$0xF400] =	vst v3  }
0x44f: {  	[tilespmem:s31+$0xF300] =	vst v4;
	v3 =	vld [tilespmem:s24+$0x5410]  }
0x450: {  	v4 =	vld [tilespmem:s25+$0x5310];
	[tilespmem:s1+$0xF200] =	vst v5  }
0x451: {  	v5 =	vld [tilespmem:s3+$0x5210];
	_ =	sdelay $0x2  }
0x452: {  	v3 =	vmul.f32 $8.000000000e+00, v3  }
0x453: {  	v4 =	vmul.f32 $8.000000000e+00, v4  }
0x454: {  	v5 =	vmul.f32 $8.000000000e+00, v5;
	[tilespmem:s26+$0xF410] =	vst v3  }
0x455: {  	(v2sf) =	vpush v6, $0x5;
	[tilespmem:s31+$0xF310] =	vst v4;
	v3 =	vld [tilespmem:s24+$0x5420]  }
0x456: {  	(v2sf) =	vpush v1, $0x3;
	v4 =	vld [tilespmem:s25+$0x5320];
	[tilespmem:s1+$0xF210] =	vst v5  }
0x457: {  	(v2sf) =	vpush v0, $0x1;
	v5 =	vld [tilespmem:s3+$0x5220];
	_ =	sdelay $0x2  }
0x458: {  	v3 =	vmul.f32 $8.000000000e+00, v3  }
0x459: {  	v4 =	vmul.f32 $8.000000000e+00, v4  }
0x45a: {  	v5 =	vmul.f32 $8.000000000e+00, v5;
	[tilespmem:s26+$0xF420] =	vst v3  }
0x45b: {  	[tilespmem:s31+$0xF320] =	vst v4;
	v3 =	vld [tilespmem:s24+$0x5430]  }
0x45c: {  	v4 =	vld [tilespmem:s25+$0x5330];
	[tilespmem:s1+$0xF220] =	vst v5  }
0x45d: {  	v5 =	vld [tilespmem:s3+$0x5230];
	_ =	sdelay $0x2  }
0x45e: {  	v3 =	vmul.f32 $8.000000000e+00, v3  }
0x45f: {  	v4 =	vmul.f32 $8.000000000e+00, v4  }
0x460: {  	s29 =	spop (v2sf);
	v5 =	vmul.f32 $8.000000000e+00, v5;
	[tilespmem:s26+$0xF430] =	vst v3  }
0x461: {  	s30 =	spop (v2sf);
	[tilespmem:s31+$0xF330] =	vst v4;
	v3 =	vld [tilespmem:s29+$0x5480]  }
0x462: {  	s4 =	spop (v2sf);
	v4 =	vld [tilespmem:s30+$0x5380];
	[tilespmem:s1+$0xF230] =	vst v5  }
0x463: {  	v5 =	vld [tilespmem:s4+$0x5280];
	_ =	sdelay $0x2  }
0x464: {  	v3 =	vmul.f32 $8.000000000e+00, v3  }
0x465: {  	v4 =	vmul.f32 $8.000000000e+00, v4  }
0x466: {  	v5 =	vmul.f32 $8.000000000e+00, v5;
	[tilespmem:s26+$0xF480] =	vst v3  }
0x467: {  	[tilespmem:s31+$0xF380] =	vst v4;
	v3 =	vld [tilespmem:s29+$0x5490]  }
0x468: {  	v4 =	vld [tilespmem:s30+$0x5390];
	[tilespmem:s1+$0xF280] =	vst v5  }
0x469: {  	v5 =	vld [tilespmem:s4+$0x5290];
	_ =	sdelay $0x2  }
0x46a: {  	v3 =	vmul.f32 $8.000000000e+00, v3  }
0x46b: {  	v4 =	vmul.f32 $8.000000000e+00, v4  }
0x46c: {  	v5 =	vmul.f32 $8.000000000e+00, v5;
	[tilespmem:s26+$0xF490] =	vst v3  }
0x46d: {  	v2 =	vshll.u32 v2, $0x6;
	(v2sf) =	vpush v6, $0x6;
	[tilespmem:s31+$0xF390] =	vst v4;
	v3 =	vld [tilespmem:s29+$0x54A0]  }
0x46e: {  	s0 =	simm.s32 $0x1800;
	v2 =	vand.u32 $0x40, v2;
	(v2sf) =	vpush v1, $0x4;
	v4 =	vld [tilespmem:s30+$0x53A0];
	[tilespmem:s1+$0xF290] =	vst v5  }
0x46f: {  	v2 =	vadd.s32 s0, v2;
	(v2sf) =	vpush v0, $0x2;
	v5 =	vld [tilespmem:s4+$0x52A0]  }
0x470: {  	(v2sf) =	vpush v2, $0x0;
	_ =	sdelay $0x1  }
0x471: {  	v3 =	vmul.f32 $8.000000000e+00, v3  }
0x472: {  	v4 =	vmul.f32 $8.000000000e+00, v4  }
0x473: {  	v5 =	vmul.f32 $8.000000000e+00, v5;
	[tilespmem:s26+$0xF4A0] =	vst v3  }
0x474: {  	[tilespmem:s31+$0xF3A0] =	vst v4;
	v3 =	vld [tilespmem:s29+$0x54B0]  }
0x475: {  	v4 =	vld [tilespmem:s30+$0x53B0];
	[tilespmem:s1+$0xF2A0] =	vst v5  }
0x476: {  	v5 =	vld [tilespmem:s4+$0x52B0];
	_ =	sdelay $0x2  }
0x477: {  	v3 =	vmul.f32 $8.000000000e+00, v3  }
0x478: {  	v4 =	vmul.f32 $8.000000000e+00, v4  }
0x479: {  	s3 =	spop (v2sf);
	v5 =	vmul.f32 $8.000000000e+00, v5;
	[tilespmem:s26+$0xF4B0] =	vst v3  }
0x47a: {  	s4 =	spop (v2sf);
	[tilespmem:s31+$0xF3B0] =	vst v4;
	v3 =	vld [tilespmem:s3+$0x5500]  }
0x47b: {  	s6 =	spop (v2sf);
	v4 =	vld [tilespmem:s4+$0x5400];
	[tilespmem:s1+$0xF2B0] =	vst v5  }
0x47c: {  	s5 =	spop (v2sf);
	v5 =	vld [tilespmem:s6+$0x5300]  }
0x47d: {  	v7 =	vld [tilespmem:s5+$0x5200];
	_ =	sdelay $0x1  }
0x47e: {  	v3 =	vmul.f32 $8.000000000e+00, v3  }
0x47f: {  	v4 =	vmul.f32 $8.000000000e+00, v4  }
0x480: {  	v5 =	vmul.f32 $8.000000000e+00, v5;
	[tilespmem:s26+$0xF500] =	vst v3  }
0x481: {  	v3 =	vmul.f32 $8.000000000e+00, v7;
	[tilespmem:s31+$0xF400] =	vst v4;
	v4 =	vld [tilespmem:s3+$0x5510]  }
0x482: {  	[tilespmem:s1+$0xF300] =	vst v5;
	v5 =	vld [tilespmem:s4+$0x5410]  }
0x483: {  	[tilespmem:s0+$0xF200] =	vst v3;
	v3 =	vld [tilespmem:s6+$0x5310]  }
0x484: {  	v7 =	vld [tilespmem:s5+$0x5210];
	_ =	sdelay $0x1  }
0x485: {  	v4 =	vmul.f32 $8.000000000e+00, v4  }
0x486: {  	v5 =	vmul.f32 $8.000000000e+00, v5  }
0x487: {  	v3 =	vmul.f32 $8.000000000e+00, v3;
	[tilespmem:s26+$0xF510] =	vst v4  }
0x488: {  	(v2sf) =	vpush v6, $0x7;
	v4 =	vmul.f32 $8.000000000e+00, v7;
	[tilespmem:s31+$0xF410] =	vst v5;
	v5 =	vld [tilespmem:s3+$0x5520]  }
0x489: {  	(v2sf) =	vpush v1, $0x5;
	[tilespmem:s1+$0xF310] =	vst v3;
	v3 =	vld [tilespmem:s4+$0x5420]  }
0x48a: {  	(v2sf) =	vpush v0, $0x3;
	[tilespmem:s0+$0xF210] =	vst v4;
	v4 =	vld [tilespmem:s6+$0x5320]  }
0x48b: {  	(v2sf) =	vpush v2, $0x1;
	v7 =	vld [tilespmem:s5+$0x5220];
	_ =	sdelay $0x1  }
0x48c: {  	v5 =	vmul.f32 $8.000000000e+00, v5  }
0x48d: {  	v3 =	vmul.f32 $8.000000000e+00, v3  }
0x48e: {  	v4 =	vmul.f32 $8.000000000e+00, v4;
	[tilespmem:s26+$0xF520] =	vst v5  }
0x48f: {  	v5 =	vmul.f32 $8.000000000e+00, v7;
	[tilespmem:s31+$0xF420] =	vst v3;
	v3 =	vld [tilespmem:s3+$0x5530]  }
0x490: {  	[tilespmem:s1+$0xF320] =	vst v4;
	v4 =	vld [tilespmem:s4+$0x5430]  }
0x491: {  	[tilespmem:s0+$0xF220] =	vst v5;
	v5 =	vld [tilespmem:s6+$0x5330]  }
0x492: {  	v7 =	vld [tilespmem:s5+$0x5230];
	_ =	sdelay $0x1  }
0x493: {  	v3 =	vmul.f32 $8.000000000e+00, v3  }
0x494: {  	v4 =	vmul.f32 $8.000000000e+00, v4  }
0x495: {  	s7 =	spop (v2sf);
	v5 =	vmul.f32 $8.000000000e+00, v5;
	[tilespmem:s26+$0xF530] =	vst v3  }
0x496: {  	s9 =	spop (v2sf);
	v3 =	vmul.f32 $8.000000000e+00, v7;
	[tilespmem:s31+$0xF430] =	vst v4;
	v4 =	vld [tilespmem:s7+$0x5580]  }
0x497: {  	s10 =	spop (v2sf);
	[tilespmem:s1+$0xF330] =	vst v5;
	v5 =	vld [tilespmem:s9+$0x5480]  }
0x498: {  	s11 =	spop (v2sf);
	[tilespmem:s0+$0xF230] =	vst v3;
	v3 =	vld [tilespmem:s10+$0x5380]  }
0x499: {  	v7 =	vld [tilespmem:s11+$0x5280];
	_ =	sdelay $0x1  }
0x49a: {  	v4 =	vmul.f32 $8.000000000e+00, v4  }
0x49b: {  	v5 =	vmul.f32 $8.000000000e+00, v5  }
0x49c: {  	v3 =	vmul.f32 $8.000000000e+00, v3;
	[tilespmem:s26+$0xF580] =	vst v4  }
0x49d: {  	v4 =	vmul.f32 $8.000000000e+00, v7;
	[tilespmem:s31+$0xF480] =	vst v5;
	v5 =	vld [tilespmem:s7+$0x5590]  }
0x49e: {  	[tilespmem:s1+$0xF380] =	vst v3;
	v3 =	vld [tilespmem:s9+$0x5490]  }
0x49f: {  	[tilespmem:s0+$0xF280] =	vst v4;
	v4 =	vld [tilespmem:s10+$0x5390]  }
0x4a0: {  	s6 =	simm.s32 $0x14340;
	v7 =	vld [tilespmem:s11+$0x5290]  }
0x4a1: {  	v8 =	vld [tilespmem:s6+$0x0]  }
0x4a2: {  	v5 =	vmul.f32 $8.000000000e+00, v5  }
0x4a3: {  	v3 =	vmul.f32 $8.000000000e+00, v3  }
0x4a4: {  	v4 =	vmul.f32 $8.000000000e+00, v4;
	[tilespmem:s26+$0xF590] =	vst v5  }
0x4a5: {  	(v2sf) =	vpush v6, $0x8;
	v5 =	vmul.f32 $8.000000000e+00, v7;
	[tilespmem:s31+$0xF490] =	vst v3;
	v7 =	vld [tilespmem:s7+$0x55A0]  }
0x4a6: {  	(v2sf) =	vpush v1, $0x6;
	v3 =	vshll.u32 v8, $0x6;
	[tilespmem:s1+$0xF390] =	vst v4;
	v4 =	vld [tilespmem:s9+$0x54A0]  }
0x4a7: {  	s8 =	simm.s32 $0x2000;
	(v2sf) =	vpush v0, $0x4;
	v3 =	vand.u32 $0x40, v3;
	[tilespmem:s0+$0xF290] =	vst v5;
	v5 =	vld [tilespmem:s10+$0x53A0]  }
0x4a8: {  	(v2sf) =	vpush v2, $0x2;
	v3 =	vadd.s32 s8, v3;
	v8 =	vld [tilespmem:s11+$0x52A0]  }
0x4a9: {  	(v2sf) =	vpush v3, $0x0  }
0x4aa: {  	v7 =	vmul.f32 $8.000000000e+00, v7  }
0x4ab: {  	v4 =	vmul.f32 $8.000000000e+00, v4  }
0x4ac: {  	v5 =	vmul.f32 $8.000000000e+00, v5;
	[tilespmem:s26+$0xF5A0] =	vst v7  }
0x4ad: {  	v7 =	vmul.f32 $8.000000000e+00, v8;
	[tilespmem:s31+$0xF4A0] =	vst v4;
	v4 =	vld [tilespmem:s7+$0x55B0]  }
0x4ae: {  	[tilespmem:s1+$0xF3A0] =	vst v5;
	v5 =	vld [tilespmem:s9+$0x54B0]  }
0x4af: {  	[tilespmem:s0+$0xF2A0] =	vst v7;
	v7 =	vld [tilespmem:s10+$0x53B0]  }
0x4b0: {  	v8 =	vld [tilespmem:s11+$0x52B0];
	_ =	sdelay $0x1  }
0x4b1: {  	v4 =	vmul.f32 $8.000000000e+00, v4  }
0x4b2: {  	v5 =	vmul.f32 $8.000000000e+00, v5  }
0x4b3: {  	s12 =	spop (v2sf);
	v7 =	vmul.f32 $8.000000000e+00, v7;
	[tilespmem:s26+$0xF5B0] =	vst v4  }
0x4b4: {  	s13 =	spop (v2sf);
	v4 =	vmul.f32 $8.000000000e+00, v8;
	[tilespmem:s31+$0xF4B0] =	vst v5;
	v5 =	vld [tilespmem:s12+$0x5600]  }
0x4b5: {  	s14 =	spop (v2sf);
	[tilespmem:s1+$0xF3B0] =	vst v7;
	v7 =	vld [tilespmem:s13+$0x5500]  }
0x4b6: {  	s15 =	spop (v2sf);
	[tilespmem:s0+$0xF2B0] =	vst v4;
	v4 =	vld [tilespmem:s14+$0x5400]  }
0x4b7: {  	s16 =	spop (v2sf);
	v8 =	vld [tilespmem:s15+$0x5300]  }
0x4b8: {  	v9 =	vld [tilespmem:s16+$0x5200]  }
0x4b9: {  	v5 =	vmul.f32 $8.000000000e+00, v5  }
0x4ba: {  	v7 =	vmul.f32 $8.000000000e+00, v7  }
0x4bb: {  	v4 =	vmul.f32 $8.000000000e+00, v4;
	[tilespmem:s26+$0xF600] =	vst v5  }
0x4bc: {  	v5 =	vmul.f32 $8.000000000e+00, v8;
	[tilespmem:s31+$0xF500] =	vst v7;
	v7 =	vld [tilespmem:s12+$0x5610]  }
0x4bd: {  	v8 =	vmul.f32 $8.000000000e+00, v9;
	[tilespmem:s1+$0xF400] =	vst v4;
	v4 =	vld [tilespmem:s13+$0x5510]  }
0x4be: {  	[tilespmem:s0+$0xF300] =	vst v5;
	v5 =	vld [tilespmem:s14+$0x5410]  }
0x4bf: {  	[tilespmem:s8+$0xF200] =	vst v8;
	v8 =	vld [tilespmem:s15+$0x5310]  }
0x4c0: {  	v9 =	vld [tilespmem:s16+$0x5210]  }
0x4c1: {  	v7 =	vmul.f32 $8.000000000e+00, v7  }
0x4c2: {  	v4 =	vmul.f32 $8.000000000e+00, v4  }
0x4c3: {  	v5 =	vmul.f32 $8.000000000e+00, v5;
	[tilespmem:s26+$0xF610] =	vst v7  }
0x4c4: {  	(v2sf) =	vpush v6, $0x9;
	v7 =	vmul.f32 $8.000000000e+00, v8;
	[tilespmem:s31+$0xF510] =	vst v4;
	v4 =	vld [tilespmem:s12+$0x5620]  }
0x4c5: {  	(v2sf) =	vpush v1, $0x7;
	v8 =	vmul.f32 $8.000000000e+00, v9;
	[tilespmem:s1+$0xF410] =	vst v5;
	v5 =	vld [tilespmem:s13+$0x5520]  }
0x4c6: {  	(v2sf) =	vpush v0, $0x5;
	[tilespmem:s0+$0xF310] =	vst v7;
	v7 =	vld [tilespmem:s14+$0x5420]  }
0x4c7: {  	(v2sf) =	vpush v2, $0x3;
	[tilespmem:s8+$0xF210] =	vst v8;
	v8 =	vld [tilespmem:s15+$0x5320]  }
0x4c8: {  	(v2sf) =	vpush v3, $0x1;
	v9 =	vld [tilespmem:s16+$0x5220]  }
0x4c9: {  	v4 =	vmul.f32 $8.000000000e+00, v4  }
0x4ca: {  	v5 =	vmul.f32 $8.000000000e+00, v5  }
0x4cb: {  	v7 =	vmul.f32 $8.000000000e+00, v7;
	[tilespmem:s26+$0xF620] =	vst v4  }
0x4cc: {  	v4 =	vmul.f32 $8.000000000e+00, v8;
	[tilespmem:s31+$0xF520] =	vst v5;
	v5 =	vld [tilespmem:s12+$0x5630]  }
0x4cd: {  	v8 =	vmul.f32 $8.000000000e+00, v9;
	[tilespmem:s1+$0xF420] =	vst v7;
	v7 =	vld [tilespmem:s13+$0x5530]  }
0x4ce: {  	[tilespmem:s0+$0xF320] =	vst v4;
	v4 =	vld [tilespmem:s14+$0x5430]  }
0x4cf: {  	[tilespmem:s8+$0xF220] =	vst v8;
	v8 =	vld [tilespmem:s15+$0x5330]  }
0x4d0: {  	v9 =	vld [tilespmem:s16+$0x5230]  }
0x4d1: {  	v5 =	vmul.f32 $8.000000000e+00, v5  }
0x4d2: {  	v7 =	vmul.f32 $8.000000000e+00, v7  }
0x4d3: {  	s17 =	spop (v2sf);
	v4 =	vmul.f32 $8.000000000e+00, v4;
	[tilespmem:s26+$0xF630] =	vst v5  }
0x4d4: {  	s18 =	spop (v2sf);
	v5 =	vmul.f32 $8.000000000e+00, v8;
	[tilespmem:s31+$0xF530] =	vst v7;
	v7 =	vld [tilespmem:s17+$0x5680]  }
0x4d5: {  	s19 =	spop (v2sf);
	v8 =	vmul.f32 $8.000000000e+00, v9;
	[tilespmem:s1+$0xF430] =	vst v4;
	v4 =	vld [tilespmem:s18+$0x5580]  }
0x4d6: {  	s20 =	spop (v2sf);
	[tilespmem:s0+$0xF330] =	vst v5;
	v5 =	vld [tilespmem:s19+$0x5480]  }
0x4d7: {  	s21 =	spop (v2sf);
	[tilespmem:s8+$0xF230] =	vst v8;
	v8 =	vld [tilespmem:s20+$0x5380]  }
0x4d8: {  	v9 =	vld [tilespmem:s21+$0x5280]  }
0x4d9: {  	v7 =	vmul.f32 $8.000000000e+00, v7  }
0x4da: {  	v4 =	vmul.f32 $8.000000000e+00, v4  }
0x4db: {  	v5 =	vmul.f32 $8.000000000e+00, v5;
	[tilespmem:s26+$0xF680] =	vst v7  }
0x4dc: {  	v7 =	vmul.f32 $8.000000000e+00, v8;
	[tilespmem:s31+$0xF580] =	vst v4;
	v4 =	vld [tilespmem:s17+$0x5690]  }
0x4dd: {  	v8 =	vmul.f32 $8.000000000e+00, v9;
	[tilespmem:s1+$0xF480] =	vst v5;
	v5 =	vld [tilespmem:s18+$0x5590]  }
0x4de: {  	[tilespmem:s0+$0xF380] =	vst v7;
	v7 =	vld [tilespmem:s19+$0x5490]  }
0x4df: {  	[tilespmem:s8+$0xF280] =	vst v8;
	v8 =	vld [tilespmem:s20+$0x5390]  }
0x4e0: {  	s7 =	simm.s32 $0x14350;
	v9 =	vld [tilespmem:s21+$0x5290]  }
0x4e1: {  	v10 =	vld [tilespmem:s7+$0x0];
	v4 =	vmul.f32 $8.000000000e+00, v4  }
0x4e2: {  	v5 =	vmul.f32 $8.000000000e+00, v5  }
0x4e3: {  	v7 =	vmul.f32 $8.000000000e+00, v7;
	[tilespmem:s26+$0xF690] =	vst v4  }
0x4e4: {  	(v2sf) =	vpush v6, $0xA;
	v4 =	vmul.f32 $8.000000000e+00, v8;
	[tilespmem:s31+$0xF590] =	vst v5;
	v5 =	vld [tilespmem:s17+$0x56A0]  }
0x4e5: {  	(v2sf) =	vpush v1, $0x8;
	v8 =	vmul.f32 $8.000000000e+00, v9;
	[tilespmem:s1+$0xF490] =	vst v7;
	v7 =	vld [tilespmem:s18+$0x55A0]  }
0x4e6: {  	(v2sf) =	vpush v0, $0x6;
	v9 =	vshll.u32 v10, $0x6;
	[tilespmem:s0+$0xF390] =	vst v4;
	v10 =	vld [tilespmem:s19+$0x54A0]  }
0x4e7: {  	(v2sf) =	vpush v2, $0x4;
	s12 =	simm.s32 $0x2800;
	v4 =	vand.u32 $0x40, v9;
	[tilespmem:s8+$0xF290] =	vst v8;
	v8 =	vld [tilespmem:s20+$0x53A0]  }
0x4e8: {  	(v2sf) =	vpush v3, $0x2;
	v4 =	vadd.s32 s12, v4;
	v9 =	vld [tilespmem:s21+$0x52A0]  }
0x4e9: {  	(v2sf) =	vpush v4, $0x0;
	v5 =	vmul.f32 $8.000000000e+00, v5  }
0x4ea: {  	v7 =	vmul.f32 $8.000000000e+00, v7  }
0x4eb: {  	v10 =	vmul.f32 $8.000000000e+00, v10;
	[tilespmem:s26+$0xF6A0] =	vst v5  }
0x4ec: {  	v5 =	vmul.f32 $8.000000000e+00, v8;
	[tilespmem:s31+$0xF5A0] =	vst v7;
	v7 =	vld [tilespmem:s17+$0x56B0]  }
0x4ed: {  	v8 =	vmul.f32 $8.000000000e+00, v9;
	[tilespmem:s1+$0xF4A0] =	vst v10;
	v9 =	vld [tilespmem:s18+$0x55B0]  }
0x4ee: {  	[tilespmem:s0+$0xF3A0] =	vst v5;
	v5 =	vld [tilespmem:s19+$0x54B0]  }
0x4ef: {  	[tilespmem:s8+$0xF2A0] =	vst v8;
	v8 =	vld [tilespmem:s20+$0x53B0]  }
0x4f0: {  	v10 =	vld [tilespmem:s21+$0x52B0]  }
0x4f1: {  	v7 =	vmul.f32 $8.000000000e+00, v7  }
0x4f2: {  	v9 =	vmul.f32 $8.000000000e+00, v9  }
0x4f3: {  	s22 =	spop (v2sf);
	v5 =	vmul.f32 $8.000000000e+00, v5;
	[tilespmem:s26+$0xF6B0] =	vst v7  }
0x4f4: {  	s23 =	spop (v2sf);
	v7 =	vmul.f32 $8.000000000e+00, v8;
	[tilespmem:s31+$0xF5B0] =	vst v9;
	v8 =	vld [tilespmem:s22+$0x5700]  }
0x4f5: {  	s24 =	spop (v2sf);
	v9 =	vmul.f32 $8.000000000e+00, v10;
	[tilespmem:s1+$0xF4B0] =	vst v5;
	v5 =	vld [tilespmem:s23+$0x5600]  }
0x4f6: {  	s25 =	spop (v2sf);
	[tilespmem:s0+$0xF3B0] =	vst v7;
	v7 =	vld [tilespmem:s24+$0x5500]  }
0x4f7: {  	s29 =	spop (v2sf);
	[tilespmem:s8+$0xF2B0] =	vst v9;
	v9 =	vld [tilespmem:s25+$0x5400]  }
0x4f8: {  	s30 =	spop (v2sf);
	v10 =	vld [tilespmem:s29+$0x5300]  }
0x4f9: {  	v11 =	vld [tilespmem:s30+$0x5200];
	v8 =	vmul.f32 $8.000000000e+00, v8  }
0x4fa: {  	v5 =	vmul.f32 $8.000000000e+00, v5  }
0x4fb: {  	v7 =	vmul.f32 $8.000000000e+00, v7;
	[tilespmem:s26+$0xF700] =	vst v8  }
0x4fc: {  	v8 =	vmul.f32 $8.000000000e+00, v9;
	[tilespmem:s31+$0xF600] =	vst v5;
	v5 =	vld [tilespmem:s22+$0x5710]  }
0x4fd: {  	v9 =	vmul.f32 $8.000000000e+00, v10;
	[tilespmem:s1+$0xF500] =	vst v7;
	v7 =	vld [tilespmem:s23+$0x5610]  }
0x4fe: {  	v10 =	vmul.f32 $8.000000000e+00, v11;
	[tilespmem:s0+$0xF400] =	vst v8;
	v8 =	vld [tilespmem:s24+$0x5510]  }
0x4ff: {  	[tilespmem:s8+$0xF300] =	vst v9;
	v9 =	vld [tilespmem:s25+$0x5410]  }
0x500: {  	[tilespmem:s12+$0xF200] =	vst v10;
	v10 =	vld [tilespmem:s29+$0x5310]  }
0x501: {  	v11 =	vld [tilespmem:s30+$0x5210];
	v5 =	vmul.f32 $8.000000000e+00, v5  }
0x502: {  	v7 =	vmul.f32 $8.000000000e+00, v7  }
0x503: {  	v8 =	vmul.f32 $8.000000000e+00, v8;
	[tilespmem:s26+$0xF710] =	vst v5  }
0x504: {  	(v2sf) =	vpush v6, $0xB;
	v5 =	vmul.f32 $8.000000000e+00, v9;
	[tilespmem:s31+$0xF610] =	vst v7;
	v7 =	vld [tilespmem:s22+$0x5720]  }
0x505: {  	(v2sf) =	vpush v1, $0x9;
	v9 =	vmul.f32 $8.000000000e+00, v10;
	[tilespmem:s1+$0xF510] =	vst v8;
	v8 =	vld [tilespmem:s23+$0x5620]  }
0x506: {  	(v2sf) =	vpush v0, $0x7;
	v10 =	vmul.f32 $8.000000000e+00, v11;
	[tilespmem:s0+$0xF410] =	vst v5;
	v5 =	vld [tilespmem:s24+$0x5520]  }
0x507: {  	(v2sf) =	vpush v2, $0x5;
	[tilespmem:s8+$0xF310] =	vst v9;
	v9 =	vld [tilespmem:s25+$0x5420]  }
0x508: {  	(v2sf) =	vpush v3, $0x3;
	[tilespmem:s12+$0xF210] =	vst v10;
	v10 =	vld [tilespmem:s29+$0x5320]  }
0x509: {  	(v2sf) =	vpush v4, $0x1;
	v11 =	vld [tilespmem:s30+$0x5220];
	v7 =	vmul.f32 $8.000000000e+00, v7  }
0x50a: {  	v8 =	vmul.f32 $8.000000000e+00, v8  }
0x50b: {  	v5 =	vmul.f32 $8.000000000e+00, v5;
	[tilespmem:s26+$0xF720] =	vst v7  }
0x50c: {  	v7 =	vmul.f32 $8.000000000e+00, v9;
	[tilespmem:s31+$0xF620] =	vst v8;
	v8 =	vld [tilespmem:s22+$0x5730]  }
0x50d: {  	v9 =	vmul.f32 $8.000000000e+00, v10;
	[tilespmem:s1+$0xF520] =	vst v5;
	v5 =	vld [tilespmem:s23+$0x5630]  }
0x50e: {  	v10 =	vmul.f32 $8.000000000e+00, v11;
	[tilespmem:s0+$0xF420] =	vst v7;
	v7 =	vld [tilespmem:s24+$0x5530]  }
0x50f: {  	[tilespmem:s8+$0xF320] =	vst v9;
	v9 =	vld [tilespmem:s25+$0x5430]  }
0x510: {  	[tilespmem:s12+$0xF220] =	vst v10;
	v10 =	vld [tilespmem:s29+$0x5330]  }
0x511: {  	v11 =	vld [tilespmem:s30+$0x5230];
	v8 =	vmul.f32 $8.000000000e+00, v8  }
0x512: {  	v5 =	vmul.f32 $8.000000000e+00, v5  }
0x513: {  	s5 =	spop (v2sf);
	v7 =	vmul.f32 $8.000000000e+00, v7;
	[tilespmem:s26+$0xF730] =	vst v8  }
0x514: {  	s6 =	spop (v2sf);
	v8 =	vmul.f32 $8.000000000e+00, v9;
	[tilespmem:s31+$0xF630] =	vst v5;
	v5 =	vld [tilespmem:s5+$0x5780]  }
0x515: {  	s10 =	spop (v2sf);
	v9 =	vmul.f32 $8.000000000e+00, v10;
	[tilespmem:s1+$0xF530] =	vst v7;
	v7 =	vld [tilespmem:s6+$0x5680]  }
0x516: {  	s11 =	spop (v2sf);
	v10 =	vmul.f32 $8.000000000e+00, v11;
	[tilespmem:s0+$0xF430] =	vst v8;
	v8 =	vld [tilespmem:s10+$0x5580]  }
0x517: {  	s13 =	spop (v2sf);
	[tilespmem:s8+$0xF330] =	vst v9;
	v9 =	vld [tilespmem:s11+$0x5480]  }
0x518: {  	s9 =	spop (v2sf);
	[tilespmem:s12+$0xF230] =	vst v10;
	v10 =	vld [tilespmem:s13+$0x5380]  }
0x519: {  	v11 =	vld [tilespmem:s9+$0x5280];
	v5 =	vmul.f32 $8.000000000e+00, v5  }
0x51a: {  	v7 =	vmul.f32 $8.000000000e+00, v7  }
0x51b: {  	v8 =	vmul.f32 $8.000000000e+00, v8;
	[tilespmem:s26+$0xF780] =	vst v5  }
0x51c: {  	v5 =	vmul.f32 $8.000000000e+00, v9;
	[tilespmem:s31+$0xF680] =	vst v7;
	v7 =	vld [tilespmem:s5+$0x5790]  }
0x51d: {  	v9 =	vmul.f32 $8.000000000e+00, v10;
	[tilespmem:s1+$0xF580] =	vst v8;
	v8 =	vld [tilespmem:s6+$0x5690]  }
0x51e: {  	v10 =	vmul.f32 $8.000000000e+00, v11;
	[tilespmem:s0+$0xF480] =	vst v5;
	v5 =	vld [tilespmem:s10+$0x5590]  }
0x51f: {  	[tilespmem:s8+$0xF380] =	vst v9;
	v9 =	vld [tilespmem:s11+$0x5490]  }
0x520: {  	[tilespmem:s12+$0xF280] =	vst v10;
	v10 =	vld [tilespmem:s13+$0x5390]  }
0x521: {  	s14 =	simm.s32 $0x14360;
	v11 =	vld [tilespmem:s9+$0x5290];
	v7 =	vmul.f32 $8.000000000e+00, v7  }
0x522: {  	v12 =	vld [tilespmem:s14+$0x0];
	v8 =	vmul.f32 $8.000000000e+00, v8  }
0x523: {  	v5 =	vmul.f32 $8.000000000e+00, v5;
	[tilespmem:s26+$0xF790] =	vst v7  }
0x524: {  	(v2sf) =	vpush v6, $0xC;
	v7 =	vmul.f32 $8.000000000e+00, v9;
	[tilespmem:s31+$0xF690] =	vst v8;
	v8 =	vld [tilespmem:s5+$0x57A0]  }
0x525: {  	(v2sf) =	vpush v1, $0xA;
	v9 =	vmul.f32 $8.000000000e+00, v10;
	[tilespmem:s1+$0xF590] =	vst v5;
	v10 =	vld [tilespmem:s6+$0x56A0]  }
0x526: {  	(v2sf) =	vpush v0, $0x8;
	v5 =	vmul.f32 $8.000000000e+00, v11;
	[tilespmem:s0+$0xF490] =	vst v7;
	v7 =	vld [tilespmem:s10+$0x55A0]  }
0x527: {  	(v2sf) =	vpush v2, $0x6;
	v11 =	vshll.u32 v12, $0x6;
	[tilespmem:s8+$0xF390] =	vst v9;
	v9 =	vld [tilespmem:s11+$0x54A0]  }
0x528: {  	s7 =	simm.s32 $0x3000;
	(v2sf) =	vpush v3, $0x4;
	v11 =	vand.u32 $0x40, v11;
	[tilespmem:s12+$0xF290] =	vst v5;
	v12 =	vld [tilespmem:s13+$0x53A0]  }
0x529: {  	(v2sf) =	vpush v4, $0x2;
	v5 =	vadd.s32 s7, v11;
	v11 =	vld [tilespmem:s9+$0x52A0];
	v8 =	vmul.f32 $8.000000000e+00, v8  }
0x52a: {  	(v2sf) =	vpush v5, $0x0;
	v10 =	vmul.f32 $8.000000000e+00, v10  }
0x52b: {  	v7 =	vmul.f32 $8.000000000e+00, v7;
	[tilespmem:s26+$0xF7A0] =	vst v8  }
0x52c: {  	v8 =	vmul.f32 $8.000000000e+00, v9;
	[tilespmem:s31+$0xF6A0] =	vst v10;
	v9 =	vld [tilespmem:s5+$0x57B0]  }
0x52d: {  	v10 =	vmul.f32 $8.000000000e+00, v12;
	[tilespmem:s1+$0xF5A0] =	vst v7;
	v7 =	vld [tilespmem:s6+$0x56B0]  }
0x52e: {  	v11 =	vmul.f32 $8.000000000e+00, v11;
	[tilespmem:s0+$0xF4A0] =	vst v8;
	v8 =	vld [tilespmem:s10+$0x55B0]  }
0x52f: {  	[tilespmem:s8+$0xF3A0] =	vst v10;
	v10 =	vld [tilespmem:s11+$0x54B0]  }
0x530: {  	[tilespmem:s12+$0xF2A0] =	vst v11;
	v11 =	vld [tilespmem:s13+$0x53B0]  }
0x531: {  	v12 =	vld [tilespmem:s9+$0x52B0];
	v9 =	vmul.f32 $8.000000000e+00, v9  }
0x532: {  	v7 =	vmul.f32 $8.000000000e+00, v7  }
0x533: {  	s15 =	spop (v2sf);
	v8 =	vmul.f32 $8.000000000e+00, v8;
	[tilespmem:s26+$0xF7B0] =	vst v9  }
0x534: {  	s16 =	spop (v2sf);
	v9 =	vmul.f32 $8.000000000e+00, v10;
	[tilespmem:s31+$0xF6B0] =	vst v7;
	v7 =	vld [tilespmem:s15+$0x5800]  }
0x535: {  	s17 =	spop (v2sf);
	v10 =	vmul.f32 $8.000000000e+00, v11;
	[tilespmem:s1+$0xF5B0] =	vst v8;
	v8 =	vld [tilespmem:s16+$0x5700]  }
0x536: {  	s18 =	spop (v2sf);
	v11 =	vmul.f32 $8.000000000e+00, v12;
	[tilespmem:s0+$0xF4B0] =	vst v9;
	v9 =	vld [tilespmem:s17+$0x5600]  }
0x537: {  	s19 =	spop (v2sf);
	[tilespmem:s8+$0xF3B0] =	vst v10;
	v10 =	vld [tilespmem:s18+$0x5500]  }
0x538: {  	s20 =	spop (v2sf);
	[tilespmem:s12+$0xF2B0] =	vst v11;
	v11 =	vld [tilespmem:s19+$0x5400]  }
0x539: {  	s10 =	spop (v2sf);
	v12 =	vld [tilespmem:s20+$0x5300];
	v7 =	vmul.f32 $8.000000000e+00, v7  }
0x53a: {  	v13 =	vld [tilespmem:s10+$0x5200];
	v8 =	vmul.f32 $8.000000000e+00, v8  }
0x53b: {  	v9 =	vmul.f32 $8.000000000e+00, v9;
	[tilespmem:s26+$0xF800] =	vst v7  }
0x53c: {  	v7 =	vmul.f32 $8.000000000e+00, v10;
	[tilespmem:s31+$0xF700] =	vst v8;
	v8 =	vld [tilespmem:s15+$0x5810]  }
0x53d: {  	v10 =	vmul.f32 $8.000000000e+00, v11;
	[tilespmem:s1+$0xF600] =	vst v9;
	v9 =	vld [tilespmem:s16+$0x5710]  }
0x53e: {  	v11 =	vmul.f32 $8.000000000e+00, v12;
	[tilespmem:s0+$0xF500] =	vst v7;
	v7 =	vld [tilespmem:s17+$0x5610]  }
0x53f: {  	v12 =	vmul.f32 $8.000000000e+00, v13;
	[tilespmem:s8+$0xF400] =	vst v10;
	v10 =	vld [tilespmem:s18+$0x5510]  }
0x540: {  	[tilespmem:s12+$0xF300] =	vst v11;
	v11 =	vld [tilespmem:s19+$0x5410]  }
0x541: {  	[tilespmem:s7+$0xF200] =	vst v12;
	v12 =	vld [tilespmem:s20+$0x5310];
	v8 =	vmul.f32 $8.000000000e+00, v8  }
0x542: {  	v13 =	vld [tilespmem:s10+$0x5210];
	v9 =	vmul.f32 $8.000000000e+00, v9  }
0x543: {  	v7 =	vmul.f32 $8.000000000e+00, v7;
	[tilespmem:s26+$0xF810] =	vst v8  }
0x544: {  	(v2sf) =	vpush v6, $0xD;
	v8 =	vmul.f32 $8.000000000e+00, v10;
	[tilespmem:s31+$0xF710] =	vst v9;
	v9 =	vld [tilespmem:s15+$0x5820]  }
0x545: {  	(v2sf) =	vpush v1, $0xB;
	v10 =	vmul.f32 $8.000000000e+00, v11;
	[tilespmem:s1+$0xF610] =	vst v7;
	v7 =	vld [tilespmem:s16+$0x5720]  }
0x546: {  	(v2sf) =	vpush v0, $0x9;
	v11 =	vmul.f32 $8.000000000e+00, v12;
	[tilespmem:s0+$0xF510] =	vst v8;
	v8 =	vld [tilespmem:s17+$0x5620]  }
0x547: {  	(v2sf) =	vpush v2, $0x7;
	v12 =	vmul.f32 $8.000000000e+00, v13;
	[tilespmem:s8+$0xF410] =	vst v10;
	v10 =	vld [tilespmem:s18+$0x5520]  }
0x548: {  	(v2sf) =	vpush v3, $0x5;
	[tilespmem:s12+$0xF310] =	vst v11;
	v11 =	vld [tilespmem:s19+$0x5420]  }
0x549: {  	(v2sf) =	vpush v4, $0x3;
	[tilespmem:s7+$0xF210] =	vst v12;
	v12 =	vld [tilespmem:s20+$0x5320];
	v9 =	vmul.f32 $8.000000000e+00, v9  }
0x54a: {  	v13 =	vld [tilespmem:s10+$0x5220];
	v7 =	vmul.f32 $8.000000000e+00, v7  }
0x54b: {  	v8 =	vmul.f32 $8.000000000e+00, v8;
	[tilespmem:s26+$0xF820] =	vst v9  }
0x54c: {  	(v2sf) =	vpush v5, $0x1;
	v9 =	vmul.f32 $8.000000000e+00, v10;
	[tilespmem:s31+$0xF720] =	vst v7;
	v7 =	vld [tilespmem:s15+$0x5830]  }
0x54d: {  	v10 =	vmul.f32 $8.000000000e+00, v11;
	[tilespmem:s1+$0xF620] =	vst v8;
	v8 =	vld [tilespmem:s16+$0x5730]  }
0x54e: {  	v11 =	vmul.f32 $8.000000000e+00, v12;
	[tilespmem:s0+$0xF520] =	vst v9;
	v9 =	vld [tilespmem:s17+$0x5630]  }
0x54f: {  	v12 =	vmul.f32 $8.000000000e+00, v13;
	[tilespmem:s8+$0xF420] =	vst v10;
	v10 =	vld [tilespmem:s18+$0x5530]  }
0x550: {  	[tilespmem:s12+$0xF320] =	vst v11;
	v11 =	vld [tilespmem:s19+$0x5430]  }
0x551: {  	[tilespmem:s7+$0xF220] =	vst v12;
	v12 =	vld [tilespmem:s20+$0x5330];
	v7 =	vmul.f32 $8.000000000e+00, v7  }
0x552: {  	v13 =	vld [tilespmem:s10+$0x5230];
	v8 =	vmul.f32 $8.000000000e+00, v8  }
0x553: {  	s21 =	spop (v2sf);
	v9 =	vmul.f32 $8.000000000e+00, v9;
	[tilespmem:s26+$0xF830] =	vst v7  }
0x554: {  	s22 =	spop (v2sf);
	v7 =	vmul.f32 $8.000000000e+00, v10;
	[tilespmem:s31+$0xF730] =	vst v8;
	v8 =	vld [tilespmem:s21+$0x5880]  }
0x555: {  	s23 =	spop (v2sf);
	v10 =	vmul.f32 $8.000000000e+00, v11;
	[tilespmem:s1+$0xF630] =	vst v9;
	v9 =	vld [tilespmem:s22+$0x5780]  }
0x556: {  	s24 =	spop (v2sf);
	v11 =	vmul.f32 $8.000000000e+00, v12;
	[tilespmem:s0+$0xF530] =	vst v7;
	v7 =	vld [tilespmem:s23+$0x5680]  }
0x557: {  	s25 =	spop (v2sf);
	v12 =	vmul.f32 $8.000000000e+00, v13;
	[tilespmem:s8+$0xF430] =	vst v10;
	v10 =	vld [tilespmem:s24+$0x5580]  }
0x558: {  	s29 =	spop (v2sf);
	[tilespmem:s12+$0xF330] =	vst v11;
	v11 =	vld [tilespmem:s25+$0x5480]  }
0x559: {  	[tilespmem:s7+$0xF230] =	vst v12;
	v12 =	vld [tilespmem:s29+$0x5380];
	v8 =	vmul.f32 $8.000000000e+00, v8  }
0x55a: {  	v9 =	vmul.f32 $8.000000000e+00, v9  }
0x55b: {  	s30 =	spop (v2sf);
	v7 =	vmul.f32 $8.000000000e+00, v7;
	[tilespmem:s26+$0xF880] =	vst v8  }
0x55c: {  	v13 =	vld [tilespmem:s30+$0x5280];
	v8 =	vmul.f32 $8.000000000e+00, v10;
	[tilespmem:s31+$0xF780] =	vst v9  }
0x55d: {  	v9 =	vld [tilespmem:s21+$0x5890];
	v10 =	vmul.f32 $8.000000000e+00, v11;
	[tilespmem:s1+$0xF680] =	vst v7  }
0x55e: {  	v7 =	vld [tilespmem:s22+$0x5790];
	v11 =	vmul.f32 $8.000000000e+00, v12;
	[tilespmem:s0+$0xF580] =	vst v8  }
0x55f: {  	[tilespmem:s8+$0xF480] =	vst v10;
	v10 =	vld [tilespmem:s24+$0x5590]  }
0x560: {  	[tilespmem:s12+$0xF380] =	vst v11;
	v11 =	vld [tilespmem:s25+$0x5490]  }
0x561: {  	v12 =	vmul.f32 $8.000000000e+00, v13  }
0x562: {  	v9 =	vmul.f32 $8.000000000e+00, v9  }
0x563: {  	[tilespmem:s7+$0xF280] =	vst v12;
	v7 =	vmul.f32 $8.000000000e+00, v7  }
0x564: {  	v8 =	vld [tilespmem:s23+$0x5690];
	[tilespmem:s26+$0xF890] =	vst v9;
	v9 =	vmul.f32 $8.000000000e+00, v10  }
0x565: {  	[tilespmem:s31+$0xF790] =	vst v7;
	v7 =	vld [tilespmem:s21+$0x58A0];
	v10 =	vmul.f32 $8.000000000e+00, v11  }
0x566: {  	v12 =	vld [tilespmem:s29+$0x5390];
	[tilespmem:s0+$0xF590] =	vst v9  }
0x567: {  	[tilespmem:s8+$0xF490] =	vst v10;
	v10 =	vld [tilespmem:s24+$0x55A0]  }
0x568: {  	s11 =	simm.s32 $0x14370;
	v13 =	vld [tilespmem:s30+$0x5290]  }
0x569: {  	v14 =	vld [tilespmem:s11+$0x0];
	v8 =	vmul.f32 $8.000000000e+00, v8  }
0x56a: {  	(v2sf) =	vpush v6, $0xE;
	v7 =	vmul.f32 $8.000000000e+00, v7  }
0x56b: {  	(v2sf) =	vpush v1, $0xC;
	[tilespmem:s1+$0xF690] =	vst v8;
	v8 =	vld [tilespmem:s22+$0x57A0];
	v11 =	vmul.f32 $8.000000000e+00, v12  }
0x56c: {  	(v2sf) =	vpush v0, $0xA;
	v9 =	vld [tilespmem:s23+$0x56A0];
	[tilespmem:s26+$0xF8A0] =	vst v7;
	v7 =	vmul.f32 $8.000000000e+00, v10  }
0x56d: {  	(v2sf) =	vpush v2, $0x8;
	v12 =	vmul.f32 $8.000000000e+00, v13;
	[tilespmem:s12+$0xF390] =	vst v11  }
0x56e: {  	(v2sf) =	vpush v3, $0x6;
	v11 =	vld [tilespmem:s25+$0x54A0];
	[tilespmem:s0+$0xF5A0] =	vst v7;
	v7 =	vshll.u32 v14, $0x6  }
0x56f: {  	s28 =	simm.s32 $0x3800;
	(v2sf) =	vpush v4, $0x4;
	[tilespmem:s7+$0xF290] =	vst v12;
	v12 =	vld [tilespmem:s29+$0x53A0];
	v7 =	vand.u32 $0x40, v7  }
0x570: {  	(v2sf) =	vpush v5, $0x2;
	v15 =	vld [tilespmem:s30+$0x52A0];
	v8 =	vmul.f32 $8.000000000e+00, v8;
	v7 =	vadd.s32 s28, v7  }
0x571: {  	v9 =	vmul.f32 $8.000000000e+00, v9;
	(v2sf) =	vpush v7, $0x0  }
0x572: {  	[tilespmem:s31+$0xF7A0] =	vst v8;
	v8 =	vld [tilespmem:s21+$0x58B0]  }
0x573: {  	v10 =	vmul.f32 $8.000000000e+00, v11;
	[tilespmem:s1+$0xF6A0] =	vst v9;
	v16 =	vld [tilespmem:s22+$0x57B0]  }
0x574: {  	v9 =	vmul.f32 $8.000000000e+00, v12;
	v13 =	vld [tilespmem:s23+$0x56B0]  }
0x575: {  	v11 =	vmul.f32 $8.000000000e+00, v15;
	[tilespmem:s8+$0xF4A0] =	vst v10;
	v14 =	vld [tilespmem:s24+$0x55B0]  }
0x576: {  	[tilespmem:s12+$0xF3A0] =	vst v9;
	v12 =	vld [tilespmem:s25+$0x54B0]  }
0x577: {  	[tilespmem:s7+$0xF2A0] =	vst v11;
	v10 =	vld [tilespmem:s29+$0x53B0];
	v9 =	vmul.f32 $8.000000000e+00, v8  }
0x578: {  	s2 =	simm.s32 $0x70;
	s4 =	simm.s32 $0xE000;
	s9 =	simm.s32 $0x14380;
	v11 =	vld [tilespmem:s30+$0x52B0];
	v15 =	vmul.f32 $8.000000000e+00, v16  }
.LBB2_9:
0x579: {  	v8 =	vld [tilespmem:s9+$0x0];
	v13 =	vmul.f32 $8.000000000e+00, v13;
	[tilespmem:s26+$0xF8B0] =	vst v9;
	s3 =	spop (v2sf);
	s10 =	smov.u32 s1;
	s1 =	smov.u32 s0  }
0x57a: {  	s0 =	smov.u32 s8;
	s8 =	smov.u32 s12;
	v9 =	vmul.f32 $8.000000000e+00, v14;
	[tilespmem:s31+$0xF7B0] =	vst v15;
	s5 =	spop (v2sf);
	v14 =	vld [tilespmem:s3+$0x5900]  }
0x57b: {  	s12 =	smov.u32 s7;
	s7 =	smov.u32 s28;
	v12 =	vmul.f32 $8.000000000e+00, v12;
	[tilespmem:s10+$0xF6B0] =	vst v13;
	s6 =	spop (v2sf);
	v13 =	vld [tilespmem:s5+$0x5800]  }
0x57c: {  	v10 =	vmul.f32 $8.000000000e+00, v10;
	[tilespmem:s1+$0xF5B0] =	vst v9;
	s11 =	spop (v2sf);
	v9 =	vld [tilespmem:s6+$0x5700]  }
0x57d: {  	v11 =	vmul.f32 $8.000000000e+00, v11;
	[tilespmem:s0+$0xF4B0] =	vst v12;
	s13 =	spop (v2sf);
	v12 =	vld [tilespmem:s11+$0x5600]  }
0x57e: {  	[tilespmem:s8+$0xF3B0] =	vst v10;
	s15 =	spop (v2sf);
	v10 =	vld [tilespmem:s13+$0x5500]  }
0x57f: {  	[tilespmem:s12+$0xF2B0] =	vst v11;
	s14 =	spop (v2sf);
	v11 =	vld [tilespmem:s15+$0x5400];
	v14 =	vmul.f32 $8.000000000e+00, v14  }
0x580: {  	s16 =	spop (v2sf);
	v15 =	vld [tilespmem:s14+$0x5300];
	v13 =	vmul.f32 $8.000000000e+00, v13  }
0x581: {  	v16 =	vld [tilespmem:s16+$0x5200];
	v9 =	vmul.f32 $8.000000000e+00, v9;
	[tilespmem:s26+$0xF900] =	vst v14  }
0x582: {  	v12 =	vmul.f32 $8.000000000e+00, v12;
	[tilespmem:s31+$0xF800] =	vst v13;
	v13 =	vld [tilespmem:s3+$0x5910]  }
0x583: {  	v10 =	vmul.f32 $8.000000000e+00, v10;
	[tilespmem:s10+$0xF700] =	vst v9;
	v9 =	vld [tilespmem:s5+$0x5810]  }
0x584: {  	v11 =	vmul.f32 $8.000000000e+00, v11;
	[tilespmem:s1+$0xF600] =	vst v12;
	v12 =	vld [tilespmem:s6+$0x5710]  }
0x585: {  	v14 =	vmul.f32 $8.000000000e+00, v15;
	[tilespmem:s0+$0xF500] =	vst v10;
	v10 =	vld [tilespmem:s11+$0x5610]  }
0x586: {  	v15 =	vmul.f32 $8.000000000e+00, v16;
	[tilespmem:s8+$0xF400] =	vst v11;
	v11 =	vld [tilespmem:s13+$0x5510]  }
0x587: {  	[tilespmem:s12+$0xF300] =	vst v14;
	v14 =	vld [tilespmem:s15+$0x5410];
	v13 =	vmul.f32 $8.000000000e+00, v13  }
0x588: {  	[tilespmem:s7+$0xF200] =	vst v15;
	v15 =	vld [tilespmem:s14+$0x5310];
	v9 =	vmul.f32 $8.000000000e+00, v9  }
0x589: {  	v16 =	vld [tilespmem:s16+$0x5210];
	v12 =	vmul.f32 $8.000000000e+00, v12;
	[tilespmem:s26+$0xF910] =	vst v13  }
0x58a: {  	v10 =	vmul.f32 $8.000000000e+00, v10;
	[tilespmem:s31+$0xF810] =	vst v9;
	v9 =	vld [tilespmem:s3+$0x5920];
	(v2sf) =	vpush v6, $0xF;
	v6 =	vmovc v1;
	v1 =	vmovc v0;
	v0 =	vmov v2  }
0x58b: {  	v2 =	vmovc v3;
	v3 =	vmovc v4;
	v4 =	vmov v5;
	v11 =	vmul.f32 $8.000000000e+00, v11;
	[tilespmem:s10+$0xF710] =	vst v12;
	v12 =	vld [tilespmem:s5+$0x5820];
	(v2sf) =	vpush v6, $0xD  }
0x58c: {  	v5 =	vmov v7;
	v13 =	vmul.f32 $8.000000000e+00, v14;
	[tilespmem:s1+$0xF610] =	vst v10;
	v10 =	vld [tilespmem:s6+$0x5720];
	(v2sf) =	vpush v1, $0xB  }
0x58d: {  	v7 =	vmul.f32 $8.000000000e+00, v15;
	[tilespmem:s0+$0xF510] =	vst v11;
	v11 =	vld [tilespmem:s11+$0x5620];
	(v2sf) =	vpush v0, $0x9  }
0x58e: {  	v14 =	vmul.f32 $8.000000000e+00, v16;
	[tilespmem:s8+$0xF410] =	vst v13;
	v13 =	vld [tilespmem:s13+$0x5520];
	(v2sf) =	vpush v2, $0x7  }
0x58f: {  	[tilespmem:s12+$0xF310] =	vst v7;
	v7 =	vld [tilespmem:s15+$0x5420];
	(v2sf) =	vpush v3, $0x5;
	v9 =	vmul.f32 $8.000000000e+00, v9  }
0x590: {  	[tilespmem:s7+$0xF210] =	vst v14;
	v14 =	vld [tilespmem:s14+$0x5320];
	(v2sf) =	vpush v4, $0x3;
	v12 =	vmul.f32 $8.000000000e+00, v12  }
0x591: {  	v15 =	vld [tilespmem:s16+$0x5220];
	(v2sf) =	vpush v5, $0x1;
	v10 =	vmul.f32 $8.000000000e+00, v10;
	[tilespmem:s26+$0xF920] =	vst v9  }
0x592: {  	v9 =	vmul.f32 $8.000000000e+00, v11;
	[tilespmem:s31+$0xF820] =	vst v12;
	v11 =	vld [tilespmem:s3+$0x5930]  }
0x593: {  	v12 =	vmul.f32 $8.000000000e+00, v13;
	[tilespmem:s10+$0xF720] =	vst v10;
	v10 =	vld [tilespmem:s5+$0x5830]  }
0x594: {  	v7 =	vmul.f32 $8.000000000e+00, v7;
	[tilespmem:s1+$0xF620] =	vst v9;
	v9 =	vld [tilespmem:s6+$0x5730]  }
0x595: {  	v13 =	vmul.f32 $8.000000000e+00, v14;
	[tilespmem:s0+$0xF520] =	vst v12;
	v12 =	vld [tilespmem:s11+$0x5630]  }
0x596: {  	v14 =	vmul.f32 $8.000000000e+00, v15;
	[tilespmem:s8+$0xF420] =	vst v7;
	v7 =	vld [tilespmem:s13+$0x5530]  }
0x597: {  	[tilespmem:s12+$0xF320] =	vst v13;
	v13 =	vld [tilespmem:s15+$0x5430];
	v11 =	vmul.f32 $8.000000000e+00, v11  }
0x598: {  	[tilespmem:s7+$0xF220] =	vst v14;
	v14 =	vld [tilespmem:s14+$0x5330];
	v10 =	vmul.f32 $8.000000000e+00, v10  }
0x599: {  	v15 =	vld [tilespmem:s16+$0x5230];
	v9 =	vmul.f32 $8.000000000e+00, v9;
	[tilespmem:s26+$0xF930] =	vst v11;
	s5 =	spop (v2sf)  }
0x59a: {  	v11 =	vmul.f32 $8.000000000e+00, v12;
	[tilespmem:s31+$0xF830] =	vst v10;
	s3 =	spop (v2sf);
	v10 =	vld [tilespmem:s5+$0x5980]  }
0x59b: {  	v7 =	vmul.f32 $8.000000000e+00, v7;
	[tilespmem:s10+$0xF730] =	vst v9;
	s6 =	spop (v2sf);
	v9 =	vld [tilespmem:s3+$0x5880]  }
0x59c: {  	v12 =	vmul.f32 $8.000000000e+00, v13;
	[tilespmem:s1+$0xF630] =	vst v11;
	s11 =	spop (v2sf);
	v11 =	vld [tilespmem:s6+$0x5780]  }
0x59d: {  	v13 =	vmul.f32 $8.000000000e+00, v14;
	[tilespmem:s0+$0xF530] =	vst v7;
	s13 =	spop (v2sf);
	v7 =	vld [tilespmem:s11+$0x5680]  }
0x59e: {  	v14 =	vmul.f32 $8.000000000e+00, v15;
	[tilespmem:s8+$0xF430] =	vst v12;
	s15 =	spop (v2sf);
	v12 =	vld [tilespmem:s13+$0x5580]  }
0x59f: {  	[tilespmem:s12+$0xF330] =	vst v13;
	s14 =	spop (v2sf);
	v13 =	vld [tilespmem:s15+$0x5480];
	v10 =	vmul.f32 $8.000000000e+00, v10  }
0x5a0: {  	[tilespmem:s7+$0xF230] =	vst v14;
	s16 =	spop (v2sf);
	v14 =	vld [tilespmem:s14+$0x5380];
	v9 =	vmul.f32 $8.000000000e+00, v9  }
0x5a1: {  	v15 =	vld [tilespmem:s16+$0x5280];
	v11 =	vmul.f32 $8.000000000e+00, v11;
	[tilespmem:s26+$0xF980] =	vst v10  }
0x5a2: {  	v7 =	vmul.f32 $8.000000000e+00, v7;
	[tilespmem:s31+$0xF880] =	vst v9;
	v9 =	vld [tilespmem:s5+$0x5990]  }
0x5a3: {  	v10 =	vmul.f32 $8.000000000e+00, v12;
	[tilespmem:s10+$0xF780] =	vst v11;
	v11 =	vld [tilespmem:s3+$0x5890]  }
0x5a4: {  	v12 =	vmul.f32 $8.000000000e+00, v13;
	[tilespmem:s1+$0xF680] =	vst v7;
	v7 =	vld [tilespmem:s6+$0x5790]  }
0x5a5: {  	v13 =	vmul.f32 $8.000000000e+00, v14;
	[tilespmem:s0+$0xF580] =	vst v10;
	v10 =	vld [tilespmem:s11+$0x5690]  }
0x5a6: {  	v14 =	vmul.f32 $8.000000000e+00, v15;
	[tilespmem:s8+$0xF480] =	vst v12;
	v12 =	vld [tilespmem:s13+$0x5590]  }
0x5a7: {  	[tilespmem:s12+$0xF380] =	vst v13;
	v13 =	vld [tilespmem:s15+$0x5490];
	v9 =	vmul.f32 $8.000000000e+00, v9  }
0x5a8: {  	[tilespmem:s7+$0xF280] =	vst v14;
	v14 =	vld [tilespmem:s14+$0x5390];
	v11 =	vmul.f32 $8.000000000e+00, v11  }
0x5a9: {  	v15 =	vld [tilespmem:s16+$0x5290];
	v7 =	vmul.f32 $8.000000000e+00, v7;
	[tilespmem:s26+$0xF990] =	vst v9  }
0x5aa: {  	s2 =	sadd.s32 $0x10, s2;
	v9 =	vmul.f32 $8.000000000e+00, v10;
	[tilespmem:s31+$0xF890] =	vst v11;
	v10 =	vld [tilespmem:s5+$0x59A0]  }
0x5ab: {  	p0 =	slt.u32 s2, $0x90;
	v11 =	vmul.f32 $8.000000000e+00, v12;
	[tilespmem:s10+$0xF790] =	vst v7;
	v7 =	vld [tilespmem:s3+$0x58A0];
	(v2sf) =	vpush v6, $0xE  }
0x5ac: {  	v12 =	vmul.f32 $8.000000000e+00, v13;
	[tilespmem:s1+$0xF690] =	vst v9;
	v9 =	vld [tilespmem:s6+$0x57A0];
	(v2sf) =	vpush v1, $0xC  }
0x5ad: {  	v13 =	vmul.f32 $8.000000000e+00, v14;
	[tilespmem:s0+$0xF590] =	vst v11;
	v11 =	vld [tilespmem:s11+$0x56A0];
	(v2sf) =	vpush v0, $0xA  }
0x5ae: {  	v14 =	vmul.f32 $8.000000000e+00, v15;
	[tilespmem:s8+$0xF490] =	vst v12;
	v12 =	vld [tilespmem:s13+$0x55A0];
	(v2sf) =	vpush v2, $0x8  }
0x5af: {  	s4 =	sadd.s32 $0x2000, s4;
	v8 =	vshll.u32 v8, $0x6;
	[tilespmem:s12+$0xF390] =	vst v13;
	v13 =	vld [tilespmem:s15+$0x54A0];
	(v2sf) =	vpush v3, $0x6;
	v10 =	vmul.f32 $8.000000000e+00, v10  }
0x5b0: {  	s28 =	sshra.s32 s4, $0x2;
	v8 =	vand.u32 $0x40, v8;
	[tilespmem:s7+$0xF290] =	vst v14;
	v14 =	vld [tilespmem:s14+$0x53A0];
	(v2sf) =	vpush v4, $0x4;
	v15 =	vmul.f32 $8.000000000e+00, v7  }
0x5b1: {  	v7 =	vadd.s32 s28, v8;
	v8 =	vld [tilespmem:s16+$0x52A0];
	(v2sf) =	vpush v5, $0x2;
	v9 =	vmul.f32 $8.000000000e+00, v9;
	[tilespmem:s26+$0xF9A0] =	vst v10  }
0x5b2: {  	(v2sf) =	vpush v7, $0x0;
	v10 =	vmul.f32 $8.000000000e+00, v11;
	[tilespmem:s31+$0xF8A0] =	vst v15;
	v11 =	vld [tilespmem:s5+$0x59B0]  }
0x5b3: {  	v12 =	vmul.f32 $8.000000000e+00, v12;
	[tilespmem:s10+$0xF7A0] =	vst v9;
	v9 =	vld [tilespmem:s3+$0x58B0]  }
0x5b4: {  	v15 =	vmul.f32 $8.000000000e+00, v13;
	[tilespmem:s1+$0xF6A0] =	vst v10;
	v16 =	vld [tilespmem:s6+$0x57B0]  }
.Ltmp6:
0x5b5: {  	v10 =	vmul.f32 $8.000000000e+00, v14;
	[tilespmem:s0+$0xF5A0] =	vst v12;
	v13 =	vld [tilespmem:s11+$0x56B0];
	(pc) =	sbr.rel @p0 .LBB2_9-.Ltmp6, $4  }
0x5b6: {  	v8 =	vmul.f32 $8.000000000e+00, v8;
	[tilespmem:s8+$0xF4A0] =	vst v15;
	v14 =	vld [tilespmem:s13+$0x55B0]  }
0x5b7: {  	[tilespmem:s12+$0xF3A0] =	vst v10;
	v12 =	vld [tilespmem:s15+$0x54B0];
	v17 =	vmul.f32 $8.000000000e+00, v11  }
0x5b8: {  	[tilespmem:s7+$0xF2A0] =	vst v8;
	v10 =	vld [tilespmem:s14+$0x53B0];
	v9 =	vmul.f32 $8.000000000e+00, v9  }
0x5b9: {  	s9 =	sadd.s32 $0x10, s9;
	v11 =	vld [tilespmem:s16+$0x52B0];
	v15 =	vmul.f32 $8.000000000e+00, v16;
	[tilespmem:s26+$0xF9B0] =	vst v17;
	s26 =	smov.u32 s31;
	s31 =	smov.u32 s10  }
0x5ba: {  	s3 =	spop (v2sf)  }
0x5bb: {  	s6 =	spop (v2sf)  }
0x5bc: {  	s9 =	spop (v2sf)  }
0x5bd: {  	s2 =	spop (v2sf)  }
0x5be: {  	v8 =	vmul.f32 $8.000000000e+00, v13;
	s10 =	spop (v2sf)  }
0x5bf: {  	[tilespmem:s31+$0xF7B0] =	vst v15;
	s4 =	spop (v2sf)  }
0x5c0: {  	v50 =	vmul.f32 $8.000000000e+00, v14;
	[tilespmem:s1+$0xF6B0] =	vst v8;
	v51 =	vld [tilespmem:s6+$0x5800];
	s5 =	spop (v2sf)  }
0x5c1: {  	v12 =	vmul.f32 $8.000000000e+00, v12;
	v52 =	vld [tilespmem:s9+$0x5700];
	s11 =	spop (v2sf)  }
0x5c2: {  	[tilespmem:s0+$0xF5B0] =	vst v50;
	v55 =	vld [tilespmem:s11+$0x5200]  }
0x5c3: {  	v10 =	vmul.f32 $8.000000000e+00, v10;
	[tilespmem:s8+$0xF4B0] =	vst v12;
	v53 =	vld [tilespmem:s2+$0x5600]  }
0x5c4: {  	v11 =	vmul.f32 $8.000000000e+00, v11;
	v54 =	vld [tilespmem:s10+$0x5500]  }
0x5c5: {  	[tilespmem:s12+$0xF3B0] =	vst v10;
	v8 =	vmul.f32 $8.000000000e+00, v51  }
0x5c6: {  	[tilespmem:s7+$0xF2B0] =	vst v11;
	v10 =	vld [tilespmem:s4+$0x5400];
	v56 =	vmul.f32 $8.000000000e+00, v52  }
0x5c7: {  	v57 =	vld [tilespmem:s5+$0x5300];
	[tilespmem:s31+$0xF800] =	vst v8;
	v61 =	vmul.f32 $8.000000000e+00, v55  }
0x5c8: {  	v12 =	vmul.f32 $8.000000000e+00, v53;
	[tilespmem:s1+$0xF700] =	vst v56;
	v59 =	vld [tilespmem:s6+$0x5810]  }
0x5c9: {  	v58 =	vmul.f32 $8.000000000e+00, v54;
	v60 =	vld [tilespmem:s9+$0x5710];
	[tilespmem:s28+$0xF200] =	vst v61  }
0x5ca: {  	[tilespmem:s0+$0xF600] =	vst v12;
	v14 =	vld [tilespmem:s11+$0x5210]  }
0x5cb: {  	(v2sf) =	vpush v6, $0xF;
	v10 =	vmul.f32 $8.000000000e+00, v10;
	[tilespmem:s8+$0xF500] =	vst v58;
	v62 =	vld [tilespmem:s2+$0x5610]  }
0x5cc: {  	(v2sf) =	vpush v1, $0xD;
	v13 =	vmul.f32 $8.000000000e+00, v57;
	v63 =	vld [tilespmem:s10+$0x5510]  }
0x5cd: {  	(v2sf) =	vpush v0, $0xB;
	[tilespmem:s12+$0xF400] =	vst v10;
	v18 =	vmul.f32 $8.000000000e+00, v59  }
0x5ce: {  	(v2sf) =	vpush v2, $0x9;
	[tilespmem:s7+$0xF300] =	vst v13;
	v19 =	vld [tilespmem:s4+$0x5410];
	v20 =	vmul.f32 $8.000000000e+00, v60  }
0x5cf: {  	(v2sf) =	vpush v3, $0x7;
	v21 =	vld [tilespmem:s5+$0x5310];
	[tilespmem:s31+$0xF810] =	vst v18;
	v25 =	vmul.f32 $8.000000000e+00, v14  }
0x5d0: {  	(v2sf) =	vpush v4, $0x5;
	v8 =	vmul.f32 $8.000000000e+00, v62;
	[tilespmem:s1+$0xF710] =	vst v20;
	v23 =	vld [tilespmem:s6+$0x5820]  }
0x5d1: {  	(v2sf) =	vpush v5, $0x3;
	v22 =	vmul.f32 $8.000000000e+00, v63;
	v24 =	vld [tilespmem:s9+$0x5720];
	[tilespmem:s28+$0xF210] =	vst v25  }
0x5d2: {  	(v2sf) =	vpush v7, $0x1;
	[tilespmem:s0+$0xF610] =	vst v8;
	v29 =	vld [tilespmem:s11+$0x5220]  }
0x5d3: {  	v6 =	vmul.f32 $8.000000000e+00, v19;
	[tilespmem:s8+$0xF510] =	vst v22;
	v26 =	vld [tilespmem:s2+$0x5620]  }
0x5d4: {  	[tilespmem:s26+$0xF8B0] =	vst v9;
	v28 =	vmul.f32 $8.000000000e+00, v21;
	v27 =	vld [tilespmem:s10+$0x5520]  }
0x5d5: {  	v30 =	vld [tilespmem:s3+$0x5900];
	[tilespmem:s12+$0xF410] =	vst v6;
	v31 =	vmul.f32 $8.000000000e+00, v23  }
0x5d6: {  	[tilespmem:s7+$0xF310] =	vst v28;
	v32 =	vld [tilespmem:s4+$0x5420];
	v8 =	vmul.f32 $8.000000000e+00, v24  }
0x5d7: {  	v33 =	vld [tilespmem:s5+$0x5320];
	[tilespmem:s31+$0xF820] =	vst v31;
	v12 =	vmul.f32 $8.000000000e+00, v29  }
0x5d8: {  	v10 =	vmul.f32 $8.000000000e+00, v26;
	[tilespmem:s1+$0xF720] =	vst v8;
	v35 =	vld [tilespmem:s6+$0x5830]  }
0x5d9: {  	v34 =	vmul.f32 $8.000000000e+00, v27;
	v36 =	vld [tilespmem:s9+$0x5730];
	[tilespmem:s28+$0xF220] =	vst v12  }
0x5da: {  	v13 =	vmul.f32 $8.000000000e+00, v30;
	s21 =	spop (v2sf);
	[tilespmem:s0+$0xF620] =	vst v10;
	v12 =	vld [tilespmem:s11+$0x5230]  }
0x5db: {  	s22 =	spop (v2sf);
	v9 =	vmul.f32 $8.000000000e+00, v32;
	[tilespmem:s8+$0xF520] =	vst v34;
	v37 =	vld [tilespmem:s2+$0x5630]  }
0x5dc: {  	[tilespmem:s26+$0xF900] =	vst v13;
	s23 =	spop (v2sf);
	v11 =	vmul.f32 $8.000000000e+00, v33;
	v38 =	vld [tilespmem:s10+$0x5530]  }
0x5dd: {  	v13 =	vld [tilespmem:s3+$0x5910];
	s24 =	spop (v2sf);
	[tilespmem:s12+$0xF420] =	vst v9;
	v8 =	vmul.f32 $8.000000000e+00, v35  }
0x5de: {  	s25 =	spop (v2sf);
	[tilespmem:s7+$0xF320] =	vst v11;
	v9 =	vld [tilespmem:s4+$0x5430];
	v10 =	vmul.f32 $8.000000000e+00, v36  }
0x5df: {  	s29 =	spop (v2sf);
	v11 =	vld [tilespmem:s5+$0x5330];
	[tilespmem:s31+$0xF830] =	vst v8;
	v12 =	vmul.f32 $8.000000000e+00, v12  }
0x5e0: {  	s30 =	spop (v2sf);
	v6 =	vmul.f32 $8.000000000e+00, v37;
	[tilespmem:s1+$0xF730] =	vst v10;
	v40 =	vld [tilespmem:s22+$0x5880]  }
0x5e1: {  	s13 =	spop (v2sf);
	v39 =	vmul.f32 $8.000000000e+00, v38;
	v41 =	vld [tilespmem:s23+$0x5780];
	[tilespmem:s28+$0xF230] =	vst v12  }
0x5e2: {  	v13 =	vmul.f32 $8.000000000e+00, v13;
	[tilespmem:s0+$0xF630] =	vst v6;
	v12 =	vld [tilespmem:s13+$0x5280]  }
0x5e3: {  	v9 =	vmul.f32 $8.000000000e+00, v9;
	[tilespmem:s8+$0xF530] =	vst v39;
	v42 =	vld [tilespmem:s24+$0x5680]  }
0x5e4: {  	[tilespmem:s26+$0xF910] =	vst v13;
	v11 =	vmul.f32 $8.000000000e+00, v11;
	v43 =	vld [tilespmem:s25+$0x5580]  }
0x5e5: {  	v13 =	vld [tilespmem:s3+$0x5920];
	[tilespmem:s12+$0xF430] =	vst v9;
	v44 =	vmul.f32 $8.000000000e+00, v40  }
0x5e6: {  	[tilespmem:s7+$0xF330] =	vst v11;
	v45 =	vld [tilespmem:s29+$0x5480];
	v6 =	vmul.f32 $8.000000000e+00, v41  }
0x5e7: {  	v11 =	vld [tilespmem:s30+$0x5380];
	[tilespmem:s31+$0xF880] =	vst v44;
	v12 =	vmul.f32 $8.000000000e+00, v12  }
0x5e8: {  	v8 =	vmul.f32 $8.000000000e+00, v42;
	[tilespmem:s1+$0xF780] =	vst v6;
	v47 =	vld [tilespmem:s22+$0x5890]  }
0x5e9: {  	v46 =	vmul.f32 $8.000000000e+00, v43;
	v48 =	vld [tilespmem:s23+$0x5790];
	[tilespmem:s28+$0xF280] =	vst v12  }
0x5ea: {  	v13 =	vmul.f32 $8.000000000e+00, v13;
	[tilespmem:s0+$0xF680] =	vst v8;
	v12 =	vld [tilespmem:s13+$0x5290]  }
0x5eb: {  	v10 =	vmul.f32 $8.000000000e+00, v45;
	[tilespmem:s8+$0xF580] =	vst v46;
	v49 =	vld [tilespmem:s24+$0x5690]  }
0x5ec: {  	(v2sf) =	vpush v1, $0xE;
	[tilespmem:s26+$0xF920] =	vst v13;
	v11 =	vmul.f32 $8.000000000e+00, v11;
	v50 =	vld [tilespmem:s25+$0x5590]  }
0x5ed: {  	(v2sf) =	vpush v0, $0xC;
	v13 =	vld [tilespmem:s3+$0x5930];
	[tilespmem:s12+$0xF480] =	vst v10;
	v6 =	vmul.f32 $8.000000000e+00, v47  }
0x5ee: {  	(v2sf) =	vpush v2, $0xA;
	[tilespmem:s7+$0xF380] =	vst v11;
	v10 =	vld [tilespmem:s29+$0x5490];
	v8 =	vmul.f32 $8.000000000e+00, v48  }
0x5ef: {  	(v2sf) =	vpush v3, $0x8;
	v11 =	vld [tilespmem:s30+$0x5390];
	[tilespmem:s31+$0xF890] =	vst v6;
	v12 =	vmul.f32 $8.000000000e+00, v12  }
0x5f0: {  	(v2sf) =	vpush v4, $0x6;
	v9 =	vmul.f32 $8.000000000e+00, v49;
	[tilespmem:s1+$0xF790] =	vst v8;
	v52 =	vld [tilespmem:s22+$0x58A0]  }
0x5f1: {  	(v2sf) =	vpush v5, $0x4;
	v51 =	vmul.f32 $8.000000000e+00, v50;
	v53 =	vld [tilespmem:s23+$0x57A0];
	[tilespmem:s28+$0xF290] =	vst v12  }
0x5f2: {  	(v2sf) =	vpush v7, $0x2;
	v13 =	vmul.f32 $8.000000000e+00, v13;
	[tilespmem:s0+$0xF690] =	vst v9;
	v12 =	vld [tilespmem:s13+$0x52A0]  }
0x5f3: {  	v10 =	vmul.f32 $8.000000000e+00, v10;
	[tilespmem:s8+$0xF590] =	vst v51;
	v54 =	vld [tilespmem:s24+$0x56A0]  }
0x5f4: {  	[tilespmem:s26+$0xF930] =	vst v13;
	v11 =	vmul.f32 $8.000000000e+00, v11;
	v55 =	vld [tilespmem:s25+$0x55A0]  }
0x5f5: {  	v13 =	vld [tilespmem:s21+$0x5980];
	[tilespmem:s12+$0xF490] =	vst v10;
	v8 =	vmul.f32 $8.000000000e+00, v52  }
0x5f6: {  	[tilespmem:s7+$0xF390] =	vst v11;
	v10 =	vld [tilespmem:s29+$0x54A0];
	v9 =	vmul.f32 $8.000000000e+00, v53  }
0x5f7: {  	v11 =	vld [tilespmem:s30+$0x53A0];
	[tilespmem:s31+$0xF8A0] =	vst v8;
	v12 =	vmul.f32 $8.000000000e+00, v12  }
0x5f8: {  	v6 =	vmul.f32 $8.000000000e+00, v54;
	[tilespmem:s1+$0xF7A0] =	vst v9;
	v57 =	vld [tilespmem:s22+$0x58B0]  }
0x5f9: {  	v56 =	vmul.f32 $8.000000000e+00, v55;
	v58 =	vld [tilespmem:s23+$0x57B0];
	[tilespmem:s28+$0xF2A0] =	vst v12  }
0x5fa: {  	v13 =	vmul.f32 $8.000000000e+00, v13;
	[tilespmem:s0+$0xF6A0] =	vst v6;
	v12 =	vld [tilespmem:s13+$0x52B0]  }
0x5fb: {  	s10 =	spop (v2sf);
	v10 =	vmul.f32 $8.000000000e+00, v10;
	[tilespmem:s8+$0xF5A0] =	vst v56;
	v59 =	vld [tilespmem:s24+$0x56B0]  }
0x5fc: {  	s11 =	spop (v2sf);
	[tilespmem:s26+$0xF980] =	vst v13;
	v11 =	vmul.f32 $8.000000000e+00, v11;
	v60 =	vld [tilespmem:s25+$0x55B0]  }
0x5fd: {  	s16 =	spop (v2sf);
	v13 =	vld [tilespmem:s21+$0x5990];
	[tilespmem:s12+$0xF4A0] =	vst v10;
	v9 =	vmul.f32 $8.000000000e+00, v57  }
0x5fe: {  	s18 =	spop (v2sf);
	[tilespmem:s7+$0xF3A0] =	vst v11;
	v10 =	vld [tilespmem:s29+$0x54B0];
	v6 =	vmul.f32 $8.000000000e+00, v58  }
0x5ff: {  	s5 =	spop (v2sf);
	v11 =	vld [tilespmem:s30+$0x53B0];
	[tilespmem:s31+$0xF8B0] =	vst v9;
	v12 =	vmul.f32 $8.000000000e+00, v12  }
0x600: {  	s13 =	spop (v2sf);
	v8 =	vmul.f32 $8.000000000e+00, v59;
	[tilespmem:s1+$0xF7B0] =	vst v6;
	v62 =	vld [tilespmem:s10+$0x5900]  }
0x601: {  	s15 =	spop (v2sf);
	v61 =	vmul.f32 $8.000000000e+00, v60;
	v63 =	vld [tilespmem:s11+$0x5800];
	[tilespmem:s28+$0xF2B0] =	vst v12  }
0x602: {  	v13 =	vmul.f32 $8.000000000e+00, v13;
	[tilespmem:s0+$0xF6B0] =	vst v8;
	v12 =	vld [tilespmem:s15+$0x5300]  }
0x603: {  	v10 =	vmul.f32 $8.000000000e+00, v10;
	[tilespmem:s8+$0xF5B0] =	vst v61;
	v16 =	vld [tilespmem:s16+$0x5700]  }
0x604: {  	[tilespmem:s26+$0xF990] =	vst v13;
	v11 =	vmul.f32 $8.000000000e+00, v11;
	v17 =	vld [tilespmem:s18+$0x5600]  }
0x605: {  	v13 =	vld [tilespmem:s21+$0x59A0];
	[tilespmem:s12+$0xF4B0] =	vst v10;
	v6 =	vmul.f32 $8.000000000e+00, v62  }
0x606: {  	[tilespmem:s7+$0xF3B0] =	vst v11;
	v10 =	vld [tilespmem:s5+$0x5500];
	v8 =	vmul.f32 $8.000000000e+00, v63  }
0x607: {  	v11 =	vld [tilespmem:s13+$0x5400];
	[tilespmem:s31+$0xF900] =	vst v6;
	v12 =	vmul.f32 $8.000000000e+00, v12  }
0x608: {  	v9 =	vmul.f32 $8.000000000e+00, v16;
	[tilespmem:s1+$0xF800] =	vst v8;
	v19 =	vld [tilespmem:s10+$0x5910]  }
0x609: {  	v18 =	vmul.f32 $8.000000000e+00, v17;
	v20 =	vld [tilespmem:s11+$0x5810];
	[tilespmem:s28+$0xF300] =	vst v12  }
0x60a: {  	v13 =	vmul.f32 $8.000000000e+00, v13;
	[tilespmem:s0+$0xF700] =	vst v9;
	v12 =	vld [tilespmem:s15+$0x5310]  }
0x60b: {  	v10 =	vmul.f32 $8.000000000e+00, v10;
	[tilespmem:s8+$0xF600] =	vst v18;
	v21 =	vld [tilespmem:s16+$0x5710]  }
0x60c: {  	(v2sf) =	vpush v1, $0xF;
	[tilespmem:s26+$0xF9A0] =	vst v13;
	v11 =	vmul.f32 $8.000000000e+00, v11;
	v22 =	vld [tilespmem:s18+$0x5610]  }
0x60d: {  	(v2sf) =	vpush v0, $0xD;
	v13 =	vld [tilespmem:s21+$0x59B0];
	[tilespmem:s12+$0xF500] =	vst v10;
	v8 =	vmul.f32 $8.000000000e+00, v19  }
0x60e: {  	(v2sf) =	vpush v2, $0xB;
	[tilespmem:s7+$0xF400] =	vst v11;
	v10 =	vld [tilespmem:s5+$0x5510];
	v9 =	vmul.f32 $8.000000000e+00, v20  }
0x60f: {  	(v2sf) =	vpush v3, $0x9;
	v23 =	vld [tilespmem:s13+$0x5410];
	[tilespmem:s31+$0xF910] =	vst v8;
	v27 =	vmul.f32 $8.000000000e+00, v12  }
0x610: {  	(v2sf) =	vpush v4, $0x7;
	v6 =	vmul.f32 $8.000000000e+00, v21;
	[tilespmem:s1+$0xF810] =	vst v9;
	v25 =	vld [tilespmem:s10+$0x5920]  }
0x611: {  	(v2sf) =	vpush v5, $0x5;
	v24 =	vmul.f32 $8.000000000e+00, v22;
	v26 =	vld [tilespmem:s11+$0x5820];
	[tilespmem:s28+$0xF310] =	vst v27  }
0x612: {  	(v2sf) =	vpush v7, $0x3;
	v28 =	vmul.f32 $8.000000000e+00, v13;
	[tilespmem:s0+$0xF710] =	vst v6;
	v11 =	vld [tilespmem:s15+$0x5320]  }
0x613: {  	v30 =	vmul.f32 $8.000000000e+00, v10;
	[tilespmem:s8+$0xF610] =	vst v24;
	v29 =	vld [tilespmem:s16+$0x5720]  }
0x614: {  	[tilespmem:s26+$0xF9B0] =	vst v28;
	v1 =	vmul.f32 $8.000000000e+00, v23;
	v31 =	vld [tilespmem:s18+$0x5620]  }
0x615: {  	[tilespmem:s12+$0xF510] =	vst v30;
	v9 =	vmul.f32 $8.000000000e+00, v25  }
0x616: {  	[tilespmem:s7+$0xF410] =	vst v1;
	v32 =	vmul.f32 $8.000000000e+00, v26  }
0x617: {  	[tilespmem:s31+$0xF920] =	vst v9;
	v38 =	vmul.f32 $8.000000000e+00, v11  }
0x618: {  	v8 =	vld [tilespmem:s5+$0x5520];
	v34 =	vmul.f32 $8.000000000e+00, v29;
	[tilespmem:s1+$0xF820] =	vst v32  }
0x619: {  	v33 =	vld [tilespmem:s13+$0x5420];
	v35 =	vmul.f32 $8.000000000e+00, v31;
	[tilespmem:s28+$0xF320] =	vst v38  }
0x61a: {  	[tilespmem:s0+$0xF720] =	vst v34;
	v39 =	vld [tilespmem:s15+$0x5330]  }
0x61b: {  	s17 =	spop (v2sf);
	v36 =	vld [tilespmem:s10+$0x5930];
	[tilespmem:s8+$0xF620] =	vst v35  }
0x61c: {  	v37 =	vld [tilespmem:s11+$0x5830];
	[dreg:$0x10] =	wrdreg s17;
	s17 =	spop (v2sf)  }
0x61d: {  	s11 =	spop (v2sf)  }
0x61e: {  	s24 =	spop (v2sf)  }
0x61f: {  	s23 =	spop (v2sf);
	v9 =	vmul.f32 $8.000000000e+00, v39  }
0x620: {  	s19 =	spop (v2sf)  }
0x621: {  	s22 =	spop (v2sf);
	[tilespmem:s28+$0xF330] =	vst v9  }
0x622: {  	v9 =	vld [tilespmem:s22+$0x5380];
	_ =	sdelay $0x4  }
0x623: {  	v9 =	vmul.f32 $8.000000000e+00, v9;
	_ =	sdelay $0x1  }
0x624: {  	[tilespmem:s28+$0xF380] =	vst v9  }
0x625: {  	v9 =	vld [tilespmem:s22+$0x5390];
	_ =	sdelay $0x2  }
0x626: {  	(v2sf) =	vpush v0, $0xE  }
0x627: {  	(v2sf) =	vpush v2, $0xC  }
0x628: {  	(v2sf) =	vpush v3, $0xA;
	v9 =	vmul.f32 $8.000000000e+00, v9  }
0x629: {  	(v2sf) =	vpush v4, $0x8  }
0x62a: {  	(v2sf) =	vpush v5, $0x6;
	[tilespmem:s28+$0xF390] =	vst v9  }
0x62b: {  	(v2sf) =	vpush v7, $0x4;
	v9 =	vld [tilespmem:s22+$0x53A0];
	_ =	sdelay $0x4  }
0x62c: {  	v9 =	vmul.f32 $8.000000000e+00, v9;
	_ =	sdelay $0x1  }
0x62d: {  	[tilespmem:s28+$0xF3A0] =	vst v9  }
0x62e: {  	v9 =	vld [tilespmem:s22+$0x53B0];
	_ =	sdelay $0x1  }
0x62f: {  	s26 =	spop (v2sf)  }
0x630: {  	s14 =	spop (v2sf)  }
0x631: {  	s21 =	spop (v2sf)  }
0x632: {  	s22 =	spop (v2sf);
	v9 =	vmul.f32 $8.000000000e+00, v9  }
0x633: {  	s25 =	spop (v2sf)  }
0x634: {  	s29 =	spop (v2sf);
	[tilespmem:s28+$0xF3B0] =	vst v9  }
0x635: {  	v9 =	vld [tilespmem:s29+$0x5400];
	_ =	sdelay $0x4  }
0x636: {  	v9 =	vmul.f32 $8.000000000e+00, v9;
	_ =	sdelay $0x1  }
0x637: {  	[tilespmem:s28+$0xF400] =	vst v9  }
0x638: {  	v9 =	vld [tilespmem:s29+$0x5410];
	_ =	sdelay $0x2  }
0x639: {  	(v2sf) =	vpush v0, $0xF  }
0x63a: {  	(v2sf) =	vpush v2, $0xD  }
0x63b: {  	(v2sf) =	vpush v3, $0xB;
	v40 =	vmul.f32 $8.000000000e+00, v9  }
0x63c: {  	(v2sf) =	vpush v4, $0x9  }
0x63d: {  	(v2sf) =	vpush v5, $0x7;
	[tilespmem:s28+$0xF410] =	vst v40  }
0x63e: {  	(v2sf) =	vpush v7, $0x5;
	v0 =	vld [tilespmem:s29+$0x5420];
	_ =	sdelay $0x3  }
0x63f: {  	v41 =	vmul.f32 $8.000000000e+00, v33  }
0x640: {  	v0 =	vmul.f32 $8.000000000e+00, v0  }
0x641: {  	[tilespmem:s7+$0xF420] =	vst v41  }
0x642: {  	v9 =	vld [tilespmem:s13+$0x5430];
	[tilespmem:s28+$0xF420] =	vst v0  }
0x643: {  	v0 =	vld [tilespmem:s29+$0x5430];
	_ =	sdelay $0x1  }
0x644: {  	s30 =	spop (v2sf)  }
0x645: {  	s20 =	spop (v2sf)  }
0x646: {  	s9 =	spop (v2sf);
	v9 =	vmul.f32 $8.000000000e+00, v9  }
0x647: {  	s4 =	spop (v2sf);
	[dreg:$0x12] =	wrdreg s30;
	v0 =	vmul.f32 $8.000000000e+00, v0  }
0x648: {  	s2 =	spop (v2sf);
	[tilespmem:s7+$0xF430] =	vst v9  }
0x649: {  	s3 =	spop (v2sf);
	v9 =	vld [tilespmem:s19+$0x5480];
	[tilespmem:s28+$0xF430] =	vst v0  }
0x64a: {  	v0 =	vld [tilespmem:s3+$0x5480];
	_ =	sdelay $0x3  }
0x64b: {  	v9 =	vmul.f32 $8.000000000e+00, v9  }
0x64c: {  	v0 =	vmul.f32 $8.000000000e+00, v0  }
0x64d: {  	[tilespmem:s7+$0xF480] =	vst v9  }
0x64e: {  	v9 =	vld [tilespmem:s19+$0x5490];
	[tilespmem:s28+$0xF480] =	vst v0  }
0x64f: {  	v0 =	vld [tilespmem:s3+$0x5490];
	_ =	sdelay $0x3  }
0x650: {  	(v2sf) =	vpush v2, $0xE;
	v9 =	vmul.f32 $8.000000000e+00, v9  }
0x651: {  	(v2sf) =	vpush v3, $0xC;
	v0 =	vmul.f32 $8.000000000e+00, v0  }
0x652: {  	(v2sf) =	vpush v4, $0xA;
	[tilespmem:s7+$0xF490] =	vst v9  }
0x653: {  	(v2sf) =	vpush v5, $0x8;
	v9 =	vld [tilespmem:s19+$0x54A0];
	[tilespmem:s28+$0xF490] =	vst v0  }
0x654: {  	(v2sf) =	vpush v7, $0x6;
	v0 =	vld [tilespmem:s3+$0x54A0];
	_ =	sdelay $0x3  }
0x655: {  	v9 =	vmul.f32 $8.000000000e+00, v9  }
0x656: {  	v0 =	vmul.f32 $8.000000000e+00, v0  }
0x657: {  	[tilespmem:s7+$0xF4A0] =	vst v9  }
0x658: {  	v9 =	vld [tilespmem:s19+$0x54B0];
	[tilespmem:s28+$0xF4A0] =	vst v0  }
0x659: {  	v0 =	vld [tilespmem:s3+$0x54B0];
	_ =	sdelay $0x2  }
0x65a: {  	s19 =	spop (v2sf)  }
0x65b: {  	s10 =	spop (v2sf);
	v9 =	vmul.f32 $8.000000000e+00, v9  }
0x65c: {  	s6 =	spop (v2sf);
	v0 =	vmul.f32 $8.000000000e+00, v0  }
0x65d: {  	s30 =	spop (v2sf);
	[tilespmem:s7+$0xF4B0] =	vst v9  }
0x65e: {  	s15 =	spop (v2sf);
	v9 =	vld [tilespmem:s25+$0x5500];
	[tilespmem:s28+$0xF4B0] =	vst v0  }
0x65f: {  	v0 =	vld [tilespmem:s15+$0x5500];
	_ =	sdelay $0x3  }
0x660: {  	v9 =	vmul.f32 $8.000000000e+00, v9  }
0x661: {  	v0 =	vmul.f32 $8.000000000e+00, v0  }
0x662: {  	[tilespmem:s7+$0xF500] =	vst v9  }
0x663: {  	v9 =	vld [tilespmem:s25+$0x5510];
	[tilespmem:s28+$0xF500] =	vst v0  }
0x664: {  	v0 =	vld [tilespmem:s15+$0x5510];
	_ =	sdelay $0x3  }
0x665: {  	(v2sf) =	vpush v2, $0xF;
	v9 =	vmul.f32 $8.000000000e+00, v9  }
0x666: {  	(v2sf) =	vpush v3, $0xD;
	v0 =	vmul.f32 $8.000000000e+00, v0  }
0x667: {  	(v2sf) =	vpush v4, $0xB;
	[tilespmem:s7+$0xF510] =	vst v9  }
0x668: {  	(v2sf) =	vpush v5, $0x9;
	v42 =	vld [tilespmem:s25+$0x5520];
	[tilespmem:s28+$0xF510] =	vst v0  }
0x669: {  	(v2sf) =	vpush v7, $0x7;
	v0 =	vld [tilespmem:s15+$0x5520];
	_ =	sdelay $0x1  }
0x66a: {  	v8 =	vmul.f32 $8.000000000e+00, v8;
	_ =	sdelay $0x1  }
0x66b: {  	[tilespmem:s12+$0xF520] =	vst v8;
	v2 =	vmul.f32 $8.000000000e+00, v42  }
0x66c: {  	v8 =	vld [tilespmem:s5+$0x5530];
	v0 =	vmul.f32 $8.000000000e+00, v0  }
0x66d: {  	[tilespmem:s7+$0xF520] =	vst v2  }
0x66e: {  	v2 =	vld [tilespmem:s25+$0x5530];
	[tilespmem:s28+$0xF520] =	vst v0  }
0x66f: {  	v0 =	vld [tilespmem:s15+$0x5530];
	_ =	sdelay $0x1  }
0x670: {  	v8 =	vmul.f32 $8.000000000e+00, v8  }
0x671: {  	s13 =	spop (v2sf)  }
0x672: {  	[tilespmem:s12+$0xF530] =	vst v8;
	v2 =	vmul.f32 $8.000000000e+00, v2;
	s15 =	spop (v2sf)  }
0x673: {  	v8 =	vld [tilespmem:s23+$0x5580];
	s5 =	spop (v2sf);
	v0 =	vmul.f32 $8.000000000e+00, v0  }
0x674: {  	[tilespmem:s7+$0xF530] =	vst v2;
	s29 =	spop (v2sf)  }
0x675: {  	v2 =	vld [tilespmem:s2+$0x5580];
	s25 =	spop (v2sf);
	[tilespmem:s28+$0xF530] =	vst v0  }
0x676: {  	v0 =	vld [tilespmem:s25+$0x5580];
	_ =	sdelay $0x1  }
0x677: {  	v8 =	vmul.f32 $8.000000000e+00, v8;
	_ =	sdelay $0x1  }
0x678: {  	[tilespmem:s12+$0xF580] =	vst v8;
	v2 =	vmul.f32 $8.000000000e+00, v2  }
0x679: {  	v8 =	vld [tilespmem:s23+$0x5590];
	v0 =	vmul.f32 $8.000000000e+00, v0  }
0x67a: {  	[tilespmem:s7+$0xF580] =	vst v2  }
0x67b: {  	v2 =	vld [tilespmem:s2+$0x5590];
	[tilespmem:s28+$0xF580] =	vst v0  }
0x67c: {  	v0 =	vld [tilespmem:s25+$0x5590];
	_ =	sdelay $0x1  }
0x67d: {  	v8 =	vmul.f32 $8.000000000e+00, v8;
	_ =	sdelay $0x1  }
0x67e: {  	[tilespmem:s12+$0xF590] =	vst v8;
	v2 =	vmul.f32 $8.000000000e+00, v2  }
0x67f: {  	v8 =	vld [tilespmem:s23+$0x55A0];
	(v2sf) =	vpush v3, $0xE;
	v0 =	vmul.f32 $8.000000000e+00, v0  }
0x680: {  	(v2sf) =	vpush v4, $0xC;
	[tilespmem:s7+$0xF590] =	vst v2  }
0x681: {  	(v2sf) =	vpush v5, $0xA;
	v2 =	vld [tilespmem:s2+$0x55A0];
	[tilespmem:s28+$0xF590] =	vst v0  }
0x682: {  	(v2sf) =	vpush v7, $0x8;
	v0 =	vld [tilespmem:s25+$0x55A0];
	_ =	sdelay $0x1  }
0x683: {  	v8 =	vmul.f32 $8.000000000e+00, v8;
	_ =	sdelay $0x1  }
0x684: {  	[tilespmem:s12+$0xF5A0] =	vst v8;
	v2 =	vmul.f32 $8.000000000e+00, v2  }
0x685: {  	v8 =	vld [tilespmem:s23+$0x55B0];
	v0 =	vmul.f32 $8.000000000e+00, v0  }
0x686: {  	[tilespmem:s7+$0xF5A0] =	vst v2  }
0x687: {  	v2 =	vld [tilespmem:s2+$0x55B0];
	[tilespmem:s28+$0xF5A0] =	vst v0  }
0x688: {  	v0 =	vld [tilespmem:s25+$0x55B0];
	_ =	sdelay $0x1  }
0x689: {  	v8 =	vmul.f32 $8.000000000e+00, v8;
	_ =	sdelay $0x1  }
0x68a: {  	[tilespmem:s12+$0xF5B0] =	vst v8;
	v2 =	vmul.f32 $8.000000000e+00, v2;
	s25 =	spop (v2sf)  }
0x68b: {  	v8 =	vld [tilespmem:s22+$0x5600];
	s23 =	spop (v2sf);
	v0 =	vmul.f32 $8.000000000e+00, v0  }
0x68c: {  	[tilespmem:s7+$0xF5B0] =	vst v2;
	s3 =	spop (v2sf)  }
0x68d: {  	v2 =	vld [tilespmem:s30+$0x5600];
	s2 =	spop (v2sf);
	[tilespmem:s28+$0xF5B0] =	vst v0  }
0x68e: {  	v0 =	vld [tilespmem:s2+$0x5600];
	_ =	sdelay $0x1  }
0x68f: {  	v8 =	vmul.f32 $8.000000000e+00, v8;
	_ =	sdelay $0x1  }
0x690: {  	[tilespmem:s12+$0xF600] =	vst v8;
	v2 =	vmul.f32 $8.000000000e+00, v2  }
0x691: {  	v8 =	vld [tilespmem:s22+$0x5610];
	v0 =	vmul.f32 $8.000000000e+00, v0  }
0x692: {  	[tilespmem:s7+$0xF600] =	vst v2  }
0x693: {  	v2 =	vld [tilespmem:s30+$0x5610];
	[tilespmem:s28+$0xF600] =	vst v0  }
0x694: {  	v0 =	vld [tilespmem:s2+$0x5610];
	_ =	sdelay $0x1  }
0x695: {  	v8 =	vmul.f32 $8.000000000e+00, v8;
	_ =	sdelay $0x1  }
0x696: {  	[tilespmem:s12+$0xF610] =	vst v8;
	v2 =	vmul.f32 $8.000000000e+00, v2  }
0x697: {  	v43 =	vld [tilespmem:s22+$0x5620];
	(v2sf) =	vpush v3, $0xF;
	v0 =	vmul.f32 $8.000000000e+00, v0  }
0x698: {  	(v2sf) =	vpush v4, $0xD;
	[tilespmem:s7+$0xF610] =	vst v2  }
0x699: {  	(v2sf) =	vpush v5, $0xB;
	v2 =	vld [tilespmem:s30+$0x5620];
	[tilespmem:s28+$0xF610] =	vst v0  }
0x69a: {  	(v2sf) =	vpush v7, $0x9;
	v0 =	vld [tilespmem:s2+$0x5620];
	_ =	sdelay $0x1  }
0x69b: {  	v3 =	vmul.f32 $8.000000000e+00, v43;
	_ =	sdelay $0x1  }
0x69c: {  	v44 =	vld [tilespmem:s18+$0x5630];
	[tilespmem:s12+$0xF620] =	vst v3;
	v2 =	vmul.f32 $8.000000000e+00, v2  }
0x69d: {  	v3 =	vld [tilespmem:s22+$0x5630];
	v0 =	vmul.f32 $8.000000000e+00, v0  }
0x69e: {  	[tilespmem:s7+$0xF620] =	vst v2  }
0x69f: {  	v2 =	vld [tilespmem:s30+$0x5630];
	[tilespmem:s28+$0xF620] =	vst v0  }
0x6a0: {  	v0 =	vld [tilespmem:s2+$0x5630]  }
0x6a1: {  	v8 =	vmul.f32 $8.000000000e+00, v44  }
0x6a2: {  	v3 =	vmul.f32 $8.000000000e+00, v3  }
0x6a3: {  	[tilespmem:s8+$0xF630] =	vst v8  }
0x6a4: {  	v8 =	vld [tilespmem:s24+$0x5680];
	[tilespmem:s12+$0xF630] =	vst v3;
	s22 =	spop (v2sf);
	v2 =	vmul.f32 $8.000000000e+00, v2  }
0x6a5: {  	v3 =	vld [tilespmem:s4+$0x5680];
	s18 =	spop (v2sf);
	v0 =	vmul.f32 $8.000000000e+00, v0  }
0x6a6: {  	s30 =	spop (v2sf);
	[tilespmem:s7+$0xF630] =	vst v2  }
0x6a7: {  	s2 =	spop (v2sf);
	v2 =	vld [tilespmem:s29+$0x5680];
	[tilespmem:s28+$0xF630] =	vst v0  }
0x6a8: {  	v0 =	vld [tilespmem:s2+$0x5680]  }
0x6a9: {  	v8 =	vmul.f32 $8.000000000e+00, v8  }
0x6aa: {  	v3 =	vmul.f32 $8.000000000e+00, v3  }
0x6ab: {  	[tilespmem:s8+$0xF680] =	vst v8  }
0x6ac: {  	v8 =	vld [tilespmem:s24+$0x5690];
	[tilespmem:s12+$0xF680] =	vst v3;
	v2 =	vmul.f32 $8.000000000e+00, v2  }
0x6ad: {  	v3 =	vld [tilespmem:s4+$0x5690];
	v0 =	vmul.f32 $8.000000000e+00, v0  }
0x6ae: {  	[tilespmem:s7+$0xF680] =	vst v2  }
0x6af: {  	v2 =	vld [tilespmem:s29+$0x5690];
	[tilespmem:s28+$0xF680] =	vst v0  }
0x6b0: {  	v0 =	vld [tilespmem:s2+$0x5690]  }
0x6b1: {  	v8 =	vmul.f32 $8.000000000e+00, v8  }
0x6b2: {  	v3 =	vmul.f32 $8.000000000e+00, v3  }
0x6b3: {  	[tilespmem:s8+$0xF690] =	vst v8  }
0x6b4: {  	v8 =	vld [tilespmem:s24+$0x56A0];
	[tilespmem:s12+$0xF690] =	vst v3;
	v2 =	vmul.f32 $8.000000000e+00, v2  }
0x6b5: {  	v3 =	vld [tilespmem:s4+$0x56A0];
	v0 =	vmul.f32 $8.000000000e+00, v0  }
0x6b6: {  	(v2sf) =	vpush v4, $0xE;
	[tilespmem:s7+$0xF690] =	vst v2  }
0x6b7: {  	(v2sf) =	vpush v5, $0xC;
	v2 =	vld [tilespmem:s29+$0x56A0];
	[tilespmem:s28+$0xF690] =	vst v0  }
0x6b8: {  	(v2sf) =	vpush v7, $0xA;
	v0 =	vld [tilespmem:s2+$0x56A0]  }
0x6b9: {  	v8 =	vmul.f32 $8.000000000e+00, v8  }
0x6ba: {  	v3 =	vmul.f32 $8.000000000e+00, v3  }
0x6bb: {  	[tilespmem:s8+$0xF6A0] =	vst v8  }
0x6bc: {  	v8 =	vld [tilespmem:s24+$0x56B0];
	[tilespmem:s12+$0xF6A0] =	vst v3;
	v2 =	vmul.f32 $8.000000000e+00, v2  }
0x6bd: {  	v3 =	vld [tilespmem:s4+$0x56B0];
	v0 =	vmul.f32 $8.000000000e+00, v0  }
0x6be: {  	[tilespmem:s7+$0xF6A0] =	vst v2  }
0x6bf: {  	v2 =	vld [tilespmem:s29+$0x56B0];
	[tilespmem:s28+$0xF6A0] =	vst v0  }
0x6c0: {  	v0 =	vld [tilespmem:s2+$0x56B0]  }
0x6c1: {  	v8 =	vmul.f32 $8.000000000e+00, v8  }
0x6c2: {  	v3 =	vmul.f32 $8.000000000e+00, v3  }
0x6c3: {  	[tilespmem:s8+$0xF6B0] =	vst v8  }
0x6c4: {  	v8 =	vld [tilespmem:s21+$0x5700];
	[tilespmem:s12+$0xF6B0] =	vst v3;
	v2 =	vmul.f32 $8.000000000e+00, v2  }
0x6c5: {  	s24 =	spop (v2sf);
	v3 =	vld [tilespmem:s6+$0x5700];
	v0 =	vmul.f32 $8.000000000e+00, v0  }
0x6c6: {  	s29 =	spop (v2sf);
	[tilespmem:s7+$0xF6B0] =	vst v2  }
0x6c7: {  	s4 =	spop (v2sf);
	v2 =	vld [tilespmem:s3+$0x5700];
	[tilespmem:s28+$0xF6B0] =	vst v0  }
0x6c8: {  	v0 =	vld [tilespmem:s4+$0x5700]  }
0x6c9: {  	v8 =	vmul.f32 $8.000000000e+00, v8  }
0x6ca: {  	v3 =	vmul.f32 $8.000000000e+00, v3  }
0x6cb: {  	[tilespmem:s8+$0xF700] =	vst v8  }
0x6cc: {  	v8 =	vld [tilespmem:s21+$0x5710];
	[tilespmem:s12+$0xF700] =	vst v3;
	v2 =	vmul.f32 $8.000000000e+00, v2  }
0x6cd: {  	v3 =	vld [tilespmem:s6+$0x5710];
	v0 =	vmul.f32 $8.000000000e+00, v0  }
0x6ce: {  	[tilespmem:s7+$0xF700] =	vst v2  }
0x6cf: {  	v2 =	vld [tilespmem:s3+$0x5710];
	[tilespmem:s28+$0xF700] =	vst v0  }
0x6d0: {  	v0 =	vld [tilespmem:s4+$0x5710]  }
0x6d1: {  	v8 =	vmul.f32 $8.000000000e+00, v8  }
0x6d2: {  	v3 =	vmul.f32 $8.000000000e+00, v3  }
0x6d3: {  	[tilespmem:s8+$0xF710] =	vst v8  }
0x6d4: {  	v8 =	vld [tilespmem:s21+$0x5720];
	[tilespmem:s12+$0xF710] =	vst v3;
	v2 =	vmul.f32 $8.000000000e+00, v2  }
0x6d5: {  	v3 =	vld [tilespmem:s6+$0x5720];
	v0 =	vmul.f32 $8.000000000e+00, v0  }
0x6d6: {  	(v2sf) =	vpush v4, $0xF;
	[tilespmem:s7+$0xF710] =	vst v2  }
0x6d7: {  	(v2sf) =	vpush v5, $0xD;
	v2 =	vld [tilespmem:s3+$0x5720];
	[tilespmem:s28+$0xF710] =	vst v0  }
0x6d8: {  	(v2sf) =	vpush v7, $0xB;
	v0 =	vld [tilespmem:s4+$0x5720]  }
0x6d9: {  	v45 =	vmul.f32 $8.000000000e+00, v8  }
0x6da: {  	v3 =	vmul.f32 $8.000000000e+00, v3  }
0x6db: {  	v46 =	vld [tilespmem:s16+$0x5730];
	[tilespmem:s8+$0xF720] =	vst v45  }
0x6dc: {  	v4 =	vld [tilespmem:s21+$0x5730];
	[tilespmem:s12+$0xF720] =	vst v3;
	v2 =	vmul.f32 $8.000000000e+00, v2  }
0x6dd: {  	v3 =	vld [tilespmem:s6+$0x5730];
	v0 =	vmul.f32 $8.000000000e+00, v0  }
0x6de: {  	[tilespmem:s7+$0xF720] =	vst v2  }
0x6df: {  	v2 =	vld [tilespmem:s3+$0x5730];
	[tilespmem:s28+$0xF720] =	vst v0  }
0x6e0: {  	v8 =	vmul.f32 $8.000000000e+00, v46;
	v0 =	vld [tilespmem:s4+$0x5730]  }
0x6e1: {  	v4 =	vmul.f32 $8.000000000e+00, v4  }
0x6e2: {  	[tilespmem:s0+$0xF730] =	vst v8;
	v3 =	vmul.f32 $8.000000000e+00, v3  }
0x6e3: {  	v8 =	vld [tilespmem:s11+$0x5780];
	[tilespmem:s8+$0xF730] =	vst v4  }
0x6e4: {  	v4 =	vld [tilespmem:s9+$0x5780];
	[tilespmem:s12+$0xF730] =	vst v3;
	v2 =	vmul.f32 $8.000000000e+00, v2  }
0x6e5: {  	s16 =	spop (v2sf);
	v3 =	vld [tilespmem:s5+$0x5780];
	v0 =	vmul.f32 $8.000000000e+00, v0  }
0x6e6: {  	s3 =	spop (v2sf);
	[tilespmem:s7+$0xF730] =	vst v2  }
0x6e7: {  	s4 =	spop (v2sf);
	v2 =	vld [tilespmem:s30+$0x5780];
	[tilespmem:s28+$0xF730] =	vst v0  }
0x6e8: {  	v8 =	vmul.f32 $8.000000000e+00, v8;
	v0 =	vld [tilespmem:s4+$0x5780]  }
0x6e9: {  	v4 =	vmul.f32 $8.000000000e+00, v4  }
0x6ea: {  	[tilespmem:s0+$0xF780] =	vst v8;
	v3 =	vmul.f32 $8.000000000e+00, v3  }
0x6eb: {  	v8 =	vld [tilespmem:s11+$0x5790];
	[tilespmem:s8+$0xF780] =	vst v4  }
0x6ec: {  	v4 =	vld [tilespmem:s9+$0x5790];
	[tilespmem:s12+$0xF780] =	vst v3;
	v2 =	vmul.f32 $8.000000000e+00, v2  }
0x6ed: {  	v3 =	vld [tilespmem:s5+$0x5790];
	v0 =	vmul.f32 $8.000000000e+00, v0  }
0x6ee: {  	[tilespmem:s7+$0xF780] =	vst v2  }
0x6ef: {  	v2 =	vld [tilespmem:s30+$0x5790];
	[tilespmem:s28+$0xF780] =	vst v0  }
0x6f0: {  	v8 =	vmul.f32 $8.000000000e+00, v8;
	v0 =	vld [tilespmem:s4+$0x5790]  }
0x6f1: {  	v4 =	vmul.f32 $8.000000000e+00, v4  }
0x6f2: {  	[tilespmem:s0+$0xF790] =	vst v8;
	v3 =	vmul.f32 $8.000000000e+00, v3  }
0x6f3: {  	v8 =	vld [tilespmem:s11+$0x57A0];
	[tilespmem:s8+$0xF790] =	vst v4  }
0x6f4: {  	v4 =	vld [tilespmem:s9+$0x57A0];
	[tilespmem:s12+$0xF790] =	vst v3;
	v2 =	vmul.f32 $8.000000000e+00, v2  }
0x6f5: {  	v3 =	vld [tilespmem:s5+$0x57A0];
	v0 =	vmul.f32 $8.000000000e+00, v0  }
0x6f6: {  	[tilespmem:s7+$0xF790] =	vst v2  }
0x6f7: {  	(v2sf) =	vpush v5, $0xE;
	v2 =	vld [tilespmem:s30+$0x57A0];
	[tilespmem:s28+$0xF790] =	vst v0  }
0x6f8: {  	v8 =	vmul.f32 $8.000000000e+00, v8;
	(v2sf) =	vpush v7, $0xC;
	v0 =	vld [tilespmem:s4+$0x57A0]  }
0x6f9: {  	v4 =	vmul.f32 $8.000000000e+00, v4  }
0x6fa: {  	[tilespmem:s0+$0xF7A0] =	vst v8;
	v3 =	vmul.f32 $8.000000000e+00, v3  }
0x6fb: {  	v8 =	vld [tilespmem:s11+$0x57B0];
	[tilespmem:s8+$0xF7A0] =	vst v4  }
0x6fc: {  	v4 =	vld [tilespmem:s9+$0x57B0];
	[tilespmem:s12+$0xF7A0] =	vst v3;
	v2 =	vmul.f32 $8.000000000e+00, v2  }
0x6fd: {  	v3 =	vld [tilespmem:s5+$0x57B0];
	v0 =	vmul.f32 $8.000000000e+00, v0  }
0x6fe: {  	[tilespmem:s7+$0xF7A0] =	vst v2  }
0x6ff: {  	v2 =	vld [tilespmem:s30+$0x57B0];
	[tilespmem:s28+$0xF7A0] =	vst v0  }
0x700: {  	v8 =	vmul.f32 $8.000000000e+00, v8;
	v0 =	vld [tilespmem:s4+$0x57B0]  }
0x701: {  	v4 =	vmul.f32 $8.000000000e+00, v4  }
0x702: {  	[tilespmem:s0+$0xF7B0] =	vst v8;
	v3 =	vmul.f32 $8.000000000e+00, v3  }
0x703: {  	v8 =	vld [tilespmem:s14+$0x5800];
	[tilespmem:s8+$0xF7B0] =	vst v4  }
0x704: {  	v4 =	vld [tilespmem:s10+$0x5800];
	[tilespmem:s12+$0xF7B0] =	vst v3;
	v2 =	vmul.f32 $8.000000000e+00, v2  }
0x705: {  	v3 =	vld [tilespmem:s23+$0x5800];
	v0 =	vmul.f32 $8.000000000e+00, v0  }
0x706: {  	s9 =	spop (v2sf);
	[tilespmem:s7+$0xF7B0] =	vst v2  }
0x707: {  	s11 =	spop (v2sf);
	v2 =	vld [tilespmem:s29+$0x5800];
	[tilespmem:s28+$0xF7B0] =	vst v0  }
0x708: {  	v8 =	vmul.f32 $8.000000000e+00, v8;
	v0 =	vld [tilespmem:s11+$0x5800]  }
0x709: {  	v4 =	vmul.f32 $8.000000000e+00, v4  }
0x70a: {  	[tilespmem:s0+$0xF800] =	vst v8;
	v3 =	vmul.f32 $8.000000000e+00, v3  }
0x70b: {  	v8 =	vld [tilespmem:s14+$0x5810];
	[tilespmem:s8+$0xF800] =	vst v4  }
0x70c: {  	v4 =	vld [tilespmem:s10+$0x5810];
	[tilespmem:s12+$0xF800] =	vst v3;
	v2 =	vmul.f32 $8.000000000e+00, v2  }
0x70d: {  	v3 =	vld [tilespmem:s23+$0x5810];
	v0 =	vmul.f32 $8.000000000e+00, v0  }
0x70e: {  	[tilespmem:s7+$0xF800] =	vst v2  }
0x70f: {  	v2 =	vld [tilespmem:s29+$0x5810];
	[tilespmem:s28+$0xF800] =	vst v0  }
0x710: {  	v8 =	vmul.f32 $8.000000000e+00, v8;
	v0 =	vld [tilespmem:s11+$0x5810]  }
0x711: {  	v4 =	vmul.f32 $8.000000000e+00, v4  }
0x712: {  	[tilespmem:s0+$0xF810] =	vst v8;
	v3 =	vmul.f32 $8.000000000e+00, v3  }
0x713: {  	v8 =	vld [tilespmem:s14+$0x5820];
	[tilespmem:s8+$0xF810] =	vst v4  }
0x714: {  	v4 =	vld [tilespmem:s10+$0x5820];
	[tilespmem:s12+$0xF810] =	vst v3;
	v2 =	vmul.f32 $8.000000000e+00, v2  }
0x715: {  	v3 =	vld [tilespmem:s23+$0x5820];
	v0 =	vmul.f32 $8.000000000e+00, v0  }
0x716: {  	[tilespmem:s7+$0xF810] =	vst v2  }
0x717: {  	(v2sf) =	vpush v5, $0xF;
	v2 =	vld [tilespmem:s29+$0x5820];
	[tilespmem:s28+$0xF810] =	vst v0  }
0x718: {  	v47 =	vmul.f32 $8.000000000e+00, v8;
	(v2sf) =	vpush v7, $0xD;
	v0 =	vld [tilespmem:s11+$0x5820]  }
0x719: {  	v4 =	vmul.f32 $8.000000000e+00, v4  }
0x71a: {  	[tilespmem:s0+$0xF820] =	vst v47;
	v3 =	vmul.f32 $8.000000000e+00, v3  }
0x71b: {  	[tilespmem:s8+$0xF820] =	vst v4;
	v5 =	vld [tilespmem:s14+$0x5830]  }
0x71c: {  	v4 =	vld [tilespmem:s10+$0x5830];
	[tilespmem:s12+$0xF820] =	vst v3;
	v2 =	vmul.f32 $8.000000000e+00, v2  }
0x71d: {  	v3 =	vld [tilespmem:s23+$0x5830];
	v0 =	vmul.f32 $8.000000000e+00, v0  }
0x71e: {  	v48 =	vmul.f32 $8.000000000e+00, v37;
	[tilespmem:s7+$0xF820] =	vst v2  }
0x71f: {  	v2 =	vld [tilespmem:s29+$0x5830];
	[tilespmem:s28+$0xF820] =	vst v0  }
0x720: {  	[tilespmem:s1+$0xF830] =	vst v48;
	v5 =	vmul.f32 $8.000000000e+00, v5;
	v49 =	vld [tilespmem:s11+$0x5830]  }
0x721: {  	v51 =	vld [tilespmem:s17+$0x5880];
	v50 =	vmul.f32 $8.000000000e+00, v4  }
0x722: {  	[tilespmem:s0+$0xF830] =	vst v5;
	v3 =	vmul.f32 $8.000000000e+00, v3  }
0x723: {  	[tilespmem:s8+$0xF830] =	vst v50;
	v5 =	vld [tilespmem:s20+$0x5880]  }
0x724: {  	v53 =	vld [tilespmem:s15+$0x5880];
	[tilespmem:s12+$0xF830] =	vst v3;
	v52 =	vmul.f32 $8.000000000e+00, v2  }
0x725: {  	v55 =	vld [tilespmem:s18+$0x5880];
	v54 =	vmul.f32 $8.000000000e+00, v49  }
0x726: {  	v56 =	vmul.f32 $8.000000000e+00, v51;
	s14 =	spop (v2sf);
	[tilespmem:s7+$0xF830] =	vst v52  }
0x727: {  	s21 =	spop (v2sf);
	v0 =	vld [tilespmem:s3+$0x5880];
	[tilespmem:s28+$0xF830] =	vst v54  }
0x728: {  	[tilespmem:s1+$0xF880] =	vst v56;
	v5 =	vmul.f32 $8.000000000e+00, v5;
	v57 =	vld [tilespmem:s21+$0x5880]  }
0x729: {  	v3 =	vld [tilespmem:s17+$0x5890];
	v2 =	vmul.f32 $8.000000000e+00, v53  }
0x72a: {  	[tilespmem:s0+$0xF880] =	vst v5;
	v58 =	vmul.f32 $8.000000000e+00, v55  }
0x72b: {  	v59 =	vld [tilespmem:s20+$0x5890];
	[tilespmem:s8+$0xF880] =	vst v2  }
0x72c: {  	[tilespmem:s12+$0xF880] =	vst v58;
	v2 =	vld [tilespmem:s15+$0x5890];
	v0 =	vmul.f32 $8.000000000e+00, v0  }
0x72d: {  	v5 =	vld [tilespmem:s18+$0x5890];
	v4 =	vmul.f32 $8.000000000e+00, v57  }
0x72e: {  	v3 =	vmul.f32 $8.000000000e+00, v3;
	[tilespmem:s7+$0xF880] =	vst v0  }
0x72f: {  	v0 =	vld [tilespmem:s3+$0x5890];
	[tilespmem:s28+$0xF880] =	vst v4  }
0x730: {  	v6 =	vmul.f32 $8.000000000e+00, v59;
	[tilespmem:s1+$0xF890] =	vst v3;
	v4 =	vld [tilespmem:s21+$0x5890]  }
0x731: {  	v3 =	vld [tilespmem:s17+$0x58A0];
	v2 =	vmul.f32 $8.000000000e+00, v2  }
0x732: {  	[tilespmem:s0+$0xF890] =	vst v6;
	v5 =	vmul.f32 $8.000000000e+00, v5  }
0x733: {  	v6 =	vld [tilespmem:s20+$0x58A0];
	[tilespmem:s8+$0xF890] =	vst v2  }
0x734: {  	[tilespmem:s12+$0xF890] =	vst v5;
	v2 =	vld [tilespmem:s15+$0x58A0];
	v0 =	vmul.f32 $8.000000000e+00, v0  }
0x735: {  	v5 =	vld [tilespmem:s18+$0x58A0];
	v4 =	vmul.f32 $8.000000000e+00, v4  }
0x736: {  	v3 =	vmul.f32 $8.000000000e+00, v3;
	[tilespmem:s7+$0xF890] =	vst v0  }
0x737: {  	v0 =	vld [tilespmem:s3+$0x58A0];
	[tilespmem:s28+$0xF890] =	vst v4  }
0x738: {  	(v2sf) =	vpush v7, $0xE;
	v6 =	vmul.f32 $8.000000000e+00, v6;
	[tilespmem:s1+$0xF8A0] =	vst v3;
	v4 =	vld [tilespmem:s21+$0x58A0]  }
0x739: {  	v3 =	vld [tilespmem:s17+$0x58B0];
	v2 =	vmul.f32 $8.000000000e+00, v2  }
0x73a: {  	[tilespmem:s0+$0xF8A0] =	vst v6;
	v5 =	vmul.f32 $8.000000000e+00, v5  }
0x73b: {  	v6 =	vld [tilespmem:s20+$0x58B0];
	[tilespmem:s8+$0xF8A0] =	vst v2  }
0x73c: {  	[tilespmem:s12+$0xF8A0] =	vst v5;
	v2 =	vld [tilespmem:s15+$0x58B0];
	v0 =	vmul.f32 $8.000000000e+00, v0  }
0x73d: {  	v5 =	vld [tilespmem:s18+$0x58B0];
	v4 =	vmul.f32 $8.000000000e+00, v4  }
0x73e: {  	v3 =	vmul.f32 $8.000000000e+00, v3;
	[tilespmem:s7+$0xF8A0] =	vst v0  }
0x73f: {  	v0 =	vld [tilespmem:s3+$0x58B0];
	[tilespmem:s28+$0xF8A0] =	vst v4  }
0x740: {  	v6 =	vmul.f32 $8.000000000e+00, v6;
	[tilespmem:s1+$0xF8B0] =	vst v3;
	v4 =	vld [tilespmem:s21+$0x58B0]  }
0x741: {  	v3 =	vld [tilespmem:s26+$0x5900];
	v2 =	vmul.f32 $8.000000000e+00, v2  }
0x742: {  	[tilespmem:s0+$0xF8B0] =	vst v6;
	v5 =	vmul.f32 $8.000000000e+00, v5  }
0x743: {  	v6 =	vld [tilespmem:s19+$0x5900];
	[tilespmem:s8+$0xF8B0] =	vst v2  }
0x744: {  	[tilespmem:s12+$0xF8B0] =	vst v5;
	v2 =	vld [tilespmem:s25+$0x5900];
	v0 =	vmul.f32 $8.000000000e+00, v0  }
0x745: {  	v5 =	vld [tilespmem:s24+$0x5900];
	v4 =	vmul.f32 $8.000000000e+00, v4  }
0x746: {  	v3 =	vmul.f32 $8.000000000e+00, v3;
	[tilespmem:s7+$0xF8B0] =	vst v0  }
0x747: {  	s23 =	spop (v2sf);
	v0 =	vld [tilespmem:s9+$0x5900];
	[tilespmem:s28+$0xF8B0] =	vst v4  }
0x748: {  	v6 =	vmul.f32 $8.000000000e+00, v6;
	[tilespmem:s1+$0xF900] =	vst v3;
	v4 =	vld [tilespmem:s23+$0x5900]  }
0x749: {  	v3 =	vld [tilespmem:s26+$0x5910];
	v2 =	vmul.f32 $8.000000000e+00, v2  }
0x74a: {  	[tilespmem:s0+$0xF900] =	vst v6;
	v5 =	vmul.f32 $8.000000000e+00, v5  }
0x74b: {  	v6 =	vld [tilespmem:s19+$0x5910];
	[tilespmem:s8+$0xF900] =	vst v2  }
0x74c: {  	[tilespmem:s12+$0xF900] =	vst v5;
	v2 =	vld [tilespmem:s25+$0x5910];
	v0 =	vmul.f32 $8.000000000e+00, v0  }
0x74d: {  	v5 =	vld [tilespmem:s24+$0x5910];
	v4 =	vmul.f32 $8.000000000e+00, v4  }
0x74e: {  	v3 =	vmul.f32 $8.000000000e+00, v3;
	[tilespmem:s7+$0xF900] =	vst v0  }
0x74f: {  	v0 =	vld [tilespmem:s9+$0x5910];
	[tilespmem:s28+$0xF900] =	vst v4  }
0x750: {  	v6 =	vmul.f32 $8.000000000e+00, v6;
	[tilespmem:s1+$0xF910] =	vst v3;
	v4 =	vld [tilespmem:s23+$0x5910]  }
0x751: {  	v3 =	vld [tilespmem:s26+$0x5920];
	v2 =	vmul.f32 $8.000000000e+00, v2  }
0x752: {  	[tilespmem:s0+$0xF910] =	vst v6;
	v5 =	vmul.f32 $8.000000000e+00, v5  }
0x753: {  	v6 =	vld [tilespmem:s19+$0x5920];
	[tilespmem:s8+$0xF910] =	vst v2  }
0x754: {  	[tilespmem:s12+$0xF910] =	vst v5;
	v2 =	vld [tilespmem:s25+$0x5920];
	v0 =	vmul.f32 $8.000000000e+00, v0  }
0x755: {  	v5 =	vld [tilespmem:s24+$0x5920];
	v4 =	vmul.f32 $8.000000000e+00, v4  }
0x756: {  	v3 =	vmul.f32 $8.000000000e+00, v3;
	[tilespmem:s7+$0xF910] =	vst v0  }
0x757: {  	v0 =	vld [tilespmem:s9+$0x5920];
	[tilespmem:s28+$0xF910] =	vst v4  }
0x758: {  	(v2sf) =	vpush v7, $0xF;
	v6 =	vmul.f32 $8.000000000e+00, v6;
	[tilespmem:s1+$0xF920] =	vst v3;
	v4 =	vld [tilespmem:s23+$0x5920]  }
0x759: {  	v3 =	vld [tilespmem:s26+$0x5930];
	v2 =	vmul.f32 $8.000000000e+00, v2  }
0x75a: {  	[tilespmem:s0+$0xF920] =	vst v6;
	v5 =	vmul.f32 $8.000000000e+00, v5  }
0x75b: {  	v60 =	vmul.f32 $8.000000000e+00, v36;
	v6 =	vld [tilespmem:s19+$0x5930];
	[tilespmem:s8+$0xF920] =	vst v2  }
0x75c: {  	[tilespmem:s12+$0xF920] =	vst v5;
	v2 =	vld [tilespmem:s25+$0x5930];
	v0 =	vmul.f32 $8.000000000e+00, v0  }
0x75d: {  	[tilespmem:s31+$0xF930] =	vst v60;
	v5 =	vld [tilespmem:s24+$0x5930];
	v4 =	vmul.f32 $8.000000000e+00, v4  }
0x75e: {  	v3 =	vmul.f32 $8.000000000e+00, v3;
	[tilespmem:s7+$0xF920] =	vst v0  }
0x75f: {  	v61 =	vld [tilespmem:s9+$0x5930];
	[tilespmem:s28+$0xF920] =	vst v4  }
0x760: {  	v62 =	vmul.f32 $8.000000000e+00, v6;
	v4 =	vld [tilespmem:s23+$0x5930];
	s26 =	rddreg [dreg:$0x10];
	[tilespmem:s1+$0xF930] =	vst v3  }
0x761: {  	v2 =	vmul.f32 $8.000000000e+00, v2;
	v63 =	vld [tilespmem:s26+$0x5980];
	s29 =	rddreg [dreg:$0x12]  }
0x762: {  	v9 =	vmul.f32 $8.000000000e+00, v5;
	[tilespmem:s0+$0xF930] =	vst v62;
	v3 =	vld [tilespmem:s29+$0x5980]  }
0x763: {  	[tilespmem:s8+$0xF930] =	vst v2;
	v10 =	vld [tilespmem:s13+$0x5980]  }
0x764: {  	v1 =	vmul.f32 $8.000000000e+00, v61;
	[tilespmem:s12+$0xF930] =	vst v9;
	v2 =	vld [tilespmem:s22+$0x5980]  }
0x765: {  	v12 =	vld [tilespmem:s16+$0x5980];
	v11 =	vmul.f32 $8.000000000e+00, v4  }
0x766: {  	[tilespmem:s7+$0xF930] =	vst v1;
	v13 =	vmul.f32 $8.000000000e+00, v63  }
0x767: {  	s30 =	spop (v2sf);
	v14 =	vld [tilespmem:s14+$0x5980];
	[tilespmem:s28+$0xF930] =	vst v11;
	v15 =	vmul.f32 $8.000000000e+00, v3  }
0x768: {  	v17 =	vmul.f32 $8.000000000e+00, v10;
	v16 =	vld [tilespmem:s30+$0x5980];
	[tilespmem:s31+$0xF980] =	vst v13  }
0x769: {  	v19 =	vmul.f32 $8.000000000e+00, v2;
	v18 =	vld [tilespmem:s26+$0x5990];
	[tilespmem:s1+$0xF980] =	vst v15  }
0x76a: {  	v21 =	vmul.f32 $8.000000000e+00, v12;
	[tilespmem:s0+$0xF980] =	vst v17;
	v20 =	vld [tilespmem:s29+$0x5990]  }
0x76b: {  	[tilespmem:s8+$0xF980] =	vst v19;
	v22 =	vld [tilespmem:s13+$0x5990]  }
0x76c: {  	v23 =	vmul.f32 $8.000000000e+00, v14;
	[tilespmem:s12+$0xF980] =	vst v21;
	v24 =	vld [tilespmem:s22+$0x5990]  }
0x76d: {  	v26 =	vld [tilespmem:s16+$0x5990];
	v25 =	vmul.f32 $8.000000000e+00, v16  }
0x76e: {  	[tilespmem:s7+$0xF980] =	vst v23;
	v27 =	vmul.f32 $8.000000000e+00, v18  }
0x76f: {  	v28 =	vld [tilespmem:s14+$0x5990];
	[tilespmem:s28+$0xF980] =	vst v25;
	v29 =	vmul.f32 $8.000000000e+00, v20  }
0x770: {  	v31 =	vmul.f32 $8.000000000e+00, v22;
	v30 =	vld [tilespmem:s30+$0x5990];
	[tilespmem:s31+$0xF990] =	vst v27  }
0x771: {  	v33 =	vmul.f32 $8.000000000e+00, v24;
	v32 =	vld [tilespmem:s26+$0x59A0];
	[tilespmem:s1+$0xF990] =	vst v29  }
0x772: {  	v35 =	vmul.f32 $8.000000000e+00, v26;
	[tilespmem:s0+$0xF990] =	vst v31;
	v34 =	vld [tilespmem:s29+$0x59A0]  }
0x773: {  	[tilespmem:s8+$0xF990] =	vst v33;
	v36 =	vld [tilespmem:s13+$0x59A0]  }
0x774: {  	v37 =	vmul.f32 $8.000000000e+00, v28;
	[tilespmem:s12+$0xF990] =	vst v35;
	v38 =	vld [tilespmem:s22+$0x59A0]  }
0x775: {  	v40 =	vld [tilespmem:s16+$0x59A0];
	v39 =	vmul.f32 $8.000000000e+00, v30  }
0x776: {  	[tilespmem:s7+$0xF990] =	vst v37;
	v41 =	vmul.f32 $8.000000000e+00, v32  }
0x777: {  	v42 =	vld [tilespmem:s14+$0x59A0];
	[tilespmem:s28+$0xF990] =	vst v39;
	v43 =	vmul.f32 $8.000000000e+00, v34  }
0x778: {  	v45 =	vmul.f32 $8.000000000e+00, v36;
	v44 =	vld [tilespmem:s30+$0x59A0];
	[tilespmem:s31+$0xF9A0] =	vst v41  }
0x779: {  	v47 =	vmul.f32 $8.000000000e+00, v38;
	v46 =	vld [tilespmem:s26+$0x59B0];
	[tilespmem:s1+$0xF9A0] =	vst v43  }
0x77a: {  	v49 =	vmul.f32 $8.000000000e+00, v40;
	[tilespmem:s0+$0xF9A0] =	vst v45;
	v48 =	vld [tilespmem:s29+$0x59B0]  }
0x77b: {  	[tilespmem:s8+$0xF9A0] =	vst v47;
	v50 =	vld [tilespmem:s13+$0x59B0]  }
0x77c: {  	v51 =	vmul.f32 $8.000000000e+00, v42;
	[tilespmem:s12+$0xF9A0] =	vst v49;
	v52 =	vld [tilespmem:s22+$0x59B0]  }
0x77d: {  	v54 =	vld [tilespmem:s16+$0x59B0];
	v53 =	vmul.f32 $8.000000000e+00, v44  }
0x77e: {  	[tilespmem:s7+$0xF9A0] =	vst v51;
	v55 =	vmul.f32 $8.000000000e+00, v46  }
0x77f: {  	v56 =	vld [tilespmem:s14+$0x59B0];
	[tilespmem:s28+$0xF9A0] =	vst v53;
	v57 =	vmul.f32 $8.000000000e+00, v48  }
0x780: {  	v59 =	vmul.f32 $8.000000000e+00, v50;
	v58 =	vld [tilespmem:s30+$0x59B0];
	[tilespmem:s31+$0xF9B0] =	vst v55  }
0x781: {  	v60 =	vmul.f32 $8.000000000e+00, v52;
	[tilespmem:s1+$0xF9B0] =	vst v57  }
0x782: {  	v61 =	vmul.f32 $8.000000000e+00, v54;
	[tilespmem:s0+$0xF9B0] =	vst v59  }
0x783: {  	[tilespmem:s8+$0xF9B0] =	vst v60  }
0x784: {  	v62 =	vmul.f32 $8.000000000e+00, v56;
	[tilespmem:s12+$0xF9B0] =	vst v61  }
0x785: {  	s0 =	rddreg [dreg:$0x9];
	v63 =	vmul.f32 $8.000000000e+00, v58  }
0x786: {  	s2 =	rddreg [dreg:$0xe];
	[tilespmem:s7+$0xF9B0] =	vst v62  }
0x787: {  	[tilespmem:s28+$0xF9B0] =	vst v63  }
0x788: {  	s5 =	rddreg [dreg:$0xd]  }
0x789: {  	p0 =	seq.s32 s5, $0x4F  }
.Ltmp7:
0x78a: {  	_ = 	snop;
	(pc) =	sbr.rel @p0 .LBB2_12-.Ltmp7, $4  }
0x78b: {  	s0 =	sadd.s32 s2, s0  }
0x78c: {  	s0 =	sshll.u32 s0, $0x4;
	s1 =	rddreg [dreg:$0x5]  }
0x78d: {  	s4 =	simm.s32 $0x0;
	s31 =	simm.s32 $0xF200;
	s0 =	sadd.s32 s1, s0  }
0x78e: {  	[hbm4b:s0+s4] =	stream.linear.scatter [tilespmem:s31], [sflag:$0x4], $0x5000, $0x38;
	[tilespmem:$0x14400] =	vst v63  }
0x78f: {  	s0 =	rddreg [dreg:$0xa]  }
0x790: {  	s0 =	sadd.s32 s2, s0  }
0x791: {  	s1 =	rddreg [dreg:$0x1];
	s0 =	sshrl.u32 s0, $0x3  }
0x792: {  	s26 =	simm.s32 $0x14300;
	s28 =	simm.s32 $0x6;
	s0 =	sadd.s32 s1, s0  }
0x793: {  	[tilespmem:s26], [sflag:$0x6] =	stream.linear.gather [hbm4b:s0+s4], $0xA0, $0x38;
	[tilespmem:$0x14400] =	vst v63  }
0x794: {  	_ =	swait.ge [sflag:s28], $0xA0  }
0x795: {  	[sflag:s28] =	ssyncset.done $0x0  }
0x796: {  	[sflag:s28] =	ssyncadd.s32 $0xFFFFFF60  }
0x797: {  	v0 =	vld [tilespmem:$0x14300]  }
0x798: {  	v1 =	vld [tilespmem:$0x14310]  }
0x799: {  	v2 =	vld [tilespmem:$0x14320]  }
0x79a: {  	v3 =	vld [tilespmem:$0x14330]  }
0x79b: {  	v4 =	vld [tilespmem:$0x14340]  }
0x79c: {  	v5 =	vld [tilespmem:$0x14350];
	v0 =	vshrl.u32 v0, $0x1  }
0x79d: {  	v52 =	vld [tilespmem:$0x14360];
	v51 =	vshrl.u32 v1, $0x1;
	[tilespmem:$0x100] =	vst v0  }
0x79e: {  	v54 =	vld [tilespmem:$0x14370];
	v53 =	vshrl.u32 v2, $0x1;
	[tilespmem:$0x110] =	vst v51  }
0x79f: {  	v56 =	vld [tilespmem:$0x14380];
	v55 =	vshrl.u32 v3, $0x1;
	[tilespmem:$0x120] =	vst v53  }
0x7a0: {  	v58 =	vld [tilespmem:$0x14390];
	v57 =	vshrl.u32 v4, $0x1;
	[tilespmem:$0x130] =	vst v55  }
0x7a1: {  	v59 =	vshrl.u32 v5, $0x1;
	[tilespmem:$0x140] =	vst v57  }
0x7a2: {  	v60 =	vshrl.u32 v52, $0x1;
	[tilespmem:$0x150] =	vst v59  }
.Ltmp8:
0x7a3: {  	v61 =	vshrl.u32 v54, $0x1;
	[tilespmem:$0x160] =	vst v60;
	(pc) =	sbr.rel .LBB2_2-.Ltmp8, $4  }
0x7a4: {  	v62 =	vshrl.u32 v56, $0x1;
	[tilespmem:$0x170] =	vst v61  }
0x7a5: {  	s30 =	simm.s32 $0xA0;
	s31 =	simm.s32 $0x100;
	v63 =	vshrl.u32 v58, $0x1;
	[tilespmem:$0x180] =	vst v62  }
0x7a6: {  	s3 =	simm.s32 $0x5200;
	s5 =	sadd.s32 $0x1, s5;
	s29 =	rddreg [dreg:$0x4];
	[tilespmem:$0x190] =	vst v63  }
0x7a7: {  	[tilespmem:s3], [sflag:$0x2] =	stream.indirect.gather [hbm4b:s29+s30], $0x80, s31, s30, $0xb8;
	[tilespmem:$0x14400] =	vst v63  }
.LBB2_13:
0x7a8: {  	_ =	sfence.sel $0x180000  }
0x7a9: {  	[bflag:$0x0] =	sbarrier.arrive $0xFFFF  }
0x7aa: {  	_ =	strace $0x90000047  }
0x7ab: {  	s0 =	stileid.u32;
	[bflag:$0x2] =	sbarrier.arrive $0xFFFF  }
0x7ac: {  	p0 =	sne.s32 s0, $0x0;
	s0 =	rddreg [dreg:$0x2]  }
0x7ad: {  	s0 =	sadd.s32 @!p0 $0x100000, s0  }
0x7ae: {  	[sflag:s0] =	ssyncadd.tile.s32 @!p0 $0x1;
	_ =	shalt  }
.Lfunc_end2:
_tile_overlayer_lowered:
.L_overlay_start_2:
0x7af: {  	(tag) =	ssettag $0x2  }
0x7b0: {  	s0 =	rddreg [dreg:$0x0];
	s2 =	stileid.u32  }
0x7b1: {  	s1 =	rddreg [dreg:$0x1];
	p0 =	sne.s32 s2, $0x0  }
0x7b2: {  	s3 =	rddreg [dreg:$0x2];
	[bflag:$0x3] =	sbarrier.arrive $0xFFFF;
	s2 =	simm.s32 @!p0 $0x1C07  }
0x7b3: {  	[timem:s3], [sflag:s2] =	dma.local @!p0 [hbm:s0], s1  }
0x7b4: {  	s0 =	simm.s32 @!p0 $0x7  }
0x7b5: {  	_ =	swait.ge @!p0 [sflag:s0], s1  }
0x7b6: {  	s1 =	ssub.s32 @!p0 $0x0, s1;
	[sflag:s0] =	ssyncset.done @!p0 $0x0  }
0x7b7: {  	[sflag:s0] =	ssyncadd.s32 @!p0 s1  }
0x7b8: {  	[bflag:$0x3] =	sbarrier.arrive $0xFFFF  }
0x7b9: {  	_ =	shalt  }

// kernel: sparse-core-data-format-call.cloned.1.call-start
scs
called_computation_lowered:
.L_overlay_start_0:
0x0: {  	s2 =	sld [smem:$0x3FD9]  }
0x1: {  	s3 =	sld [smem:$0x3FFE];
	_ =	sdelay $0x1  }
0x2: {  	s1 =	srdreg.scid  }
0x3: {  	s0 =	sand.u32 $0x1, s1  }
0x4: {  	s18 =	sshll.u32 s0, $0xA;
	s2 =	sadd.s32 s3, s2  }
0x5: {  	s2 =	sadd.s32 s2, s18  }
0x6: {  	[smem:$0x3FC6] =	sst s2  }
0x7: {  	_ = 	snop  }
0x8: {  	s2 =	sld [smem:$0x3FD0];
	(tm) =	ssettm $0x1  }
0x9: {  	s19 =	sld [smem:$0x3FFB];
	_ =	sdelay $0x3  }
0xa: {  	_ =	strace s19  }
0xb: {  	s3 =	sld [smem:$0x3FFC];
	_ =	sdelay $0x3  }
0xc: {  	_ =	strace s3  }
0xd: {  	s3 =	sld [smem:$0x3FFD];
	_ =	sdelay $0x3  }
0xe: {  	_ =	strace s3  }
0xf: {  	_ =	strace $0x8FFFFFFF  }
0x10: {  	s20 =	sld [smem:$0x3FDB];
	_ =	sdelay $0x1  }
0x11: {  	s4 =	simm.s32 $_scs_section_size  }
0x12: {  	s5 =	simm.s32 $_size__tile_overlayer_lowered;
	s6 =	simm.s32 $_tile_overlayer_lowered  }
0x13: {  	s23 =	simm.s32 $0x1BFF;
	s22 =	sshll.u32 s6, $0x1;
	s3 =	sadd.s32 s4, s20  }
0x14: {  	s7 =	simm.s32 $0x0;
	s21 =	sshll.u32 s5, $0x1;
	s5 =	sadd.s32 s22, s3  }
0x15: {  	[timem:s7], [sflag:s23] =	dma.local [hbm:s5], s21  }
0x16: {  	_ =	swait.ge [sflag:s23], s21  }
0x17: {  	s4 =	ssub.s32 $0x0, s21;
	[sflag:s23] =	ssyncset.done $0x0  }
0x18: {  	[sflag:s23] =	ssyncadd.s32 s4;
	_ =	sdelay $0x1  }
0x19: {  	s24 =	simm.s32 $0x1B8B  }
0x1a: {  	_ =	swait.ge [sflag:s24], $0x1  }
0x1b: {  	[sflag:s24] =	ssyncset.done $0x0  }
0x1c: {  	s26 =	simm.s32 $0x1B8E;
	s25 =	sld [smem:$0x3FFE];
	[sflag:s24] =	ssyncadd.s32 $0xFFFFFFFF  }
0x1d: {  	s27 =	simm.s32 $execute0_lowered;
	[smem:$0x3FD2] =	sst s26  }
0x1e: {  	s5 =	sshll.u32 s27, $0x1;
	_ =	strace $0x80000049;
	[dreg:$0x1] =	wrdreg $0xFFFFFFFF  }
0x1f: {  	s28 =	simm.s32 $_size_execute0_lowered;
	s3 =	sadd.s32 s3, s5;
	[dreg:$0x0] =	wrdreg $0x0  }
0x20: {  	s5 =	sshll.u32 s28, $0x1;
	[dreg:$0x2] =	wrdreg s3  }
0x21: {  	[dreg:$0x3] =	wrdreg s5  }
0x22: {  	[dreg:$0x4] =	wrdreg $0xC0  }
0x23: {  	_ =	task [dreg:s7], $0x5FFFF  }
0x24: {  	[dreg:$0x1] =	wrdreg $0xFFFFFFFF  }
0x25: {  	[dreg:$0x0] =	wrdreg $0x60  }
0x26: {  	[dreg:$0x2] =	wrdreg s25  }
0x27: {  	[dreg:$0x3] =	wrdreg s2  }
0x28: {  	[dreg:$0x4] =	wrdreg $0x9  }
0x29: {  	_ =	task.clear_ibuf [dreg:s7], $0x5FFFF;
	_ =	strace $0x90000049  }
0x2a: {  	s29 =	simm.s32 $0x9;
	_ =	strace $0x8000004B  }
0x2b: {  	_ =	swait.ge [sflag:s29], $0x1  }
0x2c: {  	[sflag:s29] =	ssyncadd.s32 $0xFFFFFFFF  }
0x2d: {  	_ =	strace $0x9000004B  }
0x2e: {  	_ =	sfence  }
0x2f: {  	s30 =	sld [smem:$0x0];
	_ =	sdelay $0x2  }
0x30: {  	s31 =	sshll.u32 s1, $0xD;
	s1 =	sshrl.u32 s1, $0x2  }
0x31: {  	s3 =	sand.u32 $0x4000, s31;
	s1 =	sadd.s32 s1, s30  }
0x32: {  	s0 =	sor.u32 s3, s0;
	s1 =	sshll.u32 s1, $0x11  }
0x33: {  	s0 =	sor.u32 s1, s0  }
0x34: {  	s0 =	sadd.s32 $0x8F2B, s0  }
0x35: {  	[sflag:s0] =	ssyncadd.remote.s32 $0x1  }
0x36: {  	_ =	sfence.sel $0xFFFF  }
0x37: {  	[dreg:$0x0] =	wrdreg $0xFFFFFFFF;
	(pc) =	sbr.abs _section_cstart, $3  }
0x38: {  	[dreg:$0x1] =	wrdreg $0xFFFFFFFF  }
0x39: {  	_ =	task.clear_ibuf [dreg:s7], $0x2FFFF;
	_ =	strace $0x9FFFFFFF  }
0x3a: {  	(tm) =	ssettm $0x7FFFFFFF  }
0x3b: {  	_ =	shalt  }
tec
execute0_lowered:
.L_overlay_start_1:
0x0: {  	(tag) =	ssettag $0x1  }
0x1: {  	s0 =	srdreg.scid  }
0x2: {  	s1 =	sshll.u32 s0, $0x4  }
0x3: {  	s0 =	stileid.u32;
	s1 =	sand.u32 $0x10, s1  }
0x4: {  	s1 =	sor.u32 s0, s1  }
0x5: {  	s6 =	rddreg [dreg:$0x0];
	s4 =	simm.s32 $0x1;
	s2 =	sshll.u32 s1, $0x7  }
0x6: {  	s7 =	simm.s32 $0x2;
	s12 =	simm.s32 $0x0;
	s1 =	ssub.s32 $0x1000, s2  }
0x7: {  	s8 =	simm.s32 $0x8000;
	s13 =	simm.s32 $0x0;
	s3 =	sand.u32 $0xF80, s1  }
0x8: {  	s9 =	simm.s32 $0x0;
	s5 =	sshrl.u32 s1, $0xC;
	p0 =	sne.s32 s3, $0x0  }
.Ltmp0:
0x9: {  	s1 =	rddreg [dreg:$0x2];
	s4 =	simm.s32 @!p0 $0x0;
	(pc) =	sbr.rel .LBB1_1-.Ltmp0, $4  }
0xa: {  	s11 =	simm.s32 $0x0;
	s3 =	rddreg [dreg:$0x1];
	s5 =	sadd.s32 s4, s5  }
0xb: {  	_ =	strace $0x8000004A;
	s4 =	simm.s32 $0x1;
	s5 =	smul.u32 $0xC8, s5  }
0xc: {  	s6 =	sadd.s32 $0xA00, s6;
	s10 =	smov.u32 s2;
	[sflag:s4] =	ssyncpa.u1 $0x0  }
0xd: {  	p0 =	por $0x0, $0x0;
	[sflag:s7] =	ssyncpa.u1 $0x0;
	s7 =	sor.u32 $0x1, s5  }
.LBB1_4:
0xe: {  	s16 =	sshll.u32 s13, $0x3;
	s17 =	sand.u32 $0x78, s13  }
0xf: {  	s30 =	sand.u32 $0x7E00, s13;
	s12 =	sshll.u32 s12, $0xF;
	s16 =	sand.u32 $0xC00, s16  }
0x10: {  	[tilespmem:s15+$0x810 ss:$0x81] =	vst.msk $0xffff, v2;
	s31 =	sand.u32 $0x7, s13;
	s16 =	sor.u32 s17, s16;
	s17 =	sadd.s32 s3, s30  }
0x11: {  	[tilespmem:s15+$0x1020 ss:$0x81] =	vst.msk $0xffff, v0;
	s13 =	sshll.u32 s31, $0x12;
	s12 =	sadd.s32 s12, s17;
	s16 =	sshrl.u32 s16, $0x3  }
0x12: {  	[tilespmem:s15+$0x0 ss:$0x81] =	vst.msk $0xffff, v1;
	s13 =	sor.u32 $0x400, s13;
	s12 =	sadd.s32 s16, s12  }
0x13: {  	[hbm4b:s12+s13] =	stream.strided.scatter [tilespmem:s14], [sflag:$0x2], $0x2000, s8, s13, $0x20;
	[tilespmem:$0x8080] =	vst v63  }
.LBB1_5:
0x14: {  	s14 =	sadd.s32 $0x1, s9  }
0x15: {  	s12 =	sadd.s32 $0x1000, s10;
	s16 =	smov.u32 s10;
	p2 =	sgt.s32 s14, $0xC7  }
0x16: {  	s16 =	smov.u32 @p2 s12  }
0x17: {  	s14 =	simm.s32 @p2 $0x0;
	p2 =	sgt.s32 s16, $0xFFF  }
0x18: {  	s16 =	smov.u32 @p2 s2;
	p2 =	sne.s32 s11, s7  }
.Ltmp1:
0x19: {  	p1 =	slt.u32 s11, $0x2;
	(pc) =	sbr.rel @!p2 .LBB1_6-.Ltmp1, $4  }
0x1a: {  	s15 =	simm.s32 @!p1 $0x2  }
0x1b: {  	s13 =	smov.u32 s10;
	p0 =	por !p0, !p0;
	_ =	swait.ge @!p1 [sflag:s15], $0x2000  }
0x1c: {  	s12 =	smov.u32 s9;
	[sflag:s15] =	ssyncset.done @!p1 $0x0;
	s9 =	smov.u32 s14  }
0x1d: {  	s11 =	sadd.s32 $0x1, s11;
	[sflag:s15] =	ssyncadd.s32 @!p1 $0xFFFFE000;
	s10 =	smov.u32 s16  }
.LBB1_1:
0x1e: {  	p1 =	sge.u32 s11, s5  }
0x1f: {  	s14 =	sand.u32 @!p1 $0x1FFFFFF, s9  }
0x20: {  	s15 =	smulhi.u32 @!p1 $0x147AE15, s14;
	_ =	sdelay $0x1  }
0x21: {  	s15 =	smul.u32 @!p1 $0xC8, s15  }
0x22: {  	s16 =	sxor.u32 @!p1 $0xFFFFFFFF, s11;
	s17 =	smul.u32 @!p1 $0xC80, s10  }
0x23: {  	s31 =	sadd.s32 $0xFFFFFFFF, s11;
	s16 =	sshll.u32 @!p1 s16, $0xD;
	s14 =	ssub.s32 @!p1 s14, s15  }
0x24: {  	s15 =	sand.u32 @!p1 $0x2000, s16;
	s16 =	sadd.s32 @!p1 s6, s17;
	s14 =	sshll.u32 @!p1 s14, $0x4  }
0x25: {  	s17 =	simm.s32 @!p1 $0x6400;
	s14 =	sadd.s32 @!p1 s14, s16;
	s16 =	simm.s32 @!p1 $0x40  }
0x26: {  	[tilespmem:s15], [sflag:$0x1] =	stream.strided.gather @!p1 [hbm4b:s14+s16], $0x2000, s17, s16, $0x38;
	[tilespmem:$0x8080] =	vst v63  }
0x27: {  	p1 =	sge.u32 s31, s5  }
.Ltmp2:
0x28: {  	_ = 	snop;
	(pc) =	sbr.rel @p1 .LBB1_5-.Ltmp2, $1  }
0x29: {  	_ =	sdelay $0x3  }
0x2a: {  	s14 =	simm.s32 $0x1  }
0x2b: {  	_ =	swait.ge [sflag:s4], $0x2000;
	s14 =	simm.s32 @!p0 $0x0  }
0x2c: {  	[sflag:s4] =	ssyncset.done $0x0;
	s15 =	sshll.u32 s14, $0xD  }
0x2d: {  	[sflag:s4] =	ssyncadd.s32 $0xFFFFE000;
	s18 =	sor.u32 $0x20, s15  }
0x2e: {  	s14 =	smul.u32 $0x8100, s14;
	v3 =	vld [tilespmem:s18+$0x10]  }
0x2f: {  	s30 =	sand.u32 $0x1, s11;
	v2 =	vld [tilespmem:s18+$0xFFFFFFF0]  }
0x30: {  	s15 =	smul.u32 $0x8100, s30;
	s14 =	sshrl.u32 s14, $0x2;
	v0 =	vld [tilespmem:s18+$0x0]  }
0x31: {  	v1 =	vld [tilespmem:s18+$0xFFFFFFE0];
	s16 =	sor.u32 $0x4000, s14  }
0x32: {  	s31 =	sshrl.u32 s15, $0x2;
	s15 =	sadd.s32 $0x0, s16  }
0x33: {  	s17 =	simm.s32 $0x4;
	s18 =	sadd.s32 $0x40, s18;
	s14 =	sor.u32 $0x4000, s31;
	[tilespmem:s15+$0x1830 ss:$0x81] =	vst.msk $0xffff, v3  }
.LBB1_3:
0x34: {  	v3 =	vld [tilespmem:s18+$0x10];
	p1 =	sne.s32 s17, $0x1FC;
	[tilespmem:s15+$0x810 ss:$0x81] =	vst.msk $0xffff, v2;
	s19 =	smov.u32 s17;
	s17 =	sadd.s32 $0x4, s17  }
.Ltmp3:
0x35: {  	v2 =	vld [tilespmem:s18+$0xFFFFFFF0];
	[tilespmem:s15+$0x1020 ss:$0x81] =	vst.msk $0xffff, v0;
	(pc) =	sbr.rel @p1 .LBB1_3-.Ltmp3, $4  }
0x36: {  	v0 =	vld [tilespmem:s18+$0x0];
	[tilespmem:s15+$0x0 ss:$0x81] =	vst.msk $0xffff, v1  }
0x37: {  	s15 =	sshra.s32 s19, $0x2;
	v1 =	vld [tilespmem:s18+$0xFFFFFFE0]  }
0x38: {  	s15 =	sadd.s32 s15, s16  }
0x39: {  	s18 =	sadd.s32 $0x40, s18;
	[tilespmem:s15+$0x1830 ss:$0x81] =	vst.msk $0xffff, v3  }
.Ltmp4:
0x3a: {  	_ = 	snop;
	(pc) =	sbr.rel .LBB1_4-.Ltmp4, $1  }
0x3b: {  	_ =	sdelay $0x3  }
.LBB1_6:
0x3c: {  	_ =	sfence.sel $0x180000  }
0x3d: {  	s2 =	simm.s32 $0x1;
	[bflag:$0x0] =	sbarrier.arrive $0xFFFF  }
0x3e: {  	s31 =	simm.s32 $0x2;
	[sflag:s2] =	ssyncpa.u1 $0x1  }
0x3f: {  	[sflag:s31] =	ssyncpa.u1 $0x1  }
0x40: {  	p0 =	sne.s32 s0, $0x0;
	_ =	strace $0x9000004A  }
0x41: {  	s0 =	sadd.s32 @!p0 $0x100000, s1;
	[bflag:$0x2] =	sbarrier.arrive $0xFFFF  }
0x42: {  	[sflag:s0] =	ssyncadd.tile.s32 @!p0 $0x1;
	_ =	shalt  }
.Lfunc_end1:
_tile_overlayer_lowered:
.L_overlay_start_2:
0x43: {  	(tag) =	ssettag $0x2  }
0x44: {  	s0 =	rddreg [dreg:$0x0];
	s2 =	stileid.u32  }
0x45: {  	s1 =	rddreg [dreg:$0x1];
	p0 =	sne.s32 s2, $0x0  }
0x46: {  	s3 =	rddreg [dreg:$0x2];
	[bflag:$0x3] =	sbarrier.arrive $0xFFFF;
	s2 =	simm.s32 @!p0 $0x1C01  }
0x47: {  	[timem:s3], [sflag:s2] =	dma.local @!p0 [hbm:s0], s1  }
0x48: {  	s0 =	simm.s32 @!p0 $0x1  }
0x49: {  	_ =	swait.ge @!p0 [sflag:s0], s1  }
0x4a: {  	s1 =	ssub.s32 @!p0 $0x0, s1;
	[sflag:s0] =	ssyncset.done @!p0 $0x0  }
0x4b: {  	[sflag:s0] =	ssyncadd.s32 @!p0 s1  }
0x4c: {  	[bflag:$0x3] =	sbarrier.arrive $0xFFFF  }
0x4d: {  	_ =	shalt  }

</sc_bundles>
